<compile_context>
chip_gen: v7x
topology: tpu7x:2x2x1
jax: 0.10.2.dev20260603
libtpu: 0.0.44.dev20260713+nightly
codegen_flags: <defaults>
</compile_context>

<pallas_src>
import functools

import jax
import jax.numpy as jnp
from jax import lax
from jax.experimental import pallas as pl
from jax.experimental.pallas import tpu as pltpu
from jax.experimental.pallas import tpu_sc as plsc

NC = 2
NS = 16
CH = 128
BLK = 3


def _round_up(x, m):
    return (x + m - 1) // m * m


def _mesh():
    return plsc.VectorSubcoreMesh(
        core_axis_name="c", subcore_axis_name="s",
        num_cores=NC, num_subcores=NS)


def _sc_embed(z_pad, emb0, emb1):
    n_pad, h = z_pad.shape[0], emb0.shape[1]
    chunks = n_pad // (NS * CH)

    @functools.partial(
        pl.kernel,
        out_type=[jax.ShapeDtypeStruct((n_pad, h), jnp.float32),
                  jax.ShapeDtypeStruct((n_pad, h), jnp.float32)],
        mesh=_mesh(),
        compiler_params=pltpu.CompilerParams(use_tc_tiling_on_sc=False),
        scratch_types=[pltpu.VMEM((CH,), jnp.int32),
                       pltpu.VMEM((CH, h), jnp.float32),
                       pltpu.SemaphoreType.DMA],
    )
    def k(z_ref, e0_ref, e1_ref, x0_ref, x1_ref, idx_v, rows_v, sem):
        c = lax.axis_index("c")
        s = lax.axis_index("s")
        base = s * (chunks * CH)

        def body(e_ref, x_ref):
            @pl.loop(0, chunks)
            def _(j):
                off = base + j * CH
                pltpu.sync_copy(z_ref.at[pl.ds(off, CH)], idx_v)
                pltpu.async_copy(e_ref.at[idx_v], rows_v, sem).wait()
                pltpu.sync_copy(rows_v, x_ref.at[pl.ds(off, CH)])

        @pl.when(c == 0)
        def _():
            body(e0_ref, x0_ref)

        @pl.when(c == 1)
        def _():
            body(e1_ref, x1_ref)

    return k(z_pad, emb0, emb1)


def _sc_agg(x0, x1, row2d, col2d, n, sp_rows):
    h = x0.shape[1]
    rps = row2d.shape[0] // NS
    nbl = rps // BLK - 1
    nout = n // NS

    @functools.partial(
        pl.kernel,
        out_type=[jax.ShapeDtypeStruct((n, h), jnp.float32),
                  jax.ShapeDtypeStruct((n, h), jnp.float32)],
        mesh=_mesh(),
        compiler_params=pltpu.CompilerParams(use_tc_tiling_on_sc=False),
        scratch_types=[pltpu.VMEM((BLK, CH), jnp.int32),
                       pltpu.VMEM((BLK, CH), jnp.int32),
                       pltpu.VMEM((BLK, CH), jnp.int32),
                       pltpu.VMEM((BLK, CH), jnp.int32),
                       pltpu.VMEM((BLK, CH, h), jnp.float32),
                       pltpu.VMEM((BLK, CH, h), jnp.float32),
                       pltpu.VMEM_SHARED((sp_rows, h), jnp.float32),
                       pltpu.SemaphoreType.DMA,
                       pltpu.SemaphoreType.DMA,
                       pltpu.SemaphoreType.DMA,
                       pltpu.SemaphoreType.DMA],
    )
    def k(x0_ref, x1_ref, row_ref, col_ref, o0_ref, o1_ref,
          r0b, c0b, r1b, c1b, gb0, gb1, acc,
          sem_g0, sem_g1, sem_s0, sem_s1):
        c = lax.axis_index("c")
        s = lax.axis_index("s")

        def body(x_ref, o_ref):
            pltpu.sync_copy(x_ref.at[pl.ds(s * nout, nout)],
                            acc.at[pl.ds(s * nout, nout)])
            plsc.subcore_barrier()

            base = s * rps

            def load_idx(b, rb, cb):
                pltpu.sync_copy(row_ref.at[pl.ds(base + b * BLK, BLK)], rb)
                pltpu.sync_copy(col_ref.at[pl.ds(base + b * BLK, BLK)], cb)

            def fire_g(cb, gb, sem):
                return [pltpu.async_copy(x_ref.at[cb.at[j]], gb.at[j], sem)
                        for j in range(BLK)]

            def fire_s(rb, gb, sem):
                return [pltpu.async_copy(gb.at[j], acc.at[rb.at[j]], sem,
                                         add=True)
                        for j in range(BLK)]

            load_idx(0, r0b, c0b)

            @pl.loop(0, nbl, step=2)
            def _(i):
                g0 = fire_g(c0b, gb0, sem_g0)
                load_idx(i + 1, r1b, c1b)
                g1 = fire_g(c1b, gb1, sem_g1)
                for dsc in g0:
                    dsc.wait()
                s0 = fire_s(r0b, gb0, sem_s0)
                for dsc in s0:
                    dsc.wait()
                load_idx(i + 2, r0b, c0b)
                for dsc in g1:
                    dsc.wait()
                s1 = fire_s(r1b, gb1, sem_s1)
                for dsc in s1:
                    dsc.wait()

            plsc.subcore_barrier()
            pltpu.sync_copy(acc.at[pl.ds(s * nout, nout)],
                            o_ref.at[pl.ds(s * nout, nout)])

        @pl.when(c == 0)
        def _():
            body(x0_ref, o0_ref)

        @pl.when(c == 1)
        def _():
            body(x1_ref, o1_ref)

    return k(x0, x1, row2d, col2d)


def _tc_linear(s0, s1, w, b, final):
    n, h = s0.shape
    m = n // 4
    wt = w.T
    bd = [jnp.kron(jnp.eye(4, dtype=w.dtype),
                   wt[a * h:(a + 1) * h, o * h:(o + 1) * h])
          for a in (0, 1) for o in (0, 1)]
    bz0 = jnp.tile(b[:h], 4).reshape(1, 4 * h)
    bz1 = jnp.tile(b[h:], 4).reshape(1, 4 * h)
    s0p = s0.reshape(m, 4 * h)
    s1p = s1.reshape(m, 4 * h)

    def body(s0r, s1r, b00, b01, b10, b11, z0, z1, o0, o1):
        o0[...] = jnp.maximum(
            jnp.dot(s0r[...], b00[...], preferred_element_type=jnp.float32)
            + jnp.dot(s1r[...], b10[...], preferred_element_type=jnp.float32)
            + z0[...], 0.0)
        o1[...] = jnp.maximum(
            jnp.dot(s0r[...], b01[...], preferred_element_type=jnp.float32)
            + jnp.dot(s1r[...], b11[...], preferred_element_type=jnp.float32)
            + z1[...], 0.0)

    x0p, x1p = pl.pallas_call(
        body,
        out_shape=[jax.ShapeDtypeStruct((m, 4 * h), jnp.float32),
                   jax.ShapeDtypeStruct((m, 4 * h), jnp.float32)],
    )(s0p, s1p, *bd, bz0, bz1)

    x0n, x1n = x0p.reshape(n, h), x1p.reshape(n, h)
    if final:
        return jnp.concatenate([x0n, x1n], axis=1)
    return x0n, x1n


def kernel(z, edge_index, emb, W0, b0, W1, b1, W2, b2):
    n = z.shape[0]
    e = edge_index.shape[1]
    d = emb.shape[1]
    h = d // 2

    n_pad = _round_up(n, NS * CH)
    z_pad = jnp.concatenate(
        [z.astype(jnp.int32), jnp.zeros((n_pad - n,), jnp.int32)])
    x0p, x1p = _sc_embed(z_pad, emb[:, :h], emb[:, h:])
    x0, x1 = x0p[:n], x1p[:n]

    e_ps = -(-e // NS)
    nbl = _round_up(-(-e_ps // (BLK * CH)), 2)
    eps = (nbl + 1) * BLK * CH
    row = jnp.concatenate(
        [edge_index[0].astype(jnp.int32),
         jnp.full((NS * e_ps - e,), n, jnp.int32)]).reshape(NS, e_ps)
    col = jnp.concatenate(
        [edge_index[1].astype(jnp.int32),
         jnp.zeros((NS * e_ps - e,), jnp.int32)]).reshape(NS, e_ps)
    row2d = jnp.concatenate(
        [row, jnp.full((NS, eps - e_ps), n, jnp.int32)],
        axis=1).reshape(-1, CH)
    col2d = jnp.concatenate(
        [col, jnp.zeros((NS, eps - e_ps), jnp.int32)],
        axis=1).reshape(-1, CH)
    sp_rows = _round_up(n + 1, NS)

    for i, (w, b) in enumerate(((W0, b0), (W1, b1), (W2, b2))):
        s0, s1 = _sc_agg(x0, x1, row2d, col2d, n, sp_rows)
        if i < 2:
            x0, x1 = _tc_linear(s0, s1, w, b, final=False)
        else:
            return _tc_linear(s0, s1, w, b, final=True)

# --- scband reference (transcript-rebuilt; emitter-appended) ---
"""Pipeline reference for scband-topology-encoder-89781996355972 (READ-ONLY COPY).

The authoritative reference and input builder live on the scoring server;
editing this copy changes nothing except your own understanding.
"""

import jax, jax.numpy as jnp
import numpy as np

N = 50000
E = 800000
D = 64
A = 100

def setup_inputs(seed: int = 0) -> dict:
    key = jax.random.key(seed)
    ks = jax.random.split(key, 10)
    z = jax.random.randint(ks[0], (N,), 0, A)
    edge_index = jax.random.randint(ks[1], (2, E), 0, N)
    emb = jax.random.normal(ks[2], (A, D), dtype=jnp.float32) * 0.05
    W0 = jax.random.normal(ks[3], (D, D), dtype=jnp.float32) * (1.0 / np.sqrt(D))
    b0 = jnp.zeros((D,), dtype=jnp.float32)
    W1 = jax.random.normal(ks[4], (D, D), dtype=jnp.float32) * (1.0 / np.sqrt(D))
    b1 = jnp.zeros((D,), dtype=jnp.float32)
    W2 = jax.random.normal(ks[5], (D, D), dtype=jnp.float32) * (1.0 / np.sqrt(D))
    b2 = jnp.zeros((D,), dtype=jnp.float32)
    return {"z": z, "edge_index": edge_index, "emb": emb, "W0": W0, "b0": b0, "W1": W1, "b1": b1, "W2": W2, "b2": b2}

def reference(z, edge_index, emb, W0, b0, W1, b1, W2, b2):
    # embedding lookup (gather)
    x = jnp.take(emb, z, axis=0)
    row = edge_index[0]
    col = edge_index[1]
    for W, b in ((W0, b0), (W1, b1), (W2, b2)):
        # message passing: gather from col, scatter-add to row (index_add_)
        msg = jnp.take(x, col, axis=0)
        agg = jax.ops.segment_sum(msg, row, num_segments=x.shape[0])
        x = x + agg
        # linear layer (torch nn.Linear: x @ W^T + b) then ReLU
        x = jnp.maximum(x @ W.T + b, 0.0)
    return x

if __name__ == "__main__":
    import jax
    _d = setup_inputs()
    print(jax.jit(kernel)(*tuple(_d.values())))

</pallas_src>

<mosaic_0001>
#map = affine_map<(d0, d1) -> (0)>
#map1 = affine_map<(d0, d1) -> (0, 0)>
module attributes {stable_mosaic.version = 14 : i64} {
  func.func @k(%arg0: i32, %arg1: i32, %arg2: memref<51200xi32, #tpu.memory_space<hbm>>, %arg3: memref<100x32xf32, #tpu.memory_space<hbm>>, %arg4: memref<100x32xf32, #tpu.memory_space<hbm>>, %arg5: memref<51200x32xf32, #tpu.memory_space<hbm>>, %arg6: memref<51200x32xf32, #tpu.memory_space<hbm>>, %arg7: memref<128xi32, #tpu.memory_space<vmem>>, %arg8: memref<128x32xf32, #tpu.memory_space<vmem>>, %arg9: memref<!tpu.dma_semaphore, #tpu.memory_space<semaphore_mem>>) attributes {dimension_semantics = [#tpu.dimension_semantics<core_parallel>, #tpu.dimension_semantics<subcore_parallel>], iteration_bounds = array<i64: 2, 16>, scalar_prefetch = 0 : i64, scratch_operands = 3 : i64, tpu.core_type = #tpu.core_type<sc_vector_subcore>, window_params = [{transform_indices = #map}, {transform_indices = #map1}, {transform_indices = #map1}, {transform_indices = #map1}, {transform_indices = #map1}]} {
    %mul3A = arith.constant 3200 : i32
    %mul3A_0 = arith.muli %arg1, %mul3A : i32
    %eq3A = arith.constant 0 : i32
    %eq3A_1 = arith.cmpi eq, %arg0, %eq3A : i32
    %convert_element_type3A = arith.extui %eq3A_1 : i1 to i32
    %cond3A = arith.constant 0 : i32
    %cond3A_2 = arith.cmpi ne, %convert_element_type3A, %cond3A : i32
    scf.if %cond3A_2 {
      %scan3A = arith.constant 0 : i32
      %scan3A_8 = arith.constant 25 : i32
      %scan3A_9 = arith.addi %scan3A, %scan3A_8 : i32
      %scan3A_10 = arith.constant 1 : i32
      scf.for %scan3A_12 = %scan3A to %scan3A_9 step %scan3A_10  : i32 {
        %mul3A_13 = arith.constant 1 : i32
        %mul3A_14 = arith.muli %scan3A_12, %mul3A_13 : i32
        %add3A = arith.constant 0 : i32
        %add3A_15 = arith.addi %add3A, %mul3A_14 : i32
        %mul3A_16 = arith.constant 128 : i32
        %mul3A_17 = arith.muli %add3A_15, %mul3A_16 : i32
        %add3A_18 = arith.addi %mul3A_0, %mul3A_17 : i32
        "tpu.region"() ({
          %run_scoped3A = tpu.sem_alloc : memref<!tpu.dma_semaphore, #tpu.memory_space<semaphore_mem>>
          %dma_start3A_23 = tpu.memref_slice %arg2[%add3A_18] : memref<51200xi32, #tpu.memory_space<hbm>> -> memref<128xi32, #tpu.memory_space<hbm>>
          %dma_start3A_24 = tpu.memref_slice %arg2[%add3A_18] : memref<51200xi32, #tpu.memory_space<hbm>> -> memref<128xi32, #tpu.memory_space<hbm>>
          tpu.enqueue_dma source(%dma_start3A_24 : memref<128xi32, #tpu.memory_space<hbm>>) target(%arg7 : memref<128xi32, #tpu.memory_space<vmem>>) target_semaphore(%run_scoped3A : memref<!tpu.dma_semaphore, #tpu.memory_space<semaphore_mem>>)
          %dma_wait3A_25 = tpu.memref_slice %arg2[%add3A_18] : memref<51200xi32, #tpu.memory_space<hbm>> -> memref<128xi32, #tpu.memory_space<hbm>>
          %dma_wait3A_26 = tpu.memref_slice %arg2[%add3A_18] : memref<51200xi32, #tpu.memory_space<hbm>> -> memref<128xi32, #tpu.memory_space<hbm>>
          tpu.wait_dma2 semaphore(%run_scoped3A : memref<!tpu.dma_semaphore, #tpu.memory_space<semaphore_mem>>) src(%dma_wait3A_26 : memref<128xi32, #tpu.memory_space<hbm>>) dst(%arg7 : memref<128xi32, #tpu.memory_space<vmem>>)
          tpu.yield
        }) : () -> ()
        %dma_start3A = arith.constant 0 : i32
        %dma_start3A_19 = arith.constant 0 : i32
        %dma_start3A_20 = tpu.memref_slice %arg3[%dma_start3A, %dma_start3A_19] : memref<100x32xf32, #tpu.memory_space<hbm>> -> memref<100x32xf32, #tpu.memory_space<hbm>>
        tpu.enqueue_indirect_dma source(%dma_start3A_20 : memref<100x32xf32, #tpu.memory_space<hbm>>) target(%arg8 : memref<128x32xf32, #tpu.memory_space<vmem>>) offsets(%arg7 : memref<128xi32, #tpu.memory_space<vmem>>) semaphore(%arg9 : memref<!tpu.dma_semaphore, #tpu.memory_space<semaphore_mem>>)
        %dma_wait3A = arith.constant 0 : i32
        %dma_wait3A_21 = arith.constant 0 : i32
        %dma_wait3A_22 = tpu.memref_slice %arg3[%dma_wait3A, %dma_wait3A_21] : memref<100x32xf32, #tpu.memory_space<hbm>> -> memref<100x32xf32, #tpu.memory_space<hbm>>
        tpu.wait_indirect_dma semaphore(%arg9 : memref<!tpu.dma_semaphore, #tpu.memory_space<semaphore_mem>>) src(%dma_wait3A_22 : memref<100x32xf32, #tpu.memory_space<hbm>>) dst(%arg8 : memref<128x32xf32, #tpu.memory_space<vmem>>)
        "tpu.region"() ({
          %run_scoped3A = tpu.sem_alloc : memref<!tpu.dma_semaphore, #tpu.memory_space<semaphore_mem>>
          %dma_start3A_23 = arith.constant 0 : i32
          %dma_start3A_24 = tpu.memref_slice %arg5[%add3A_18, %dma_start3A_23] : memref<51200x32xf32, #tpu.memory_space<hbm>> -> memref<128x32xf32, #tpu.memory_space<hbm>>
          %dma_start3A_25 = arith.constant 0 : i32
          %dma_start3A_26 = tpu.memref_slice %arg5[%add3A_18, %dma_start3A_25] : memref<51200x32xf32, #tpu.memory_space<hbm>> -> memref<128x32xf32, #tpu.memory_space<hbm>>
          tpu.enqueue_dma source(%arg8 : memref<128x32xf32, #tpu.memory_space<vmem>>) target(%dma_start3A_26 : memref<128x32xf32, #tpu.memory_space<hbm>>) target_semaphore(%run_scoped3A : memref<!tpu.dma_semaphore, #tpu.memory_space<semaphore_mem>>)
          %dma_wait3A_27 = arith.constant 0 : i32
          %dma_wait3A_28 = tpu.memref_slice %arg5[%add3A_18, %dma_wait3A_27] : memref<51200x32xf32, #tpu.memory_space<hbm>> -> memref<128x32xf32, #tpu.memory_space<hbm>>
          %dma_wait3A_29 = arith.constant 0 : i32
          %dma_wait3A_30 = tpu.memref_slice %arg5[%add3A_18, %dma_wait3A_29] : memref<51200x32xf32, #tpu.memory_space<hbm>> -> memref<128x32xf32, #tpu.memory_space<hbm>>
          tpu.wait_dma2 semaphore(%run_scoped3A : memref<!tpu.dma_semaphore, #tpu.memory_space<semaphore_mem>>) src(%arg8 : memref<128x32xf32, #tpu.memory_space<vmem>>) dst(%dma_wait3A_30 : memref<128x32xf32, #tpu.memory_space<hbm>>)
          tpu.yield
        }) : () -> ()
      }
      %scan3A_11 = arith.constant 25 : i32
    } else {
    }
    %eq3A_3 = arith.constant 1 : i32
    %eq3A_4 = arith.cmpi eq, %arg0, %eq3A_3 : i32
    %convert_element_type3A_5 = arith.extui %eq3A_4 : i1 to i32
    %cond3A_6 = arith.constant 0 : i32
    %cond3A_7 = arith.cmpi ne, %convert_element_type3A_5, %cond3A_6 : i32
    scf.if %cond3A_7 {
      %scan3A = arith.constant 0 : i32
      %scan3A_8 = arith.constant 25 : i32
      %scan3A_9 = arith.addi %scan3A, %scan3A_8 : i32
      %scan3A_10 = arith.constant 1 : i32
      scf.for %scan3A_12 = %scan3A to %scan3A_9 step %scan3A_10  : i32 {
        %mul3A_13 = arith.constant 1 : i32
        %mul3A_14 = arith.muli %scan3A_12, %mul3A_13 : i32
        %add3A = arith.constant 0 : i32
        %add3A_15 = arith.addi %add3A, %mul3A_14 : i32
        %mul3A_16 = arith.constant 128 : i32
        %mul3A_17 = arith.muli %add3A_15, %mul3A_16 : i32
        %add3A_18 = arith.addi %mul3A_0, %mul3A_17 : i32
        "tpu.region"() ({
          %run_scoped3A = tpu.sem_alloc : memref<!tpu.dma_semaphore, #tpu.memory_space<semaphore_mem>>
          %dma_start3A_23 = tpu.memref_slice %arg2[%add3A_18] : memref<51200xi32, #tpu.memory_space<hbm>> -> memref<128xi32, #tpu.memory_space<hbm>>
          %dma_start3A_24 = tpu.memref_slice %arg2[%add3A_18] : memref<51200xi32, #tpu.memory_space<hbm>> -> memref<128xi32, #tpu.memory_space<hbm>>
          tpu.enqueue_dma source(%dma_start3A_24 : memref<128xi32, #tpu.memory_space<hbm>>) target(%arg7 : memref<128xi32, #tpu.memory_space<vmem>>) target_semaphore(%run_scoped3A : memref<!tpu.dma_semaphore, #tpu.memory_space<semaphore_mem>>)
          %dma_wait3A_25 = tpu.memref_slice %arg2[%add3A_18] : memref<51200xi32, #tpu.memory_space<hbm>> -> memref<128xi32, #tpu.memory_space<hbm>>
          %dma_wait3A_26 = tpu.memref_slice %arg2[%add3A_18] : memref<51200xi32, #tpu.memory_space<hbm>> -> memref<128xi32, #tpu.memory_space<hbm>>
          tpu.wait_dma2 semaphore(%run_scoped3A : memref<!tpu.dma_semaphore, #tpu.memory_space<semaphore_mem>>) src(%dma_wait3A_26 : memref<128xi32, #tpu.memory_space<hbm>>) dst(%arg7 : memref<128xi32, #tpu.memory_space<vmem>>)
          tpu.yield
        }) : () -> ()
        %dma_start3A = arith.constant 0 : i32
        %dma_start3A_19 = arith.constant 0 : i32
        %dma_start3A_20 = tpu.memref_slice %arg4[%dma_start3A, %dma_start3A_19] : memref<100x32xf32, #tpu.memory_space<hbm>> -> memref<100x32xf32, #tpu.memory_space<hbm>>
        tpu.enqueue_indirect_dma source(%dma_start3A_20 : memref<100x32xf32, #tpu.memory_space<hbm>>) target(%arg8 : memref<128x32xf32, #tpu.memory_space<vmem>>) offsets(%arg7 : memref<128xi32, #tpu.memory_space<vmem>>) semaphore(%arg9 : memref<!tpu.dma_semaphore, #tpu.memory_space<semaphore_mem>>)
        %dma_wait3A = arith.constant 0 : i32
        %dma_wait3A_21 = arith.constant 0 : i32
        %dma_wait3A_22 = tpu.memref_slice %arg4[%dma_wait3A, %dma_wait3A_21] : memref<100x32xf32, #tpu.memory_space<hbm>> -> memref<100x32xf32, #tpu.memory_space<hbm>>
        tpu.wait_indirect_dma semaphore(%arg9 : memref<!tpu.dma_semaphore, #tpu.memory_space<semaphore_mem>>) src(%dma_wait3A_22 : memref<100x32xf32, #tpu.memory_space<hbm>>) dst(%arg8 : memref<128x32xf32, #tpu.memory_space<vmem>>)
        "tpu.region"() ({
          %run_scoped3A = tpu.sem_alloc : memref<!tpu.dma_semaphore, #tpu.memory_space<semaphore_mem>>
          %dma_start3A_23 = arith.constant 0 : i32
          %dma_start3A_24 = tpu.memref_slice %arg6[%add3A_18, %dma_start3A_23] : memref<51200x32xf32, #tpu.memory_space<hbm>> -> memref<128x32xf32, #tpu.memory_space<hbm>>
          %dma_start3A_25 = arith.constant 0 : i32
          %dma_start3A_26 = tpu.memref_slice %arg6[%add3A_18, %dma_start3A_25] : memref<51200x32xf32, #tpu.memory_space<hbm>> -> memref<128x32xf32, #tpu.memory_space<hbm>>
          tpu.enqueue_dma source(%arg8 : memref<128x32xf32, #tpu.memory_space<vmem>>) target(%dma_start3A_26 : memref<128x32xf32, #tpu.memory_space<hbm>>) target_semaphore(%run_scoped3A : memref<!tpu.dma_semaphore, #tpu.memory_space<semaphore_mem>>)
          %dma_wait3A_27 = arith.constant 0 : i32
          %dma_wait3A_28 = tpu.memref_slice %arg6[%add3A_18, %dma_wait3A_27] : memref<51200x32xf32, #tpu.memory_space<hbm>> -> memref<128x32xf32, #tpu.memory_space<hbm>>
          %dma_wait3A_29 = arith.constant 0 : i32
          %dma_wait3A_30 = tpu.memref_slice %arg6[%add3A_18, %dma_wait3A_29] : memref<51200x32xf32, #tpu.memory_space<hbm>> -> memref<128x32xf32, #tpu.memory_space<hbm>>
          tpu.wait_dma2 semaphore(%run_scoped3A : memref<!tpu.dma_semaphore, #tpu.memory_space<semaphore_mem>>) src(%arg8 : memref<128x32xf32, #tpu.memory_space<vmem>>) dst(%dma_wait3A_30 : memref<128x32xf32, #tpu.memory_space<hbm>>)
          tpu.yield
        }) : () -> ()
      }
      %scan3A_11 = arith.constant 25 : i32
    } else {
    }
    return
  }
}

#map = affine_map<(d0, d1) -> (0, 0)>
module attributes {stable_mosaic.version = 14 : i64} {
  func.func @k(%arg0: i32, %arg1: i32, %arg2: memref<50000x32xf32, #tpu.memory_space<hbm>>, %arg3: memref<50000x32xf32, #tpu.memory_space<hbm>>, %arg4: memref<6384x128xi32, #tpu.memory_space<hbm>>, %arg5: memref<6384x128xi32, #tpu.memory_space<hbm>>, %arg6: memref<50000x32xf32, #tpu.memory_space<hbm>>, %arg7: memref<50000x32xf32, #tpu.memory_space<hbm>>, %arg8: memref<3x128xi32, #tpu.memory_space<vmem>>, %arg9: memref<3x128xi32, #tpu.memory_space<vmem>>, %arg10: memref<3x128xi32, #tpu.memory_space<vmem>>, %arg11: memref<3x128xi32, #tpu.memory_space<vmem>>, %arg12: memref<3x128x32xf32, #tpu.memory_space<vmem>>, %arg13: memref<3x128x32xf32, #tpu.memory_space<vmem>>, %arg14: memref<50016x32xf32, #tpu.memory_space<vmem_shared>>, %arg15: memref<!tpu.dma_semaphore, #tpu.memory_space<semaphore_mem>>, %arg16: memref<!tpu.dma_semaphore, #tpu.memory_space<semaphore_mem>>, %arg17: memref<!tpu.dma_semaphore, #tpu.memory_space<semaphore_mem>>, %arg18: memref<!tpu.dma_semaphore, #tpu.memory_space<semaphore_mem>>) attributes {dimension_semantics = [#tpu.dimension_semantics<core_parallel>, #tpu.dimension_semantics<subcore_parallel>], iteration_bounds = array<i64: 2, 16>, scalar_prefetch = 0 : i64, scratch_operands = 11 : i64, tpu.core_type = #tpu.core_type<sc_vector_subcore>, window_params = [{transform_indices = #map}, {transform_indices = #map}, {transform_indices = #map}, {transform_indices = #map}, {transform_indices = #map}, {transform_indices = #map}]} {
    %eq3A = arith.constant 0 : i32
    %eq3A_0 = arith.cmpi eq, %arg0, %eq3A : i32
    %convert_element_type3A = arith.extui %eq3A_0 : i1 to i32
    %cond3A = arith.constant 0 : i32
    %cond3A_1 = arith.cmpi ne, %convert_element_type3A, %cond3A : i32
    scf.if %cond3A_1 {
      %mul3A = arith.constant 3125 : i32
      %mul3A_7 = arith.muli %arg1, %mul3A : i32
      %mul3A_8 = arith.constant 3125 : i32
      %mul3A_9 = arith.muli %arg1, %mul3A_8 : i32
      "tpu.region"() ({
        %run_scoped3A = tpu.sem_alloc : memref<!tpu.dma_semaphore, #tpu.memory_space<semaphore_mem>>
        %dma_start3A = arith.constant 0 : i32
        %dma_start3A_24 = tpu.memref_slice %arg14[%mul3A_9, %dma_start3A] : memref<50016x32xf32, #tpu.memory_space<vmem_shared>> -> memref<3125x32xf32, #tpu.memory_space<vmem_shared>>
        %dma_start3A_25 = arith.constant 0 : i32
        %dma_start3A_26 = tpu.memref_slice %arg2[%mul3A_7, %dma_start3A_25] : memref<50000x32xf32, #tpu.memory_space<hbm>> -> memref<3125x32xf32, #tpu.memory_space<hbm>>
        tpu.enqueue_dma source(%dma_start3A_26 : memref<3125x32xf32, #tpu.memory_space<hbm>>) target(%dma_start3A_24 : memref<3125x32xf32, #tpu.memory_space<vmem_shared>>) target_semaphore(%run_scoped3A : memref<!tpu.dma_semaphore, #tpu.memory_space<semaphore_mem>>)
        %dma_wait3A = arith.constant 0 : i32
        %dma_wait3A_27 = tpu.memref_slice %arg14[%mul3A_9, %dma_wait3A] : memref<50016x32xf32, #tpu.memory_space<vmem_shared>> -> memref<3125x32xf32, #tpu.memory_space<vmem_shared>>
        %dma_wait3A_28 = arith.constant 0 : i32
        %dma_wait3A_29 = tpu.memref_slice %arg2[%mul3A_7, %dma_wait3A_28] : memref<50000x32xf32, #tpu.memory_space<hbm>> -> memref<3125x32xf32, #tpu.memory_space<hbm>>
        tpu.wait_dma2 semaphore(%run_scoped3A : memref<!tpu.dma_semaphore, #tpu.memory_space<semaphore_mem>>) src(%dma_wait3A_29 : memref<3125x32xf32, #tpu.memory_space<hbm>>) dst(%dma_wait3A_27 : memref<3125x32xf32, #tpu.memory_space<vmem_shared>>)
        tpu.yield
      }) : () -> ()
      %barrier3A = arith.constant 0 : index
      tpu.barrier barrier_id(%barrier3A)
      %mul3A_10 = arith.constant 399 : i32
      %mul3A_11 = arith.muli %arg1, %mul3A_10 : i32
      %add3A = arith.constant 0 : i32
      %add3A_12 = arith.addi %mul3A_11, %add3A : i32
      "tpu.region"() ({
        %run_scoped3A = tpu.sem_alloc : memref<!tpu.dma_semaphore, #tpu.memory_space<semaphore_mem>>
        %dma_start3A = arith.constant 0 : i32
        %dma_start3A_24 = tpu.memref_slice %arg4[%add3A_12, %dma_start3A] : memref<6384x128xi32, #tpu.memory_space<hbm>> -> memref<3x128xi32, #tpu.memory_space<hbm>>
        %dma_start3A_25 = arith.constant 0 : i32
        %dma_start3A_26 = tpu.memref_slice %arg4[%add3A_12, %dma_start3A_25] : memref<6384x128xi32, #tpu.memory_space<hbm>> -> memref<3x128xi32, #tpu.memory_space<hbm>>
        tpu.enqueue_dma source(%dma_start3A_26 : memref<3x128xi32, #tpu.memory_space<hbm>>) target(%arg8 : memref<3x128xi32, #tpu.memory_space<vmem>>) target_semaphore(%run_scoped3A : memref<!tpu.dma_semaphore, #tpu.memory_space<semaphore_mem>>)
        %dma_wait3A = arith.constant 0 : i32
        %dma_wait3A_27 = tpu.memref_slice %arg4[%add3A_12, %dma_wait3A] : memref<6384x128xi32, #tpu.memory_space<hbm>> -> memref<3x128xi32, #tpu.memory_space<hbm>>
        %dma_wait3A_28 = arith.constant 0 : i32
        %dma_wait3A_29 = tpu.memref_slice %arg4[%add3A_12, %dma_wait3A_28] : memref<6384x128xi32, #tpu.memory_space<hbm>> -> memref<3x128xi32, #tpu.memory_space<hbm>>
        tpu.wait_dma2 semaphore(%run_scoped3A : memref<!tpu.dma_semaphore, #tpu.memory_space<semaphore_mem>>) src(%dma_wait3A_29 : memref<3x128xi32, #tpu.memory_space<hbm>>) dst(%arg8 : memref<3x128xi32, #tpu.memory_space<vmem>>)
        tpu.yield
      }) : () -> ()
      %add3A_13 = arith.constant 0 : i32
      %add3A_14 = arith.addi %mul3A_11, %add3A_13 : i32
      "tpu.region"() ({
        %run_scoped3A = tpu.sem_alloc : memref<!tpu.dma_semaphore, #tpu.memory_space<semaphore_mem>>
        %dma_start3A = arith.constant 0 : i32
        %dma_start3A_24 = tpu.memref_slice %arg5[%add3A_14, %dma_start3A] : memref<6384x128xi32, #tpu.memory_space<hbm>> -> memref<3x128xi32, #tpu.memory_space<hbm>>
        %dma_start3A_25 = arith.constant 0 : i32
        %dma_start3A_26 = tpu.memref_slice %arg5[%add3A_14, %dma_start3A_25] : memref<6384x128xi32, #tpu.memory_space<hbm>> -> memref<3x128xi32, #tpu.memory_space<hbm>>
        tpu.enqueue_dma source(%dma_start3A_26 : memref<3x128xi32, #tpu.memory_space<hbm>>) target(%arg9 : memref<3x128xi32, #tpu.memory_space<vmem>>) target_semaphore(%run_scoped3A : memref<!tpu.dma_semaphore, #tpu.memory_space<semaphore_mem>>)
        %dma_wait3A = arith.constant 0 : i32
        %dma_wait3A_27 = tpu.memref_slice %arg5[%add3A_14, %dma_wait3A] : memref<6384x128xi32, #tpu.memory_space<hbm>> -> memref<3x128xi32, #tpu.memory_space<hbm>>
        %dma_wait3A_28 = arith.constant 0 : i32
        %dma_wait3A_29 = tpu.memref_slice %arg5[%add3A_14, %dma_wait3A_28] : memref<6384x128xi32, #tpu.memory_space<hbm>> -> memref<3x128xi32, #tpu.memory_space<hbm>>
        tpu.wait_dma2 semaphore(%run_scoped3A : memref<!tpu.dma_semaphore, #tpu.memory_space<semaphore_mem>>) src(%dma_wait3A_29 : memref<3x128xi32, #tpu.memory_space<hbm>>) dst(%arg9 : memref<3x128xi32, #tpu.memory_space<vmem>>)
        tpu.yield
      }) : () -> ()
      %scan3A = arith.constant 0 : i32
      %scan3A_15 = arith.constant 66 : i32
      %scan3A_16 = arith.addi %scan3A, %scan3A_15 : i32
      %scan3A_17 = arith.constant 1 : i32
      scf.for %scan3A_24 = %scan3A to %scan3A_16 step %scan3A_17  : i32 {
        %mul3A_25 = arith.constant 2 : i32
        %mul3A_26 = arith.muli %scan3A_24, %mul3A_25 : i32
        %add3A_27 = arith.constant 0 : i32
        %add3A_28 = arith.addi %add3A_27, %mul3A_26 : i32
        %dma_start3A = arith.constant 0 : i32
        %dma_start3A_29 = arith.constant 0 : i32
        %dma_start3A_30 = arith.constant 0 : i32
        %dma_start3A_31 = arith.constant 0 : i32
        %dma_start3A_32 = tpu.memref_slice %arg12[%dma_start3A_29, %dma_start3A_30, %dma_start3A_31] : memref<3x128x32xf32, #tpu.memory_space<vmem>> -> memref<1x128x32xf32, #tpu.memory_space<vmem>>
        %dma_start3A_33 = tpu.memref_squeeze %dma_start3A_32 : memref<1x128x32xf32, #tpu.memory_space<vmem>> -> memref<128x32xf32, #tpu.memory_space<vmem>>
        %dma_start3A_34 = arith.constant 0 : i32
        %dma_start3A_35 = tpu.memref_slice %arg9[%dma_start3A, %dma_start3A_34] : memref<3x128xi32, #tpu.memory_space<vmem>> -> memref<1x128xi32, #tpu.memory_space<vmem>>
        %dma_start3A_36 = tpu.memref_squeeze %dma_start3A_35 : memref<1x128xi32, #tpu.memory_space<vmem>> -> memref<128xi32, #tpu.memory_space<vmem>>
        %dma_start3A_37 = arith.constant 0 : i32
        %dma_start3A_38 = arith.constant 0 : i32
        %dma_start3A_39 = tpu.memref_slice %arg2[%dma_start3A_37, %dma_start3A_38] : memref<50000x32xf32, #tpu.memory_space<hbm>> -> memref<50000x32xf32, #tpu.memory_space<hbm>>
        tpu.enqueue_indirect_dma source(%dma_start3A_39 : memref<50000x32xf32, #tpu.memory_space<hbm>>) target(%dma_start3A_33 : memref<128x32xf32, #tpu.memory_space<vmem>>) offsets(%dma_start3A_36 : memref<128xi32, #tpu.memory_space<vmem>>) semaphore(%arg15 : memref<!tpu.dma_semaphore, #tpu.memory_space<semaphore_mem>>)
        %dma_start3A_40 = arith.constant 1 : i32
        %dma_start3A_41 = arith.constant 1 : i32
        %dma_start3A_42 = arith.constant 0 : i32
        %dma_start3A_43 = arith.constant 0 : i32
        %dma_start3A_44 = tpu.memref_slice %arg12[%dma_start3A_41, %dma_start3A_42, %dma_start3A_43] : memref<3x128x32xf32, #tpu.memory_space<vmem>> -> memref<1x128x32xf32, #tpu.memory_space<vmem>>
        %dma_start3A_45 = tpu.memref_squeeze %dma_start3A_44 : memref<1x128x32xf32, #tpu.memory_space<vmem>> -> memref<128x32xf32, #tpu.memory_space<vmem>>
        %dma_start3A_46 = arith.constant 0 : i32
        %dma_start3A_47 = tpu.memref_slice %arg9[%dma_start3A_40, %dma_start3A_46] : memref<3x128xi32, #tpu.memory_space<vmem>> -> memref<1x128xi32, #tpu.memory_space<vmem>>
        %dma_start3A_48 = tpu.memref_squeeze %dma_start3A_47 : memref<1x128xi32, #tpu.memory_space<vmem>> -> memref<128xi32, #tpu.memory_space<vmem>>
        %dma_start3A_49 = arith.constant 0 : i32
        %dma_start3A_50 = arith.constant 0 : i32
        %dma_start3A_51 = tpu.memref_slice %arg2[%dma_start3A_49, %dma_start3A_50] : memref<50000x32xf32, #tpu.memory_space<hbm>> -> memref<50000x32xf32, #tpu.memory_space<hbm>>
        tpu.enqueue_indirect_dma source(%dma_start3A_51 : memref<50000x32xf32, #tpu.memory_space<hbm>>) target(%dma_start3A_45 : memref<128x32xf32, #tpu.memory_space<vmem>>) offsets(%dma_start3A_48 : memref<128xi32, #tpu.memory_space<vmem>>) semaphore(%arg15 : memref<!tpu.dma_semaphore, #tpu.memory_space<semaphore_mem>>)
        %dma_start3A_52 = arith.constant 2 : i32
        %dma_start3A_53 = arith.constant 2 : i32
        %dma_start3A_54 = arith.constant 0 : i32
        %dma_start3A_55 = arith.constant 0 : i32
        %dma_start3A_56 = tpu.memref_slice %arg12[%dma_start3A_53, %dma_start3A_54, %dma_start3A_55] : memref<3x128x32xf32, #tpu.memory_space<vmem>> -> memref<1x128x32xf32, #tpu.memory_space<vmem>>
        %dma_start3A_57 = tpu.memref_squeeze %dma_start3A_56 : memref<1x128x32xf32, #tpu.memory_space<vmem>> -> memref<128x32xf32, #tpu.memory_space<vmem>>
        %dma_start3A_58 = arith.constant 0 : i32
        %dma_start3A_59 = tpu.memref_slice %arg9[%dma_start3A_52, %dma_start3A_58] : memref<3x128xi32, #tpu.memory_space<vmem>> -> memref<1x128xi32, #tpu.memory_space<vmem>>
        %dma_start3A_60 = tpu.memref_squeeze %dma_start3A_59 : memref<1x128xi32, #tpu.memory_space<vmem>> -> memref<128xi32, #tpu.memory_space<vmem>>
        %dma_start3A_61 = arith.constant 0 : i32
        %dma_start3A_62 = arith.constant 0 : i32
        %dma_start3A_63 = tpu.memref_slice %arg2[%dma_start3A_61, %dma_start3A_62] : memref<50000x32xf32, #tpu.memory_space<hbm>> -> memref<50000x32xf32, #tpu.memory_space<hbm>>
        tpu.enqueue_indirect_dma source(%dma_start3A_63 : memref<50000x32xf32, #tpu.memory_space<hbm>>) target(%dma_start3A_57 : memref<128x32xf32, #tpu.memory_space<vmem>>) offsets(%dma_start3A_60 : memref<128xi32, #tpu.memory_space<vmem>>) semaphore(%arg15 : memref<!tpu.dma_semaphore, #tpu.memory_space<semaphore_mem>>)
        %add3A_64 = arith.constant 1 : i32
        %add3A_65 = arith.addi %add3A_28, %add3A_64 : i32
        %mul3A_66 = arith.constant 3 : i32
        %mul3A_67 = arith.muli %add3A_65, %mul3A_66 : i32
        %add3A_68 = arith.addi %mul3A_11, %mul3A_67 : i32
        "tpu.region"() ({
          %run_scoped3A = tpu.sem_alloc : memref<!tpu.dma_semaphore, #tpu.memory_space<semaphore_mem>>
          %dma_start3A_331 = arith.constant 0 : i32
          %dma_start3A_332 = tpu.memref_slice %arg4[%add3A_68, %dma_start3A_331] : memref<6384x128xi32, #tpu.memory_space<hbm>> -> memref<3x128xi32, #tpu.memory_space<hbm>>
          %dma_start3A_333 = arith.constant 0 : i32
          %dma_start3A_334 = tpu.memref_slice %arg4[%add3A_68, %dma_start3A_333] : memref<6384x128xi32, #tpu.memory_space<hbm>> -> memref<3x128xi32, #tpu.memory_space<hbm>>
          tpu.enqueue_dma source(%dma_start3A_334 : memref<3x128xi32, #tpu.memory_space<hbm>>) target(%arg10 : memref<3x128xi32, #tpu.memory_space<vmem>>) target_semaphore(%run_scoped3A : memref<!tpu.dma_semaphore, #tpu.memory_space<semaphore_mem>>)
          %dma_wait3A_335 = arith.constant 0 : i32
          %dma_wait3A_336 = tpu.memref_slice %arg4[%add3A_68, %dma_wait3A_335] : memref<6384x128xi32, #tpu.memory_space<hbm>> -> memref<3x128xi32, #tpu.memory_space<hbm>>
          %dma_wait3A_337 = arith.constant 0 : i32
          %dma_wait3A_338 = tpu.memref_slice %arg4[%add3A_68, %dma_wait3A_337] : memref<6384x128xi32, #tpu.memory_space<hbm>> -> memref<3x128xi32, #tpu.memory_space<hbm>>
          tpu.wait_dma2 semaphore(%run_scoped3A : memref<!tpu.dma_semaphore, #tpu.memory_space<semaphore_mem>>) src(%dma_wait3A_338 : memref<3x128xi32, #tpu.memory_space<hbm>>) dst(%arg10 : memref<3x128xi32, #tpu.memory_space<vmem>>)
          tpu.yield
        }) : () -> ()
        %mul3A_69 = arith.constant 3 : i32
        %mul3A_70 = arith.muli %add3A_65, %mul3A_69 : i32
        %add3A_71 = arith.addi %mul3A_11, %mul3A_70 : i32
        "tpu.region"() ({
          %run_scoped3A = tpu.sem_alloc : memref<!tpu.dma_semaphore, #tpu.memory_space<semaphore_mem>>
          %dma_start3A_331 = arith.constant 0 : i32
          %dma_start3A_332 = tpu.memref_slice %arg5[%add3A_71, %dma_start3A_331] : memref<6384x128xi32, #tpu.memory_space<hbm>> -> memref<3x128xi32, #tpu.memory_space<hbm>>
          %dma_start3A_333 = arith.constant 0 : i32
          %dma_start3A_334 = tpu.memref_slice %arg5[%add3A_71, %dma_start3A_333] : memref<6384x128xi32, #tpu.memory_space<hbm>> -> memref<3x128xi32, #tpu.memory_space<hbm>>
          tpu.enqueue_dma source(%dma_start3A_334 : memref<3x128xi32, #tpu.memory_space<hbm>>) target(%arg11 : memref<3x128xi32, #tpu.memory_space<vmem>>) target_semaphore(%run_scoped3A : memref<!tpu.dma_semaphore, #tpu.memory_space<semaphore_mem>>)
          %dma_wait3A_335 = arith.constant 0 : i32
          %dma_wait3A_336 = tpu.memref_slice %arg5[%add3A_71, %dma_wait3A_335] : memref<6384x128xi32, #tpu.memory_space<hbm>> -> memref<3x128xi32, #tpu.memory_space<hbm>>
          %dma_wait3A_337 = arith.constant 0 : i32
          %dma_wait3A_338 = tpu.memref_slice %arg5[%add3A_71, %dma_wait3A_337] : memref<6384x128xi32, #tpu.memory_space<hbm>> -> memref<3x128xi32, #tpu.memory_space<hbm>>
          tpu.wait_dma2 semaphore(%run_scoped3A : memref<!tpu.dma_semaphore, #tpu.memory_space<semaphore_mem>>) src(%dma_wait3A_338 : memref<3x128xi32, #tpu.memory_space<hbm>>) dst(%arg11 : memref<3x128xi32, #tpu.memory_space<vmem>>)
          tpu.yield
        }) : () -> ()
        %dma_start3A_72 = arith.constant 0 : i32
        %dma_start3A_73 = arith.constant 0 : i32
        %dma_start3A_74 = arith.constant 0 : i32
        %dma_start3A_75 = arith.constant 0 : i32
        %dma_start3A_76 = tpu.memref_slice %arg13[%dma_start3A_73, %dma_start3A_74, %dma_start3A_75] : memref<3x128x32xf32, #tpu.memory_space<vmem>> -> memref<1x128x32xf32, #tpu.memory_space<vmem>>
        %dma_start3A_77 = tpu.memref_squeeze %dma_start3A_76 : memref<1x128x32xf32, #tpu.memory_space<vmem>> -> memref<128x32xf32, #tpu.memory_space<vmem>>
        %dma_start3A_78 = arith.constant 0 : i32
        %dma_start3A_79 = tpu.memref_slice %arg11[%dma_start3A_72, %dma_start3A_78] : memref<3x128xi32, #tpu.memory_space<vmem>> -> memref<1x128xi32, #tpu.memory_space<vmem>>
        %dma_start3A_80 = tpu.memref_squeeze %dma_start3A_79 : memref<1x128xi32, #tpu.memory_space<vmem>> -> memref<128xi32, #tpu.memory_space<vmem>>
        %dma_start3A_81 = arith.constant 0 : i32
        %dma_start3A_82 = arith.constant 0 : i32
        %dma_start3A_83 = tpu.memref_slice %arg2[%dma_start3A_81, %dma_start3A_82] : memref<50000x32xf32, #tpu.memory_space<hbm>> -> memref<50000x32xf32, #tpu.memory_space<hbm>>
        tpu.enqueue_indirect_dma source(%dma_start3A_83 : memref<50000x32xf32, #tpu.memory_space<hbm>>) target(%dma_start3A_77 : memref<128x32xf32, #tpu.memory_space<vmem>>) offsets(%dma_start3A_80 : memref<128xi32, #tpu.memory_space<vmem>>) semaphore(%arg16 : memref<!tpu.dma_semaphore, #tpu.memory_space<semaphore_mem>>)
        %dma_start3A_84 = arith.constant 1 : i32
        %dma_start3A_85 = arith.constant 1 : i32
        %dma_start3A_86 = arith.constant 0 : i32
        %dma_start3A_87 = arith.constant 0 : i32
        %dma_start3A_88 = tpu.memref_slice %arg13[%dma_start3A_85, %dma_start3A_86, %dma_start3A_87] : memref<3x128x32xf32, #tpu.memory_space<vmem>> -> memref<1x128x32xf32, #tpu.memory_space<vmem>>
        %dma_start3A_89 = tpu.memref_squeeze %dma_start3A_88 : memref<1x128x32xf32, #tpu.memory_space<vmem>> -> memref<128x32xf32, #tpu.memory_space<vmem>>
        %dma_start3A_90 = arith.constant 0 : i32
        %dma_start3A_91 = tpu.memref_slice %arg11[%dma_start3A_84, %dma_start3A_90] : memref<3x128xi32, #tpu.memory_space<vmem>> -> memref<1x128xi32, #tpu.memory_space<vmem>>
        %dma_start3A_92 = tpu.memref_squeeze %dma_start3A_91 : memref<1x128xi32, #tpu.memory_space<vmem>> -> memref<128xi32, #tpu.memory_space<vmem>>
        %dma_start3A_93 = arith.constant 0 : i32
        %dma_start3A_94 = arith.constant 0 : i32
        %dma_start3A_95 = tpu.memref_slice %arg2[%dma_start3A_93, %dma_start3A_94] : memref<50000x32xf32, #tpu.memory_space<hbm>> -> memref<50000x32xf32, #tpu.memory_space<hbm>>
        tpu.enqueue_indirect_dma source(%dma_start3A_95 : memref<50000x32xf32, #tpu.memory_space<hbm>>) target(%dma_start3A_89 : memref<128x32xf32, #tpu.memory_space<vmem>>) offsets(%dma_start3A_92 : memref<128xi32, #tpu.memory_space<vmem>>) semaphore(%arg16 : memref<!tpu.dma_semaphore, #tpu.memory_space<semaphore_mem>>)
        %dma_start3A_96 = arith.constant 2 : i32
        %dma_start3A_97 = arith.constant 2 : i32
        %dma_start3A_98 = arith.constant 0 : i32
        %dma_start3A_99 = arith.constant 0 : i32
        %dma_start3A_100 = tpu.memref_slice %arg13[%dma_start3A_97, %dma_start3A_98, %dma_start3A_99] : memref<3x128x32xf32, #tpu.memory_space<vmem>> -> memref<1x128x32xf32, #tpu.memory_space<vmem>>
        %dma_start3A_101 = tpu.memref_squeeze %dma_start3A_100 : memref<1x128x32xf32, #tpu.memory_space<vmem>> -> memref<128x32xf32, #tpu.memory_space<vmem>>
        %dma_start3A_102 = arith.constant 0 : i32
        %dma_start3A_103 = tpu.memref_slice %arg11[%dma_start3A_96, %dma_start3A_102] : memref<3x128xi32, #tpu.memory_space<vmem>> -> memref<1x128xi32, #tpu.memory_space<vmem>>
        %dma_start3A_104 = tpu.memref_squeeze %dma_start3A_103 : memref<1x128xi32, #tpu.memory_space<vmem>> -> memref<128xi32, #tpu.memory_space<vmem>>
        %dma_start3A_105 = arith.constant 0 : i32
        %dma_start3A_106 = arith.constant 0 : i32
        %dma_start3A_107 = tpu.memref_slice %arg2[%dma_start3A_105, %dma_start3A_106] : memref<50000x32xf32, #tpu.memory_space<hbm>> -> memref<50000x32xf32, #tpu.memory_space<hbm>>
        tpu.enqueue_indirect_dma source(%dma_start3A_107 : memref<50000x32xf32, #tpu.memory_space<hbm>>) target(%dma_start3A_101 : memref<128x32xf32, #tpu.memory_space<vmem>>) offsets(%dma_start3A_104 : memref<128xi32, #tpu.memory_space<vmem>>) semaphore(%arg16 : memref<!tpu.dma_semaphore, #tpu.memory_space<semaphore_mem>>)
        %dma_wait3A = arith.constant 0 : i32
        %dma_wait3A_108 = arith.constant 0 : i32
        %dma_wait3A_109 = arith.constant 0 : i32
        %dma_wait3A_110 = arith.constant 0 : i32
        %dma_wait3A_111 = tpu.memref_slice %arg12[%dma_wait3A_108, %dma_wait3A_109, %dma_wait3A_110] : memref<3x128x32xf32, #tpu.memory_space<vmem>> -> memref<1x128x32xf32, #tpu.memory_space<vmem>>
        %dma_wait3A_112 = tpu.memref_squeeze %dma_wait3A_111 : memref<1x128x32xf32, #tpu.memory_space<vmem>> -> memref<128x32xf32, #tpu.memory_space<vmem>>
        %dma_wait3A_113 = arith.constant 0 : i32
        %dma_wait3A_114 = tpu.memref_slice %arg9[%dma_wait3A, %dma_wait3A_113] : memref<3x128xi32, #tpu.memory_space<vmem>> -> memref<1x128xi32, #tpu.memory_space<vmem>>
        %dma_wait3A_115 = tpu.memref_squeeze %dma_wait3A_114 : memref<1x128xi32, #tpu.memory_space<vmem>> -> memref<128xi32, #tpu.memory_space<vmem>>
        %dma_wait3A_116 = arith.constant 0 : i32
        %dma_wait3A_117 = arith.constant 0 : i32
        %dma_wait3A_118 = tpu.memref_slice %arg2[%dma_wait3A_116, %dma_wait3A_117] : memref<50000x32xf32, #tpu.memory_space<hbm>> -> memref<50000x32xf32, #tpu.memory_space<hbm>>
        tpu.wait_indirect_dma semaphore(%arg15 : memref<!tpu.dma_semaphore, #tpu.memory_space<semaphore_mem>>) src(%dma_wait3A_118 : memref<50000x32xf32, #tpu.memory_space<hbm>>) dst(%dma_wait3A_112 : memref<128x32xf32, #tpu.memory_space<vmem>>)
        %dma_wait3A_119 = arith.constant 1 : i32
        %dma_wait3A_120 = arith.constant 1 : i32
        %dma_wait3A_121 = arith.constant 0 : i32
        %dma_wait3A_122 = arith.constant 0 : i32
        %dma_wait3A_123 = tpu.memref_slice %arg12[%dma_wait3A_120, %dma_wait3A_121, %dma_wait3A_122] : memref<3x128x32xf32, #tpu.memory_space<vmem>> -> memref<1x128x32xf32, #tpu.memory_space<vmem>>
        %dma_wait3A_124 = tpu.memref_squeeze %dma_wait3A_123 : memref<1x128x32xf32, #tpu.memory_space<vmem>> -> memref<128x32xf32, #tpu.memory_space<vmem>>
        %dma_wait3A_125 = arith.constant 0 : i32
        %dma_wait3A_126 = tpu.memref_slice %arg9[%dma_wait3A_119, %dma_wait3A_125] : memref<3x128xi32, #tpu.memory_space<vmem>> -> memref<1x128xi32, #tpu.memory_space<vmem>>
        %dma_wait3A_127 = tpu.memref_squeeze %dma_wait3A_126 : memref<1x128xi32, #tpu.memory_space<vmem>> -> memref<128xi32, #tpu.memory_space<vmem>>
        %dma_wait3A_128 = arith.constant 0 : i32
        %dma_wait3A_129 = arith.constant 0 : i32
        %dma_wait3A_130 = tpu.memref_slice %arg2[%dma_wait3A_128, %dma_wait3A_129] : memref<50000x32xf32, #tpu.memory_space<hbm>> -> memref<50000x32xf32, #tpu.memory_space<hbm>>
        tpu.wait_indirect_dma semaphore(%arg15 : memref<!tpu.dma_semaphore, #tpu.memory_space<semaphore_mem>>) src(%dma_wait3A_130 : memref<50000x32xf32, #tpu.memory_space<hbm>>) dst(%dma_wait3A_124 : memref<128x32xf32, #tpu.memory_space<vmem>>)
        %dma_wait3A_131 = arith.constant 2 : i32
        %dma_wait3A_132 = arith.constant 2 : i32
        %dma_wait3A_133 = arith.constant 0 : i32
        %dma_wait3A_134 = arith.constant 0 : i32
        %dma_wait3A_135 = tpu.memref_slice %arg12[%dma_wait3A_132, %dma_wait3A_133, %dma_wait3A_134] : memref<3x128x32xf32, #tpu.memory_space<vmem>> -> memref<1x128x32xf32, #tpu.memory_space<vmem>>
        %dma_wait3A_136 = tpu.memref_squeeze %dma_wait3A_135 : memref<1x128x32xf32, #tpu.memory_space<vmem>> -> memref<128x32xf32, #tpu.memory_space<vmem>>
        %dma_wait3A_137 = arith.constant 0 : i32
        %dma_wait3A_138 = tpu.memref_slice %arg9[%dma_wait3A_131, %dma_wait3A_137] : memref<3x128xi32, #tpu.memory_space<vmem>> -> memref<1x128xi32, #tpu.memory_space<vmem>>
        %dma_wait3A_139 = tpu.memref_squeeze %dma_wait3A_138 : memref<1x128xi32, #tpu.memory_space<vmem>> -> memref<128xi32, #tpu.memory_space<vmem>>
        %dma_wait3A_140 = arith.constant 0 : i32
        %dma_wait3A_141 = arith.constant 0 : i32
        %dma_wait3A_142 = tpu.memref_slice %arg2[%dma_wait3A_140, %dma_wait3A_141] : memref<50000x32xf32, #tpu.memory_space<hbm>> -> memref<50000x32xf32, #tpu.memory_space<hbm>>
        tpu.wait_indirect_dma semaphore(%arg15 : memref<!tpu.dma_semaphore, #tpu.memory_space<semaphore_mem>>) src(%dma_wait3A_142 : memref<50000x32xf32, #tpu.memory_space<hbm>>) dst(%dma_wait3A_136 : memref<128x32xf32, #tpu.memory_space<vmem>>)
        %dma_start3A_143 = arith.constant 0 : i32
        %dma_start3A_144 = arith.constant 0 : i32
        %dma_start3A_145 = arith.constant 0 : i32
        %dma_start3A_146 = arith.constant 0 : i32
        %dma_start3A_147 = tpu.memref_slice %arg12[%dma_start3A_143, %dma_start3A_145, %dma_start3A_146] : memref<3x128x32xf32, #tpu.memory_space<vmem>> -> memref<1x128x32xf32, #tpu.memory_space<vmem>>
        %dma_start3A_148 = tpu.memref_squeeze %dma_start3A_147 : memref<1x128x32xf32, #tpu.memory_space<vmem>> -> memref<128x32xf32, #tpu.memory_space<vmem>>
        %dma_start3A_149 = arith.constant 0 : i32
        %dma_start3A_150 = tpu.memref_slice %arg8[%dma_start3A_144, %dma_start3A_149] : memref<3x128xi32, #tpu.memory_space<vmem>> -> memref<1x128xi32, #tpu.memory_space<vmem>>
        %dma_start3A_151 = tpu.memref_squeeze %dma_start3A_150 : memref<1x128xi32, #tpu.memory_space<vmem>> -> memref<128xi32, #tpu.memory_space<vmem>>
        %dma_start3A_152 = arith.constant 0 : i32
        %dma_start3A_153 = arith.constant 0 : i32
        %dma_start3A_154 = tpu.memref_slice %arg14[%dma_start3A_152, %dma_start3A_153] : memref<50016x32xf32, #tpu.memory_space<vmem_shared>> -> memref<50016x32xf32, #tpu.memory_space<vmem_shared>>
        tpu.enqueue_indirect_dma source(%dma_start3A_148 : memref<128x32xf32, #tpu.memory_space<vmem>>) target(%dma_start3A_154 : memref<50016x32xf32, #tpu.memory_space<vmem_shared>>) offsets(%dma_start3A_151 : memref<128xi32, #tpu.memory_space<vmem>>) semaphore(%arg17 : memref<!tpu.dma_semaphore, #tpu.memory_space<semaphore_mem>>) {add = true}
        %dma_start3A_155 = arith.constant 1 : i32
        %dma_start3A_156 = arith.constant 1 : i32
        %dma_start3A_157 = arith.constant 0 : i32
        %dma_start3A_158 = arith.constant 0 : i32
        %dma_start3A_159 = tpu.memref_slice %arg12[%dma_start3A_155, %dma_start3A_157, %dma_start3A_158] : memref<3x128x32xf32, #tpu.memory_space<vmem>> -> memref<1x128x32xf32, #tpu.memory_space<vmem>>
        %dma_start3A_160 = tpu.memref_squeeze %dma_start3A_159 : memref<1x128x32xf32, #tpu.memory_space<vmem>> -> memref<128x32xf32, #tpu.memory_space<vmem>>
        %dma_start3A_161 = arith.constant 0 : i32
        %dma_start3A_162 = tpu.memref_slice %arg8[%dma_start3A_156, %dma_start3A_161] : memref<3x128xi32, #tpu.memory_space<vmem>> -> memref<1x128xi32, #tpu.memory_space<vmem>>
        %dma_start3A_163 = tpu.memref_squeeze %dma_start3A_162 : memref<1x128xi32, #tpu.memory_space<vmem>> -> memref<128xi32, #tpu.memory_space<vmem>>
        %dma_start3A_164 = arith.constant 0 : i32
        %dma_start3A_165 = arith.constant 0 : i32
        %dma_start3A_166 = tpu.memref_slice %arg14[%dma_start3A_164, %dma_start3A_165] : memref<50016x32xf32, #tpu.memory_space<vmem_shared>> -> memref<50016x32xf32, #tpu.memory_space<vmem_shared>>
        tpu.enqueue_indirect_dma source(%dma_start3A_160 : memref<128x32xf32, #tpu.memory_space<vmem>>) target(%dma_start3A_166 : memref<50016x32xf32, #tpu.memory_space<vmem_shared>>) offsets(%dma_start3A_163 : memref<128xi32, #tpu.memory_space<vmem>>) semaphore(%arg17 : memref<!tpu.dma_semaphore, #tpu.memory_space<semaphore_mem>>) {add = true}
        %dma_start3A_167 = arith.constant 2 : i32
        %dma_start3A_168 = arith.constant 2 : i32
        %dma_start3A_169 = arith.constant 0 : i32
        %dma_start3A_170 = arith.constant 0 : i32
        %dma_start3A_171 = tpu.memref_slice %arg12[%dma_start3A_167, %dma_start3A_169, %dma_start3A_170] : memref<3x128x32xf32, #tpu.memory_space<vmem>> -> memref<1x128x32xf32, #tpu.memory_space<vmem>>
        %dma_start3A_172 = tpu.memref_squeeze %dma_start3A_171 : memref<1x128x32xf32, #tpu.memory_space<vmem>> -> memref<128x32xf32, #tpu.memory_space<vmem>>
        %dma_start3A_173 = arith.constant 0 : i32
        %dma_start3A_174 = tpu.memref_slice %arg8[%dma_start3A_168, %dma_start3A_173] : memref<3x128xi32, #tpu.memory_space<vmem>> -> memref<1x128xi32, #tpu.memory_space<vmem>>
        %dma_start3A_175 = tpu.memref_squeeze %dma_start3A_174 : memref<1x128xi32, #tpu.memory_space<vmem>> -> memref<128xi32, #tpu.memory_space<vmem>>
        %dma_start3A_176 = arith.constant 0 : i32
        %dma_start3A_177 = arith.constant 0 : i32
        %dma_start3A_178 = tpu.memref_slice %arg14[%dma_start3A_176, %dma_start3A_177] : memref<50016x32xf32, #tpu.memory_space<vmem_shared>> -> memref<50016x32xf32, #tpu.memory_space<vmem_shared>>
        tpu.enqueue_indirect_dma source(%dma_start3A_172 : memref<128x32xf32, #tpu.memory_space<vmem>>) target(%dma_start3A_178 : memref<50016x32xf32, #tpu.memory_space<vmem_shared>>) offsets(%dma_start3A_175 : memref<128xi32, #tpu.memory_space<vmem>>) semaphore(%arg17 : memref<!tpu.dma_semaphore, #tpu.memory_space<semaphore_mem>>) {add = true}
        %dma_wait3A_179 = arith.constant 0 : i32
        %dma_wait3A_180 = arith.constant 0 : i32
        %dma_wait3A_181 = arith.constant 0 : i32
        %dma_wait3A_182 = arith.constant 0 : i32
        %dma_wait3A_183 = tpu.memref_slice %arg12[%dma_wait3A_179, %dma_wait3A_181, %dma_wait3A_182] : memref<3x128x32xf32, #tpu.memory_space<vmem>> -> memref<1x128x32xf32, #tpu.memory_space<vmem>>
        %dma_wait3A_184 = tpu.memref_squeeze %dma_wait3A_183 : memref<1x128x32xf32, #tpu.memory_space<vmem>> -> memref<128x32xf32, #tpu.memory_space<vmem>>
        %dma_wait3A_185 = arith.constant 0 : i32
        %dma_wait3A_186 = tpu.memref_slice %arg8[%dma_wait3A_180, %dma_wait3A_185] : memref<3x128xi32, #tpu.memory_space<vmem>> -> memref<1x128xi32, #tpu.memory_space<vmem>>
        %dma_wait3A_187 = tpu.memref_squeeze %dma_wait3A_186 : memref<1x128xi32, #tpu.memory_space<vmem>> -> memref<128xi32, #tpu.memory_space<vmem>>
        %dma_wait3A_188 = arith.constant 0 : i32
        %dma_wait3A_189 = arith.constant 0 : i32
        %dma_wait3A_190 = tpu.memref_slice %arg14[%dma_wait3A_188, %dma_wait3A_189] : memref<50016x32xf32, #tpu.memory_space<vmem_shared>> -> memref<50016x32xf32, #tpu.memory_space<vmem_shared>>
        tpu.wait_indirect_dma semaphore(%arg17 : memref<!tpu.dma_semaphore, #tpu.memory_space<semaphore_mem>>) src(%dma_wait3A_184 : memref<128x32xf32, #tpu.memory_space<vmem>>) dst(%dma_wait3A_190 : memref<50016x32xf32, #tpu.memory_space<vmem_shared>>)
        %dma_wait3A_191 = arith.constant 1 : i32
        %dma_wait3A_192 = arith.constant 1 : i32
        %dma_wait3A_193 = arith.constant 0 : i32
        %dma_wait3A_194 = arith.constant 0 : i32
        %dma_wait3A_195 = tpu.memref_slice %arg12[%dma_wait3A_191, %dma_wait3A_193, %dma_wait3A_194] : memref<3x128x32xf32, #tpu.memory_space<vmem>> -> memref<1x128x32xf32, #tpu.memory_space<vmem>>
        %dma_wait3A_196 = tpu.memref_squeeze %dma_wait3A_195 : memref<1x128x32xf32, #tpu.memory_space<vmem>> -> memref<128x32xf32, #tpu.memory_space<vmem>>
        %dma_wait3A_197 = arith.constant 0 : i32
        %dma_wait3A_198 = tpu.memref_slice %arg8[%dma_wait3A_192, %dma_wait3A_197] : memref<3x128xi32, #tpu.memory_space<vmem>> -> memref<1x128xi32, #tpu.memory_space<vmem>>
        %dma_wait3A_199 = tpu.memref_squeeze %dma_wait3A_198 : memref<1x128xi32, #tpu.memory_space<vmem>> -> memref<128xi32, #tpu.memory_space<vmem>>
        %dma_wait3A_200 = arith.constant 0 : i32
        %dma_wait3A_201 = arith.constant 0 : i32
        %dma_wait3A_202 = tpu.memref_slice %arg14[%dma_wait3A_200, %dma_wait3A_201] : memref<50016x32xf32, #tpu.memory_space<vmem_shared>> -> memref<50016x32xf32, #tpu.memory_space<vmem_shared>>
        tpu.wait_indirect_dma semaphore(%arg17 : memref<!tpu.dma_semaphore, #tpu.memory_space<semaphore_mem>>) src(%dma_wait3A_196 : memref<128x32xf32, #tpu.memory_space<vmem>>) dst(%dma_wait3A_202 : memref<50016x32xf32, #tpu.memory_space<vmem_shared>>)
        %dma_wait3A_203 = arith.constant 2 : i32
        %dma_wait3A_204 = arith.constant 2 : i32
        %dma_wait3A_205 = arith.constant 0 : i32
        %dma_wait3A_206 = arith.constant 0 : i32
        %dma_wait3A_207 = tpu.memref_slice %arg12[%dma_wait3A_203, %dma_wait3A_205, %dma_wait3A_206] : memref<3x128x32xf32, #tpu.memory_space<vmem>> -> memref<1x128x32xf32, #tpu.memory_space<vmem>>
        %dma_wait3A_208 = tpu.memref_squeeze %dma_wait3A_207 : memref<1x128x32xf32, #tpu.memory_space<vmem>> -> memref<128x32xf32, #tpu.memory_space<vmem>>
        %dma_wait3A_209 = arith.constant 0 : i32
        %dma_wait3A_210 = tpu.memref_slice %arg8[%dma_wait3A_204, %dma_wait3A_209] : memref<3x128xi32, #tpu.memory_space<vmem>> -> memref<1x128xi32, #tpu.memory_space<vmem>>
        %dma_wait3A_211 = tpu.memref_squeeze %dma_wait3A_210 : memref<1x128xi32, #tpu.memory_space<vmem>> -> memref<128xi32, #tpu.memory_space<vmem>>
        %dma_wait3A_212 = arith.constant 0 : i32
        %dma_wait3A_213 = arith.constant 0 : i32
        %dma_wait3A_214 = tpu.memref_slice %arg14[%dma_wait3A_212, %dma_wait3A_213] : memref<50016x32xf32, #tpu.memory_space<vmem_shared>> -> memref<50016x32xf32, #tpu.memory_space<vmem_shared>>
        tpu.wait_indirect_dma semaphore(%arg17 : memref<!tpu.dma_semaphore, #tpu.memory_space<semaphore_mem>>) src(%dma_wait3A_208 : memref<128x32xf32, #tpu.memory_space<vmem>>) dst(%dma_wait3A_214 : memref<50016x32xf32, #tpu.memory_space<vmem_shared>>)
        %add3A_215 = arith.constant 2 : i32
        %add3A_216 = arith.addi %add3A_28, %add3A_215 : i32
        %mul3A_217 = arith.constant 3 : i32
        %mul3A_218 = arith.muli %add3A_216, %mul3A_217 : i32
        %add3A_219 = arith.addi %mul3A_11, %mul3A_218 : i32
        "tpu.region"() ({
          %run_scoped3A = tpu.sem_alloc : memref<!tpu.dma_semaphore, #tpu.memory_space<semaphore_mem>>
          %dma_start3A_331 = arith.constant 0 : i32
          %dma_start3A_332 = tpu.memref_slice %arg4[%add3A_219, %dma_start3A_331] : memref<6384x128xi32, #tpu.memory_space<hbm>> -> memref<3x128xi32, #tpu.memory_space<hbm>>
          %dma_start3A_333 = arith.constant 0 : i32
          %dma_start3A_334 = tpu.memref_slice %arg4[%add3A_219, %dma_start3A_333] : memref<6384x128xi32, #tpu.memory_space<hbm>> -> memref<3x128xi32, #tpu.memory_space<hbm>>
          tpu.enqueue_dma source(%dma_start3A_334 : memref<3x128xi32, #tpu.memory_space<hbm>>) target(%arg8 : memref<3x128xi32, #tpu.memory_space<vmem>>) target_semaphore(%run_scoped3A : memref<!tpu.dma_semaphore, #tpu.memory_space<semaphore_mem>>)
          %dma_wait3A_335 = arith.constant 0 : i32
          %dma_wait3A_336 = tpu.memref_slice %arg4[%add3A_219, %dma_wait3A_335] : memref<6384x128xi32, #tpu.memory_space<hbm>> -> memref<3x128xi32, #tpu.memory_space<hbm>>
          %dma_wait3A_337 = arith.constant 0 : i32
          %dma_wait3A_338 = tpu.memref_slice %arg4[%add3A_219, %dma_wait3A_337] : memref<6384x128xi32, #tpu.memory_space<hbm>> -> memref<3x128xi32, #tpu.memory_space<hbm>>
          tpu.wait_dma2 semaphore(%run_scoped3A : memref<!tpu.dma_semaphore, #tpu.memory_space<semaphore_mem>>) src(%dma_wait3A_338 : memref<3x128xi32, #tpu.memory_space<hbm>>) dst(%arg8 : memref<3x128xi32, #tpu.memory_space<vmem>>)
          tpu.yield
        }) : () -> ()
        %mul3A_220 = arith.constant 3 : i32
        %mul3A_221 = arith.muli %add3A_216, %mul3A_220 : i32
        %add3A_222 = arith.addi %mul3A_11, %mul3A_221 : i32
        "tpu.region"() ({
          %run_scoped3A = tpu.sem_alloc : memref<!tpu.dma_semaphore, #tpu.memory_space<semaphore_mem>>
          %dma_start3A_331 = arith.constant 0 : i32
          %dma_start3A_332 = tpu.memref_slice %arg5[%add3A_222, %dma_start3A_331] : memref<6384x128xi32, #tpu.memory_space<hbm>> -> memref<3x128xi32, #tpu.memory_space<hbm>>
          %dma_start3A_333 = arith.constant 0 : i32
          %dma_start3A_334 = tpu.memref_slice %arg5[%add3A_222, %dma_start3A_333] : memref<6384x128xi32, #tpu.memory_space<hbm>> -> memref<3x128xi32, #tpu.memory_space<hbm>>
          tpu.enqueue_dma source(%dma_start3A_334 : memref<3x128xi32, #tpu.memory_space<hbm>>) target(%arg9 : memref<3x128xi32, #tpu.memory_space<vmem>>) target_semaphore(%run_scoped3A : memref<!tpu.dma_semaphore, #tpu.memory_space<semaphore_mem>>)
          %dma_wait3A_335 = arith.constant 0 : i32
          %dma_wait3A_336 = tpu.memref_slice %arg5[%add3A_222, %dma_wait3A_335] : memref<6384x128xi32, #tpu.memory_space<hbm>> -> memref<3x128xi32, #tpu.memory_space<hbm>>
          %dma_wait3A_337 = arith.constant 0 : i32
          %dma_wait3A_338 = tpu.memref_slice %arg5[%add3A_222, %dma_wait3A_337] : memref<6384x128xi32, #tpu.memory_space<hbm>> -> memref<3x128xi32, #tpu.memory_space<hbm>>
          tpu.wait_dma2 semaphore(%run_scoped3A : memref<!tpu.dma_semaphore, #tpu.memory_space<semaphore_mem>>) src(%dma_wait3A_338 : memref<3x128xi32, #tpu.memory_space<hbm>>) dst(%arg9 : memref<3x128xi32, #tpu.memory_space<vmem>>)
          tpu.yield
        }) : () -> ()
        %dma_wait3A_223 = arith.constant 0 : i32
        %dma_wait3A_224 = arith.constant 0 : i32
        %dma_wait3A_225 = arith.constant 0 : i32
        %dma_wait3A_226 = arith.constant 0 : i32
        %dma_wait3A_227 = tpu.memref_slice %arg13[%dma_wait3A_224, %dma_wait3A_225, %dma_wait3A_226] : memref<3x128x32xf32, #tpu.memory_space<vmem>> -> memref<1x128x32xf32, #tpu.memory_space<vmem>>
        %dma_wait3A_228 = tpu.memref_squeeze %dma_wait3A_227 : memref<1x128x32xf32, #tpu.memory_space<vmem>> -> memref<128x32xf32, #tpu.memory_space<vmem>>
        %dma_wait3A_229 = arith.constant 0 : i32
        %dma_wait3A_230 = tpu.memref_slice %arg11[%dma_wait3A_223, %dma_wait3A_229] : memref<3x128xi32, #tpu.memory_space<vmem>> -> memref<1x128xi32, #tpu.memory_space<vmem>>
        %dma_wait3A_231 = tpu.memref_squeeze %dma_wait3A_230 : memref<1x128xi32, #tpu.memory_space<vmem>> -> memref<128xi32, #tpu.memory_space<vmem>>
        %dma_wait3A_232 = arith.constant 0 : i32
        %dma_wait3A_233 = arith.constant 0 : i32
        %dma_wait3A_234 = tpu.memref_slice %arg2[%dma_wait3A_232, %dma_wait3A_233] : memref<50000x32xf32, #tpu.memory_space<hbm>> -> memref<50000x32xf32, #tpu.memory_space<hbm>>
        tpu.wait_indirect_dma semaphore(%arg16 : memref<!tpu.dma_semaphore, #tpu.memory_space<semaphore_mem>>) src(%dma_wait3A_234 : memref<50000x32xf32, #tpu.memory_space<hbm>>) dst(%dma_wait3A_228 : memref<128x32xf32, #tpu.memory_space<vmem>>)
        %dma_wait3A_235 = arith.constant 1 : i32
        %dma_wait3A_236 = arith.constant 1 : i32
        %dma_wait3A_237 = arith.constant 0 : i32
        %dma_wait3A_238 = arith.constant 0 : i32
        %dma_wait3A_239 = tpu.memref_slice %arg13[%dma_wait3A_236, %dma_wait3A_237, %dma_wait3A_238] : memref<3x128x32xf32, #tpu.memory_space<vmem>> -> memref<1x128x32xf32, #tpu.memory_space<vmem>>
        %dma_wait3A_240 = tpu.memref_squeeze %dma_wait3A_239 : memref<1x128x32xf32, #tpu.memory_space<vmem>> -> memref<128x32xf32, #tpu.memory_space<vmem>>
        %dma_wait3A_241 = arith.constant 0 : i32
        %dma_wait3A_242 = tpu.memref_slice %arg11[%dma_wait3A_235, %dma_wait3A_241] : memref<3x128xi32, #tpu.memory_space<vmem>> -> memref<1x128xi32, #tpu.memory_space<vmem>>
        %dma_wait3A_243 = tpu.memref_squeeze %dma_wait3A_242 : memref<1x128xi32, #tpu.memory_space<vmem>> -> memref<128xi32, #tpu.memory_space<vmem>>
        %dma_wait3A_244 = arith.constant 0 : i32
        %dma_wait3A_245 = arith.constant 0 : i32
        %dma_wait3A_246 = tpu.memref_slice %arg2[%dma_wait3A_244, %dma_wait3A_245] : memref<50000x32xf32, #tpu.memory_space<hbm>> -> memref<50000x32xf32, #tpu.memory_space<hbm>>
        tpu.wait_indirect_dma semaphore(%arg16 : memref<!tpu.dma_semaphore, #tpu.memory_space<semaphore_mem>>) src(%dma_wait3A_246 : memref<50000x32xf32, #tpu.memory_space<hbm>>) dst(%dma_wait3A_240 : memref<128x32xf32, #tpu.memory_space<vmem>>)
        %dma_wait3A_247 = arith.constant 2 : i32
        %dma_wait3A_248 = arith.constant 2 : i32
        %dma_wait3A_249 = arith.constant 0 : i32
        %dma_wait3A_250 = arith.constant 0 : i32
        %dma_wait3A_251 = tpu.memref_slice %arg13[%dma_wait3A_248, %dma_wait3A_249, %dma_wait3A_250] : memref<3x128x32xf32, #tpu.memory_space<vmem>> -> memref<1x128x32xf32, #tpu.memory_space<vmem>>
        %dma_wait3A_252 = tpu.memref_squeeze %dma_wait3A_251 : memref<1x128x32xf32, #tpu.memory_space<vmem>> -> memref<128x32xf32, #tpu.memory_space<vmem>>
        %dma_wait3A_253 = arith.constant 0 : i32
        %dma_wait3A_254 = tpu.memref_slice %arg11[%dma_wait3A_247, %dma_wait3A_253] : memref<3x128xi32, #tpu.memory_space<vmem>> -> memref<1x128xi32, #tpu.memory_space<vmem>>
        %dma_wait3A_255 = tpu.memref_squeeze %dma_wait3A_254 : memref<1x128xi32, #tpu.memory_space<vmem>> -> memref<128xi32, #tpu.memory_space<vmem>>
        %dma_wait3A_256 = arith.constant 0 : i32
        %dma_wait3A_257 = arith.constant 0 : i32
        %dma_wait3A_258 = tpu.memref_slice %arg2[%dma_wait3A_256, %dma_wait3A_257] : memref<50000x32xf32, #tpu.memory_space<hbm>> -> memref<50000x32xf32, #tpu.memory_space<hbm>>
        tpu.wait_indirect_dma semaphore(%arg16 : memref<!tpu.dma_semaphore, #tpu.memory_space<semaphore_mem>>) src(%dma_wait3A_258 : memref<50000x32xf32, #tpu.memory_space<hbm>>) dst(%dma_wait3A_252 : memref<128x32xf32, #tpu.memory_space<vmem>>)
        %dma_start3A_259 = arith.constant 0 : i32
        %dma_start3A_260 = arith.constant 0 : i32
        %dma_start3A_261 = arith.constant 0 : i32
        %dma_start3A_262 = arith.constant 0 : i32
        %dma_start3A_263 = tpu.memref_slice %arg13[%dma_start3A_259, %dma_start3A_261, %dma_start3A_262] : memref<3x128x32xf32, #tpu.memory_space<vmem>> -> memref<1x128x32xf32, #tpu.memory_space<vmem>>
        %dma_start3A_264 = tpu.memref_squeeze %dma_start3A_263 : memref<1x128x32xf32, #tpu.memory_space<vmem>> -> memref<128x32xf32, #tpu.memory_space<vmem>>
        %dma_start3A_265 = arith.constant 0 : i32
        %dma_start3A_266 = tpu.memref_slice %arg10[%dma_start3A_260, %dma_start3A_265] : memref<3x128xi32, #tpu.memory_space<vmem>> -> memref<1x128xi32, #tpu.memory_space<vmem>>
        %dma_start3A_267 = tpu.memref_squeeze %dma_start3A_266 : memref<1x128xi32, #tpu.memory_space<vmem>> -> memref<128xi32, #tpu.memory_space<vmem>>
        %dma_start3A_268 = arith.constant 0 : i32
        %dma_start3A_269 = arith.constant 0 : i32
        %dma_start3A_270 = tpu.memref_slice %arg14[%dma_start3A_268, %dma_start3A_269] : memref<50016x32xf32, #tpu.memory_space<vmem_shared>> -> memref<50016x32xf32, #tpu.memory_space<vmem_shared>>
        tpu.enqueue_indirect_dma source(%dma_start3A_264 : memref<128x32xf32, #tpu.memory_space<vmem>>) target(%dma_start3A_270 : memref<50016x32xf32, #tpu.memory_space<vmem_shared>>) offsets(%dma_start3A_267 : memref<128xi32, #tpu.memory_space<vmem>>) semaphore(%arg18 : memref<!tpu.dma_semaphore, #tpu.memory_space<semaphore_mem>>) {add = true}
        %dma_start3A_271 = arith.constant 1 : i32
        %dma_start3A_272 = arith.constant 1 : i32
        %dma_start3A_273 = arith.constant 0 : i32
        %dma_start3A_274 = arith.constant 0 : i32
        %dma_start3A_275 = tpu.memref_slice %arg13[%dma_start3A_271, %dma_start3A_273, %dma_start3A_274] : memref<3x128x32xf32, #tpu.memory_space<vmem>> -> memref<1x128x32xf32, #tpu.memory_space<vmem>>
        %dma_start3A_276 = tpu.memref_squeeze %dma_start3A_275 : memref<1x128x32xf32, #tpu.memory_space<vmem>> -> memref<128x32xf32, #tpu.memory_space<vmem>>
        %dma_start3A_277 = arith.constant 0 : i32
        %dma_start3A_278 = tpu.memref_slice %arg10[%dma_start3A_272, %dma_start3A_277] : memref<3x128xi32, #tpu.memory_space<vmem>> -> memref<1x128xi32, #tpu.memory_space<vmem>>
        %dma_start3A_279 = tpu.memref_squeeze %dma_start3A_278 : memref<1x128xi32, #tpu.memory_space<vmem>> -> memref<128xi32, #tpu.memory_space<vmem>>
        %dma_start3A_280 = arith.constant 0 : i32
        %dma_start3A_281 = arith.constant 0 : i32
        %dma_start3A_282 = tpu.memref_slice %arg14[%dma_start3A_280, %dma_start3A_281] : memref<50016x32xf32, #tpu.memory_space<vmem_shared>> -> memref<50016x32xf32, #tpu.memory_space<vmem_shared>>
        tpu.enqueue_indirect_dma source(%dma_start3A_276 : memref<128x32xf32, #tpu.memory_space<vmem>>) target(%dma_start3A_282 : memref<50016x32xf32, #tpu.memory_space<vmem_shared>>) offsets(%dma_start3A_279 : memref<128xi32, #tpu.memory_space<vmem>>) semaphore(%arg18 : memref<!tpu.dma_semaphore, #tpu.memory_space<semaphore_mem>>) {add = true}
        %dma_start3A_283 = arith.constant 2 : i32
        %dma_start3A_284 = arith.constant 2 : i32
        %dma_start3A_285 = arith.constant 0 : i32
        %dma_start3A_286 = arith.constant 0 : i32
        %dma_start3A_287 = tpu.memref_slice %arg13[%dma_start3A_283, %dma_start3A_285, %dma_start3A_286] : memref<3x128x32xf32, #tpu.memory_space<vmem>> -> memref<1x128x32xf32, #tpu.memory_space<vmem>>
        %dma_start3A_288 = tpu.memref_squeeze %dma_start3A_287 : memref<1x128x32xf32, #tpu.memory_space<vmem>> -> memref<128x32xf32, #tpu.memory_space<vmem>>
        %dma_start3A_289 = arith.constant 0 : i32
        %dma_start3A_290 = tpu.memref_slice %arg10[%dma_start3A_284, %dma_start3A_289] : memref<3x128xi32, #tpu.memory_space<vmem>> -> memref<1x128xi32, #tpu.memory_space<vmem>>
        %dma_start3A_291 = tpu.memref_squeeze %dma_start3A_290 : memref<1x128xi32, #tpu.memory_space<vmem>> -> memref<128xi32, #tpu.memory_space<vmem>>
        %dma_start3A_292 = arith.constant 0 : i32
        %dma_start3A_293 = arith.constant 0 : i32
        %dma_start3A_294 = tpu.memref_slice %arg14[%dma_start3A_292, %dma_start3A_293] : memref<50016x32xf32, #tpu.memory_space<vmem_shared>> -> memref<50016x32xf32, #tpu.memory_space<vmem_shared>>
        tpu.enqueue_indirect_dma source(%dma_start3A_288 : memref<128x32xf32, #tpu.memory_space<vmem>>) target(%dma_start3A_294 : memref<50016x32xf32, #tpu.memory_space<vmem_shared>>) offsets(%dma_start3A_291 : memref<128xi32, #tpu.memory_space<vmem>>) semaphore(%arg18 : memref<!tpu.dma_semaphore, #tpu.memory_space<semaphore_mem>>) {add = true}
        %dma_wait3A_295 = arith.constant 0 : i32
        %dma_wait3A_296 = arith.constant 0 : i32
        %dma_wait3A_297 = arith.constant 0 : i32
        %dma_wait3A_298 = arith.constant 0 : i32
        %dma_wait3A_299 = tpu.memref_slice %arg13[%dma_wait3A_295, %dma_wait3A_297, %dma_wait3A_298] : memref<3x128x32xf32, #tpu.memory_space<vmem>> -> memref<1x128x32xf32, #tpu.memory_space<vmem>>
        %dma_wait3A_300 = tpu.memref_squeeze %dma_wait3A_299 : memref<1x128x32xf32, #tpu.memory_space<vmem>> -> memref<128x32xf32, #tpu.memory_space<vmem>>
        %dma_wait3A_301 = arith.constant 0 : i32
        %dma_wait3A_302 = tpu.memref_slice %arg10[%dma_wait3A_296, %dma_wait3A_301] : memref<3x128xi32, #tpu.memory_space<vmem>> -> memref<1x128xi32, #tpu.memory_space<vmem>>
        %dma_wait3A_303 = tpu.memref_squeeze %dma_wait3A_302 : memref<1x128xi32, #tpu.memory_space<vmem>> -> memref<128xi32, #tpu.memory_space<vmem>>
        %dma_wait3A_304 = arith.constant 0 : i32
        %dma_wait3A_305 = arith.constant 0 : i32
        %dma_wait3A_306 = tpu.memref_slice %arg14[%dma_wait3A_304, %dma_wait3A_305] : memref<50016x32xf32, #tpu.memory_space<vmem_shared>> -> memref<50016x32xf32, #tpu.memory_space<vmem_shared>>
        tpu.wait_indirect_dma semaphore(%arg18 : memref<!tpu.dma_semaphore, #tpu.memory_space<semaphore_mem>>) src(%dma_wait3A_300 : memref<128x32xf32, #tpu.memory_space<vmem>>) dst(%dma_wait3A_306 : memref<50016x32xf32, #tpu.memory_space<vmem_shared>>)
        %dma_wait3A_307 = arith.constant 1 : i32
        %dma_wait3A_308 = arith.constant 1 : i32
        %dma_wait3A_309 = arith.constant 0 : i32
        %dma_wait3A_310 = arith.constant 0 : i32
        %dma_wait3A_311 = tpu.memref_slice %arg13[%dma_wait3A_307, %dma_wait3A_309, %dma_wait3A_310] : memref<3x128x32xf32, #tpu.memory_space<vmem>> -> memref<1x128x32xf32, #tpu.memory_space<vmem>>
        %dma_wait3A_312 = tpu.memref_squeeze %dma_wait3A_311 : memref<1x128x32xf32, #tpu.memory_space<vmem>> -> memref<128x32xf32, #tpu.memory_space<vmem>>
        %dma_wait3A_313 = arith.constant 0 : i32
        %dma_wait3A_314 = tpu.memref_slice %arg10[%dma_wait3A_308, %dma_wait3A_313] : memref<3x128xi32, #tpu.memory_space<vmem>> -> memref<1x128xi32, #tpu.memory_space<vmem>>
        %dma_wait3A_315 = tpu.memref_squeeze %dma_wait3A_314 : memref<1x128xi32, #tpu.memory_space<vmem>> -> memref<128xi32, #tpu.memory_space<vmem>>
        %dma_wait3A_316 = arith.constant 0 : i32
        %dma_wait3A_317 = arith.constant 0 : i32
        %dma_wait3A_318 = tpu.memref_slice %arg14[%dma_wait3A_316, %dma_wait3A_317] : memref<50016x32xf32, #tpu.memory_space<vmem_shared>> -> memref<50016x32xf32, #tpu.memory_space<vmem_shared>>
        tpu.wait_indirect_dma semaphore(%arg18 : memref<!tpu.dma_semaphore, #tpu.memory_space<semaphore_mem>>) src(%dma_wait3A_312 : memref<128x32xf32, #tpu.memory_space<vmem>>) dst(%dma_wait3A_318 : memref<50016x32xf32, #tpu.memory_space<vmem_shared>>)
        %dma_wait3A_319 = arith.constant 2 : i32
        %dma_wait3A_320 = arith.constant 2 : i32
        %dma_wait3A_321 = arith.constant 0 : i32
        %dma_wait3A_322 = arith.constant 0 : i32
        %dma_wait3A_323 = tpu.memref_slice %arg13[%dma_wait3A_319, %dma_wait3A_321, %dma_wait3A_322] : memref<3x128x32xf32, #tpu.memory_space<vmem>> -> memref<1x128x32xf32, #tpu.memory_space<vmem>>
        %dma_wait3A_324 = tpu.memref_squeeze %dma_wait3A_323 : memref<1x128x32xf32, #tpu.memory_space<vmem>> -> memref<128x32xf32, #tpu.memory_space<vmem>>
        %dma_wait3A_325 = arith.constant 0 : i32
        %dma_wait3A_326 = tpu.memref_slice %arg10[%dma_wait3A_320, %dma_wait3A_325] : memref<3x128xi32, #tpu.memory_space<vmem>> -> memref<1x128xi32, #tpu.memory_space<vmem>>
        %dma_wait3A_327 = tpu.memref_squeeze %dma_wait3A_326 : memref<1x128xi32, #tpu.memory_space<vmem>> -> memref<128xi32, #tpu.memory_space<vmem>>
        %dma_wait3A_328 = arith.constant 0 : i32
        %dma_wait3A_329 = arith.constant 0 : i32
        %dma_wait3A_330 = tpu.memref_slice %arg14[%dma_wait3A_328, %dma_wait3A_329] : memref<50016x32xf32, #tpu.memory_space<vmem_shared>> -> memref<50016x32xf32, #tpu.memory_space<vmem_shared>>
        tpu.wait_indirect_dma semaphore(%arg18 : memref<!tpu.dma_semaphore, #tpu.memory_space<semaphore_mem>>) src(%dma_wait3A_324 : memref<128x32xf32, #tpu.memory_space<vmem>>) dst(%dma_wait3A_330 : memref<50016x32xf32, #tpu.memory_space<vmem_shared>>)
      }
      %scan3A_18 = arith.constant 66 : i32
      %barrier3A_19 = arith.constant 0 : index
      tpu.barrier barrier_id(%barrier3A_19)
      %mul3A_20 = arith.constant 3125 : i32
      %mul3A_21 = arith.muli %arg1, %mul3A_20 : i32
      %mul3A_22 = arith.constant 3125 : i32
      %mul3A_23 = arith.muli %arg1, %mul3A_22 : i32
      "tpu.region"() ({
        %run_scoped3A = tpu.sem_alloc : memref<!tpu.dma_semaphore, #tpu.memory_space<semaphore_mem>>
        %dma_start3A = arith.constant 0 : i32
        %dma_start3A_24 = tpu.memref_slice %arg6[%mul3A_23, %dma_start3A] : memref<50000x32xf32, #tpu.memory_space<hbm>> -> memref<3125x32xf32, #tpu.memory_space<hbm>>
        %dma_start3A_25 = arith.constant 0 : i32
        %dma_start3A_26 = tpu.memref_slice %arg14[%mul3A_21, %dma_start3A_25] : memref<50016x32xf32, #tpu.memory_space<vmem_shared>> -> memref<3125x32xf32, #tpu.memory_space<vmem_shared>>
        tpu.enqueue_dma source(%dma_start3A_26 : memref<3125x32xf32, #tpu.memory_space<vmem_shared>>) target(%dma_start3A_24 : memref<3125x32xf32, #tpu.memory_space<hbm>>) target_semaphore(%run_scoped3A : memref<!tpu.dma_semaphore, #tpu.memory_space<semaphore_mem>>)
        %dma_wait3A = arith.constant 0 : i32
        %dma_wait3A_27 = tpu.memref_slice %arg6[%mul3A_23, %dma_wait3A] : memref<50000x32xf32, #tpu.memory_space<hbm>> -> memref<3125x32xf32, #tpu.memory_space<hbm>>
        %dma_wait3A_28 = arith.constant 0 : i32
        %dma_wait3A_29 = tpu.memref_slice %arg14[%mul3A_21, %dma_wait3A_28] : memref<50016x32xf32, #tpu.memory_space<vmem_shared>> -> memref<3125x32xf32, #tpu.memory_space<vmem_shared>>
        tpu.wait_dma2 semaphore(%run_scoped3A : memref<!tpu.dma_semaphore, #tpu.memory_space<semaphore_mem>>) src(%dma_wait3A_29 : memref<3125x32xf32, #tpu.memory_space<vmem_shared>>) dst(%dma_wait3A_27 : memref<3125x32xf32, #tpu.memory_space<hbm>>)
        tpu.yield
      }) : () -> ()
    } else {
    }
    %eq3A_2 = arith.constant 1 : i32
    %eq3A_3 = arith.cmpi eq, %arg0, %eq3A_2 : i32
    %convert_element_type3A_4 = arith.extui %eq3A_3 : i1 to i32
    %cond3A_5 = arith.constant 0 : i32
    %cond3A_6 = arith.cmpi ne, %convert_element_type3A_4, %cond3A_5 : i32
    scf.if %cond3A_6 {
      %mul3A = arith.constant 3125 : i32
      %mul3A_7 = arith.muli %arg1, %mul3A : i32
      %mul3A_8 = arith.constant 3125 : i32
      %mul3A_9 = arith.muli %arg1, %mul3A_8 : i32
      "tpu.region"() ({
        %run_scoped3A = tpu.sem_alloc : memref<!tpu.dma_semaphore, #tpu.memory_space<semaphore_mem>>
        %dma_start3A = arith.constant 0 : i32
        %dma_start3A_24 = tpu.memref_slice %arg14[%mul3A_9, %dma_start3A] : memref<50016x32xf32, #tpu.memory_space<vmem_shared>> -> memref<3125x32xf32, #tpu.memory_space<vmem_shared>>
        %dma_start3A_25 = arith.constant 0 : i32
        %dma_start3A_26 = tpu.memref_slice %arg3[%mul3A_7, %dma_start3A_25] : memref<50000x32xf32, #tpu.memory_space<hbm>> -> memref<3125x32xf32, #tpu.memory_space<hbm>>
        tpu.enqueue_dma source(%dma_start3A_26 : memref<3125x32xf32, #tpu.memory_space<hbm>>) target(%dma_start3A_24 : memref<3125x32xf32, #tpu.memory_space<vmem_shared>>) target_semaphore(%run_scoped3A : memref<!tpu.dma_semaphore, #tpu.memory_space<semaphore_mem>>)
        %dma_wait3A = arith.constant 0 : i32
        %dma_wait3A_27 = tpu.memref_slice %arg14[%mul3A_9, %dma_wait3A] : memref<50016x32xf32, #tpu.memory_space<vmem_shared>> -> memref<3125x32xf32, #tpu.memory_space<vmem_shared>>
        %dma_wait3A_28 = arith.constant 0 : i32
        %dma_wait3A_29 = tpu.memref_slice %arg3[%mul3A_7, %dma_wait3A_28] : memref<50000x32xf32, #tpu.memory_space<hbm>> -> memref<3125x32xf32, #tpu.memory_space<hbm>>
        tpu.wait_dma2 semaphore(%run_scoped3A : memref<!tpu.dma_semaphore, #tpu.memory_space<semaphore_mem>>) src(%dma_wait3A_29 : memref<3125x32xf32, #tpu.memory_space<hbm>>) dst(%dma_wait3A_27 : memref<3125x32xf32, #tpu.memory_space<vmem_shared>>)
        tpu.yield
      }) : () -> ()
      %barrier3A = arith.constant 0 : index
      tpu.barrier barrier_id(%barrier3A)
      %mul3A_10 = arith.constant 399 : i32
      %mul3A_11 = arith.muli %arg1, %mul3A_10 : i32
      %add3A = arith.constant 0 : i32
      %add3A_12 = arith.addi %mul3A_11, %add3A : i32
      "tpu.region"() ({
        %run_scoped3A = tpu.sem_alloc : memref<!tpu.dma_semaphore, #tpu.memory_space<semaphore_mem>>
        %dma_start3A = arith.constant 0 : i32
        %dma_start3A_24 = tpu.memref_slice %arg4[%add3A_12, %dma_start3A] : memref<6384x128xi32, #tpu.memory_space<hbm>> -> memref<3x128xi32, #tpu.memory_space<hbm>>
        %dma_start3A_25 = arith.constant 0 : i32
        %dma_start3A_26 = tpu.memref_slice %arg4[%add3A_12, %dma_start3A_25] : memref<6384x128xi32, #tpu.memory_space<hbm>> -> memref<3x128xi32, #tpu.memory_space<hbm>>
        tpu.enqueue_dma source(%dma_start3A_26 : memref<3x128xi32, #tpu.memory_space<hbm>>) target(%arg8 : memref<3x128xi32, #tpu.memory_space<vmem>>) target_semaphore(%run_scoped3A : memref<!tpu.dma_semaphore, #tpu.memory_space<semaphore_mem>>)
        %dma_wait3A = arith.constant 0 : i32
        %dma_wait3A_27 = tpu.memref_slice %arg4[%add3A_12, %dma_wait3A] : memref<6384x128xi32, #tpu.memory_space<hbm>> -> memref<3x128xi32, #tpu.memory_space<hbm>>
        %dma_wait3A_28 = arith.constant 0 : i32
        %dma_wait3A_29 = tpu.memref_slice %arg4[%add3A_12, %dma_wait3A_28] : memref<6384x128xi32, #tpu.memory_space<hbm>> -> memref<3x128xi32, #tpu.memory_space<hbm>>
        tpu.wait_dma2 semaphore(%run_scoped3A : memref<!tpu.dma_semaphore, #tpu.memory_space<semaphore_mem>>) src(%dma_wait3A_29 : memref<3x128xi32, #tpu.memory_space<hbm>>) dst(%arg8 : memref<3x128xi32, #tpu.memory_space<vmem>>)
        tpu.yield
      }) : () -> ()
      %add3A_13 = arith.constant 0 : i32
      %add3A_14 = arith.addi %mul3A_11, %add3A_13 : i32
      "tpu.region"() ({
        %run_scoped3A = tpu.sem_alloc : memref<!tpu.dma_semaphore, #tpu.memory_space<semaphore_mem>>
        %dma_start3A = arith.constant 0 : i32
        %dma_start3A_24 = tpu.memref_slice %arg5[%add3A_14, %dma_start3A] : memref<6384x128xi32, #tpu.memory_space<hbm>> -> memref<3x128xi32, #tpu.memory_space<hbm>>
        %dma_start3A_25 = arith.constant 0 : i32
        %dma_start3A_26 = tpu.memref_slice %arg5[%add3A_14, %dma_start3A_25] : memref<6384x128xi32, #tpu.memory_space<hbm>> -> memref<3x128xi32, #tpu.memory_space<hbm>>
        tpu.enqueue_dma source(%dma_start3A_26 : memref<3x128xi32, #tpu.memory_space<hbm>>) target(%arg9 : memref<3x128xi32, #tpu.memory_space<vmem>>) target_semaphore(%run_scoped3A : memref<!tpu.dma_semaphore, #tpu.memory_space<semaphore_mem>>)
        %dma_wait3A = arith.constant 0 : i32
        %dma_wait3A_27 = tpu.memref_slice %arg5[%add3A_14, %dma_wait3A] : memref<6384x128xi32, #tpu.memory_space<hbm>> -> memref<3x128xi32, #tpu.memory_space<hbm>>
        %dma_wait3A_28 = arith.constant 0 : i32
        %dma_wait3A_29 = tpu.memref_slice %arg5[%add3A_14, %dma_wait3A_28] : memref<6384x128xi32, #tpu.memory_space<hbm>> -> memref<3x128xi32, #tpu.memory_space<hbm>>
        tpu.wait_dma2 semaphore(%run_scoped3A : memref<!tpu.dma_semaphore, #tpu.memory_space<semaphore_mem>>) src(%dma_wait3A_29 : memref<3x128xi32, #tpu.memory_space<hbm>>) dst(%arg9 : memref<3x128xi32, #tpu.memory_space<vmem>>)
        tpu.yield
      }) : () -> ()
      %scan3A = arith.constant 0 : i32
      %scan3A_15 = arith.constant 66 : i32
      %scan3A_16 = arith.addi %scan3A, %scan3A_15 : i32
      %scan3A_17 = arith.constant 1 : i32
      scf.for %scan3A_24 = %scan3A to %scan3A_16 step %scan3A_17  : i32 {
        %mul3A_25 = arith.constant 2 : i32
        %mul3A_26 = arith.muli %scan3A_24, %mul3A_25 : i32
        %add3A_27 = arith.constant 0 : i32
        %add3A_28 = arith.addi %add3A_27, %mul3A_26 : i32
        %dma_start3A = arith.constant 0 : i32
        %dma_start3A_29 = arith.constant 0 : i32
        %dma_start3A_30 = arith.constant 0 : i32
        %dma_start3A_31 = arith.constant 0 : i32
        %dma_start3A_32 = tpu.memref_slice %arg12[%dma_start3A_29, %dma_start3A_30, %dma_start3A_31] : memref<3x128x32xf32, #tpu.memory_space<vmem>> -> memref<1x128x32xf32, #tpu.memory_space<vmem>>
        %dma_start3A_33 = tpu.memref_squeeze %dma_start3A_32 : memref<1x128x32xf32, #tpu.memory_space<vmem>> -> memref<128x32xf32, #tpu.memory_space<vmem>>
        %dma_start3A_34 = arith.constant 0 : i32
        %dma_start3A_35 = tpu.memref_slice %arg9[%dma_start3A, %dma_start3A_34] : memref<3x128xi32, #tpu.memory_space<vmem>> -> memref<1x128xi32, #tpu.memory_space<vmem>>
        %dma_start3A_36 = tpu.memref_squeeze %dma_start3A_35 : memref<1x128xi32, #tpu.memory_space<vmem>> -> memref<128xi32, #tpu.memory_space<vmem>>
        %dma_start3A_37 = arith.constant 0 : i32
        %dma_start3A_38 = arith.constant 0 : i32
        %dma_start3A_39 = tpu.memref_slice %arg3[%dma_start3A_37, %dma_start3A_38] : memref<50000x32xf32, #tpu.memory_space<hbm>> -> memref<50000x32xf32, #tpu.memory_space<hbm>>
        tpu.enqueue_indirect_dma source(%dma_start3A_39 : memref<50000x32xf32, #tpu.memory_space<hbm>>) target(%dma_start3A_33 : memref<128x32xf32, #tpu.memory_space<vmem>>) offsets(%dma_start3A_36 : memref<128xi32, #tpu.memory_space<vmem>>) semaphore(%arg15 : memref<!tpu.dma_semaphore, #tpu.memory_space<semaphore_mem>>)
        %dma_start3A_40 = arith.constant 1 : i32
        %dma_start3A_41 = arith.constant 1 : i32
        %dma_start3A_42 = arith.constant 0 : i32
        %dma_start3A_43 = arith.constant 0 : i32
        %dma_start3A_44 = tpu.memref_slice %arg12[%dma_start3A_41, %dma_start3A_42, %dma_start3A_43] : memref<3x128x32xf32, #tpu.memory_space<vmem>> -> memref<1x128x32xf32, #tpu.memory_space<vmem>>
        %dma_start3A_45 = tpu.memref_squeeze %dma_start3A_44 : memref<1x128x32xf32, #tpu.memory_space<vmem>> -> memref<128x32xf32, #tpu.memory_space<vmem>>
        %dma_start3A_46 = arith.constant 0 : i32
        %dma_start3A_47 = tpu.memref_slice %arg9[%dma_start3A_40, %dma_start3A_46] : memref<3x128xi32, #tpu.memory_space<vmem>> -> memref<1x128xi32, #tpu.memory_space<vmem>>
        %dma_start3A_48 = tpu.memref_squeeze %dma_start3A_47 : memref<1x128xi32, #tpu.memory_space<vmem>> -> memref<128xi32, #tpu.memory_space<vmem>>
        %dma_start3A_49 = arith.constant 0 : i32
        %dma_start3A_50 = arith.constant 0 : i32
        %dma_start3A_51 = tpu.memref_slice %arg3[%dma_start3A_49, %dma_start3A_50] : memref<50000x32xf32, #tpu.memory_space<hbm>> -> memref<50000x32xf32, #tpu.memory_space<hbm>>
        tpu.enqueue_indirect_dma source(%dma_start3A_51 : memref<50000x32xf32, #tpu.memory_space<hbm>>) target(%dma_start3A_45 : memref<128x32xf32, #tpu.memory_space<vmem>>) offsets(%dma_start3A_48 : memref<128xi32, #tpu.memory_space<vmem>>) semaphore(%arg15 : memref<!tpu.dma_semaphore, #tpu.memory_space<semaphore_mem>>)
        %dma_start3A_52 = arith.constant 2 : i32
        %dma_start3A_53 = arith.constant 2 : i32
        %dma_start3A_54 = arith.constant 0 : i32
        %dma_start3A_55 = arith.constant 0 : i32
        %dma_start3A_56 = tpu.memref_slice %arg12[%dma_start3A_53, %dma_start3A_54, %dma_start3A_55] : memref<3x128x32xf32, #tpu.memory_space<vmem>> -> memref<1x128x32xf32, #tpu.memory_space<vmem>>
        %dma_start3A_57 = tpu.memref_squeeze %dma_start3A_56 : memref<1x128x32xf32, #tpu.memory_space<vmem>> -> memref<128x32xf32, #tpu.memory_space<vmem>>
        %dma_start3A_58 = arith.constant 0 : i32
        %dma_start3A_59 = tpu.memref_slice %arg9[%dma_start3A_52, %dma_start3A_58] : memref<3x128xi32, #tpu.memory_space<vmem>> -> memref<1x128xi32, #tpu.memory_space<vmem>>
        %dma_start3A_60 = tpu.memref_squeeze %dma_start3A_59 : memref<1x128xi32, #tpu.memory_space<vmem>> -> memref<128xi32, #tpu.memory_space<vmem>>
        %dma_start3A_61 = arith.constant 0 : i32
        %dma_start3A_62 = arith.constant 0 : i32
        %dma_start3A_63 = tpu.memref_slice %arg3[%dma_start3A_61, %dma_start3A_62] : memref<50000x32xf32, #tpu.memory_space<hbm>> -> memref<50000x32xf32, #tpu.memory_space<hbm>>
        tpu.enqueue_indirect_dma source(%dma_start3A_63 : memref<50000x32xf32, #tpu.memory_space<hbm>>) target(%dma_start3A_57 : memref<128x32xf32, #tpu.memory_space<vmem>>) offsets(%dma_start3A_60 : memref<128xi32, #tpu.memory_space<vmem>>) semaphore(%arg15 : memref<!tpu.dma_semaphore, #tpu.memory_space<semaphore_mem>>)
        %add3A_64 = arith.constant 1 : i32
        %add3A_65 = arith.addi %add3A_28, %add3A_64 : i32
        %mul3A_66 = arith.constant 3 : i32
        %mul3A_67 = arith.muli %add3A_65, %mul3A_66 : i32
        %add3A_68 = arith.addi %mul3A_11, %mul3A_67 : i32
        "tpu.region"() ({
          %run_scoped3A = tpu.sem_alloc : memref<!tpu.dma_semaphore, #tpu.memory_space<semaphore_mem>>
          %dma_start3A_331 = arith.constant 0 : i32
          %dma_start3A_332 = tpu.memref_slice %arg4[%add3A_68, %dma_start3A_331] : memref<6384x128xi32, #tpu.memory_space<hbm>> -> memref<3x128xi32, #tpu.memory_space<hbm>>
          %dma_start3A_333 = arith.constant 0 : i32
          %dma_start3A_334 = tpu.memref_slice %arg4[%add3A_68, %dma_start3A_333] : memref<6384x128xi32, #tpu.memory_space<hbm>> -> memref<3x128xi32, #tpu.memory_space<hbm>>
          tpu.enqueue_dma source(%dma_start3A_334 : memref<3x128xi32, #tpu.memory_space<hbm>>) target(%arg10 : memref<3x128xi32, #tpu.memory_space<vmem>>) target_semaphore(%run_scoped3A : memref<!tpu.dma_semaphore, #tpu.memory_space<semaphore_mem>>)
          %dma_wait3A_335 = arith.constant 0 : i32
          %dma_wait3A_336 = tpu.memref_slice %arg4[%add3A_68, %dma_wait3A_335] : memref<6384x128xi32, #tpu.memory_space<hbm>> -> memref<3x128xi32, #tpu.memory_space<hbm>>
          %dma_wait3A_337 = arith.constant 0 : i32
          %dma_wait3A_338 = tpu.memref_slice %arg4[%add3A_68, %dma_wait3A_337] : memref<6384x128xi32, #tpu.memory_space<hbm>> -> memref<3x128xi32, #tpu.memory_space<hbm>>
          tpu.wait_dma2 semaphore(%run_scoped3A : memref<!tpu.dma_semaphore, #tpu.memory_space<semaphore_mem>>) src(%dma_wait3A_338 : memref<3x128xi32, #tpu.memory_space<hbm>>) dst(%arg10 : memref<3x128xi32, #tpu.memory_space<vmem>>)
          tpu.yield
        }) : () -> ()
        %mul3A_69 = arith.constant 3 : i32
        %mul3A_70 = arith.muli %add3A_65, %mul3A_69 : i32
        %add3A_71 = arith.addi %mul3A_11, %mul3A_70 : i32
        "tpu.region"() ({
          %run_scoped3A = tpu.sem_alloc : memref<!tpu.dma_semaphore, #tpu.memory_space<semaphore_mem>>
          %dma_start3A_331 = arith.constant 0 : i32
          %dma_start3A_332 = tpu.memref_slice %arg5[%add3A_71, %dma_start3A_331] : memref<6384x128xi32, #tpu.memory_space<hbm>> -> memref<3x128xi32, #tpu.memory_space<hbm>>
          %dma_start3A_333 = arith.constant 0 : i32
          %dma_start3A_334 = tpu.memref_slice %arg5[%add3A_71, %dma_start3A_333] : memref<6384x128xi32, #tpu.memory_space<hbm>> -> memref<3x128xi32, #tpu.memory_space<hbm>>
          tpu.enqueue_dma source(%dma_start3A_334 : memref<3x128xi32, #tpu.memory_space<hbm>>) target(%arg11 : memref<3x128xi32, #tpu.memory_space<vmem>>) target_semaphore(%run_scoped3A : memref<!tpu.dma_semaphore, #tpu.memory_space<semaphore_mem>>)
          %dma_wait3A_335 = arith.constant 0 : i32
          %dma_wait3A_336 = tpu.memref_slice %arg5[%add3A_71, %dma_wait3A_335] : memref<6384x128xi32, #tpu.memory_space<hbm>> -> memref<3x128xi32, #tpu.memory_space<hbm>>
          %dma_wait3A_337 = arith.constant 0 : i32
          %dma_wait3A_338 = tpu.memref_slice %arg5[%add3A_71, %dma_wait3A_337] : memref<6384x128xi32, #tpu.memory_space<hbm>> -> memref<3x128xi32, #tpu.memory_space<hbm>>
          tpu.wait_dma2 semaphore(%run_scoped3A : memref<!tpu.dma_semaphore, #tpu.memory_space<semaphore_mem>>) src(%dma_wait3A_338 : memref<3x128xi32, #tpu.memory_space<hbm>>) dst(%arg11 : memref<3x128xi32, #tpu.memory_space<vmem>>)
          tpu.yield
        }) : () -> ()
        %dma_start3A_72 = arith.constant 0 : i32
        %dma_start3A_73 = arith.constant 0 : i32
        %dma_start3A_74 = arith.constant 0 : i32
        %dma_start3A_75 = arith.constant 0 : i32
        %dma_start3A_76 = tpu.memref_slice %arg13[%dma_start3A_73, %dma_start3A_74, %dma_start3A_75] : memref<3x128x32xf32, #tpu.memory_space<vmem>> -> memref<1x128x32xf32, #tpu.memory_space<vmem>>
        %dma_start3A_77 = tpu.memref_squeeze %dma_start3A_76 : memref<1x128x32xf32, #tpu.memory_space<vmem>> -> memref<128x32xf32, #tpu.memory_space<vmem>>
        %dma_start3A_78 = arith.constant 0 : i32
        %dma_start3A_79 = tpu.memref_slice %arg11[%dma_start3A_72, %dma_start3A_78] : memref<3x128xi32, #tpu.memory_space<vmem>> -> memref<1x128xi32, #tpu.memory_space<vmem>>
        %dma_start3A_80 = tpu.memref_squeeze %dma_start3A_79 : memref<1x128xi32, #tpu.memory_space<vmem>> -> memref<128xi32, #tpu.memory_space<vmem>>
        %dma_start3A_81 = arith.constant 0 : i32
        %dma_start3A_82 = arith.constant 0 : i32
        %dma_start3A_83 = tpu.memref_slice %arg3[%dma_start3A_81, %dma_start3A_82] : memref<50000x32xf32, #tpu.memory_space<hbm>> -> memref<50000x32xf32, #tpu.memory_space<hbm>>
        tpu.enqueue_indirect_dma source(%dma_start3A_83 : memref<50000x32xf32, #tpu.memory_space<hbm>>) target(%dma_start3A_77 : memref<128x32xf32, #tpu.memory_space<vmem>>) offsets(%dma_start3A_80 : memref<128xi32, #tpu.memory_space<vmem>>) semaphore(%arg16 : memref<!tpu.dma_semaphore, #tpu.memory_space<semaphore_mem>>)
        %dma_start3A_84 = arith.constant 1 : i32
        %dma_start3A_85 = arith.constant 1 : i32
        %dma_start3A_86 = arith.constant 0 : i32
        %dma_start3A_87 = arith.constant 0 : i32
        %dma_start3A_88 = tpu.memref_slice %arg13[%dma_start3A_85, %dma_start3A_86, %dma_start3A_87] : memref<3x128x32xf32, #tpu.memory_space<vmem>> -> memref<1x128x32xf32, #tpu.memory_space<vmem>>
        %dma_start3A_89 = tpu.memref_squeeze %dma_start3A_88 : memref<1x128x32xf32, #tpu.memory_space<vmem>> -> memref<128x32xf32, #tpu.memory_space<vmem>>
        %dma_start3A_90 = arith.constant 0 : i32
        %dma_start3A_91 = tpu.memref_slice %arg11[%dma_start3A_84, %dma_start3A_90] : memref<3x128xi32, #tpu.memory_space<vmem>> -> memref<1x128xi32, #tpu.memory_space<vmem>>
        %dma_start3A_92 = tpu.memref_squeeze %dma_start3A_91 : memref<1x128xi32, #tpu.memory_space<vmem>> -> memref<128xi32, #tpu.memory_space<vmem>>
        %dma_start3A_93 = arith.constant 0 : i32
        %dma_start3A_94 = arith.constant 0 : i32
        %dma_start3A_95 = tpu.memref_slice %arg3[%dma_start3A_93, %dma_start3A_94] : memref<50000x32xf32, #tpu.memory_space<hbm>> -> memref<50000x32xf32, #tpu.memory_space<hbm>>
        tpu.enqueue_indirect_dma source(%dma_start3A_95 : memref<50000x32xf32, #tpu.memory_space<hbm>>) target(%dma_start3A_89 : memref<128x32xf32, #tpu.memory_space<vmem>>) offsets(%dma_start3A_92 : memref<128xi32, #tpu.memory_space<vmem>>) semaphore(%arg16 : memref<!tpu.dma_semaphore, #tpu.memory_space<semaphore_mem>>)
        %dma_start3A_96 = arith.constant 2 : i32
        %dma_start3A_97 = arith.constant 2 : i32
        %dma_start3A_98 = arith.constant 0 : i32
        %dma_start3A_99 = arith.constant 0 : i32
        %dma_start3A_100 = tpu.memref_slice %arg13[%dma_start3A_97, %dma_start3A_98, %dma_start3A_99] : memref<3x128x32xf32, #tpu.memory_space<vmem>> -> memref<1x128x32xf32, #tpu.memory_space<vmem>>
        %dma_start3A_101 = tpu.memref_squeeze %dma_start3A_100 : memref<1x128x32xf32, #tpu.memory_space<vmem>> -> memref<128x32xf32, #tpu.memory_space<vmem>>
        %dma_start3A_102 = arith.constant 0 : i32
        %dma_start3A_103 = tpu.memref_slice %arg11[%dma_start3A_96, %dma_start3A_102] : memref<3x128xi32, #tpu.memory_space<vmem>> -> memref<1x128xi32, #tpu.memory_space<vmem>>
        %dma_start3A_104 = tpu.memref_squeeze %dma_start3A_103 : memref<1x128xi32, #tpu.memory_space<vmem>> -> memref<128xi32, #tpu.memory_space<vmem>>
        %dma_start3A_105 = arith.constant 0 : i32
        %dma_start3A_106 = arith.constant 0 : i32
        %dma_start3A_107 = tpu.memref_slice %arg3[%dma_start3A_105, %dma_start3A_106] : memref<50000x32xf32, #tpu.memory_space<hbm>> -> memref<50000x32xf32, #tpu.memory_space<hbm>>
        tpu.enqueue_indirect_dma source(%dma_start3A_107 : memref<50000x32xf32, #tpu.memory_space<hbm>>) target(%dma_start3A_101 : memref<128x32xf32, #tpu.memory_space<vmem>>) offsets(%dma_start3A_104 : memref<128xi32, #tpu.memory_space<vmem>>) semaphore(%arg16 : memref<!tpu.dma_semaphore, #tpu.memory_space<semaphore_mem>>)
        %dma_wait3A = arith.constant 0 : i32
        %dma_wait3A_108 = arith.constant 0 : i32
        %dma_wait3A_109 = arith.constant 0 : i32
        %dma_wait3A_110 = arith.constant 0 : i32
        %dma_wait3A_111 = tpu.memref_slice %arg12[%dma_wait3A_108, %dma_wait3A_109, %dma_wait3A_110] : memref<3x128x32xf32, #tpu.memory_space<vmem>> -> memref<1x128x32xf32, #tpu.memory_space<vmem>>
        %dma_wait3A_112 = tpu.memref_squeeze %dma_wait3A_111 : memref<1x128x32xf32, #tpu.memory_space<vmem>> -> memref<128x32xf32, #tpu.memory_space<vmem>>
        %dma_wait3A_113 = arith.constant 0 : i32
        %dma_wait3A_114 = tpu.memref_slice %arg9[%dma_wait3A, %dma_wait3A_113] : memref<3x128xi32, #tpu.memory_space<vmem>> -> memref<1x128xi32, #tpu.memory_space<vmem>>
        %dma_wait3A_115 = tpu.memref_squeeze %dma_wait3A_114 : memref<1x128xi32, #tpu.memory_space<vmem>> -> memref<128xi32, #tpu.memory_space<vmem>>
        %dma_wait3A_116 = arith.constant 0 : i32
        %dma_wait3A_117 = arith.constant 0 : i32
        %dma_wait3A_118 = tpu.memref_slice %arg3[%dma_wait3A_116, %dma_wait3A_117] : memref<50000x32xf32, #tpu.memory_space<hbm>> -> memref<50000x32xf32, #tpu.memory_space<hbm>>
        tpu.wait_indirect_dma semaphore(%arg15 : memref<!tpu.dma_semaphore, #tpu.memory_space<semaphore_mem>>) src(%dma_wait3A_118 : memref<50000x32xf32, #tpu.memory_space<hbm>>) dst(%dma_wait3A_112 : memref<128x32xf32, #tpu.memory_space<vmem>>)
        %dma_wait3A_119 = arith.constant 1 : i32
        %dma_wait3A_120 = arith.constant 1 : i32
        %dma_wait3A_121 = arith.constant 0 : i32
        %dma_wait3A_122 = arith.constant 0 : i32
        %dma_wait3A_123 = tpu.memref_slice %arg12[%dma_wait3A_120, %dma_wait3A_121, %dma_wait3A_122] : memref<3x128x32xf32, #tpu.memory_space<vmem>> -> memref<1x128x32xf32, #tpu.memory_space<vmem>>
        %dma_wait3A_124 = tpu.memref_squeeze %dma_wait3A_123 : memref<1x128x32xf32, #tpu.memory_space<vmem>> -> memref<128x32xf32, #tpu.memory_space<vmem>>
        %dma_wait3A_125 = arith.constant 0 : i32
        %dma_wait3A_126 = tpu.memref_slice %arg9[%dma_wait3A_119, %dma_wait3A_125] : memref<3x128xi32, #tpu.memory_space<vmem>> -> memref<1x128xi32, #tpu.memory_space<vmem>>
        %dma_wait3A_127 = tpu.memref_squeeze %dma_wait3A_126 : memref<1x128xi32, #tpu.memory_space<vmem>> -> memref<128xi32, #tpu.memory_space<vmem>>
        %dma_wait3A_128 = arith.constant 0 : i32
        %dma_wait3A_129 = arith.constant 0 : i32
        %dma_wait3A_130 = tpu.memref_slice %arg3[%dma_wait3A_128, %dma_wait3A_129] : memref<50000x32xf32, #tpu.memory_space<hbm>> -> memref<50000x32xf32, #tpu.memory_space<hbm>>
        tpu.wait_indirect_dma semaphore(%arg15 : memref<!tpu.dma_semaphore, #tpu.memory_space<semaphore_mem>>) src(%dma_wait3A_130 : memref<50000x32xf32, #tpu.memory_space<hbm>>) dst(%dma_wait3A_124 : memref<128x32xf32, #tpu.memory_space<vmem>>)
        %dma_wait3A_131 = arith.constant 2 : i32
        %dma_wait3A_132 = arith.constant 2 : i32
        %dma_wait3A_133 = arith.constant 0 : i32
        %dma_wait3A_134 = arith.constant 0 : i32
        %dma_wait3A_135 = tpu.memref_slice %arg12[%dma_wait3A_132, %dma_wait3A_133, %dma_wait3A_134] : memref<3x128x32xf32, #tpu.memory_space<vmem>> -> memref<1x128x32xf32, #tpu.memory_space<vmem>>
        %dma_wait3A_136 = tpu.memref_squeeze %dma_wait3A_135 : memref<1x128x32xf32, #tpu.memory_space<vmem>> -> memref<128x32xf32, #tpu.memory_space<vmem>>
        %dma_wait3A_137 = arith.constant 0 : i32
        %dma_wait3A_138 = tpu.memref_slice %arg9[%dma_wait3A_131, %dma_wait3A_137] : memref<3x128xi32, #tpu.memory_space<vmem>> -> memref<1x128xi32, #tpu.memory_space<vmem>>
        %dma_wait3A_139 = tpu.memref_squeeze %dma_wait3A_138 : memref<1x128xi32, #tpu.memory_space<vmem>> -> memref<128xi32, #tpu.memory_space<vmem>>
        %dma_wait3A_140 = arith.constant 0 : i32
        %dma_wait3A_141 = arith.constant 0 : i32
        %dma_wait3A_142 = tpu.memref_slice %arg3[%dma_wait3A_140, %dma_wait3A_141] : memref<50000x32xf32, #tpu.memory_space<hbm>> -> memref<50000x32xf32, #tpu.memory_space<hbm>>
        tpu.wait_indirect_dma semaphore(%arg15 : memref<!tpu.dma_semaphore, #tpu.memory_space<semaphore_mem>>) src(%dma_wait3A_142 : memref<50000x32xf32, #tpu.memory_space<hbm>>) dst(%dma_wait3A_136 : memref<128x32xf32, #tpu.memory_space<vmem>>)
        %dma_start3A_143 = arith.constant 0 : i32
        %dma_start3A_144 = arith.constant 0 : i32
        %dma_start3A_145 = arith.constant 0 : i32
        %dma_start3A_146 = arith.constant 0 : i32
        %dma_start3A_147 = tpu.memref_slice %arg12[%dma_start3A_143, %dma_start3A_145, %dma_start3A_146] : memref<3x128x32xf32, #tpu.memory_space<vmem>> -> memref<1x128x32xf32, #tpu.memory_space<vmem>>
        %dma_start3A_148 = tpu.memref_squeeze %dma_start3A_147 : memref<1x128x32xf32, #tpu.memory_space<vmem>> -> memref<128x32xf32, #tpu.memory_space<vmem>>
        %dma_start3A_149 = arith.constant 0 : i32
        %dma_start3A_150 = tpu.memref_slice %arg8[%dma_start3A_144, %dma_start3A_149] : memref<3x128xi32, #tpu.memory_space<vmem>> -> memref<1x128xi32, #tpu.memory_space<vmem>>
        %dma_start3A_151 = tpu.memref_squeeze %dma_start3A_150 : memref<1x128xi32, #tpu.memory_space<vmem>> -> memref<128xi32, #tpu.memory_space<vmem>>
        %dma_start3A_152 = arith.constant 0 : i32
        %dma_start3A_153 = arith.constant 0 : i32
        %dma_start3A_154 = tpu.memref_slice %arg14[%dma_start3A_152, %dma_start3A_153] : memref<50016x32xf32, #tpu.memory_space<vmem_shared>> -> memref<50016x32xf32, #tpu.memory_space<vmem_shared>>
        tpu.enqueue_indirect_dma source(%dma_start3A_148 : memref<128x32xf32, #tpu.memory_space<vmem>>) target(%dma_start3A_154 : memref<50016x32xf32, #tpu.memory_space<vmem_shared>>) offsets(%dma_start3A_151 : memref<128xi32, #tpu.memory_space<vmem>>) semaphore(%arg17 : memref<!tpu.dma_semaphore, #tpu.memory_space<semaphore_mem>>) {add = true}
        %dma_start3A_155 = arith.constant 1 : i32
        %dma_start3A_156 = arith.constant 1 : i32
        %dma_start3A_157 = arith.constant 0 : i32
        %dma_start3A_158 = arith.constant 0 : i32
        %dma_start3A_159 = tpu.memref_slice %arg12[%dma_start3A_155, %dma_start3A_157, %dma_start3A_158] : memref<3x128x32xf32, #tpu.memory_space<vmem>> -> memref<1x128x32xf32, #tpu.memory_space<vmem>>
        %dma_start3A_160 = tpu.memref_squeeze %dma_start3A_159 : memref<1x128x32xf32, #tpu.memory_space<vmem>> -> memref<128x32xf32, #tpu.memory_space<vmem>>
        %dma_start3A_161 = arith.constant 0 : i32
        %dma_start3A_162 = tpu.memref_slice %arg8[%dma_start3A_156, %dma_start3A_161] : memref<3x128xi32, #tpu.memory_space<vmem>> -> memref<1x128xi32, #tpu.memory_space<vmem>>
        %dma_start3A_163 = tpu.memref_squeeze %dma_start3A_162 : memref<1x128xi32, #tpu.memory_space<vmem>> -> memref<128xi32, #tpu.memory_space<vmem>>
        %dma_start3A_164 = arith.constant 0 : i32
        %dma_start3A_165 = arith.constant 0 : i32
        %dma_start3A_166 = tpu.memref_slice %arg14[%dma_start3A_164, %dma_start3A_165] : memref<50016x32xf32, #tpu.memory_space<vmem_shared>> -> memref<50016x32xf32, #tpu.memory_space<vmem_shared>>
        tpu.enqueue_indirect_dma source(%dma_start3A_160 : memref<128x32xf32, #tpu.memory_space<vmem>>) target(%dma_start3A_166 : memref<50016x32xf32, #tpu.memory_space<vmem_shared>>) offsets(%dma_start3A_163 : memref<128xi32, #tpu.memory_space<vmem>>) semaphore(%arg17 : memref<!tpu.dma_semaphore, #tpu.memory_space<semaphore_mem>>) {add = true}
        %dma_start3A_167 = arith.constant 2 : i32
        %dma_start3A_168 = arith.constant 2 : i32
        %dma_start3A_169 = arith.constant 0 : i32
        %dma_start3A_170 = arith.constant 0 : i32
        %dma_start3A_171 = tpu.memref_slice %arg12[%dma_start3A_167, %dma_start3A_169, %dma_start3A_170] : memref<3x128x32xf32, #tpu.memory_space<vmem>> -> memref<1x128x32xf32, #tpu.memory_space<vmem>>
        %dma_start3A_172 = tpu.memref_squeeze %dma_start3A_171 : memref<1x128x32xf32, #tpu.memory_space<vmem>> -> memref<128x32xf32, #tpu.memory_space<vmem>>
        %dma_start3A_173 = arith.constant 0 : i32
        %dma_start3A_174 = tpu.memref_slice %arg8[%dma_start3A_168, %dma_start3A_173] : memref<3x128xi32, #tpu.memory_space<vmem>> -> memref<1x128xi32, #tpu.memory_space<vmem>>
        %dma_start3A_175 = tpu.memref_squeeze %dma_start3A_174 : memref<1x128xi32, #tpu.memory_space<vmem>> -> memref<128xi32, #tpu.memory_space<vmem>>
        %dma_start3A_176 = arith.constant 0 : i32
        %dma_start3A_177 = arith.constant 0 : i32
        %dma_start3A_178 = tpu.memref_slice %arg14[%dma_start3A_176, %dma_start3A_177] : memref<50016x32xf32, #tpu.memory_space<vmem_shared>> -> memref<50016x32xf32, #tpu.memory_space<vmem_shared>>
        tpu.enqueue_indirect_dma source(%dma_start3A_172 : memref<128x32xf32, #tpu.memory_space<vmem>>) target(%dma_start3A_178 : memref<50016x32xf32, #tpu.memory_space<vmem_shared>>) offsets(%dma_start3A_175 : memref<128xi32, #tpu.memory_space<vmem>>) semaphore(%arg17 : memref<!tpu.dma_semaphore, #tpu.memory_space<semaphore_mem>>) {add = true}
        %dma_wait3A_179 = arith.constant 0 : i32
        %dma_wait3A_180 = arith.constant 0 : i32
        %dma_wait3A_181 = arith.constant 0 : i32
        %dma_wait3A_182 = arith.constant 0 : i32
        %dma_wait3A_183 = tpu.memref_slice %arg12[%dma_wait3A_179, %dma_wait3A_181, %dma_wait3A_182] : memref<3x128x32xf32, #tpu.memory_space<vmem>> -> memref<1x128x32xf32, #tpu.memory_space<vmem>>
        %dma_wait3A_184 = tpu.memref_squeeze %dma_wait3A_183 : memref<1x128x32xf32, #tpu.memory_space<vmem>> -> memref<128x32xf32, #tpu.memory_space<vmem>>
        %dma_wait3A_185 = arith.constant 0 : i32
        %dma_wait3A_186 = tpu.memref_slice %arg8[%dma_wait3A_180, %dma_wait3A_185] : memref<3x128xi32, #tpu.memory_space<vmem>> -> memref<1x128xi32, #tpu.memory_space<vmem>>
        %dma_wait3A_187 = tpu.memref_squeeze %dma_wait3A_186 : memref<1x128xi32, #tpu.memory_space<vmem>> -> memref<128xi32, #tpu.memory_space<vmem>>
        %dma_wait3A_188 = arith.constant 0 : i32
        %dma_wait3A_189 = arith.constant 0 : i32
        %dma_wait3A_190 = tpu.memref_slice %arg14[%dma_wait3A_188, %dma_wait3A_189] : memref<50016x32xf32, #tpu.memory_space<vmem_shared>> -> memref<50016x32xf32, #tpu.memory_space<vmem_shared>>
        tpu.wait_indirect_dma semaphore(%arg17 : memref<!tpu.dma_semaphore, #tpu.memory_space<semaphore_mem>>) src(%dma_wait3A_184 : memref<128x32xf32, #tpu.memory_space<vmem>>) dst(%dma_wait3A_190 : memref<50016x32xf32, #tpu.memory_space<vmem_shared>>)
        %dma_wait3A_191 = arith.constant 1 : i32
        %dma_wait3A_192 = arith.constant 1 : i32
        %dma_wait3A_193 = arith.constant 0 : i32
        %dma_wait3A_194 = arith.constant 0 : i32
        %dma_wait3A_195 = tpu.memref_slice %arg12[%dma_wait3A_191, %dma_wait3A_193, %dma_wait3A_194] : memref<3x128x32xf32, #tpu.memory_space<vmem>> -> memref<1x128x32xf32, #tpu.memory_space<vmem>>
        %dma_wait3A_196 = tpu.memref_squeeze %dma_wait3A_195 : memref<1x128x32xf32, #tpu.memory_space<vmem>> -> memref<128x32xf32, #tpu.memory_space<vmem>>
        %dma_wait3A_197 = arith.constant 0 : i32
        %dma_wait3A_198 = tpu.memref_slice %arg8[%dma_wait3A_192, %dma_wait3A_197] : memref<3x128xi32, #tpu.memory_space<vmem>> -> memref<1x128xi32, #tpu.memory_space<vmem>>
        %dma_wait3A_199 = tpu.memref_squeeze %dma_wait3A_198 : memref<1x128xi32, #tpu.memory_space<vmem>> -> memref<128xi32, #tpu.memory_space<vmem>>
        %dma_wait3A_200 = arith.constant 0 : i32
        %dma_wait3A_201 = arith.constant 0 : i32
        %dma_wait3A_202 = tpu.memref_slice %arg14[%dma_wait3A_200, %dma_wait3A_201] : memref<50016x32xf32, #tpu.memory_space<vmem_shared>> -> memref<50016x32xf32, #tpu.memory_space<vmem_shared>>
        tpu.wait_indirect_dma semaphore(%arg17 : memref<!tpu.dma_semaphore, #tpu.memory_space<semaphore_mem>>) src(%dma_wait3A_196 : memref<128x32xf32, #tpu.memory_space<vmem>>) dst(%dma_wait3A_202 : memref<50016x32xf32, #tpu.memory_space<vmem_shared>>)
        %dma_wait3A_203 = arith.constant 2 : i32
        %dma_wait3A_204 = arith.constant 2 : i32
        %dma_wait3A_205 = arith.constant 0 : i32
        %dma_wait3A_206 = arith.constant 0 : i32
        %dma_wait3A_207 = tpu.memref_slice %arg12[%dma_wait3A_203, %dma_wait3A_205, %dma_wait3A_206] : memref<3x128x32xf32, #tpu.memory_space<vmem>> -> memref<1x128x32xf32, #tpu.memory_space<vmem>>
        %dma_wait3A_208 = tpu.memref_squeeze %dma_wait3A_207 : memref<1x128x32xf32, #tpu.memory_space<vmem>> -> memref<128x32xf32, #tpu.memory_space<vmem>>
        %dma_wait3A_209 = arith.constant 0 : i32
        %dma_wait3A_210 = tpu.memref_slice %arg8[%dma_wait3A_204, %dma_wait3A_209] : memref<3x128xi32, #tpu.memory_space<vmem>> -> memref<1x128xi32, #tpu.memory_space<vmem>>
        %dma_wait3A_211 = tpu.memref_squeeze %dma_wait3A_210 : memref<1x128xi32, #tpu.memory_space<vmem>> -> memref<128xi32, #tpu.memory_space<vmem>>
        %dma_wait3A_212 = arith.constant 0 : i32
        %dma_wait3A_213 = arith.constant 0 : i32
        %dma_wait3A_214 = tpu.memref_slice %arg14[%dma_wait3A_212, %dma_wait3A_213] : memref<50016x32xf32, #tpu.memory_space<vmem_shared>> -> memref<50016x32xf32, #tpu.memory_space<vmem_shared>>
        tpu.wait_indirect_dma semaphore(%arg17 : memref<!tpu.dma_semaphore, #tpu.memory_space<semaphore_mem>>) src(%dma_wait3A_208 : memref<128x32xf32, #tpu.memory_space<vmem>>) dst(%dma_wait3A_214 : memref<50016x32xf32, #tpu.memory_space<vmem_shared>>)
        %add3A_215 = arith.constant 2 : i32
        %add3A_216 = arith.addi %add3A_28, %add3A_215 : i32
        %mul3A_217 = arith.constant 3 : i32
        %mul3A_218 = arith.muli %add3A_216, %mul3A_217 : i32
        %add3A_219 = arith.addi %mul3A_11, %mul3A_218 : i32
        "tpu.region"() ({
          %run_scoped3A = tpu.sem_alloc : memref<!tpu.dma_semaphore, #tpu.memory_space<semaphore_mem>>
          %dma_start3A_331 = arith.constant 0 : i32
          %dma_start3A_332 = tpu.memref_slice %arg4[%add3A_219, %dma_start3A_331] : memref<6384x128xi32, #tpu.memory_space<hbm>> -> memref<3x128xi32, #tpu.memory_space<hbm>>
          %dma_start3A_333 = arith.constant 0 : i32
          %dma_start3A_334 = tpu.memref_slice %arg4[%add3A_219, %dma_start3A_333] : memref<6384x128xi32, #tpu.memory_space<hbm>> -> memref<3x128xi32, #tpu.memory_space<hbm>>
          tpu.enqueue_dma source(%dma_start3A_334 : memref<3x128xi32, #tpu.memory_space<hbm>>) target(%arg8 : memref<3x128xi32, #tpu.memory_space<vmem>>) target_semaphore(%run_scoped3A : memref<!tpu.dma_semaphore, #tpu.memory_space<semaphore_mem>>)
          %dma_wait3A_335 = arith.constant 0 : i32
          %dma_wait3A_336 = tpu.memref_slice %arg4[%add3A_219, %dma_wait3A_335] : memref<6384x128xi32, #tpu.memory_space<hbm>> -> memref<3x128xi32, #tpu.memory_space<hbm>>
          %dma_wait3A_337 = arith.constant 0 : i32
          %dma_wait3A_338 = tpu.memref_slice %arg4[%add3A_219, %dma_wait3A_337] : memref<6384x128xi32, #tpu.memory_space<hbm>> -> memref<3x128xi32, #tpu.memory_space<hbm>>
          tpu.wait_dma2 semaphore(%run_scoped3A : memref<!tpu.dma_semaphore, #tpu.memory_space<semaphore_mem>>) src(%dma_wait3A_338 : memref<3x128xi32, #tpu.memory_space<hbm>>) dst(%arg8 : memref<3x128xi32, #tpu.memory_space<vmem>>)
          tpu.yield
        }) : () -> ()
        %mul3A_220 = arith.constant 3 : i32
        %mul3A_221 = arith.muli %add3A_216, %mul3A_220 : i32
        %add3A_222 = arith.addi %mul3A_11, %mul3A_221 : i32
        "tpu.region"() ({
          %run_scoped3A = tpu.sem_alloc : memref<!tpu.dma_semaphore, #tpu.memory_space<semaphore_mem>>
          %dma_start3A_331 = arith.constant 0 : i32
          %dma_start3A_332 = tpu.memref_slice %arg5[%add3A_222, %dma_start3A_331] : memref<6384x128xi32, #tpu.memory_space<hbm>> -> memref<3x128xi32, #tpu.memory_space<hbm>>
          %dma_start3A_333 = arith.constant 0 : i32
          %dma_start3A_334 = tpu.memref_slice %arg5[%add3A_222, %dma_start3A_333] : memref<6384x128xi32, #tpu.memory_space<hbm>> -> memref<3x128xi32, #tpu.memory_space<hbm>>
          tpu.enqueue_dma source(%dma_start3A_334 : memref<3x128xi32, #tpu.memory_space<hbm>>) target(%arg9 : memref<3x128xi32, #tpu.memory_space<vmem>>) target_semaphore(%run_scoped3A : memref<!tpu.dma_semaphore, #tpu.memory_space<semaphore_mem>>)
          %dma_wait3A_335 = arith.constant 0 : i32
          %dma_wait3A_336 = tpu.memref_slice %arg5[%add3A_222, %dma_wait3A_335] : memref<6384x128xi32, #tpu.memory_space<hbm>> -> memref<3x128xi32, #tpu.memory_space<hbm>>
          %dma_wait3A_337 = arith.constant 0 : i32
          %dma_wait3A_338 = tpu.memref_slice %arg5[%add3A_222, %dma_wait3A_337] : memref<6384x128xi32, #tpu.memory_space<hbm>> -> memref<3x128xi32, #tpu.memory_space<hbm>>
          tpu.wait_dma2 semaphore(%run_scoped3A : memref<!tpu.dma_semaphore, #tpu.memory_space<semaphore_mem>>) src(%dma_wait3A_338 : memref<3x128xi32, #tpu.memory_space<hbm>>) dst(%arg9 : memref<3x128xi32, #tpu.memory_space<vmem>>)
          tpu.yield
        }) : () -> ()
        %dma_wait3A_223 = arith.constant 0 : i32
        %dma_wait3A_224 = arith.constant 0 : i32
        %dma_wait3A_225 = arith.constant 0 : i32
        %dma_wait3A_226 = arith.constant 0 : i32
        %dma_wait3A_227 = tpu.memref_slice %arg13[%dma_wait3A_224, %dma_wait3A_225, %dma_wait3A_226] : memref<3x128x32xf32, #tpu.memory_space<vmem>> -> memref<1x128x32xf32, #tpu.memory_space<vmem>>
        %dma_wait3A_228 = tpu.memref_squeeze %dma_wait3A_227 : memref<1x128x32xf32, #tpu.memory_space<vmem>> -> memref<128x32xf32, #tpu.memory_space<vmem>>
        %dma_wait3A_229 = arith.constant 0 : i32
        %dma_wait3A_230 = tpu.memref_slice %arg11[%dma_wait3A_223, %dma_wait3A_229] : memref<3x128xi32, #tpu.memory_space<vmem>> -> memref<1x128xi32, #tpu.memory_space<vmem>>
        %dma_wait3A_231 = tpu.memref_squeeze %dma_wait3A_230 : memref<1x128xi32, #tpu.memory_space<vmem>> -> memref<128xi32, #tpu.memory_space<vmem>>
        %dma_wait3A_232 = arith.constant 0 : i32
        %dma_wait3A_233 = arith.constant 0 : i32
        %dma_wait3A_234 = tpu.memref_slice %arg3[%dma_wait3A_232, %dma_wait3A_233] : memref<50000x32xf32, #tpu.memory_space<hbm>> -> memref<50000x32xf32, #tpu.memory_space<hbm>>
        tpu.wait_indirect_dma semaphore(%arg16 : memref<!tpu.dma_semaphore, #tpu.memory_space<semaphore_mem>>) src(%dma_wait3A_234 : memref<50000x32xf32, #tpu.memory_space<hbm>>) dst(%dma_wait3A_228 : memref<128x32xf32, #tpu.memory_space<vmem>>)
        %dma_wait3A_235 = arith.constant 1 : i32
        %dma_wait3A_236 = arith.constant 1 : i32
        %dma_wait3A_237 = arith.constant 0 : i32
        %dma_wait3A_238 = arith.constant 0 : i32
        %dma_wait3A_239 = tpu.memref_slice %arg13[%dma_wait3A_236, %dma_wait3A_237, %dma_wait3A_238] : memref<3x128x32xf32, #tpu.memory_space<vmem>> -> memref<1x128x32xf32, #tpu.memory_space<vmem>>
        %dma_wait3A_240 = tpu.memref_squeeze %dma_wait3A_239 : memref<1x128x32xf32, #tpu.memory_space<vmem>> -> memref<128x32xf32, #tpu.memory_space<vmem>>
        %dma_wait3A_241 = arith.constant 0 : i32
        %dma_wait3A_242 = tpu.memref_slice %arg11[%dma_wait3A_235, %dma_wait3A_241] : memref<3x128xi32, #tpu.memory_space<vmem>> -> memref<1x128xi32, #tpu.memory_space<vmem>>
        %dma_wait3A_243 = tpu.memref_squeeze %dma_wait3A_242 : memref<1x128xi32, #tpu.memory_space<vmem>> -> memref<128xi32, #tpu.memory_space<vmem>>
        %dma_wait3A_244 = arith.constant 0 : i32
        %dma_wait3A_245 = arith.constant 0 : i32
        %dma_wait3A_246 = tpu.memref_slice %arg3[%dma_wait3A_244, %dma_wait3A_245] : memref<50000x32xf32, #tpu.memory_space<hbm>> -> memref<50000x32xf32, #tpu.memory_space<hbm>>
        tpu.wait_indirect_dma semaphore(%arg16 : memref<!tpu.dma_semaphore, #tpu.memory_space<semaphore_mem>>) src(%dma_wait3A_246 : memref<50000x32xf32, #tpu.memory_space<hbm>>) dst(%dma_wait3A_240 : memref<128x32xf32, #tpu.memory_space<vmem>>)
        %dma_wait3A_247 = arith.constant 2 : i32
        %dma_wait3A_248 = arith.constant 2 : i32
        %dma_wait3A_249 = arith.constant 0 : i32
        %dma_wait3A_250 = arith.constant 0 : i32
        %dma_wait3A_251 = tpu.memref_slice %arg13[%dma_wait3A_248, %dma_wait3A_249, %dma_wait3A_250] : memref<3x128x32xf32, #tpu.memory_space<vmem>> -> memref<1x128x32xf32, #tpu.memory_space<vmem>>
        %dma_wait3A_252 = tpu.memref_squeeze %dma_wait3A_251 : memref<1x128x32xf32, #tpu.memory_space<vmem>> -> memref<128x32xf32, #tpu.memory_space<vmem>>
        %dma_wait3A_253 = arith.constant 0 : i32
        %dma_wait3A_254 = tpu.memref_slice %arg11[%dma_wait3A_247, %dma_wait3A_253] : memref<3x128xi32, #tpu.memory_space<vmem>> -> memref<1x128xi32, #tpu.memory_space<vmem>>
        %dma_wait3A_255 = tpu.memref_squeeze %dma_wait3A_254 : memref<1x128xi32, #tpu.memory_space<vmem>> -> memref<128xi32, #tpu.memory_space<vmem>>
        %dma_wait3A_256 = arith.constant 0 : i32
        %dma_wait3A_257 = arith.constant 0 : i32
        %dma_wait3A_258 = tpu.memref_slice %arg3[%dma_wait3A_256, %dma_wait3A_257] : memref<50000x32xf32, #tpu.memory_space<hbm>> -> memref<50000x32xf32, #tpu.memory_space<hbm>>
        tpu.wait_indirect_dma semaphore(%arg16 : memref<!tpu.dma_semaphore, #tpu.memory_space<semaphore_mem>>) src(%dma_wait3A_258 : memref<50000x32xf32, #tpu.memory_space<hbm>>) dst(%dma_wait3A_252 : memref<128x32xf32, #tpu.memory_space<vmem>>)
        %dma_start3A_259 = arith.constant 0 : i32
        %dma_start3A_260 = arith.constant 0 : i32
        %dma_start3A_261 = arith.constant 0 : i32
        %dma_start3A_262 = arith.constant 0 : i32
        %dma_start3A_263 = tpu.memref_slice %arg13[%dma_start3A_259, %dma_start3A_261, %dma_start3A_262] : memref<3x128x32xf32, #tpu.memory_space<vmem>> -> memref<1x128x32xf32, #tpu.memory_space<vmem>>
        %dma_start3A_264 = tpu.memref_squeeze %dma_start3A_263 : memref<1x128x32xf32, #tpu.memory_space<vmem>> -> memref<128x32xf32, #tpu.memory_space<vmem>>
        %dma_start3A_265 = arith.constant 0 : i32
        %dma_start3A_266 = tpu.memref_slice %arg10[%dma_start3A_260, %dma_start3A_265] : memref<3x128xi32, #tpu.memory_space<vmem>> -> memref<1x128xi32, #tpu.memory_space<vmem>>
        %dma_start3A_267 = tpu.memref_squeeze %dma_start3A_266 : memref<1x128xi32, #tpu.memory_space<vmem>> -> memref<128xi32, #tpu.memory_space<vmem>>
        %dma_start3A_268 = arith.constant 0 : i32
        %dma_start3A_269 = arith.constant 0 : i32
        %dma_start3A_270 = tpu.memref_slice %arg14[%dma_start3A_268, %dma_start3A_269] : memref<50016x32xf32, #tpu.memory_space<vmem_shared>> -> memref<50016x32xf32, #tpu.memory_space<vmem_shared>>
        tpu.enqueue_indirect_dma source(%dma_start3A_264 : memref<128x32xf32, #tpu.memory_space<vmem>>) target(%dma_start3A_270 : memref<50016x32xf32, #tpu.memory_space<vmem_shared>>) offsets(%dma_start3A_267 : memref<128xi32, #tpu.memory_space<vmem>>) semaphore(%arg18 : memref<!tpu.dma_semaphore, #tpu.memory_space<semaphore_mem>>) {add = true}
        %dma_start3A_271 = arith.constant 1 : i32
        %dma_start3A_272 = arith.constant 1 : i32
        %dma_start3A_273 = arith.constant 0 : i32
        %dma_start3A_274 = arith.constant 0 : i32
        %dma_start3A_275 = tpu.memref_slice %arg13[%dma_start3A_271, %dma_start3A_273, %dma_start3A_274] : memref<3x128x32xf32, #tpu.memory_space<vmem>> -> memref<1x128x32xf32, #tpu.memory_space<vmem>>
        %dma_start3A_276 = tpu.memref_squeeze %dma_start3A_275 : memref<1x128x32xf32, #tpu.memory_space<vmem>> -> memref<128x32xf32, #tpu.memory_space<vmem>>
        %dma_start3A_277 = arith.constant 0 : i32
        %dma_start3A_278 = tpu.memref_slice %arg10[%dma_start3A_272, %dma_start3A_277] : memref<3x128xi32, #tpu.memory_space<vmem>> -> memref<1x128xi32, #tpu.memory_space<vmem>>
        %dma_start3A_279 = tpu.memref_squeeze %dma_start3A_278 : memref<1x128xi32, #tpu.memory_space<vmem>> -> memref<128xi32, #tpu.memory_space<vmem>>
        %dma_start3A_280 = arith.constant 0 : i32
        %dma_start3A_281 = arith.constant 0 : i32
        %dma_start3A_282 = tpu.memref_slice %arg14[%dma_start3A_280, %dma_start3A_281] : memref<50016x32xf32, #tpu.memory_space<vmem_shared>> -> memref<50016x32xf32, #tpu.memory_space<vmem_shared>>
        tpu.enqueue_indirect_dma source(%dma_start3A_276 : memref<128x32xf32, #tpu.memory_space<vmem>>) target(%dma_start3A_282 : memref<50016x32xf32, #tpu.memory_space<vmem_shared>>) offsets(%dma_start3A_279 : memref<128xi32, #tpu.memory_space<vmem>>) semaphore(%arg18 : memref<!tpu.dma_semaphore, #tpu.memory_space<semaphore_mem>>) {add = true}
        %dma_start3A_283 = arith.constant 2 : i32
        %dma_start3A_284 = arith.constant 2 : i32
        %dma_start3A_285 = arith.constant 0 : i32
        %dma_start3A_286 = arith.constant 0 : i32
        %dma_start3A_287 = tpu.memref_slice %arg13[%dma_start3A_283, %dma_start3A_285, %dma_start3A_286] : memref<3x128x32xf32, #tpu.memory_space<vmem>> -> memref<1x128x32xf32, #tpu.memory_space<vmem>>
        %dma_start3A_288 = tpu.memref_squeeze %dma_start3A_287 : memref<1x128x32xf32, #tpu.memory_space<vmem>> -> memref<128x32xf32, #tpu.memory_space<vmem>>
        %dma_start3A_289 = arith.constant 0 : i32
        %dma_start3A_290 = tpu.memref_slice %arg10[%dma_start3A_284, %dma_start3A_289] : memref<3x128xi32, #tpu.memory_space<vmem>> -> memref<1x128xi32, #tpu.memory_space<vmem>>
        %dma_start3A_291 = tpu.memref_squeeze %dma_start3A_290 : memref<1x128xi32, #tpu.memory_space<vmem>> -> memref<128xi32, #tpu.memory_space<vmem>>
        %dma_start3A_292 = arith.constant 0 : i32
        %dma_start3A_293 = arith.constant 0 : i32
        %dma_start3A_294 = tpu.memref_slice %arg14[%dma_start3A_292, %dma_start3A_293] : memref<50016x32xf32, #tpu.memory_space<vmem_shared>> -> memref<50016x32xf32, #tpu.memory_space<vmem_shared>>
        tpu.enqueue_indirect_dma source(%dma_start3A_288 : memref<128x32xf32, #tpu.memory_space<vmem>>) target(%dma_start3A_294 : memref<50016x32xf32, #tpu.memory_space<vmem_shared>>) offsets(%dma_start3A_291 : memref<128xi32, #tpu.memory_space<vmem>>) semaphore(%arg18 : memref<!tpu.dma_semaphore, #tpu.memory_space<semaphore_mem>>) {add = true}
        %dma_wait3A_295 = arith.constant 0 : i32
        %dma_wait3A_296 = arith.constant 0 : i32
        %dma_wait3A_297 = arith.constant 0 : i32
        %dma_wait3A_298 = arith.constant 0 : i32
        %dma_wait3A_299 = tpu.memref_slice %arg13[%dma_wait3A_295, %dma_wait3A_297, %dma_wait3A_298] : memref<3x128x32xf32, #tpu.memory_space<vmem>> -> memref<1x128x32xf32, #tpu.memory_space<vmem>>
        %dma_wait3A_300 = tpu.memref_squeeze %dma_wait3A_299 : memref<1x128x32xf32, #tpu.memory_space<vmem>> -> memref<128x32xf32, #tpu.memory_space<vmem>>
        %dma_wait3A_301 = arith.constant 0 : i32
        %dma_wait3A_302 = tpu.memref_slice %arg10[%dma_wait3A_296, %dma_wait3A_301] : memref<3x128xi32, #tpu.memory_space<vmem>> -> memref<1x128xi32, #tpu.memory_space<vmem>>
        %dma_wait3A_303 = tpu.memref_squeeze %dma_wait3A_302 : memref<1x128xi32, #tpu.memory_space<vmem>> -> memref<128xi32, #tpu.memory_space<vmem>>
        %dma_wait3A_304 = arith.constant 0 : i32
        %dma_wait3A_305 = arith.constant 0 : i32
        %dma_wait3A_306 = tpu.memref_slice %arg14[%dma_wait3A_304, %dma_wait3A_305] : memref<50016x32xf32, #tpu.memory_space<vmem_shared>> -> memref<50016x32xf32, #tpu.memory_space<vmem_shared>>
        tpu.wait_indirect_dma semaphore(%arg18 : memref<!tpu.dma_semaphore, #tpu.memory_space<semaphore_mem>>) src(%dma_wait3A_300 : memref<128x32xf32, #tpu.memory_space<vmem>>) dst(%dma_wait3A_306 : memref<50016x32xf32, #tpu.memory_space<vmem_shared>>)
        %dma_wait3A_307 = arith.constant 1 : i32
        %dma_wait3A_308 = arith.constant 1 : i32
        %dma_wait3A_309 = arith.constant 0 : i32
        %dma_wait3A_310 = arith.constant 0 : i32
        %dma_wait3A_311 = tpu.memref_slice %arg13[%dma_wait3A_307, %dma_wait3A_309, %dma_wait3A_310] : memref<3x128x32xf32, #tpu.memory_space<vmem>> -> memref<1x128x32xf32, #tpu.memory_space<vmem>>
        %dma_wait3A_312 = tpu.memref_squeeze %dma_wait3A_311 : memref<1x128x32xf32, #tpu.memory_space<vmem>> -> memref<128x32xf32, #tpu.memory_space<vmem>>
        %dma_wait3A_313 = arith.constant 0 : i32
        %dma_wait3A_314 = tpu.memref_slice %arg10[%dma_wait3A_308, %dma_wait3A_313] : memref<3x128xi32, #tpu.memory_space<vmem>> -> memref<1x128xi32, #tpu.memory_space<vmem>>
        %dma_wait3A_315 = tpu.memref_squeeze %dma_wait3A_314 : memref<1x128xi32, #tpu.memory_space<vmem>> -> memref<128xi32, #tpu.memory_space<vmem>>
        %dma_wait3A_316 = arith.constant 0 : i32
        %dma_wait3A_317 = arith.constant 0 : i32
        %dma_wait3A_318 = tpu.memref_slice %arg14[%dma_wait3A_316, %dma_wait3A_317] : memref<50016x32xf32, #tpu.memory_space<vmem_shared>> -> memref<50016x32xf32, #tpu.memory_space<vmem_shared>>
        tpu.wait_indirect_dma semaphore(%arg18 : memref<!tpu.dma_semaphore, #tpu.memory_space<semaphore_mem>>) src(%dma_wait3A_312 : memref<128x32xf32, #tpu.memory_space<vmem>>) dst(%dma_wait3A_318 : memref<50016x32xf32, #tpu.memory_space<vmem_shared>>)
        %dma_wait3A_319 = arith.constant 2 : i32
        %dma_wait3A_320 = arith.constant 2 : i32
        %dma_wait3A_321 = arith.constant 0 : i32
        %dma_wait3A_322 = arith.constant 0 : i32
        %dma_wait3A_323 = tpu.memref_slice %arg13[%dma_wait3A_319, %dma_wait3A_321, %dma_wait3A_322] : memref<3x128x32xf32, #tpu.memory_space<vmem>> -> memref<1x128x32xf32, #tpu.memory_space<vmem>>
        %dma_wait3A_324 = tpu.memref_squeeze %dma_wait3A_323 : memref<1x128x32xf32, #tpu.memory_space<vmem>> -> memref<128x32xf32, #tpu.memory_space<vmem>>
        %dma_wait3A_325 = arith.constant 0 : i32
        %dma_wait3A_326 = tpu.memref_slice %arg10[%dma_wait3A_320, %dma_wait3A_325] : memref<3x128xi32, #tpu.memory_space<vmem>> -> memref<1x128xi32, #tpu.memory_space<vmem>>
        %dma_wait3A_327 = tpu.memref_squeeze %dma_wait3A_326 : memref<1x128xi32, #tpu.memory_space<vmem>> -> memref<128xi32, #tpu.memory_space<vmem>>
        %dma_wait3A_328 = arith.constant 0 : i32
        %dma_wait3A_329 = arith.constant 0 : i32
        %dma_wait3A_330 = tpu.memref_slice %arg14[%dma_wait3A_328, %dma_wait3A_329] : memref<50016x32xf32, #tpu.memory_space<vmem_shared>> -> memref<50016x32xf32, #tpu.memory_space<vmem_shared>>
        tpu.wait_indirect_dma semaphore(%arg18 : memref<!tpu.dma_semaphore, #tpu.memory_space<semaphore_mem>>) src(%dma_wait3A_324 : memref<128x32xf32, #tpu.memory_space<vmem>>) dst(%dma_wait3A_330 : memref<50016x32xf32, #tpu.memory_space<vmem_shared>>)
      }
      %scan3A_18 = arith.constant 66 : i32
      %barrier3A_19 = arith.constant 0 : index
      tpu.barrier barrier_id(%barrier3A_19)
      %mul3A_20 = arith.constant 3125 : i32
      %mul3A_21 = arith.muli %arg1, %mul3A_20 : i32
      %mul3A_22 = arith.constant 3125 : i32
      %mul3A_23 = arith.muli %arg1, %mul3A_22 : i32
      "tpu.region"() ({
        %run_scoped3A = tpu.sem_alloc : memref<!tpu.dma_semaphore, #tpu.memory_space<semaphore_mem>>
        %dma_start3A = arith.constant 0 : i32
        %dma_start3A_24 = tpu.memref_slice %arg7[%mul3A_23, %dma_start3A] : memref<50000x32xf32, #tpu.memory_space<hbm>> -> memref<3125x32xf32, #tpu.memory_space<hbm>>
        %dma_start3A_25 = arith.constant 0 : i32
        %dma_start3A_26 = tpu.memref_slice %arg14[%mul3A_21, %dma_start3A_25] : memref<50016x32xf32, #tpu.memory_space<vmem_shared>> -> memref<3125x32xf32, #tpu.memory_space<vmem_shared>>
        tpu.enqueue_dma source(%dma_start3A_26 : memref<3125x32xf32, #tpu.memory_space<vmem_shared>>) target(%dma_start3A_24 : memref<3125x32xf32, #tpu.memory_space<hbm>>) target_semaphore(%run_scoped3A : memref<!tpu.dma_semaphore, #tpu.memory_space<semaphore_mem>>)
        %dma_wait3A = arith.constant 0 : i32
        %dma_wait3A_27 = tpu.memref_slice %arg7[%mul3A_23, %dma_wait3A] : memref<50000x32xf32, #tpu.memory_space<hbm>> -> memref<3125x32xf32, #tpu.memory_space<hbm>>
        %dma_wait3A_28 = arith.constant 0 : i32
        %dma_wait3A_29 = tpu.memref_slice %arg14[%mul3A_21, %dma_wait3A_28] : memref<50016x32xf32, #tpu.memory_space<vmem_shared>> -> memref<3125x32xf32, #tpu.memory_space<vmem_shared>>
        tpu.wait_dma2 semaphore(%run_scoped3A : memref<!tpu.dma_semaphore, #tpu.memory_space<semaphore_mem>>) src(%dma_wait3A_29 : memref<3125x32xf32, #tpu.memory_space<vmem_shared>>) dst(%dma_wait3A_27 : memref<3125x32xf32, #tpu.memory_space<hbm>>)
        tpu.yield
      }) : () -> ()
    } else {
    }
    return
  }
}

#map = affine_map<(d0, d1) -> (0, 0)>
module attributes {stable_mosaic.version = 14 : i64} {
  func.func @k(%arg0: i32, %arg1: i32, %arg2: memref<50000x32xf32, #tpu.memory_space<hbm>>, %arg3: memref<50000x32xf32, #tpu.memory_space<hbm>>, %arg4: memref<6384x128xi32, #tpu.memory_space<hbm>>, %arg5: memref<6384x128xi32, #tpu.memory_space<hbm>>, %arg6: memref<50000x32xf32, #tpu.memory_space<hbm>>, %arg7: memref<50000x32xf32, #tpu.memory_space<hbm>>, %arg8: memref<3x128xi32, #tpu.memory_space<vmem>>, %arg9: memref<3x128xi32, #tpu.memory_space<vmem>>, %arg10: memref<3x128xi32, #tpu.memory_space<vmem>>, %arg11: memref<3x128xi32, #tpu.memory_space<vmem>>, %arg12: memref<3x128x32xf32, #tpu.memory_space<vmem>>, %arg13: memref<3x128x32xf32, #tpu.memory_space<vmem>>, %arg14: memref<50016x32xf32, #tpu.memory_space<vmem_shared>>, %arg15: memref<!tpu.dma_semaphore, #tpu.memory_space<semaphore_mem>>, %arg16: memref<!tpu.dma_semaphore, #tpu.memory_space<semaphore_mem>>, %arg17: memref<!tpu.dma_semaphore, #tpu.memory_space<semaphore_mem>>, %arg18: memref<!tpu.dma_semaphore, #tpu.memory_space<semaphore_mem>>) attributes {dimension_semantics = [#tpu.dimension_semantics<core_parallel>, #tpu.dimension_semantics<subcore_parallel>], iteration_bounds = array<i64: 2, 16>, scalar_prefetch = 0 : i64, scratch_operands = 11 : i64, tpu.core_type = #tpu.core_type<sc_vector_subcore>, window_params = [{transform_indices = #map}, {transform_indices = #map}, {transform_indices = #map}, {transform_indices = #map}, {transform_indices = #map}, {transform_indices = #map}]} {
    %eq3A = arith.constant 0 : i32
    %eq3A_0 = arith.cmpi eq, %arg0, %eq3A : i32
    %convert_element_type3A = arith.extui %eq3A_0 : i1 to i32
    %cond3A = arith.constant 0 : i32
    %cond3A_1 = arith.cmpi ne, %convert_element_type3A, %cond3A : i32
    scf.if %cond3A_1 {
      %mul3A = arith.constant 3125 : i32
      %mul3A_7 = arith.muli %arg1, %mul3A : i32
      %mul3A_8 = arith.constant 3125 : i32
      %mul3A_9 = arith.muli %arg1, %mul3A_8 : i32
      "tpu.region"() ({
        %run_scoped3A = tpu.sem_alloc : memref<!tpu.dma_semaphore, #tpu.memory_space<semaphore_mem>>
        %dma_start3A = arith.constant 0 : i32
        %dma_start3A_24 = tpu.memref_slice %arg14[%mul3A_9, %dma_start3A] : memref<50016x32xf32, #tpu.memory_space<vmem_shared>> -> memref<3125x32xf32, #tpu.memory_space<vmem_shared>>
        %dma_start3A_25 = arith.constant 0 : i32
        %dma_start3A_26 = tpu.memref_slice %arg2[%mul3A_7, %dma_start3A_25] : memref<50000x32xf32, #tpu.memory_space<hbm>> -> memref<3125x32xf32, #tpu.memory_space<hbm>>
        tpu.enqueue_dma source(%dma_start3A_26 : memref<3125x32xf32, #tpu.memory_space<hbm>>) target(%dma_start3A_24 : memref<3125x32xf32, #tpu.memory_space<vmem_shared>>) target_semaphore(%run_scoped3A : memref<!tpu.dma_semaphore, #tpu.memory_space<semaphore_mem>>)
        %dma_wait3A = arith.constant 0 : i32
        %dma_wait3A_27 = tpu.memref_slice %arg14[%mul3A_9, %dma_wait3A] : memref<50016x32xf32, #tpu.memory_space<vmem_shared>> -> memref<3125x32xf32, #tpu.memory_space<vmem_shared>>
        %dma_wait3A_28 = arith.constant 0 : i32
        %dma_wait3A_29 = tpu.memref_slice %arg2[%mul3A_7, %dma_wait3A_28] : memref<50000x32xf32, #tpu.memory_space<hbm>> -> memref<3125x32xf32, #tpu.memory_space<hbm>>
        tpu.wait_dma2 semaphore(%run_scoped3A : memref<!tpu.dma_semaphore, #tpu.memory_space<semaphore_mem>>) src(%dma_wait3A_29 : memref<3125x32xf32, #tpu.memory_space<hbm>>) dst(%dma_wait3A_27 : memref<3125x32xf32, #tpu.memory_space<vmem_shared>>)
        tpu.yield
      }) : () -> ()
      %barrier3A = arith.constant 0 : index
      tpu.barrier barrier_id(%barrier3A)
      %mul3A_10 = arith.constant 399 : i32
      %mul3A_11 = arith.muli %arg1, %mul3A_10 : i32
      %add3A = arith.constant 0 : i32
      %add3A_12 = arith.addi %mul3A_11, %add3A : i32
      "tpu.region"() ({
        %run_scoped3A = tpu.sem_alloc : memref<!tpu.dma_semaphore, #tpu.memory_space<semaphore_mem>>
        %dma_start3A = arith.constant 0 : i32
        %dma_start3A_24 = tpu.memref_slice %arg4[%add3A_12, %dma_start3A] : memref<6384x128xi32, #tpu.memory_space<hbm>> -> memref<3x128xi32, #tpu.memory_space<hbm>>
        %dma_start3A_25 = arith.constant 0 : i32
        %dma_start3A_26 = tpu.memref_slice %arg4[%add3A_12, %dma_start3A_25] : memref<6384x128xi32, #tpu.memory_space<hbm>> -> memref<3x128xi32, #tpu.memory_space<hbm>>
        tpu.enqueue_dma source(%dma_start3A_26 : memref<3x128xi32, #tpu.memory_space<hbm>>) target(%arg8 : memref<3x128xi32, #tpu.memory_space<vmem>>) target_semaphore(%run_scoped3A : memref<!tpu.dma_semaphore, #tpu.memory_space<semaphore_mem>>)
        %dma_wait3A = arith.constant 0 : i32
        %dma_wait3A_27 = tpu.memref_slice %arg4[%add3A_12, %dma_wait3A] : memref<6384x128xi32, #tpu.memory_space<hbm>> -> memref<3x128xi32, #tpu.memory_space<hbm>>
        %dma_wait3A_28 = arith.constant 0 : i32
        %dma_wait3A_29 = tpu.memref_slice %arg4[%add3A_12, %dma_wait3A_28] : memref<6384x128xi32, #tpu.memory_space<hbm>> -> memref<3x128xi32, #tpu.memory_space<hbm>>
        tpu.wait_dma2 semaphore(%run_scoped3A : memref<!tpu.dma_semaphore, #tpu.memory_space<semaphore_mem>>) src(%dma_wait3A_29 : memref<3x128xi32, #tpu.memory_space<hbm>>) dst(%arg8 : memref<3x128xi32, #tpu.memory_space<vmem>>)
        tpu.yield
      }) : () -> ()
      %add3A_13 = arith.constant 0 : i32
      %add3A_14 = arith.addi %mul3A_11, %add3A_13 : i32
      "tpu.region"() ({
        %run_scoped3A = tpu.sem_alloc : memref<!tpu.dma_semaphore, #tpu.memory_space<semaphore_mem>>
        %dma_start3A = arith.constant 0 : i32
        %dma_start3A_24 = tpu.memref_slice %arg5[%add3A_14, %dma_start3A] : memref<6384x128xi32, #tpu.memory_space<hbm>> -> memref<3x128xi32, #tpu.memory_space<hbm>>
        %dma_start3A_25 = arith.constant 0 : i32
        %dma_start3A_26 = tpu.memref_slice %arg5[%add3A_14, %dma_start3A_25] : memref<6384x128xi32, #tpu.memory_space<hbm>> -> memref<3x128xi32, #tpu.memory_space<hbm>>
        tpu.enqueue_dma source(%dma_start3A_26 : memref<3x128xi32, #tpu.memory_space<hbm>>) target(%arg9 : memref<3x128xi32, #tpu.memory_space<vmem>>) target_semaphore(%run_scoped3A : memref<!tpu.dma_semaphore, #tpu.memory_space<semaphore_mem>>)
        %dma_wait3A = arith.constant 0 : i32
        %dma_wait3A_27 = tpu.memref_slice %arg5[%add3A_14, %dma_wait3A] : memref<6384x128xi32, #tpu.memory_space<hbm>> -> memref<3x128xi32, #tpu.memory_space<hbm>>
        %dma_wait3A_28 = arith.constant 0 : i32
        %dma_wait3A_29 = tpu.memref_slice %arg5[%add3A_14, %dma_wait3A_28] : memref<6384x128xi32, #tpu.memory_space<hbm>> -> memref<3x128xi32, #tpu.memory_space<hbm>>
        tpu.wait_dma2 semaphore(%run_scoped3A : memref<!tpu.dma_semaphore, #tpu.memory_space<semaphore_mem>>) src(%dma_wait3A_29 : memref<3x128xi32, #tpu.memory_space<hbm>>) dst(%arg9 : memref<3x128xi32, #tpu.memory_space<vmem>>)
        tpu.yield
      }) : () -> ()
      %scan3A = arith.constant 0 : i32
      %scan3A_15 = arith.constant 66 : i32
      %scan3A_16 = arith.addi %scan3A, %scan3A_15 : i32
      %scan3A_17 = arith.constant 1 : i32
      scf.for %scan3A_24 = %scan3A to %scan3A_16 step %scan3A_17  : i32 {
        %mul3A_25 = arith.constant 2 : i32
        %mul3A_26 = arith.muli %scan3A_24, %mul3A_25 : i32
        %add3A_27 = arith.constant 0 : i32
        %add3A_28 = arith.addi %add3A_27, %mul3A_26 : i32
        %dma_start3A = arith.constant 0 : i32
        %dma_start3A_29 = arith.constant 0 : i32
        %dma_start3A_30 = arith.constant 0 : i32
        %dma_start3A_31 = arith.constant 0 : i32
        %dma_start3A_32 = tpu.memref_slice %arg12[%dma_start3A_29, %dma_start3A_30, %dma_start3A_31] : memref<3x128x32xf32, #tpu.memory_space<vmem>> -> memref<1x128x32xf32, #tpu.memory_space<vmem>>
        %dma_start3A_33 = tpu.memref_squeeze %dma_start3A_32 : memref<1x128x32xf32, #tpu.memory_space<vmem>> -> memref<128x32xf32, #tpu.memory_space<vmem>>
        %dma_start3A_34 = arith.constant 0 : i32
        %dma_start3A_35 = tpu.memref_slice %arg9[%dma_start3A, %dma_start3A_34] : memref<3x128xi32, #tpu.memory_space<vmem>> -> memref<1x128xi32, #tpu.memory_space<vmem>>
        %dma_start3A_36 = tpu.memref_squeeze %dma_start3A_35 : memref<1x128xi32, #tpu.memory_space<vmem>> -> memref<128xi32, #tpu.memory_space<vmem>>
        %dma_start3A_37 = arith.constant 0 : i32
        %dma_start3A_38 = arith.constant 0 : i32
        %dma_start3A_39 = tpu.memref_slice %arg2[%dma_start3A_37, %dma_start3A_38] : memref<50000x32xf32, #tpu.memory_space<hbm>> -> memref<50000x32xf32, #tpu.memory_space<hbm>>
        tpu.enqueue_indirect_dma source(%dma_start3A_39 : memref<50000x32xf32, #tpu.memory_space<hbm>>) target(%dma_start3A_33 : memref<128x32xf32, #tpu.memory_space<vmem>>) offsets(%dma_start3A_36 : memref<128xi32, #tpu.memory_space<vmem>>) semaphore(%arg15 : memref<!tpu.dma_semaphore, #tpu.memory_space<semaphore_mem>>)
        %dma_start3A_40 = arith.constant 1 : i32
        %dma_start3A_41 = arith.constant 1 : i32
        %dma_start3A_42 = arith.constant 0 : i32
        %dma_start3A_43 = arith.constant 0 : i32
        %dma_start3A_44 = tpu.memref_slice %arg12[%dma_start3A_41, %dma_start3A_42, %dma_start3A_43] : memref<3x128x32xf32, #tpu.memory_space<vmem>> -> memref<1x128x32xf32, #tpu.memory_space<vmem>>
        %dma_start3A_45 = tpu.memref_squeeze %dma_start3A_44 : memref<1x128x32xf32, #tpu.memory_space<vmem>> -> memref<128x32xf32, #tpu.memory_space<vmem>>
        %dma_start3A_46 = arith.constant 0 : i32
        %dma_start3A_47 = tpu.memref_slice %arg9[%dma_start3A_40, %dma_start3A_46] : memref<3x128xi32, #tpu.memory_space<vmem>> -> memref<1x128xi32, #tpu.memory_space<vmem>>
        %dma_start3A_48 = tpu.memref_squeeze %dma_start3A_47 : memref<1x128xi32, #tpu.memory_space<vmem>> -> memref<128xi32, #tpu.memory_space<vmem>>
        %dma_start3A_49 = arith.constant 0 : i32
        %dma_start3A_50 = arith.constant 0 : i32
        %dma_start3A_51 = tpu.memref_slice %arg2[%dma_start3A_49, %dma_start3A_50] : memref<50000x32xf32, #tpu.memory_space<hbm>> -> memref<50000x32xf32, #tpu.memory_space<hbm>>
        tpu.enqueue_indirect_dma source(%dma_start3A_51 : memref<50000x32xf32, #tpu.memory_space<hbm>>) target(%dma_start3A_45 : memref<128x32xf32, #tpu.memory_space<vmem>>) offsets(%dma_start3A_48 : memref<128xi32, #tpu.memory_space<vmem>>) semaphore(%arg15 : memref<!tpu.dma_semaphore, #tpu.memory_space<semaphore_mem>>)
        %dma_start3A_52 = arith.constant 2 : i32
        %dma_start3A_53 = arith.constant 2 : i32
        %dma_start3A_54 = arith.constant 0 : i32
        %dma_start3A_55 = arith.constant 0 : i32
        %dma_start3A_56 = tpu.memref_slice %arg12[%dma_start3A_53, %dma_start3A_54, %dma_start3A_55] : memref<3x128x32xf32, #tpu.memory_space<vmem>> -> memref<1x128x32xf32, #tpu.memory_space<vmem>>
        %dma_start3A_57 = tpu.memref_squeeze %dma_start3A_56 : memref<1x128x32xf32, #tpu.memory_space<vmem>> -> memref<128x32xf32, #tpu.memory_space<vmem>>
        %dma_start3A_58 = arith.constant 0 : i32
        %dma_start3A_59 = tpu.memref_slice %arg9[%dma_start3A_52, %dma_start3A_58] : memref<3x128xi32, #tpu.memory_space<vmem>> -> memref<1x128xi32, #tpu.memory_space<vmem>>
        %dma_start3A_60 = tpu.memref_squeeze %dma_start3A_59 : memref<1x128xi32, #tpu.memory_space<vmem>> -> memref<128xi32, #tpu.memory_space<vmem>>
        %dma_start3A_61 = arith.constant 0 : i32
        %dma_start3A_62 = arith.constant 0 : i32
        %dma_start3A_63 = tpu.memref_slice %arg2[%dma_start3A_61, %dma_start3A_62] : memref<50000x32xf32, #tpu.memory_space<hbm>> -> memref<50000x32xf32, #tpu.memory_space<hbm>>
        tpu.enqueue_indirect_dma source(%dma_start3A_63 : memref<50000x32xf32, #tpu.memory_space<hbm>>) target(%dma_start3A_57 : memref<128x32xf32, #tpu.memory_space<vmem>>) offsets(%dma_start3A_60 : memref<128xi32, #tpu.memory_space<vmem>>) semaphore(%arg15 : memref<!tpu.dma_semaphore, #tpu.memory_space<semaphore_mem>>)
        %add3A_64 = arith.constant 1 : i32
        %add3A_65 = arith.addi %add3A_28, %add3A_64 : i32
        %mul3A_66 = arith.constant 3 : i32
        %mul3A_67 = arith.muli %add3A_65, %mul3A_66 : i32
        %add3A_68 = arith.addi %mul3A_11, %mul3A_67 : i32
        "tpu.region"() ({
          %run_scoped3A = tpu.sem_alloc : memref<!tpu.dma_semaphore, #tpu.memory_space<semaphore_mem>>
          %dma_start3A_331 = arith.constant 0 : i32
          %dma_start3A_332 = tpu.memref_slice %arg4[%add3A_68, %dma_start3A_331] : memref<6384x128xi32, #tpu.memory_space<hbm>> -> memref<3x128xi32, #tpu.memory_space<hbm>>
          %dma_start3A_333 = arith.constant 0 : i32
          %dma_start3A_334 = tpu.memref_slice %arg4[%add3A_68, %dma_start3A_333] : memref<6384x128xi32, #tpu.memory_space<hbm>> -> memref<3x128xi32, #tpu.memory_space<hbm>>
          tpu.enqueue_dma source(%dma_start3A_334 : memref<3x128xi32, #tpu.memory_space<hbm>>) target(%arg10 : memref<3x128xi32, #tpu.memory_space<vmem>>) target_semaphore(%run_scoped3A : memref<!tpu.dma_semaphore, #tpu.memory_space<semaphore_mem>>)
          %dma_wait3A_335 = arith.constant 0 : i32
          %dma_wait3A_336 = tpu.memref_slice %arg4[%add3A_68, %dma_wait3A_335] : memref<6384x128xi32, #tpu.memory_space<hbm>> -> memref<3x128xi32, #tpu.memory_space<hbm>>
          %dma_wait3A_337 = arith.constant 0 : i32
          %dma_wait3A_338 = tpu.memref_slice %arg4[%add3A_68, %dma_wait3A_337] : memref<6384x128xi32, #tpu.memory_space<hbm>> -> memref<3x128xi32, #tpu.memory_space<hbm>>
          tpu.wait_dma2 semaphore(%run_scoped3A : memref<!tpu.dma_semaphore, #tpu.memory_space<semaphore_mem>>) src(%dma_wait3A_338 : memref<3x128xi32, #tpu.memory_space<hbm>>) dst(%arg10 : memref<3x128xi32, #tpu.memory_space<vmem>>)
          tpu.yield
        }) : () -> ()
        %mul3A_69 = arith.constant 3 : i32
        %mul3A_70 = arith.muli %add3A_65, %mul3A_69 : i32
        %add3A_71 = arith.addi %mul3A_11, %mul3A_70 : i32
        "tpu.region"() ({
          %run_scoped3A = tpu.sem_alloc : memref<!tpu.dma_semaphore, #tpu.memory_space<semaphore_mem>>
          %dma_start3A_331 = arith.constant 0 : i32
          %dma_start3A_332 = tpu.memref_slice %arg5[%add3A_71, %dma_start3A_331] : memref<6384x128xi32, #tpu.memory_space<hbm>> -> memref<3x128xi32, #tpu.memory_space<hbm>>
          %dma_start3A_333 = arith.constant 0 : i32
          %dma_start3A_334 = tpu.memref_slice %arg5[%add3A_71, %dma_start3A_333] : memref<6384x128xi32, #tpu.memory_space<hbm>> -> memref<3x128xi32, #tpu.memory_space<hbm>>
          tpu.enqueue_dma source(%dma_start3A_334 : memref<3x128xi32, #tpu.memory_space<hbm>>) target(%arg11 : memref<3x128xi32, #tpu.memory_space<vmem>>) target_semaphore(%run_scoped3A : memref<!tpu.dma_semaphore, #tpu.memory_space<semaphore_mem>>)
          %dma_wait3A_335 = arith.constant 0 : i32
          %dma_wait3A_336 = tpu.memref_slice %arg5[%add3A_71, %dma_wait3A_335] : memref<6384x128xi32, #tpu.memory_space<hbm>> -> memref<3x128xi32, #tpu.memory_space<hbm>>
          %dma_wait3A_337 = arith.constant 0 : i32
          %dma_wait3A_338 = tpu.memref_slice %arg5[%add3A_71, %dma_wait3A_337] : memref<6384x128xi32, #tpu.memory_space<hbm>> -> memref<3x128xi32, #tpu.memory_space<hbm>>
          tpu.wait_dma2 semaphore(%run_scoped3A : memref<!tpu.dma_semaphore, #tpu.memory_space<semaphore_mem>>) src(%dma_wait3A_338 : memref<3x128xi32, #tpu.memory_space<hbm>>) dst(%arg11 : memref<3x128xi32, #tpu.memory_space<vmem>>)
          tpu.yield
        }) : () -> ()
        %dma_start3A_72 = arith.constant 0 : i32
        %dma_start3A_73 = arith.constant 0 : i32
        %dma_start3A_74 = arith.constant 0 : i32
        %dma_start3A_75 = arith.constant 0 : i32
        %dma_start3A_76 = tpu.memref_slice %arg13[%dma_start3A_73, %dma_start3A_74, %dma_start3A_75] : memref<3x128x32xf32, #tpu.memory_space<vmem>> -> memref<1x128x32xf32, #tpu.memory_space<vmem>>
        %dma_start3A_77 = tpu.memref_squeeze %dma_start3A_76 : memref<1x128x32xf32, #tpu.memory_space<vmem>> -> memref<128x32xf32, #tpu.memory_space<vmem>>
        %dma_start3A_78 = arith.constant 0 : i32
        %dma_start3A_79 = tpu.memref_slice %arg11[%dma_start3A_72, %dma_start3A_78] : memref<3x128xi32, #tpu.memory_space<vmem>> -> memref<1x128xi32, #tpu.memory_space<vmem>>
        %dma_start3A_80 = tpu.memref_squeeze %dma_start3A_79 : memref<1x128xi32, #tpu.memory_space<vmem>> -> memref<128xi32, #tpu.memory_space<vmem>>
        %dma_start3A_81 = arith.constant 0 : i32
        %dma_start3A_82 = arith.constant 0 : i32
        %dma_start3A_83 = tpu.memref_slice %arg2[%dma_start3A_81, %dma_start3A_82] : memref<50000x32xf32, #tpu.memory_space<hbm>> -> memref<50000x32xf32, #tpu.memory_space<hbm>>
        tpu.enqueue_indirect_dma source(%dma_start3A_83 : memref<50000x32xf32, #tpu.memory_space<hbm>>) target(%dma_start3A_77 : memref<128x32xf32, #tpu.memory_space<vmem>>) offsets(%dma_start3A_80 : memref<128xi32, #tpu.memory_space<vmem>>) semaphore(%arg16 : memref<!tpu.dma_semaphore, #tpu.memory_space<semaphore_mem>>)
        %dma_start3A_84 = arith.constant 1 : i32
        %dma_start3A_85 = arith.constant 1 : i32
        %dma_start3A_86 = arith.constant 0 : i32
        %dma_start3A_87 = arith.constant 0 : i32
        %dma_start3A_88 = tpu.memref_slice %arg13[%dma_start3A_85, %dma_start3A_86, %dma_start3A_87] : memref<3x128x32xf32, #tpu.memory_space<vmem>> -> memref<1x128x32xf32, #tpu.memory_space<vmem>>
        %dma_start3A_89 = tpu.memref_squeeze %dma_start3A_88 : memref<1x128x32xf32, #tpu.memory_space<vmem>> -> memref<128x32xf32, #tpu.memory_space<vmem>>
        %dma_start3A_90 = arith.constant 0 : i32
        %dma_start3A_91 = tpu.memref_slice %arg11[%dma_start3A_84, %dma_start3A_90] : memref<3x128xi32, #tpu.memory_space<vmem>> -> memref<1x128xi32, #tpu.memory_space<vmem>>
        %dma_start3A_92 = tpu.memref_squeeze %dma_start3A_91 : memref<1x128xi32, #tpu.memory_space<vmem>> -> memref<128xi32, #tpu.memory_space<vmem>>
        %dma_start3A_93 = arith.constant 0 : i32
        %dma_start3A_94 = arith.constant 0 : i32
        %dma_start3A_95 = tpu.memref_slice %arg2[%dma_start3A_93, %dma_start3A_94] : memref<50000x32xf32, #tpu.memory_space<hbm>> -> memref<50000x32xf32, #tpu.memory_space<hbm>>
        tpu.enqueue_indirect_dma source(%dma_start3A_95 : memref<50000x32xf32, #tpu.memory_space<hbm>>) target(%dma_start3A_89 : memref<128x32xf32, #tpu.memory_space<vmem>>) offsets(%dma_start3A_92 : memref<128xi32, #tpu.memory_space<vmem>>) semaphore(%arg16 : memref<!tpu.dma_semaphore, #tpu.memory_space<semaphore_mem>>)
        %dma_start3A_96 = arith.constant 2 : i32
        %dma_start3A_97 = arith.constant 2 : i32
        %dma_start3A_98 = arith.constant 0 : i32
        %dma_start3A_99 = arith.constant 0 : i32
        %dma_start3A_100 = tpu.memref_slice %arg13[%dma_start3A_97, %dma_start3A_98, %dma_start3A_99] : memref<3x128x32xf32, #tpu.memory_space<vmem>> -> memref<1x128x32xf32, #tpu.memory_space<vmem>>
        %dma_start3A_101 = tpu.memref_squeeze %dma_start3A_100 : memref<1x128x32xf32, #tpu.memory_space<vmem>> -> memref<128x32xf32, #tpu.memory_space<vmem>>
        %dma_start3A_102 = arith.constant 0 : i32
        %dma_start3A_103 = tpu.memref_slice %arg11[%dma_start3A_96, %dma_start3A_102] : memref<3x128xi32, #tpu.memory_space<vmem>> -> memref<1x128xi32, #tpu.memory_space<vmem>>
        %dma_start3A_104 = tpu.memref_squeeze %dma_start3A_103 : memref<1x128xi32, #tpu.memory_space<vmem>> -> memref<128xi32, #tpu.memory_space<vmem>>
        %dma_start3A_105 = arith.constant 0 : i32
        %dma_start3A_106 = arith.constant 0 : i32
        %dma_start3A_107 = tpu.memref_slice %arg2[%dma_start3A_105, %dma_start3A_106] : memref<50000x32xf32, #tpu.memory_space<hbm>> -> memref<50000x32xf32, #tpu.memory_space<hbm>>
        tpu.enqueue_indirect_dma source(%dma_start3A_107 : memref<50000x32xf32, #tpu.memory_space<hbm>>) target(%dma_start3A_101 : memref<128x32xf32, #tpu.memory_space<vmem>>) offsets(%dma_start3A_104 : memref<128xi32, #tpu.memory_space<vmem>>) semaphore(%arg16 : memref<!tpu.dma_semaphore, #tpu.memory_space<semaphore_mem>>)
        %dma_wait3A = arith.constant 0 : i32
        %dma_wait3A_108 = arith.constant 0 : i32
        %dma_wait3A_109 = arith.constant 0 : i32
        %dma_wait3A_110 = arith.constant 0 : i32
        %dma_wait3A_111 = tpu.memref_slice %arg12[%dma_wait3A_108, %dma_wait3A_109, %dma_wait3A_110] : memref<3x128x32xf32, #tpu.memory_space<vmem>> -> memref<1x128x32xf32, #tpu.memory_space<vmem>>
        %dma_wait3A_112 = tpu.memref_squeeze %dma_wait3A_111 : memref<1x128x32xf32, #tpu.memory_space<vmem>> -> memref<128x32xf32, #tpu.memory_space<vmem>>
        %dma_wait3A_113 = arith.constant 0 : i32
        %dma_wait3A_114 = tpu.memref_slice %arg9[%dma_wait3A, %dma_wait3A_113] : memref<3x128xi32, #tpu.memory_space<vmem>> -> memref<1x128xi32, #tpu.memory_space<vmem>>
        %dma_wait3A_115 = tpu.memref_squeeze %dma_wait3A_114 : memref<1x128xi32, #tpu.memory_space<vmem>> -> memref<128xi32, #tpu.memory_space<vmem>>
        %dma_wait3A_116 = arith.constant 0 : i32
        %dma_wait3A_117 = arith.constant 0 : i32
        %dma_wait3A_118 = tpu.memref_slice %arg2[%dma_wait3A_116, %dma_wait3A_117] : memref<50000x32xf32, #tpu.memory_space<hbm>> -> memref<50000x32xf32, #tpu.memory_space<hbm>>
        tpu.wait_indirect_dma semaphore(%arg15 : memref<!tpu.dma_semaphore, #tpu.memory_space<semaphore_mem>>) src(%dma_wait3A_118 : memref<50000x32xf32, #tpu.memory_space<hbm>>) dst(%dma_wait3A_112 : memref<128x32xf32, #tpu.memory_space<vmem>>)
        %dma_wait3A_119 = arith.constant 1 : i32
        %dma_wait3A_120 = arith.constant 1 : i32
        %dma_wait3A_121 = arith.constant 0 : i32
        %dma_wait3A_122 = arith.constant 0 : i32
        %dma_wait3A_123 = tpu.memref_slice %arg12[%dma_wait3A_120, %dma_wait3A_121, %dma_wait3A_122] : memref<3x128x32xf32, #tpu.memory_space<vmem>> -> memref<1x128x32xf32, #tpu.memory_space<vmem>>
        %dma_wait3A_124 = tpu.memref_squeeze %dma_wait3A_123 : memref<1x128x32xf32, #tpu.memory_space<vmem>> -> memref<128x32xf32, #tpu.memory_space<vmem>>
        %dma_wait3A_125 = arith.constant 0 : i32
        %dma_wait3A_126 = tpu.memref_slice %arg9[%dma_wait3A_119, %dma_wait3A_125] : memref<3x128xi32, #tpu.memory_space<vmem>> -> memref<1x128xi32, #tpu.memory_space<vmem>>
        %dma_wait3A_127 = tpu.memref_squeeze %dma_wait3A_126 : memref<1x128xi32, #tpu.memory_space<vmem>> -> memref<128xi32, #tpu.memory_space<vmem>>
        %dma_wait3A_128 = arith.constant 0 : i32
        %dma_wait3A_129 = arith.constant 0 : i32
        %dma_wait3A_130 = tpu.memref_slice %arg2[%dma_wait3A_128, %dma_wait3A_129] : memref<50000x32xf32, #tpu.memory_space<hbm>> -> memref<50000x32xf32, #tpu.memory_space<hbm>>
        tpu.wait_indirect_dma semaphore(%arg15 : memref<!tpu.dma_semaphore, #tpu.memory_space<semaphore_mem>>) src(%dma_wait3A_130 : memref<50000x32xf32, #tpu.memory_space<hbm>>) dst(%dma_wait3A_124 : memref<128x32xf32, #tpu.memory_space<vmem>>)
        %dma_wait3A_131 = arith.constant 2 : i32
        %dma_wait3A_132 = arith.constant 2 : i32
        %dma_wait3A_133 = arith.constant 0 : i32
        %dma_wait3A_134 = arith.constant 0 : i32
        %dma_wait3A_135 = tpu.memref_slice %arg12[%dma_wait3A_132, %dma_wait3A_133, %dma_wait3A_134] : memref<3x128x32xf32, #tpu.memory_space<vmem>> -> memref<1x128x32xf32, #tpu.memory_space<vmem>>
        %dma_wait3A_136 = tpu.memref_squeeze %dma_wait3A_135 : memref<1x128x32xf32, #tpu.memory_space<vmem>> -> memref<128x32xf32, #tpu.memory_space<vmem>>
        %dma_wait3A_137 = arith.constant 0 : i32
        %dma_wait3A_138 = tpu.memref_slice %arg9[%dma_wait3A_131, %dma_wait3A_137] : memref<3x128xi32, #tpu.memory_space<vmem>> -> memref<1x128xi32, #tpu.memory_space<vmem>>
        %dma_wait3A_139 = tpu.memref_squeeze %dma_wait3A_138 : memref<1x128xi32, #tpu.memory_space<vmem>> -> memref<128xi32, #tpu.memory_space<vmem>>
        %dma_wait3A_140 = arith.constant 0 : i32
        %dma_wait3A_141 = arith.constant 0 : i32
        %dma_wait3A_142 = tpu.memref_slice %arg2[%dma_wait3A_140, %dma_wait3A_141] : memref<50000x32xf32, #tpu.memory_space<hbm>> -> memref<50000x32xf32, #tpu.memory_space<hbm>>
        tpu.wait_indirect_dma semaphore(%arg15 : memref<!tpu.dma_semaphore, #tpu.memory_space<semaphore_mem>>) src(%dma_wait3A_142 : memref<50000x32xf32, #tpu.memory_space<hbm>>) dst(%dma_wait3A_136 : memref<128x32xf32, #tpu.memory_space<vmem>>)
        %dma_start3A_143 = arith.constant 0 : i32
        %dma_start3A_144 = arith.constant 0 : i32
        %dma_start3A_145 = arith.constant 0 : i32
        %dma_start3A_146 = arith.constant 0 : i32
        %dma_start3A_147 = tpu.memref_slice %arg12[%dma_start3A_143, %dma_start3A_145, %dma_start3A_146] : memref<3x128x32xf32, #tpu.memory_space<vmem>> -> memref<1x128x32xf32, #tpu.memory_space<vmem>>
        %dma_start3A_148 = tpu.memref_squeeze %dma_start3A_147 : memref<1x128x32xf32, #tpu.memory_space<vmem>> -> memref<128x32xf32, #tpu.memory_space<vmem>>
        %dma_start3A_149 = arith.constant 0 : i32
        %dma_start3A_150 = tpu.memref_slice %arg8[%dma_start3A_144, %dma_start3A_149] : memref<3x128xi32, #tpu.memory_space<vmem>> -> memref<1x128xi32, #tpu.memory_space<vmem>>
        %dma_start3A_151 = tpu.memref_squeeze %dma_start3A_150 : memref<1x128xi32, #tpu.memory_space<vmem>> -> memref<128xi32, #tpu.memory_space<vmem>>
        %dma_start3A_152 = arith.constant 0 : i32
        %dma_start3A_153 = arith.constant 0 : i32
        %dma_start3A_154 = tpu.memref_slice %arg14[%dma_start3A_152, %dma_start3A_153] : memref<50016x32xf32, #tpu.memory_space<vmem_shared>> -> memref<50016x32xf32, #tpu.memory_space<vmem_shared>>
        tpu.enqueue_indirect_dma source(%dma_start3A_148 : memref<128x32xf32, #tpu.memory_space<vmem>>) target(%dma_start3A_154 : memref<50016x32xf32, #tpu.memory_space<vmem_shared>>) offsets(%dma_start3A_151 : memref<128xi32, #tpu.memory_space<vmem>>) semaphore(%arg17 : memref<!tpu.dma_semaphore, #tpu.memory_space<semaphore_mem>>) {add = true}
        %dma_start3A_155 = arith.constant 1 : i32
        %dma_start3A_156 = arith.constant 1 : i32
        %dma_start3A_157 = arith.constant 0 : i32
        %dma_start3A_158 = arith.constant 0 : i32
        %dma_start3A_159 = tpu.memref_slice %arg12[%dma_start3A_155, %dma_start3A_157, %dma_start3A_158] : memref<3x128x32xf32, #tpu.memory_space<vmem>> -> memref<1x128x32xf32, #tpu.memory_space<vmem>>
        %dma_start3A_160 = tpu.memref_squeeze %dma_start3A_159 : memref<1x128x32xf32, #tpu.memory_space<vmem>> -> memref<128x32xf32, #tpu.memory_space<vmem>>
        %dma_start3A_161 = arith.constant 0 : i32
        %dma_start3A_162 = tpu.memref_slice %arg8[%dma_start3A_156, %dma_start3A_161] : memref<3x128xi32, #tpu.memory_space<vmem>> -> memref<1x128xi32, #tpu.memory_space<vmem>>
        %dma_start3A_163 = tpu.memref_squeeze %dma_start3A_162 : memref<1x128xi32, #tpu.memory_space<vmem>> -> memref<128xi32, #tpu.memory_space<vmem>>
        %dma_start3A_164 = arith.constant 0 : i32
        %dma_start3A_165 = arith.constant 0 : i32
        %dma_start3A_166 = tpu.memref_slice %arg14[%dma_start3A_164, %dma_start3A_165] : memref<50016x32xf32, #tpu.memory_space<vmem_shared>> -> memref<50016x32xf32, #tpu.memory_space<vmem_shared>>
        tpu.enqueue_indirect_dma source(%dma_start3A_160 : memref<128x32xf32, #tpu.memory_space<vmem>>) target(%dma_start3A_166 : memref<50016x32xf32, #tpu.memory_space<vmem_shared>>) offsets(%dma_start3A_163 : memref<128xi32, #tpu.memory_space<vmem>>) semaphore(%arg17 : memref<!tpu.dma_semaphore, #tpu.memory_space<semaphore_mem>>) {add = true}
        %dma_start3A_167 = arith.constant 2 : i32
        %dma_start3A_168 = arith.constant 2 : i32
        %dma_start3A_169 = arith.constant 0 : i32
        %dma_start3A_170 = arith.constant 0 : i32
        %dma_start3A_171 = tpu.memref_slice %arg12[%dma_start3A_167, %dma_start3A_169, %dma_start3A_170] : memref<3x128x32xf32, #tpu.memory_space<vmem>> -> memref<1x128x32xf32, #tpu.memory_space<vmem>>
        %dma_start3A_172 = tpu.memref_squeeze %dma_start3A_171 : memref<1x128x32xf32, #tpu.memory_space<vmem>> -> memref<128x32xf32, #tpu.memory_space<vmem>>
        %dma_start3A_173 = arith.constant 0 : i32
        %dma_start3A_174 = tpu.memref_slice %arg8[%dma_start3A_168, %dma_start3A_173] : memref<3x128xi32, #tpu.memory_space<vmem>> -> memref<1x128xi32, #tpu.memory_space<vmem>>
        %dma_start3A_175 = tpu.memref_squeeze %dma_start3A_174 : memref<1x128xi32, #tpu.memory_space<vmem>> -> memref<128xi32, #tpu.memory_space<vmem>>
        %dma_start3A_176 = arith.constant 0 : i32
        %dma_start3A_177 = arith.constant 0 : i32
        %dma_start3A_178 = tpu.memref_slice %arg14[%dma_start3A_176, %dma_start3A_177] : memref<50016x32xf32, #tpu.memory_space<vmem_shared>> -> memref<50016x32xf32, #tpu.memory_space<vmem_shared>>
        tpu.enqueue_indirect_dma source(%dma_start3A_172 : memref<128x32xf32, #tpu.memory_space<vmem>>) target(%dma_start3A_178 : memref<50016x32xf32, #tpu.memory_space<vmem_shared>>) offsets(%dma_start3A_175 : memref<128xi32, #tpu.memory_space<vmem>>) semaphore(%arg17 : memref<!tpu.dma_semaphore, #tpu.memory_space<semaphore_mem>>) {add = true}
        %dma_wait3A_179 = arith.constant 0 : i32
        %dma_wait3A_180 = arith.constant 0 : i32
        %dma_wait3A_181 = arith.constant 0 : i32
        %dma_wait3A_182 = arith.constant 0 : i32
        %dma_wait3A_183 = tpu.memref_slice %arg12[%dma_wait3A_179, %dma_wait3A_181, %dma_wait3A_182] : memref<3x128x32xf32, #tpu.memory_space<vmem>> -> memref<1x128x32xf32, #tpu.memory_space<vmem>>
        %dma_wait3A_184 = tpu.memref_squeeze %dma_wait3A_183 : memref<1x128x32xf32, #tpu.memory_space<vmem>> -> memref<128x32xf32, #tpu.memory_space<vmem>>
        %dma_wait3A_185 = arith.constant 0 : i32
        %dma_wait3A_186 = tpu.memref_slice %arg8[%dma_wait3A_180, %dma_wait3A_185] : memref<3x128xi32, #tpu.memory_space<vmem>> -> memref<1x128xi32, #tpu.memory_space<vmem>>
        %dma_wait3A_187 = tpu.memref_squeeze %dma_wait3A_186 : memref<1x128xi32, #tpu.memory_space<vmem>> -> memref<128xi32, #tpu.memory_space<vmem>>
        %dma_wait3A_188 = arith.constant 0 : i32
        %dma_wait3A_189 = arith.constant 0 : i32
        %dma_wait3A_190 = tpu.memref_slice %arg14[%dma_wait3A_188, %dma_wait3A_189] : memref<50016x32xf32, #tpu.memory_space<vmem_shared>> -> memref<50016x32xf32, #tpu.memory_space<vmem_shared>>
        tpu.wait_indirect_dma semaphore(%arg17 : memref<!tpu.dma_semaphore, #tpu.memory_space<semaphore_mem>>) src(%dma_wait3A_184 : memref<128x32xf32, #tpu.memory_space<vmem>>) dst(%dma_wait3A_190 : memref<50016x32xf32, #tpu.memory_space<vmem_shared>>)
        %dma_wait3A_191 = arith.constant 1 : i32
        %dma_wait3A_192 = arith.constant 1 : i32
        %dma_wait3A_193 = arith.constant 0 : i32
        %dma_wait3A_194 = arith.constant 0 : i32
        %dma_wait3A_195 = tpu.memref_slice %arg12[%dma_wait3A_191, %dma_wait3A_193, %dma_wait3A_194] : memref<3x128x32xf32, #tpu.memory_space<vmem>> -> memref<1x128x32xf32, #tpu.memory_space<vmem>>
        %dma_wait3A_196 = tpu.memref_squeeze %dma_wait3A_195 : memref<1x128x32xf32, #tpu.memory_space<vmem>> -> memref<128x32xf32, #tpu.memory_space<vmem>>
        %dma_wait3A_197 = arith.constant 0 : i32
        %dma_wait3A_198 = tpu.memref_slice %arg8[%dma_wait3A_192, %dma_wait3A_197] : memref<3x128xi32, #tpu.memory_space<vmem>> -> memref<1x128xi32, #tpu.memory_space<vmem>>
        %dma_wait3A_199 = tpu.memref_squeeze %dma_wait3A_198 : memref<1x128xi32, #tpu.memory_space<vmem>> -> memref<128xi32, #tpu.memory_space<vmem>>
        %dma_wait3A_200 = arith.constant 0 : i32
        %dma_wait3A_201 = arith.constant 0 : i32
        %dma_wait3A_202 = tpu.memref_slice %arg14[%dma_wait3A_200, %dma_wait3A_201] : memref<50016x32xf32, #tpu.memory_space<vmem_shared>> -> memref<50016x32xf32, #tpu.memory_space<vmem_shared>>
        tpu.wait_indirect_dma semaphore(%arg17 : memref<!tpu.dma_semaphore, #tpu.memory_space<semaphore_mem>>) src(%dma_wait3A_196 : memref<128x32xf32, #tpu.memory_space<vmem>>) dst(%dma_wait3A_202 : memref<50016x32xf32, #tpu.memory_space<vmem_shared>>)
        %dma_wait3A_203 = arith.constant 2 : i32
        %dma_wait3A_204 = arith.constant 2 : i32
        %dma_wait3A_205 = arith.constant 0 : i32
        %dma_wait3A_206 = arith.constant 0 : i32
        %dma_wait3A_207 = tpu.memref_slice %arg12[%dma_wait3A_203, %dma_wait3A_205, %dma_wait3A_206] : memref<3x128x32xf32, #tpu.memory_space<vmem>> -> memref<1x128x32xf32, #tpu.memory_space<vmem>>
        %dma_wait3A_208 = tpu.memref_squeeze %dma_wait3A_207 : memref<1x128x32xf32, #tpu.memory_space<vmem>> -> memref<128x32xf32, #tpu.memory_space<vmem>>
        %dma_wait3A_209 = arith.constant 0 : i32
        %dma_wait3A_210 = tpu.memref_slice %arg8[%dma_wait3A_204, %dma_wait3A_209] : memref<3x128xi32, #tpu.memory_space<vmem>> -> memref<1x128xi32, #tpu.memory_space<vmem>>
        %dma_wait3A_211 = tpu.memref_squeeze %dma_wait3A_210 : memref<1x128xi32, #tpu.memory_space<vmem>> -> memref<128xi32, #tpu.memory_space<vmem>>
        %dma_wait3A_212 = arith.constant 0 : i32
        %dma_wait3A_213 = arith.constant 0 : i32
        %dma_wait3A_214 = tpu.memref_slice %arg14[%dma_wait3A_212, %dma_wait3A_213] : memref<50016x32xf32, #tpu.memory_space<vmem_shared>> -> memref<50016x32xf32, #tpu.memory_space<vmem_shared>>
        tpu.wait_indirect_dma semaphore(%arg17 : memref<!tpu.dma_semaphore, #tpu.memory_space<semaphore_mem>>) src(%dma_wait3A_208 : memref<128x32xf32, #tpu.memory_space<vmem>>) dst(%dma_wait3A_214 : memref<50016x32xf32, #tpu.memory_space<vmem_shared>>)
        %add3A_215 = arith.constant 2 : i32
        %add3A_216 = arith.addi %add3A_28, %add3A_215 : i32
        %mul3A_217 = arith.constant 3 : i32
        %mul3A_218 = arith.muli %add3A_216, %mul3A_217 : i32
        %add3A_219 = arith.addi %mul3A_11, %mul3A_218 : i32
        "tpu.region"() ({
          %run_scoped3A = tpu.sem_alloc : memref<!tpu.dma_semaphore, #tpu.memory_space<semaphore_mem>>
          %dma_start3A_331 = arith.constant 0 : i32
          %dma_start3A_332 = tpu.memref_slice %arg4[%add3A_219, %dma_start3A_331] : memref<6384x128xi32, #tpu.memory_space<hbm>> -> memref<3x128xi32, #tpu.memory_space<hbm>>
          %dma_start3A_333 = arith.constant 0 : i32
          %dma_start3A_334 = tpu.memref_slice %arg4[%add3A_219, %dma_start3A_333] : memref<6384x128xi32, #tpu.memory_space<hbm>> -> memref<3x128xi32, #tpu.memory_space<hbm>>
          tpu.enqueue_dma source(%dma_start3A_334 : memref<3x128xi32, #tpu.memory_space<hbm>>) target(%arg8 : memref<3x128xi32, #tpu.memory_space<vmem>>) target_semaphore(%run_scoped3A : memref<!tpu.dma_semaphore, #tpu.memory_space<semaphore_mem>>)
          %dma_wait3A_335 = arith.constant 0 : i32
          %dma_wait3A_336 = tpu.memref_slice %arg4[%add3A_219, %dma_wait3A_335] : memref<6384x128xi32, #tpu.memory_space<hbm>> -> memref<3x128xi32, #tpu.memory_space<hbm>>
          %dma_wait3A_337 = arith.constant 0 : i32
          %dma_wait3A_338 = tpu.memref_slice %arg4[%add3A_219, %dma_wait3A_337] : memref<6384x128xi32, #tpu.memory_space<hbm>> -> memref<3x128xi32, #tpu.memory_space<hbm>>
          tpu.wait_dma2 semaphore(%run_scoped3A : memref<!tpu.dma_semaphore, #tpu.memory_space<semaphore_mem>>) src(%dma_wait3A_338 : memref<3x128xi32, #tpu.memory_space<hbm>>) dst(%arg8 : memref<3x128xi32, #tpu.memory_space<vmem>>)
          tpu.yield
        }) : () -> ()
        %mul3A_220 = arith.constant 3 : i32
        %mul3A_221 = arith.muli %add3A_216, %mul3A_220 : i32
        %add3A_222 = arith.addi %mul3A_11, %mul3A_221 : i32
        "tpu.region"() ({
          %run_scoped3A = tpu.sem_alloc : memref<!tpu.dma_semaphore, #tpu.memory_space<semaphore_mem>>
          %dma_start3A_331 = arith.constant 0 : i32
          %dma_start3A_332 = tpu.memref_slice %arg5[%add3A_222, %dma_start3A_331] : memref<6384x128xi32, #tpu.memory_space<hbm>> -> memref<3x128xi32, #tpu.memory_space<hbm>>
          %dma_start3A_333 = arith.constant 0 : i32
          %dma_start3A_334 = tpu.memref_slice %arg5[%add3A_222, %dma_start3A_333] : memref<6384x128xi32, #tpu.memory_space<hbm>> -> memref<3x128xi32, #tpu.memory_space<hbm>>
          tpu.enqueue_dma source(%dma_start3A_334 : memref<3x128xi32, #tpu.memory_space<hbm>>) target(%arg9 : memref<3x128xi32, #tpu.memory_space<vmem>>) target_semaphore(%run_scoped3A : memref<!tpu.dma_semaphore, #tpu.memory_space<semaphore_mem>>)
          %dma_wait3A_335 = arith.constant 0 : i32
          %dma_wait3A_336 = tpu.memref_slice %arg5[%add3A_222, %dma_wait3A_335] : memref<6384x128xi32, #tpu.memory_space<hbm>> -> memref<3x128xi32, #tpu.memory_space<hbm>>
          %dma_wait3A_337 = arith.constant 0 : i32
          %dma_wait3A_338 = tpu.memref_slice %arg5[%add3A_222, %dma_wait3A_337] : memref<6384x128xi32, #tpu.memory_space<hbm>> -> memref<3x128xi32, #tpu.memory_space<hbm>>
          tpu.wait_dma2 semaphore(%run_scoped3A : memref<!tpu.dma_semaphore, #tpu.memory_space<semaphore_mem>>) src(%dma_wait3A_338 : memref<3x128xi32, #tpu.memory_space<hbm>>) dst(%arg9 : memref<3x128xi32, #tpu.memory_space<vmem>>)
          tpu.yield
        }) : () -> ()
        %dma_wait3A_223 = arith.constant 0 : i32
        %dma_wait3A_224 = arith.constant 0 : i32
        %dma_wait3A_225 = arith.constant 0 : i32
        %dma_wait3A_226 = arith.constant 0 : i32
        %dma_wait3A_227 = tpu.memref_slice %arg13[%dma_wait3A_224, %dma_wait3A_225, %dma_wait3A_226] : memref<3x128x32xf32, #tpu.memory_space<vmem>> -> memref<1x128x32xf32, #tpu.memory_space<vmem>>
        %dma_wait3A_228 = tpu.memref_squeeze %dma_wait3A_227 : memref<1x128x32xf32, #tpu.memory_space<vmem>> -> memref<128x32xf32, #tpu.memory_space<vmem>>
        %dma_wait3A_229 = arith.constant 0 : i32
        %dma_wait3A_230 = tpu.memref_slice %arg11[%dma_wait3A_223, %dma_wait3A_229] : memref<3x128xi32, #tpu.memory_space<vmem>> -> memref<1x128xi32, #tpu.memory_space<vmem>>
        %dma_wait3A_231 = tpu.memref_squeeze %dma_wait3A_230 : memref<1x128xi32, #tpu.memory_space<vmem>> -> memref<128xi32, #tpu.memory_space<vmem>>
        %dma_wait3A_232 = arith.constant 0 : i32
        %dma_wait3A_233 = arith.constant 0 : i32
        %dma_wait3A_234 = tpu.memref_slice %arg2[%dma_wait3A_232, %dma_wait3A_233] : memref<50000x32xf32, #tpu.memory_space<hbm>> -> memref<50000x32xf32, #tpu.memory_space<hbm>>
        tpu.wait_indirect_dma semaphore(%arg16 : memref<!tpu.dma_semaphore, #tpu.memory_space<semaphore_mem>>) src(%dma_wait3A_234 : memref<50000x32xf32, #tpu.memory_space<hbm>>) dst(%dma_wait3A_228 : memref<128x32xf32, #tpu.memory_space<vmem>>)
        %dma_wait3A_235 = arith.constant 1 : i32
        %dma_wait3A_236 = arith.constant 1 : i32
        %dma_wait3A_237 = arith.constant 0 : i32
        %dma_wait3A_238 = arith.constant 0 : i32
        %dma_wait3A_239 = tpu.memref_slice %arg13[%dma_wait3A_236, %dma_wait3A_237, %dma_wait3A_238] : memref<3x128x32xf32, #tpu.memory_space<vmem>> -> memref<1x128x32xf32, #tpu.memory_space<vmem>>
        %dma_wait3A_240 = tpu.memref_squeeze %dma_wait3A_239 : memref<1x128x32xf32, #tpu.memory_space<vmem>> -> memref<128x32xf32, #tpu.memory_space<vmem>>
        %dma_wait3A_241 = arith.constant 0 : i32
        %dma_wait3A_242 = tpu.memref_slice %arg11[%dma_wait3A_235, %dma_wait3A_241] : memref<3x128xi32, #tpu.memory_space<vmem>> -> memref<1x128xi32, #tpu.memory_space<vmem>>
        %dma_wait3A_243 = tpu.memref_squeeze %dma_wait3A_242 : memref<1x128xi32, #tpu.memory_space<vmem>> -> memref<128xi32, #tpu.memory_space<vmem>>
        %dma_wait3A_244 = arith.constant 0 : i32
        %dma_wait3A_245 = arith.constant 0 : i32
        %dma_wait3A_246 = tpu.memref_slice %arg2[%dma_wait3A_244, %dma_wait3A_245] : memref<50000x32xf32, #tpu.memory_space<hbm>> -> memref<50000x32xf32, #tpu.memory_space<hbm>>
        tpu.wait_indirect_dma semaphore(%arg16 : memref<!tpu.dma_semaphore, #tpu.memory_space<semaphore_mem>>) src(%dma_wait3A_246 : memref<50000x32xf32, #tpu.memory_space<hbm>>) dst(%dma_wait3A_240 : memref<128x32xf32, #tpu.memory_space<vmem>>)
        %dma_wait3A_247 = arith.constant 2 : i32
        %dma_wait3A_248 = arith.constant 2 : i32
        %dma_wait3A_249 = arith.constant 0 : i32
        %dma_wait3A_250 = arith.constant 0 : i32
        %dma_wait3A_251 = tpu.memref_slice %arg13[%dma_wait3A_248, %dma_wait3A_249, %dma_wait3A_250] : memref<3x128x32xf32, #tpu.memory_space<vmem>> -> memref<1x128x32xf32, #tpu.memory_space<vmem>>
        %dma_wait3A_252 = tpu.memref_squeeze %dma_wait3A_251 : memref<1x128x32xf32, #tpu.memory_space<vmem>> -> memref<128x32xf32, #tpu.memory_space<vmem>>
        %dma_wait3A_253 = arith.constant 0 : i32
        %dma_wait3A_254 = tpu.memref_slice %arg11[%dma_wait3A_247, %dma_wait3A_253] : memref<3x128xi32, #tpu.memory_space<vmem>> -> memref<1x128xi32, #tpu.memory_space<vmem>>
        %dma_wait3A_255 = tpu.memref_squeeze %dma_wait3A_254 : memref<1x128xi32, #tpu.memory_space<vmem>> -> memref<128xi32, #tpu.memory_space<vmem>>
        %dma_wait3A_256 = arith.constant 0 : i32
        %dma_wait3A_257 = arith.constant 0 : i32
        %dma_wait3A_258 = tpu.memref_slice %arg2[%dma_wait3A_256, %dma_wait3A_257] : memref<50000x32xf32, #tpu.memory_space<hbm>> -> memref<50000x32xf32, #tpu.memory_space<hbm>>
        tpu.wait_indirect_dma semaphore(%arg16 : memref<!tpu.dma_semaphore, #tpu.memory_space<semaphore_mem>>) src(%dma_wait3A_258 : memref<50000x32xf32, #tpu.memory_space<hbm>>) dst(%dma_wait3A_252 : memref<128x32xf32, #tpu.memory_space<vmem>>)
        %dma_start3A_259 = arith.constant 0 : i32
        %dma_start3A_260 = arith.constant 0 : i32
        %dma_start3A_261 = arith.constant 0 : i32
        %dma_start3A_262 = arith.constant 0 : i32
        %dma_start3A_263 = tpu.memref_slice %arg13[%dma_start3A_259, %dma_start3A_261, %dma_start3A_262] : memref<3x128x32xf32, #tpu.memory_space<vmem>> -> memref<1x128x32xf32, #tpu.memory_space<vmem>>
        %dma_start3A_264 = tpu.memref_squeeze %dma_start3A_263 : memref<1x128x32xf32, #tpu.memory_space<vmem>> -> memref<128x32xf32, #tpu.memory_space<vmem>>
        %dma_start3A_265 = arith.constant 0 : i32
        %dma_start3A_266 = tpu.memref_slice %arg10[%dma_start3A_260, %dma_start3A_265] : memref<3x128xi32, #tpu.memory_space<vmem>> -> memref<1x128xi32, #tpu.memory_space<vmem>>
        %dma_start3A_267 = tpu.memref_squeeze %dma_start3A_266 : memref<1x128xi32, #tpu.memory_space<vmem>> -> memref<128xi32, #tpu.memory_space<vmem>>
        %dma_start3A_268 = arith.constant 0 : i32
        %dma_start3A_269 = arith.constant 0 : i32
        %dma_start3A_270 = tpu.memref_slice %arg14[%dma_start3A_268, %dma_start3A_269] : memref<50016x32xf32, #tpu.memory_space<vmem_shared>> -> memref<50016x32xf32, #tpu.memory_space<vmem_shared>>
        tpu.enqueue_indirect_dma source(%dma_start3A_264 : memref<128x32xf32, #tpu.memory_space<vmem>>) target(%dma_start3A_270 : memref<50016x32xf32, #tpu.memory_space<vmem_shared>>) offsets(%dma_start3A_267 : memref<128xi32, #tpu.memory_space<vmem>>) semaphore(%arg18 : memref<!tpu.dma_semaphore, #tpu.memory_space<semaphore_mem>>) {add = true}
        %dma_start3A_271 = arith.constant 1 : i32
        %dma_start3A_272 = arith.constant 1 : i32
        %dma_start3A_273 = arith.constant 0 : i32
        %dma_start3A_274 = arith.constant 0 : i32
        %dma_start3A_275 = tpu.memref_slice %arg13[%dma_start3A_271, %dma_start3A_273, %dma_start3A_274] : memref<3x128x32xf32, #tpu.memory_space<vmem>> -> memref<1x128x32xf32, #tpu.memory_space<vmem>>
        %dma_start3A_276 = tpu.memref_squeeze %dma_start3A_275 : memref<1x128x32xf32, #tpu.memory_space<vmem>> -> memref<128x32xf32, #tpu.memory_space<vmem>>
        %dma_start3A_277 = arith.constant 0 : i32
        %dma_start3A_278 = tpu.memref_slice %arg10[%dma_start3A_272, %dma_start3A_277] : memref<3x128xi32, #tpu.memory_space<vmem>> -> memref<1x128xi32, #tpu.memory_space<vmem>>
        %dma_start3A_279 = tpu.memref_squeeze %dma_start3A_278 : memref<1x128xi32, #tpu.memory_space<vmem>> -> memref<128xi32, #tpu.memory_space<vmem>>
        %dma_start3A_280 = arith.constant 0 : i32
        %dma_start3A_281 = arith.constant 0 : i32
        %dma_start3A_282 = tpu.memref_slice %arg14[%dma_start3A_280, %dma_start3A_281] : memref<50016x32xf32, #tpu.memory_space<vmem_shared>> -> memref<50016x32xf32, #tpu.memory_space<vmem_shared>>
        tpu.enqueue_indirect_dma source(%dma_start3A_276 : memref<128x32xf32, #tpu.memory_space<vmem>>) target(%dma_start3A_282 : memref<50016x32xf32, #tpu.memory_space<vmem_shared>>) offsets(%dma_start3A_279 : memref<128xi32, #tpu.memory_space<vmem>>) semaphore(%arg18 : memref<!tpu.dma_semaphore, #tpu.memory_space<semaphore_mem>>) {add = true}
        %dma_start3A_283 = arith.constant 2 : i32
        %dma_start3A_284 = arith.constant 2 : i32
        %dma_start3A_285 = arith.constant 0 : i32
        %dma_start3A_286 = arith.constant 0 : i32
        %dma_start3A_287 = tpu.memref_slice %arg13[%dma_start3A_283, %dma_start3A_285, %dma_start3A_286] : memref<3x128x32xf32, #tpu.memory_space<vmem>> -> memref<1x128x32xf32, #tpu.memory_space<vmem>>
        %dma_start3A_288 = tpu.memref_squeeze %dma_start3A_287 : memref<1x128x32xf32, #tpu.memory_space<vmem>> -> memref<128x32xf32, #tpu.memory_space<vmem>>
        %dma_start3A_289 = arith.constant 0 : i32
        %dma_start3A_290 = tpu.memref_slice %arg10[%dma_start3A_284, %dma_start3A_289] : memref<3x128xi32, #tpu.memory_space<vmem>> -> memref<1x128xi32, #tpu.memory_space<vmem>>
        %dma_start3A_291 = tpu.memref_squeeze %dma_start3A_290 : memref<1x128xi32, #tpu.memory_space<vmem>> -> memref<128xi32, #tpu.memory_space<vmem>>
        %dma_start3A_292 = arith.constant 0 : i32
        %dma_start3A_293 = arith.constant 0 : i32
        %dma_start3A_294 = tpu.memref_slice %arg14[%dma_start3A_292, %dma_start3A_293] : memref<50016x32xf32, #tpu.memory_space<vmem_shared>> -> memref<50016x32xf32, #tpu.memory_space<vmem_shared>>
        tpu.enqueue_indirect_dma source(%dma_start3A_288 : memref<128x32xf32, #tpu.memory_space<vmem>>) target(%dma_start3A_294 : memref<50016x32xf32, #tpu.memory_space<vmem_shared>>) offsets(%dma_start3A_291 : memref<128xi32, #tpu.memory_space<vmem>>) semaphore(%arg18 : memref<!tpu.dma_semaphore, #tpu.memory_space<semaphore_mem>>) {add = true}
        %dma_wait3A_295 = arith.constant 0 : i32
        %dma_wait3A_296 = arith.constant 0 : i32
        %dma_wait3A_297 = arith.constant 0 : i32
        %dma_wait3A_298 = arith.constant 0 : i32
        %dma_wait3A_299 = tpu.memref_slice %arg13[%dma_wait3A_295, %dma_wait3A_297, %dma_wait3A_298] : memref<3x128x32xf32, #tpu.memory_space<vmem>> -> memref<1x128x32xf32, #tpu.memory_space<vmem>>
        %dma_wait3A_300 = tpu.memref_squeeze %dma_wait3A_299 : memref<1x128x32xf32, #tpu.memory_space<vmem>> -> memref<128x32xf32, #tpu.memory_space<vmem>>
        %dma_wait3A_301 = arith.constant 0 : i32
        %dma_wait3A_302 = tpu.memref_slice %arg10[%dma_wait3A_296, %dma_wait3A_301] : memref<3x128xi32, #tpu.memory_space<vmem>> -> memref<1x128xi32, #tpu.memory_space<vmem>>
        %dma_wait3A_303 = tpu.memref_squeeze %dma_wait3A_302 : memref<1x128xi32, #tpu.memory_space<vmem>> -> memref<128xi32, #tpu.memory_space<vmem>>
        %dma_wait3A_304 = arith.constant 0 : i32
        %dma_wait3A_305 = arith.constant 0 : i32
        %dma_wait3A_306 = tpu.memref_slice %arg14[%dma_wait3A_304, %dma_wait3A_305] : memref<50016x32xf32, #tpu.memory_space<vmem_shared>> -> memref<50016x32xf32, #tpu.memory_space<vmem_shared>>
        tpu.wait_indirect_dma semaphore(%arg18 : memref<!tpu.dma_semaphore, #tpu.memory_space<semaphore_mem>>) src(%dma_wait3A_300 : memref<128x32xf32, #tpu.memory_space<vmem>>) dst(%dma_wait3A_306 : memref<50016x32xf32, #tpu.memory_space<vmem_shared>>)
        %dma_wait3A_307 = arith.constant 1 : i32
        %dma_wait3A_308 = arith.constant 1 : i32
        %dma_wait3A_309 = arith.constant 0 : i32
        %dma_wait3A_310 = arith.constant 0 : i32
        %dma_wait3A_311 = tpu.memref_slice %arg13[%dma_wait3A_307, %dma_wait3A_309, %dma_wait3A_310] : memref<3x128x32xf32, #tpu.memory_space<vmem>> -> memref<1x128x32xf32, #tpu.memory_space<vmem>>
        %dma_wait3A_312 = tpu.memref_squeeze %dma_wait3A_311 : memref<1x128x32xf32, #tpu.memory_space<vmem>> -> memref<128x32xf32, #tpu.memory_space<vmem>>
        %dma_wait3A_313 = arith.constant 0 : i32
        %dma_wait3A_314 = tpu.memref_slice %arg10[%dma_wait3A_308, %dma_wait3A_313] : memref<3x128xi32, #tpu.memory_space<vmem>> -> memref<1x128xi32, #tpu.memory_space<vmem>>
        %dma_wait3A_315 = tpu.memref_squeeze %dma_wait3A_314 : memref<1x128xi32, #tpu.memory_space<vmem>> -> memref<128xi32, #tpu.memory_space<vmem>>
        %dma_wait3A_316 = arith.constant 0 : i32
        %dma_wait3A_317 = arith.constant 0 : i32
        %dma_wait3A_318 = tpu.memref_slice %arg14[%dma_wait3A_316, %dma_wait3A_317] : memref<50016x32xf32, #tpu.memory_space<vmem_shared>> -> memref<50016x32xf32, #tpu.memory_space<vmem_shared>>
        tpu.wait_indirect_dma semaphore(%arg18 : memref<!tpu.dma_semaphore, #tpu.memory_space<semaphore_mem>>) src(%dma_wait3A_312 : memref<128x32xf32, #tpu.memory_space<vmem>>) dst(%dma_wait3A_318 : memref<50016x32xf32, #tpu.memory_space<vmem_shared>>)
        %dma_wait3A_319 = arith.constant 2 : i32
        %dma_wait3A_320 = arith.constant 2 : i32
        %dma_wait3A_321 = arith.constant 0 : i32
        %dma_wait3A_322 = arith.constant 0 : i32
        %dma_wait3A_323 = tpu.memref_slice %arg13[%dma_wait3A_319, %dma_wait3A_321, %dma_wait3A_322] : memref<3x128x32xf32, #tpu.memory_space<vmem>> -> memref<1x128x32xf32, #tpu.memory_space<vmem>>
        %dma_wait3A_324 = tpu.memref_squeeze %dma_wait3A_323 : memref<1x128x32xf32, #tpu.memory_space<vmem>> -> memref<128x32xf32, #tpu.memory_space<vmem>>
        %dma_wait3A_325 = arith.constant 0 : i32
        %dma_wait3A_326 = tpu.memref_slice %arg10[%dma_wait3A_320, %dma_wait3A_325] : memref<3x128xi32, #tpu.memory_space<vmem>> -> memref<1x128xi32, #tpu.memory_space<vmem>>
        %dma_wait3A_327 = tpu.memref_squeeze %dma_wait3A_326 : memref<1x128xi32, #tpu.memory_space<vmem>> -> memref<128xi32, #tpu.memory_space<vmem>>
        %dma_wait3A_328 = arith.constant 0 : i32
        %dma_wait3A_329 = arith.constant 0 : i32
        %dma_wait3A_330 = tpu.memref_slice %arg14[%dma_wait3A_328, %dma_wait3A_329] : memref<50016x32xf32, #tpu.memory_space<vmem_shared>> -> memref<50016x32xf32, #tpu.memory_space<vmem_shared>>
        tpu.wait_indirect_dma semaphore(%arg18 : memref<!tpu.dma_semaphore, #tpu.memory_space<semaphore_mem>>) src(%dma_wait3A_324 : memref<128x32xf32, #tpu.memory_space<vmem>>) dst(%dma_wait3A_330 : memref<50016x32xf32, #tpu.memory_space<vmem_shared>>)
      }
      %scan3A_18 = arith.constant 66 : i32
      %barrier3A_19 = arith.constant 0 : index
      tpu.barrier barrier_id(%barrier3A_19)
      %mul3A_20 = arith.constant 3125 : i32
      %mul3A_21 = arith.muli %arg1, %mul3A_20 : i32
      %mul3A_22 = arith.constant 3125 : i32
      %mul3A_23 = arith.muli %arg1, %mul3A_22 : i32
      "tpu.region"() ({
        %run_scoped3A = tpu.sem_alloc : memref<!tpu.dma_semaphore, #tpu.memory_space<semaphore_mem>>
        %dma_start3A = arith.constant 0 : i32
        %dma_start3A_24 = tpu.memref_slice %arg6[%mul3A_23, %dma_start3A] : memref<50000x32xf32, #tpu.memory_space<hbm>> -> memref<3125x32xf32, #tpu.memory_space<hbm>>
        %dma_start3A_25 = arith.constant 0 : i32
        %dma_start3A_26 = tpu.memref_slice %arg14[%mul3A_21, %dma_start3A_25] : memref<50016x32xf32, #tpu.memory_space<vmem_shared>> -> memref<3125x32xf32, #tpu.memory_space<vmem_shared>>
        tpu.enqueue_dma source(%dma_start3A_26 : memref<3125x32xf32, #tpu.memory_space<vmem_shared>>) target(%dma_start3A_24 : memref<3125x32xf32, #tpu.memory_space<hbm>>) target_semaphore(%run_scoped3A : memref<!tpu.dma_semaphore, #tpu.memory_space<semaphore_mem>>)
        %dma_wait3A = arith.constant 0 : i32
        %dma_wait3A_27 = tpu.memref_slice %arg6[%mul3A_23, %dma_wait3A] : memref<50000x32xf32, #tpu.memory_space<hbm>> -> memref<3125x32xf32, #tpu.memory_space<hbm>>
        %dma_wait3A_28 = arith.constant 0 : i32
        %dma_wait3A_29 = tpu.memref_slice %arg14[%mul3A_21, %dma_wait3A_28] : memref<50016x32xf32, #tpu.memory_space<vmem_shared>> -> memref<3125x32xf32, #tpu.memory_space<vmem_shared>>
        tpu.wait_dma2 semaphore(%run_scoped3A : memref<!tpu.dma_semaphore, #tpu.memory_space<semaphore_mem>>) src(%dma_wait3A_29 : memref<3125x32xf32, #tpu.memory_space<vmem_shared>>) dst(%dma_wait3A_27 : memref<3125x32xf32, #tpu.memory_space<hbm>>)
        tpu.yield
      }) : () -> ()
    } else {
    }
    %eq3A_2 = arith.constant 1 : i32
    %eq3A_3 = arith.cmpi eq, %arg0, %eq3A_2 : i32
    %convert_element_type3A_4 = arith.extui %eq3A_3 : i1 to i32
    %cond3A_5 = arith.constant 0 : i32
    %cond3A_6 = arith.cmpi ne, %convert_element_type3A_4, %cond3A_5 : i32
    scf.if %cond3A_6 {
      %mul3A = arith.constant 3125 : i32
      %mul3A_7 = arith.muli %arg1, %mul3A : i32
      %mul3A_8 = arith.constant 3125 : i32
      %mul3A_9 = arith.muli %arg1, %mul3A_8 : i32
      "tpu.region"() ({
        %run_scoped3A = tpu.sem_alloc : memref<!tpu.dma_semaphore, #tpu.memory_space<semaphore_mem>>
        %dma_start3A = arith.constant 0 : i32
        %dma_start3A_24 = tpu.memref_slice %arg14[%mul3A_9, %dma_start3A] : memref<50016x32xf32, #tpu.memory_space<vmem_shared>> -> memref<3125x32xf32, #tpu.memory_space<vmem_shared>>
        %dma_start3A_25 = arith.constant 0 : i32
        %dma_start3A_26 = tpu.memref_slice %arg3[%mul3A_7, %dma_start3A_25] : memref<50000x32xf32, #tpu.memory_space<hbm>> -> memref<3125x32xf32, #tpu.memory_space<hbm>>
        tpu.enqueue_dma source(%dma_start3A_26 : memref<3125x32xf32, #tpu.memory_space<hbm>>) target(%dma_start3A_24 : memref<3125x32xf32, #tpu.memory_space<vmem_shared>>) target_semaphore(%run_scoped3A : memref<!tpu.dma_semaphore, #tpu.memory_space<semaphore_mem>>)
        %dma_wait3A = arith.constant 0 : i32
        %dma_wait3A_27 = tpu.memref_slice %arg14[%mul3A_9, %dma_wait3A] : memref<50016x32xf32, #tpu.memory_space<vmem_shared>> -> memref<3125x32xf32, #tpu.memory_space<vmem_shared>>
        %dma_wait3A_28 = arith.constant 0 : i32
        %dma_wait3A_29 = tpu.memref_slice %arg3[%mul3A_7, %dma_wait3A_28] : memref<50000x32xf32, #tpu.memory_space<hbm>> -> memref<3125x32xf32, #tpu.memory_space<hbm>>
        tpu.wait_dma2 semaphore(%run_scoped3A : memref<!tpu.dma_semaphore, #tpu.memory_space<semaphore_mem>>) src(%dma_wait3A_29 : memref<3125x32xf32, #tpu.memory_space<hbm>>) dst(%dma_wait3A_27 : memref<3125x32xf32, #tpu.memory_space<vmem_shared>>)
        tpu.yield
      }) : () -> ()
      %barrier3A = arith.constant 0 : index
      tpu.barrier barrier_id(%barrier3A)
      %mul3A_10 = arith.constant 399 : i32
      %mul3A_11 = arith.muli %arg1, %mul3A_10 : i32
      %add3A = arith.constant 0 : i32
      %add3A_12 = arith.addi %mul3A_11, %add3A : i32
      "tpu.region"() ({
        %run_scoped3A = tpu.sem_alloc : memref<!tpu.dma_semaphore, #tpu.memory_space<semaphore_mem>>
        %dma_start3A = arith.constant 0 : i32
        %dma_start3A_24 = tpu.memref_slice %arg4[%add3A_12, %dma_start3A] : memref<6384x128xi32, #tpu.memory_space<hbm>> -> memref<3x128xi32, #tpu.memory_space<hbm>>
        %dma_start3A_25 = arith.constant 0 : i32
        %dma_start3A_26 = tpu.memref_slice %arg4[%add3A_12, %dma_start3A_25] : memref<6384x128xi32, #tpu.memory_space<hbm>> -> memref<3x128xi32, #tpu.memory_space<hbm>>
        tpu.enqueue_dma source(%dma_start3A_26 : memref<3x128xi32, #tpu.memory_space<hbm>>) target(%arg8 : memref<3x128xi32, #tpu.memory_space<vmem>>) target_semaphore(%run_scoped3A : memref<!tpu.dma_semaphore, #tpu.memory_space<semaphore_mem>>)
        %dma_wait3A = arith.constant 0 : i32
        %dma_wait3A_27 = tpu.memref_slice %arg4[%add3A_12, %dma_wait3A] : memref<6384x128xi32, #tpu.memory_space<hbm>> -> memref<3x128xi32, #tpu.memory_space<hbm>>
        %dma_wait3A_28 = arith.constant 0 : i32
        %dma_wait3A_29 = tpu.memref_slice %arg4[%add3A_12, %dma_wait3A_28] : memref<6384x128xi32, #tpu.memory_space<hbm>> -> memref<3x128xi32, #tpu.memory_space<hbm>>
        tpu.wait_dma2 semaphore(%run_scoped3A : memref<!tpu.dma_semaphore, #tpu.memory_space<semaphore_mem>>) src(%dma_wait3A_29 : memref<3x128xi32, #tpu.memory_space<hbm>>) dst(%arg8 : memref<3x128xi32, #tpu.memory_space<vmem>>)
        tpu.yield
      }) : () -> ()
      %add3A_13 = arith.constant 0 : i32
      %add3A_14 = arith.addi %mul3A_11, %add3A_13 : i32
      "tpu.region"() ({
        %run_scoped3A = tpu.sem_alloc : memref<!tpu.dma_semaphore, #tpu.memory_space<semaphore_mem>>
        %dma_start3A = arith.constant 0 : i32
        %dma_start3A_24 = tpu.memref_slice %arg5[%add3A_14, %dma_start3A] : memref<6384x128xi32, #tpu.memory_space<hbm>> -> memref<3x128xi32, #tpu.memory_space<hbm>>
        %dma_start3A_25 = arith.constant 0 : i32
        %dma_start3A_26 = tpu.memref_slice %arg5[%add3A_14, %dma_start3A_25] : memref<6384x128xi32, #tpu.memory_space<hbm>> -> memref<3x128xi32, #tpu.memory_space<hbm>>
        tpu.enqueue_dma source(%dma_start3A_26 : memref<3x128xi32, #tpu.memory_space<hbm>>) target(%arg9 : memref<3x128xi32, #tpu.memory_space<vmem>>) target_semaphore(%run_scoped3A : memref<!tpu.dma_semaphore, #tpu.memory_space<semaphore_mem>>)
        %dma_wait3A = arith.constant 0 : i32
        %dma_wait3A_27 = tpu.memref_slice %arg5[%add3A_14, %dma_wait3A] : memref<6384x128xi32, #tpu.memory_space<hbm>> -> memref<3x128xi32, #tpu.memory_space<hbm>>
        %dma_wait3A_28 = arith.constant 0 : i32
        %dma_wait3A_29 = tpu.memref_slice %arg5[%add3A_14, %dma_wait3A_28] : memref<6384x128xi32, #tpu.memory_space<hbm>> -> memref<3x128xi32, #tpu.memory_space<hbm>>
        tpu.wait_dma2 semaphore(%run_scoped3A : memref<!tpu.dma_semaphore, #tpu.memory_space<semaphore_mem>>) src(%dma_wait3A_29 : memref<3x128xi32, #tpu.memory_space<hbm>>) dst(%arg9 : memref<3x128xi32, #tpu.memory_space<vmem>>)
        tpu.yield
      }) : () -> ()
      %scan3A = arith.constant 0 : i32
      %scan3A_15 = arith.constant 66 : i32
      %scan3A_16 = arith.addi %scan3A, %scan3A_15 : i32
      %scan3A_17 = arith.constant 1 : i32
      scf.for %scan3A_24 = %scan3A to %scan3A_16 step %scan3A_17  : i32 {
        %mul3A_25 = arith.constant 2 : i32
        %mul3A_26 = arith.muli %scan3A_24, %mul3A_25 : i32
        %add3A_27 = arith.constant 0 : i32
        %add3A_28 = arith.addi %add3A_27, %mul3A_26 : i32
        %dma_start3A = arith.constant 0 : i32
        %dma_start3A_29 = arith.constant 0 : i32
        %dma_start3A_30 = arith.constant 0 : i32
        %dma_start3A_31 = arith.constant 0 : i32
        %dma_start3A_32 = tpu.memref_slice %arg12[%dma_start3A_29, %dma_start3A_30, %dma_start3A_31] : memref<3x128x32xf32, #tpu.memory_space<vmem>> -> memref<1x128x32xf32, #tpu.memory_space<vmem>>
        %dma_start3A_33 = tpu.memref_squeeze %dma_start3A_32 : memref<1x128x32xf32, #tpu.memory_space<vmem>> -> memref<128x32xf32, #tpu.memory_space<vmem>>
        %dma_start3A_34 = arith.constant 0 : i32
        %dma_start3A_35 = tpu.memref_slice %arg9[%dma_start3A, %dma_start3A_34] : memref<3x128xi32, #tpu.memory_space<vmem>> -> memref<1x128xi32, #tpu.memory_space<vmem>>
        %dma_start3A_36 = tpu.memref_squeeze %dma_start3A_35 : memref<1x128xi32, #tpu.memory_space<vmem>> -> memref<128xi32, #tpu.memory_space<vmem>>
        %dma_start3A_37 = arith.constant 0 : i32
        %dma_start3A_38 = arith.constant 0 : i32
        %dma_start3A_39 = tpu.memref_slice %arg3[%dma_start3A_37, %dma_start3A_38] : memref<50000x32xf32, #tpu.memory_space<hbm>> -> memref<50000x32xf32, #tpu.memory_space<hbm>>
        tpu.enqueue_indirect_dma source(%dma_start3A_39 : memref<50000x32xf32, #tpu.memory_space<hbm>>) target(%dma_start3A_33 : memref<128x32xf32, #tpu.memory_space<vmem>>) offsets(%dma_start3A_36 : memref<128xi32, #tpu.memory_space<vmem>>) semaphore(%arg15 : memref<!tpu.dma_semaphore, #tpu.memory_space<semaphore_mem>>)
        %dma_start3A_40 = arith.constant 1 : i32
        %dma_start3A_41 = arith.constant 1 : i32
        %dma_start3A_42 = arith.constant 0 : i32
        %dma_start3A_43 = arith.constant 0 : i32
        %dma_start3A_44 = tpu.memref_slice %arg12[%dma_start3A_41, %dma_start3A_42, %dma_start3A_43] : memref<3x128x32xf32, #tpu.memory_space<vmem>> -> memref<1x128x32xf32, #tpu.memory_space<vmem>>
        %dma_start3A_45 = tpu.memref_squeeze %dma_start3A_44 : memref<1x128x32xf32, #tpu.memory_space<vmem>> -> memref<128x32xf32, #tpu.memory_space<vmem>>
        %dma_start3A_46 = arith.constant 0 : i32
        %dma_start3A_47 = tpu.memref_slice %arg9[%dma_start3A_40, %dma_start3A_46] : memref<3x128xi32, #tpu.memory_space<vmem>> -> memref<1x128xi32, #tpu.memory_space<vmem>>
        %dma_start3A_48 = tpu.memref_squeeze %dma_start3A_47 : memref<1x128xi32, #tpu.memory_space<vmem>> -> memref<128xi32, #tpu.memory_space<vmem>>
        %dma_start3A_49 = arith.constant 0 : i32
        %dma_start3A_50 = arith.constant 0 : i32
        %dma_start3A_51 = tpu.memref_slice %arg3[%dma_start3A_49, %dma_start3A_50] : memref<50000x32xf32, #tpu.memory_space<hbm>> -> memref<50000x32xf32, #tpu.memory_space<hbm>>
        tpu.enqueue_indirect_dma source(%dma_start3A_51 : memref<50000x32xf32, #tpu.memory_space<hbm>>) target(%dma_start3A_45 : memref<128x32xf32, #tpu.memory_space<vmem>>) offsets(%dma_start3A_48 : memref<128xi32, #tpu.memory_space<vmem>>) semaphore(%arg15 : memref<!tpu.dma_semaphore, #tpu.memory_space<semaphore_mem>>)
        %dma_start3A_52 = arith.constant 2 : i32
        %dma_start3A_53 = arith.constant 2 : i32
        %dma_start3A_54 = arith.constant 0 : i32
        %dma_start3A_55 = arith.constant 0 : i32
        %dma_start3A_56 = tpu.memref_slice %arg12[%dma_start3A_53, %dma_start3A_54, %dma_start3A_55] : memref<3x128x32xf32, #tpu.memory_space<vmem>> -> memref<1x128x32xf32, #tpu.memory_space<vmem>>
        %dma_start3A_57 = tpu.memref_squeeze %dma_start3A_56 : memref<1x128x32xf32, #tpu.memory_space<vmem>> -> memref<128x32xf32, #tpu.memory_space<vmem>>
        %dma_start3A_58 = arith.constant 0 : i32
        %dma_start3A_59 = tpu.memref_slice %arg9[%dma_start3A_52, %dma_start3A_58] : memref<3x128xi32, #tpu.memory_space<vmem>> -> memref<1x128xi32, #tpu.memory_space<vmem>>
        %dma_start3A_60 = tpu.memref_squeeze %dma_start3A_59 : memref<1x128xi32, #tpu.memory_space<vmem>> -> memref<128xi32, #tpu.memory_space<vmem>>
        %dma_start3A_61 = arith.constant 0 : i32
        %dma_start3A_62 = arith.constant 0 : i32
        %dma_start3A_63 = tpu.memref_slice %arg3[%dma_start3A_61, %dma_start3A_62] : memref<50000x32xf32, #tpu.memory_space<hbm>> -> memref<50000x32xf32, #tpu.memory_space<hbm>>
        tpu.enqueue_indirect_dma source(%dma_start3A_63 : memref<50000x32xf32, #tpu.memory_space<hbm>>) target(%dma_start3A_57 : memref<128x32xf32, #tpu.memory_space<vmem>>) offsets(%dma_start3A_60 : memref<128xi32, #tpu.memory_space<vmem>>) semaphore(%arg15 : memref<!tpu.dma_semaphore, #tpu.memory_space<semaphore_mem>>)
        %add3A_64 = arith.constant 1 : i32
        %add3A_65 = arith.addi %add3A_28, %add3A_64 : i32
        %mul3A_66 = arith.constant 3 : i32
        %mul3A_67 = arith.muli %add3A_65, %mul3A_66 : i32
        %add3A_68 = arith.addi %mul3A_11, %mul3A_67 : i32
        "tpu.region"() ({
          %run_scoped3A = tpu.sem_alloc : memref<!tpu.dma_semaphore, #tpu.memory_space<semaphore_mem>>
          %dma_start3A_331 = arith.constant 0 : i32
          %dma_start3A_332 = tpu.memref_slice %arg4[%add3A_68, %dma_start3A_331] : memref<6384x128xi32, #tpu.memory_space<hbm>> -> memref<3x128xi32, #tpu.memory_space<hbm>>
          %dma_start3A_333 = arith.constant 0 : i32
          %dma_start3A_334 = tpu.memref_slice %arg4[%add3A_68, %dma_start3A_333] : memref<6384x128xi32, #tpu.memory_space<hbm>> -> memref<3x128xi32, #tpu.memory_space<hbm>>
          tpu.enqueue_dma source(%dma_start3A_334 : memref<3x128xi32, #tpu.memory_space<hbm>>) target(%arg10 : memref<3x128xi32, #tpu.memory_space<vmem>>) target_semaphore(%run_scoped3A : memref<!tpu.dma_semaphore, #tpu.memory_space<semaphore_mem>>)
          %dma_wait3A_335 = arith.constant 0 : i32
          %dma_wait3A_336 = tpu.memref_slice %arg4[%add3A_68, %dma_wait3A_335] : memref<6384x128xi32, #tpu.memory_space<hbm>> -> memref<3x128xi32, #tpu.memory_space<hbm>>
          %dma_wait3A_337 = arith.constant 0 : i32
          %dma_wait3A_338 = tpu.memref_slice %arg4[%add3A_68, %dma_wait3A_337] : memref<6384x128xi32, #tpu.memory_space<hbm>> -> memref<3x128xi32, #tpu.memory_space<hbm>>
          tpu.wait_dma2 semaphore(%run_scoped3A : memref<!tpu.dma_semaphore, #tpu.memory_space<semaphore_mem>>) src(%dma_wait3A_338 : memref<3x128xi32, #tpu.memory_space<hbm>>) dst(%arg10 : memref<3x128xi32, #tpu.memory_space<vmem>>)
          tpu.yield
        }) : () -> ()
        %mul3A_69 = arith.constant 3 : i32
        %mul3A_70 = arith.muli %add3A_65, %mul3A_69 : i32
        %add3A_71 = arith.addi %mul3A_11, %mul3A_70 : i32
        "tpu.region"() ({
          %run_scoped3A = tpu.sem_alloc : memref<!tpu.dma_semaphore, #tpu.memory_space<semaphore_mem>>
          %dma_start3A_331 = arith.constant 0 : i32
          %dma_start3A_332 = tpu.memref_slice %arg5[%add3A_71, %dma_start3A_331] : memref<6384x128xi32, #tpu.memory_space<hbm>> -> memref<3x128xi32, #tpu.memory_space<hbm>>
          %dma_start3A_333 = arith.constant 0 : i32
          %dma_start3A_334 = tpu.memref_slice %arg5[%add3A_71, %dma_start3A_333] : memref<6384x128xi32, #tpu.memory_space<hbm>> -> memref<3x128xi32, #tpu.memory_space<hbm>>
          tpu.enqueue_dma source(%dma_start3A_334 : memref<3x128xi32, #tpu.memory_space<hbm>>) target(%arg11 : memref<3x128xi32, #tpu.memory_space<vmem>>) target_semaphore(%run_scoped3A : memref<!tpu.dma_semaphore, #tpu.memory_space<semaphore_mem>>)
          %dma_wait3A_335 = arith.constant 0 : i32
          %dma_wait3A_336 = tpu.memref_slice %arg5[%add3A_71, %dma_wait3A_335] : memref<6384x128xi32, #tpu.memory_space<hbm>> -> memref<3x128xi32, #tpu.memory_space<hbm>>
          %dma_wait3A_337 = arith.constant 0 : i32
          %dma_wait3A_338 = tpu.memref_slice %arg5[%add3A_71, %dma_wait3A_337] : memref<6384x128xi32, #tpu.memory_space<hbm>> -> memref<3x128xi32, #tpu.memory_space<hbm>>
          tpu.wait_dma2 semaphore(%run_scoped3A : memref<!tpu.dma_semaphore, #tpu.memory_space<semaphore_mem>>) src(%dma_wait3A_338 : memref<3x128xi32, #tpu.memory_space<hbm>>) dst(%arg11 : memref<3x128xi32, #tpu.memory_space<vmem>>)
          tpu.yield
        }) : () -> ()
        %dma_start3A_72 = arith.constant 0 : i32
        %dma_start3A_73 = arith.constant 0 : i32
        %dma_start3A_74 = arith.constant 0 : i32
        %dma_start3A_75 = arith.constant 0 : i32
        %dma_start3A_76 = tpu.memref_slice %arg13[%dma_start3A_73, %dma_start3A_74, %dma_start3A_75] : memref<3x128x32xf32, #tpu.memory_space<vmem>> -> memref<1x128x32xf32, #tpu.memory_space<vmem>>
        %dma_start3A_77 = tpu.memref_squeeze %dma_start3A_76 : memref<1x128x32xf32, #tpu.memory_space<vmem>> -> memref<128x32xf32, #tpu.memory_space<vmem>>
        %dma_start3A_78 = arith.constant 0 : i32
        %dma_start3A_79 = tpu.memref_slice %arg11[%dma_start3A_72, %dma_start3A_78] : memref<3x128xi32, #tpu.memory_space<vmem>> -> memref<1x128xi32, #tpu.memory_space<vmem>>
        %dma_start3A_80 = tpu.memref_squeeze %dma_start3A_79 : memref<1x128xi32, #tpu.memory_space<vmem>> -> memref<128xi32, #tpu.memory_space<vmem>>
        %dma_start3A_81 = arith.constant 0 : i32
        %dma_start3A_82 = arith.constant 0 : i32
        %dma_start3A_83 = tpu.memref_slice %arg3[%dma_start3A_81, %dma_start3A_82] : memref<50000x32xf32, #tpu.memory_space<hbm>> -> memref<50000x32xf32, #tpu.memory_space<hbm>>
        tpu.enqueue_indirect_dma source(%dma_start3A_83 : memref<50000x32xf32, #tpu.memory_space<hbm>>) target(%dma_start3A_77 : memref<128x32xf32, #tpu.memory_space<vmem>>) offsets(%dma_start3A_80 : memref<128xi32, #tpu.memory_space<vmem>>) semaphore(%arg16 : memref<!tpu.dma_semaphore, #tpu.memory_space<semaphore_mem>>)
        %dma_start3A_84 = arith.constant 1 : i32
        %dma_start3A_85 = arith.constant 1 : i32
        %dma_start3A_86 = arith.constant 0 : i32
        %dma_start3A_87 = arith.constant 0 : i32
        %dma_start3A_88 = tpu.memref_slice %arg13[%dma_start3A_85, %dma_start3A_86, %dma_start3A_87] : memref<3x128x32xf32, #tpu.memory_space<vmem>> -> memref<1x128x32xf32, #tpu.memory_space<vmem>>
        %dma_start3A_89 = tpu.memref_squeeze %dma_start3A_88 : memref<1x128x32xf32, #tpu.memory_space<vmem>> -> memref<128x32xf32, #tpu.memory_space<vmem>>
        %dma_start3A_90 = arith.constant 0 : i32
        %dma_start3A_91 = tpu.memref_slice %arg11[%dma_start3A_84, %dma_start3A_90] : memref<3x128xi32, #tpu.memory_space<vmem>> -> memref<1x128xi32, #tpu.memory_space<vmem>>
        %dma_start3A_92 = tpu.memref_squeeze %dma_start3A_91 : memref<1x128xi32, #tpu.memory_space<vmem>> -> memref<128xi32, #tpu.memory_space<vmem>>
        %dma_start3A_93 = arith.constant 0 : i32
        %dma_start3A_94 = arith.constant 0 : i32
        %dma_start3A_95 = tpu.memref_slice %arg3[%dma_start3A_93, %dma_start3A_94] : memref<50000x32xf32, #tpu.memory_space<hbm>> -> memref<50000x32xf32, #tpu.memory_space<hbm>>
        tpu.enqueue_indirect_dma source(%dma_start3A_95 : memref<50000x32xf32, #tpu.memory_space<hbm>>) target(%dma_start3A_89 : memref<128x32xf32, #tpu.memory_space<vmem>>) offsets(%dma_start3A_92 : memref<128xi32, #tpu.memory_space<vmem>>) semaphore(%arg16 : memref<!tpu.dma_semaphore, #tpu.memory_space<semaphore_mem>>)
        %dma_start3A_96 = arith.constant 2 : i32
        %dma_start3A_97 = arith.constant 2 : i32
        %dma_start3A_98 = arith.constant 0 : i32
        %dma_start3A_99 = arith.constant 0 : i32
        %dma_start3A_100 = tpu.memref_slice %arg13[%dma_start3A_97, %dma_start3A_98, %dma_start3A_99] : memref<3x128x32xf32, #tpu.memory_space<vmem>> -> memref<1x128x32xf32, #tpu.memory_space<vmem>>
        %dma_start3A_101 = tpu.memref_squeeze %dma_start3A_100 : memref<1x128x32xf32, #tpu.memory_space<vmem>> -> memref<128x32xf32, #tpu.memory_space<vmem>>
        %dma_start3A_102 = arith.constant 0 : i32
        %dma_start3A_103 = tpu.memref_slice %arg11[%dma_start3A_96, %dma_start3A_102] : memref<3x128xi32, #tpu.memory_space<vmem>> -> memref<1x128xi32, #tpu.memory_space<vmem>>
        %dma_start3A_104 = tpu.memref_squeeze %dma_start3A_103 : memref<1x128xi32, #tpu.memory_space<vmem>> -> memref<128xi32, #tpu.memory_space<vmem>>
        %dma_start3A_105 = arith.constant 0 : i32
        %dma_start3A_106 = arith.constant 0 : i32
        %dma_start3A_107 = tpu.memref_slice %arg3[%dma_start3A_105, %dma_start3A_106] : memref<50000x32xf32, #tpu.memory_space<hbm>> -> memref<50000x32xf32, #tpu.memory_space<hbm>>
        tpu.enqueue_indirect_dma source(%dma_start3A_107 : memref<50000x32xf32, #tpu.memory_space<hbm>>) target(%dma_start3A_101 : memref<128x32xf32, #tpu.memory_space<vmem>>) offsets(%dma_start3A_104 : memref<128xi32, #tpu.memory_space<vmem>>) semaphore(%arg16 : memref<!tpu.dma_semaphore, #tpu.memory_space<semaphore_mem>>)
        %dma_wait3A = arith.constant 0 : i32
        %dma_wait3A_108 = arith.constant 0 : i32
        %dma_wait3A_109 = arith.constant 0 : i32
        %dma_wait3A_110 = arith.constant 0 : i32
        %dma_wait3A_111 = tpu.memref_slice %arg12[%dma_wait3A_108, %dma_wait3A_109, %dma_wait3A_110] : memref<3x128x32xf32, #tpu.memory_space<vmem>> -> memref<1x128x32xf32, #tpu.memory_space<vmem>>
        %dma_wait3A_112 = tpu.memref_squeeze %dma_wait3A_111 : memref<1x128x32xf32, #tpu.memory_space<vmem>> -> memref<128x32xf32, #tpu.memory_space<vmem>>
        %dma_wait3A_113 = arith.constant 0 : i32
        %dma_wait3A_114 = tpu.memref_slice %arg9[%dma_wait3A, %dma_wait3A_113] : memref<3x128xi32, #tpu.memory_space<vmem>> -> memref<1x128xi32, #tpu.memory_space<vmem>>
        %dma_wait3A_115 = tpu.memref_squeeze %dma_wait3A_114 : memref<1x128xi32, #tpu.memory_space<vmem>> -> memref<128xi32, #tpu.memory_space<vmem>>
        %dma_wait3A_116 = arith.constant 0 : i32
        %dma_wait3A_117 = arith.constant 0 : i32
        %dma_wait3A_118 = tpu.memref_slice %arg3[%dma_wait3A_116, %dma_wait3A_117] : memref<50000x32xf32, #tpu.memory_space<hbm>> -> memref<50000x32xf32, #tpu.memory_space<hbm>>
        tpu.wait_indirect_dma semaphore(%arg15 : memref<!tpu.dma_semaphore, #tpu.memory_space<semaphore_mem>>) src(%dma_wait3A_118 : memref<50000x32xf32, #tpu.memory_space<hbm>>) dst(%dma_wait3A_112 : memref<128x32xf32, #tpu.memory_space<vmem>>)
        %dma_wait3A_119 = arith.constant 1 : i32
        %dma_wait3A_120 = arith.constant 1 : i32
        %dma_wait3A_121 = arith.constant 0 : i32
        %dma_wait3A_122 = arith.constant 0 : i32
        %dma_wait3A_123 = tpu.memref_slice %arg12[%dma_wait3A_120, %dma_wait3A_121, %dma_wait3A_122] : memref<3x128x32xf32, #tpu.memory_space<vmem>> -> memref<1x128x32xf32, #tpu.memory_space<vmem>>
        %dma_wait3A_124 = tpu.memref_squeeze %dma_wait3A_123 : memref<1x128x32xf32, #tpu.memory_space<vmem>> -> memref<128x32xf32, #tpu.memory_space<vmem>>
        %dma_wait3A_125 = arith.constant 0 : i32
        %dma_wait3A_126 = tpu.memref_slice %arg9[%dma_wait3A_119, %dma_wait3A_125] : memref<3x128xi32, #tpu.memory_space<vmem>> -> memref<1x128xi32, #tpu.memory_space<vmem>>
        %dma_wait3A_127 = tpu.memref_squeeze %dma_wait3A_126 : memref<1x128xi32, #tpu.memory_space<vmem>> -> memref<128xi32, #tpu.memory_space<vmem>>
        %dma_wait3A_128 = arith.constant 0 : i32
        %dma_wait3A_129 = arith.constant 0 : i32
        %dma_wait3A_130 = tpu.memref_slice %arg3[%dma_wait3A_128, %dma_wait3A_129] : memref<50000x32xf32, #tpu.memory_space<hbm>> -> memref<50000x32xf32, #tpu.memory_space<hbm>>
        tpu.wait_indirect_dma semaphore(%arg15 : memref<!tpu.dma_semaphore, #tpu.memory_space<semaphore_mem>>) src(%dma_wait3A_130 : memref<50000x32xf32, #tpu.memory_space<hbm>>) dst(%dma_wait3A_124 : memref<128x32xf32, #tpu.memory_space<vmem>>)
        %dma_wait3A_131 = arith.constant 2 : i32
        %dma_wait3A_132 = arith.constant 2 : i32
        %dma_wait3A_133 = arith.constant 0 : i32
        %dma_wait3A_134 = arith.constant 0 : i32
        %dma_wait3A_135 = tpu.memref_slice %arg12[%dma_wait3A_132, %dma_wait3A_133, %dma_wait3A_134] : memref<3x128x32xf32, #tpu.memory_space<vmem>> -> memref<1x128x32xf32, #tpu.memory_space<vmem>>
        %dma_wait3A_136 = tpu.memref_squeeze %dma_wait3A_135 : memref<1x128x32xf32, #tpu.memory_space<vmem>> -> memref<128x32xf32, #tpu.memory_space<vmem>>
        %dma_wait3A_137 = arith.constant 0 : i32
        %dma_wait3A_138 = tpu.memref_slice %arg9[%dma_wait3A_131, %dma_wait3A_137] : memref<3x128xi32, #tpu.memory_space<vmem>> -> memref<1x128xi32, #tpu.memory_space<vmem>>
        %dma_wait3A_139 = tpu.memref_squeeze %dma_wait3A_138 : memref<1x128xi32, #tpu.memory_space<vmem>> -> memref<128xi32, #tpu.memory_space<vmem>>
        %dma_wait3A_140 = arith.constant 0 : i32
        %dma_wait3A_141 = arith.constant 0 : i32
        %dma_wait3A_142 = tpu.memref_slice %arg3[%dma_wait3A_140, %dma_wait3A_141] : memref<50000x32xf32, #tpu.memory_space<hbm>> -> memref<50000x32xf32, #tpu.memory_space<hbm>>
        tpu.wait_indirect_dma semaphore(%arg15 : memref<!tpu.dma_semaphore, #tpu.memory_space<semaphore_mem>>) src(%dma_wait3A_142 : memref<50000x32xf32, #tpu.memory_space<hbm>>) dst(%dma_wait3A_136 : memref<128x32xf32, #tpu.memory_space<vmem>>)
        %dma_start3A_143 = arith.constant 0 : i32
        %dma_start3A_144 = arith.constant 0 : i32
        %dma_start3A_145 = arith.constant 0 : i32
        %dma_start3A_146 = arith.constant 0 : i32
        %dma_start3A_147 = tpu.memref_slice %arg12[%dma_start3A_143, %dma_start3A_145, %dma_start3A_146] : memref<3x128x32xf32, #tpu.memory_space<vmem>> -> memref<1x128x32xf32, #tpu.memory_space<vmem>>
        %dma_start3A_148 = tpu.memref_squeeze %dma_start3A_147 : memref<1x128x32xf32, #tpu.memory_space<vmem>> -> memref<128x32xf32, #tpu.memory_space<vmem>>
        %dma_start3A_149 = arith.constant 0 : i32
        %dma_start3A_150 = tpu.memref_slice %arg8[%dma_start3A_144, %dma_start3A_149] : memref<3x128xi32, #tpu.memory_space<vmem>> -> memref<1x128xi32, #tpu.memory_space<vmem>>
        %dma_start3A_151 = tpu.memref_squeeze %dma_start3A_150 : memref<1x128xi32, #tpu.memory_space<vmem>> -> memref<128xi32, #tpu.memory_space<vmem>>
        %dma_start3A_152 = arith.constant 0 : i32
        %dma_start3A_153 = arith.constant 0 : i32
        %dma_start3A_154 = tpu.memref_slice %arg14[%dma_start3A_152, %dma_start3A_153] : memref<50016x32xf32, #tpu.memory_space<vmem_shared>> -> memref<50016x32xf32, #tpu.memory_space<vmem_shared>>
        tpu.enqueue_indirect_dma source(%dma_start3A_148 : memref<128x32xf32, #tpu.memory_space<vmem>>) target(%dma_start3A_154 : memref<50016x32xf32, #tpu.memory_space<vmem_shared>>) offsets(%dma_start3A_151 : memref<128xi32, #tpu.memory_space<vmem>>) semaphore(%arg17 : memref<!tpu.dma_semaphore, #tpu.memory_space<semaphore_mem>>) {add = true}
        %dma_start3A_155 = arith.constant 1 : i32
        %dma_start3A_156 = arith.constant 1 : i32
        %dma_start3A_157 = arith.constant 0 : i32
        %dma_start3A_158 = arith.constant 0 : i32
        %dma_start3A_159 = tpu.memref_slice %arg12[%dma_start3A_155, %dma_start3A_157, %dma_start3A_158] : memref<3x128x32xf32, #tpu.memory_space<vmem>> -> memref<1x128x32xf32, #tpu.memory_space<vmem>>
        %dma_start3A_160 = tpu.memref_squeeze %dma_start3A_159 : memref<1x128x32xf32, #tpu.memory_space<vmem>> -> memref<128x32xf32, #tpu.memory_space<vmem>>
        %dma_start3A_161 = arith.constant 0 : i32
        %dma_start3A_162 = tpu.memref_slice %arg8[%dma_start3A_156, %dma_start3A_161] : memref<3x128xi32, #tpu.memory_space<vmem>> -> memref<1x128xi32, #tpu.memory_space<vmem>>
        %dma_start3A_163 = tpu.memref_squeeze %dma_start3A_162 : memref<1x128xi32, #tpu.memory_space<vmem>> -> memref<128xi32, #tpu.memory_space<vmem>>
        %dma_start3A_164 = arith.constant 0 : i32
        %dma_start3A_165 = arith.constant 0 : i32
        %dma_start3A_166 = tpu.memref_slice %arg14[%dma_start3A_164, %dma_start3A_165] : memref<50016x32xf32, #tpu.memory_space<vmem_shared>> -> memref<50016x32xf32, #tpu.memory_space<vmem_shared>>
        tpu.enqueue_indirect_dma source(%dma_start3A_160 : memref<128x32xf32, #tpu.memory_space<vmem>>) target(%dma_start3A_166 : memref<50016x32xf32, #tpu.memory_space<vmem_shared>>) offsets(%dma_start3A_163 : memref<128xi32, #tpu.memory_space<vmem>>) semaphore(%arg17 : memref<!tpu.dma_semaphore, #tpu.memory_space<semaphore_mem>>) {add = true}
        %dma_start3A_167 = arith.constant 2 : i32
        %dma_start3A_168 = arith.constant 2 : i32
        %dma_start3A_169 = arith.constant 0 : i32
        %dma_start3A_170 = arith.constant 0 : i32
        %dma_start3A_171 = tpu.memref_slice %arg12[%dma_start3A_167, %dma_start3A_169, %dma_start3A_170] : memref<3x128x32xf32, #tpu.memory_space<vmem>> -> memref<1x128x32xf32, #tpu.memory_space<vmem>>
        %dma_start3A_172 = tpu.memref_squeeze %dma_start3A_171 : memref<1x128x32xf32, #tpu.memory_space<vmem>> -> memref<128x32xf32, #tpu.memory_space<vmem>>
        %dma_start3A_173 = arith.constant 0 : i32
        %dma_start3A_174 = tpu.memref_slice %arg8[%dma_start3A_168, %dma_start3A_173] : memref<3x128xi32, #tpu.memory_space<vmem>> -> memref<1x128xi32, #tpu.memory_space<vmem>>
        %dma_start3A_175 = tpu.memref_squeeze %dma_start3A_174 : memref<1x128xi32, #tpu.memory_space<vmem>> -> memref<128xi32, #tpu.memory_space<vmem>>
        %dma_start3A_176 = arith.constant 0 : i32
        %dma_start3A_177 = arith.constant 0 : i32
        %dma_start3A_178 = tpu.memref_slice %arg14[%dma_start3A_176, %dma_start3A_177] : memref<50016x32xf32, #tpu.memory_space<vmem_shared>> -> memref<50016x32xf32, #tpu.memory_space<vmem_shared>>
        tpu.enqueue_indirect_dma source(%dma_start3A_172 : memref<128x32xf32, #tpu.memory_space<vmem>>) target(%dma_start3A_178 : memref<50016x32xf32, #tpu.memory_space<vmem_shared>>) offsets(%dma_start3A_175 : memref<128xi32, #tpu.memory_space<vmem>>) semaphore(%arg17 : memref<!tpu.dma_semaphore, #tpu.memory_space<semaphore_mem>>) {add = true}
        %dma_wait3A_179 = arith.constant 0 : i32
        %dma_wait3A_180 = arith.constant 0 : i32
        %dma_wait3A_181 = arith.constant 0 : i32
        %dma_wait3A_182 = arith.constant 0 : i32
        %dma_wait3A_183 = tpu.memref_slice %arg12[%dma_wait3A_179, %dma_wait3A_181, %dma_wait3A_182] : memref<3x128x32xf32, #tpu.memory_space<vmem>> -> memref<1x128x32xf32, #tpu.memory_space<vmem>>
        %dma_wait3A_184 = tpu.memref_squeeze %dma_wait3A_183 : memref<1x128x32xf32, #tpu.memory_space<vmem>> -> memref<128x32xf32, #tpu.memory_space<vmem>>
        %dma_wait3A_185 = arith.constant 0 : i32
        %dma_wait3A_186 = tpu.memref_slice %arg8[%dma_wait3A_180, %dma_wait3A_185] : memref<3x128xi32, #tpu.memory_space<vmem>> -> memref<1x128xi32, #tpu.memory_space<vmem>>
        %dma_wait3A_187 = tpu.memref_squeeze %dma_wait3A_186 : memref<1x128xi32, #tpu.memory_space<vmem>> -> memref<128xi32, #tpu.memory_space<vmem>>
        %dma_wait3A_188 = arith.constant 0 : i32
        %dma_wait3A_189 = arith.constant 0 : i32
        %dma_wait3A_190 = tpu.memref_slice %arg14[%dma_wait3A_188, %dma_wait3A_189] : memref<50016x32xf32, #tpu.memory_space<vmem_shared>> -> memref<50016x32xf32, #tpu.memory_space<vmem_shared>>
        tpu.wait_indirect_dma semaphore(%arg17 : memref<!tpu.dma_semaphore, #tpu.memory_space<semaphore_mem>>) src(%dma_wait3A_184 : memref<128x32xf32, #tpu.memory_space<vmem>>) dst(%dma_wait3A_190 : memref<50016x32xf32, #tpu.memory_space<vmem_shared>>)
        %dma_wait3A_191 = arith.constant 1 : i32
        %dma_wait3A_192 = arith.constant 1 : i32
        %dma_wait3A_193 = arith.constant 0 : i32
        %dma_wait3A_194 = arith.constant 0 : i32
        %dma_wait3A_195 = tpu.memref_slice %arg12[%dma_wait3A_191, %dma_wait3A_193, %dma_wait3A_194] : memref<3x128x32xf32, #tpu.memory_space<vmem>> -> memref<1x128x32xf32, #tpu.memory_space<vmem>>
        %dma_wait3A_196 = tpu.memref_squeeze %dma_wait3A_195 : memref<1x128x32xf32, #tpu.memory_space<vmem>> -> memref<128x32xf32, #tpu.memory_space<vmem>>
        %dma_wait3A_197 = arith.constant 0 : i32
        %dma_wait3A_198 = tpu.memref_slice %arg8[%dma_wait3A_192, %dma_wait3A_197] : memref<3x128xi32, #tpu.memory_space<vmem>> -> memref<1x128xi32, #tpu.memory_space<vmem>>
        %dma_wait3A_199 = tpu.memref_squeeze %dma_wait3A_198 : memref<1x128xi32, #tpu.memory_space<vmem>> -> memref<128xi32, #tpu.memory_space<vmem>>
        %dma_wait3A_200 = arith.constant 0 : i32
        %dma_wait3A_201 = arith.constant 0 : i32
        %dma_wait3A_202 = tpu.memref_slice %arg14[%dma_wait3A_200, %dma_wait3A_201] : memref<50016x32xf32, #tpu.memory_space<vmem_shared>> -> memref<50016x32xf32, #tpu.memory_space<vmem_shared>>
        tpu.wait_indirect_dma semaphore(%arg17 : memref<!tpu.dma_semaphore, #tpu.memory_space<semaphore_mem>>) src(%dma_wait3A_196 : memref<128x32xf32, #tpu.memory_space<vmem>>) dst(%dma_wait3A_202 : memref<50016x32xf32, #tpu.memory_space<vmem_shared>>)
        %dma_wait3A_203 = arith.constant 2 : i32
        %dma_wait3A_204 = arith.constant 2 : i32
        %dma_wait3A_205 = arith.constant 0 : i32
        %dma_wait3A_206 = arith.constant 0 : i32
        %dma_wait3A_207 = tpu.memref_slice %arg12[%dma_wait3A_203, %dma_wait3A_205, %dma_wait3A_206] : memref<3x128x32xf32, #tpu.memory_space<vmem>> -> memref<1x128x32xf32, #tpu.memory_space<vmem>>
        %dma_wait3A_208 = tpu.memref_squeeze %dma_wait3A_207 : memref<1x128x32xf32, #tpu.memory_space<vmem>> -> memref<128x32xf32, #tpu.memory_space<vmem>>
        %dma_wait3A_209 = arith.constant 0 : i32
        %dma_wait3A_210 = tpu.memref_slice %arg8[%dma_wait3A_204, %dma_wait3A_209] : memref<3x128xi32, #tpu.memory_space<vmem>> -> memref<1x128xi32, #tpu.memory_space<vmem>>
        %dma_wait3A_211 = tpu.memref_squeeze %dma_wait3A_210 : memref<1x128xi32, #tpu.memory_space<vmem>> -> memref<128xi32, #tpu.memory_space<vmem>>
        %dma_wait3A_212 = arith.constant 0 : i32
        %dma_wait3A_213 = arith.constant 0 : i32
        %dma_wait3A_214 = tpu.memref_slice %arg14[%dma_wait3A_212, %dma_wait3A_213] : memref<50016x32xf32, #tpu.memory_space<vmem_shared>> -> memref<50016x32xf32, #tpu.memory_space<vmem_shared>>
        tpu.wait_indirect_dma semaphore(%arg17 : memref<!tpu.dma_semaphore, #tpu.memory_space<semaphore_mem>>) src(%dma_wait3A_208 : memref<128x32xf32, #tpu.memory_space<vmem>>) dst(%dma_wait3A_214 : memref<50016x32xf32, #tpu.memory_space<vmem_shared>>)
        %add3A_215 = arith.constant 2 : i32
        %add3A_216 = arith.addi %add3A_28, %add3A_215 : i32
        %mul3A_217 = arith.constant 3 : i32
        %mul3A_218 = arith.muli %add3A_216, %mul3A_217 : i32
        %add3A_219 = arith.addi %mul3A_11, %mul3A_218 : i32
        "tpu.region"() ({
          %run_scoped3A = tpu.sem_alloc : memref<!tpu.dma_semaphore, #tpu.memory_space<semaphore_mem>>
          %dma_start3A_331 = arith.constant 0 : i32
          %dma_start3A_332 = tpu.memref_slice %arg4[%add3A_219, %dma_start3A_331] : memref<6384x128xi32, #tpu.memory_space<hbm>> -> memref<3x128xi32, #tpu.memory_space<hbm>>
          %dma_start3A_333 = arith.constant 0 : i32
          %dma_start3A_334 = tpu.memref_slice %arg4[%add3A_219, %dma_start3A_333] : memref<6384x128xi32, #tpu.memory_space<hbm>> -> memref<3x128xi32, #tpu.memory_space<hbm>>
          tpu.enqueue_dma source(%dma_start3A_334 : memref<3x128xi32, #tpu.memory_space<hbm>>) target(%arg8 : memref<3x128xi32, #tpu.memory_space<vmem>>) target_semaphore(%run_scoped3A : memref<!tpu.dma_semaphore, #tpu.memory_space<semaphore_mem>>)
          %dma_wait3A_335 = arith.constant 0 : i32
          %dma_wait3A_336 = tpu.memref_slice %arg4[%add3A_219, %dma_wait3A_335] : memref<6384x128xi32, #tpu.memory_space<hbm>> -> memref<3x128xi32, #tpu.memory_space<hbm>>
          %dma_wait3A_337 = arith.constant 0 : i32
          %dma_wait3A_338 = tpu.memref_slice %arg4[%add3A_219, %dma_wait3A_337] : memref<6384x128xi32, #tpu.memory_space<hbm>> -> memref<3x128xi32, #tpu.memory_space<hbm>>
          tpu.wait_dma2 semaphore(%run_scoped3A : memref<!tpu.dma_semaphore, #tpu.memory_space<semaphore_mem>>) src(%dma_wait3A_338 : memref<3x128xi32, #tpu.memory_space<hbm>>) dst(%arg8 : memref<3x128xi32, #tpu.memory_space<vmem>>)
          tpu.yield
        }) : () -> ()
        %mul3A_220 = arith.constant 3 : i32
        %mul3A_221 = arith.muli %add3A_216, %mul3A_220 : i32
        %add3A_222 = arith.addi %mul3A_11, %mul3A_221 : i32
        "tpu.region"() ({
          %run_scoped3A = tpu.sem_alloc : memref<!tpu.dma_semaphore, #tpu.memory_space<semaphore_mem>>
          %dma_start3A_331 = arith.constant 0 : i32
          %dma_start3A_332 = tpu.memref_slice %arg5[%add3A_222, %dma_start3A_331] : memref<6384x128xi32, #tpu.memory_space<hbm>> -> memref<3x128xi32, #tpu.memory_space<hbm>>
          %dma_start3A_333 = arith.constant 0 : i32
          %dma_start3A_334 = tpu.memref_slice %arg5[%add3A_222, %dma_start3A_333] : memref<6384x128xi32, #tpu.memory_space<hbm>> -> memref<3x128xi32, #tpu.memory_space<hbm>>
          tpu.enqueue_dma source(%dma_start3A_334 : memref<3x128xi32, #tpu.memory_space<hbm>>) target(%arg9 : memref<3x128xi32, #tpu.memory_space<vmem>>) target_semaphore(%run_scoped3A : memref<!tpu.dma_semaphore, #tpu.memory_space<semaphore_mem>>)
          %dma_wait3A_335 = arith.constant 0 : i32
          %dma_wait3A_336 = tpu.memref_slice %arg5[%add3A_222, %dma_wait3A_335] : memref<6384x128xi32, #tpu.memory_space<hbm>> -> memref<3x128xi32, #tpu.memory_space<hbm>>
          %dma_wait3A_337 = arith.constant 0 : i32
          %dma_wait3A_338 = tpu.memref_slice %arg5[%add3A_222, %dma_wait3A_337] : memref<6384x128xi32, #tpu.memory_space<hbm>> -> memref<3x128xi32, #tpu.memory_space<hbm>>
          tpu.wait_dma2 semaphore(%run_scoped3A : memref<!tpu.dma_semaphore, #tpu.memory_space<semaphore_mem>>) src(%dma_wait3A_338 : memref<3x128xi32, #tpu.memory_space<hbm>>) dst(%arg9 : memref<3x128xi32, #tpu.memory_space<vmem>>)
          tpu.yield
        }) : () -> ()
        %dma_wait3A_223 = arith.constant 0 : i32
        %dma_wait3A_224 = arith.constant 0 : i32
        %dma_wait3A_225 = arith.constant 0 : i32
        %dma_wait3A_226 = arith.constant 0 : i32
        %dma_wait3A_227 = tpu.memref_slice %arg13[%dma_wait3A_224, %dma_wait3A_225, %dma_wait3A_226] : memref<3x128x32xf32, #tpu.memory_space<vmem>> -> memref<1x128x32xf32, #tpu.memory_space<vmem>>
        %dma_wait3A_228 = tpu.memref_squeeze %dma_wait3A_227 : memref<1x128x32xf32, #tpu.memory_space<vmem>> -> memref<128x32xf32, #tpu.memory_space<vmem>>
        %dma_wait3A_229 = arith.constant 0 : i32
        %dma_wait3A_230 = tpu.memref_slice %arg11[%dma_wait3A_223, %dma_wait3A_229] : memref<3x128xi32, #tpu.memory_space<vmem>> -> memref<1x128xi32, #tpu.memory_space<vmem>>
        %dma_wait3A_231 = tpu.memref_squeeze %dma_wait3A_230 : memref<1x128xi32, #tpu.memory_space<vmem>> -> memref<128xi32, #tpu.memory_space<vmem>>
        %dma_wait3A_232 = arith.constant 0 : i32
        %dma_wait3A_233 = arith.constant 0 : i32
        %dma_wait3A_234 = tpu.memref_slice %arg3[%dma_wait3A_232, %dma_wait3A_233] : memref<50000x32xf32, #tpu.memory_space<hbm>> -> memref<50000x32xf32, #tpu.memory_space<hbm>>
        tpu.wait_indirect_dma semaphore(%arg16 : memref<!tpu.dma_semaphore, #tpu.memory_space<semaphore_mem>>) src(%dma_wait3A_234 : memref<50000x32xf32, #tpu.memory_space<hbm>>) dst(%dma_wait3A_228 : memref<128x32xf32, #tpu.memory_space<vmem>>)
        %dma_wait3A_235 = arith.constant 1 : i32
        %dma_wait3A_236 = arith.constant 1 : i32
        %dma_wait3A_237 = arith.constant 0 : i32
        %dma_wait3A_238 = arith.constant 0 : i32
        %dma_wait3A_239 = tpu.memref_slice %arg13[%dma_wait3A_236, %dma_wait3A_237, %dma_wait3A_238] : memref<3x128x32xf32, #tpu.memory_space<vmem>> -> memref<1x128x32xf32, #tpu.memory_space<vmem>>
        %dma_wait3A_240 = tpu.memref_squeeze %dma_wait3A_239 : memref<1x128x32xf32, #tpu.memory_space<vmem>> -> memref<128x32xf32, #tpu.memory_space<vmem>>
        %dma_wait3A_241 = arith.constant 0 : i32
        %dma_wait3A_242 = tpu.memref_slice %arg11[%dma_wait3A_235, %dma_wait3A_241] : memref<3x128xi32, #tpu.memory_space<vmem>> -> memref<1x128xi32, #tpu.memory_space<vmem>>
        %dma_wait3A_243 = tpu.memref_squeeze %dma_wait3A_242 : memref<1x128xi32, #tpu.memory_space<vmem>> -> memref<128xi32, #tpu.memory_space<vmem>>
        %dma_wait3A_244 = arith.constant 0 : i32
        %dma_wait3A_245 = arith.constant 0 : i32
        %dma_wait3A_246 = tpu.memref_slice %arg3[%dma_wait3A_244, %dma_wait3A_245] : memref<50000x32xf32, #tpu.memory_space<hbm>> -> memref<50000x32xf32, #tpu.memory_space<hbm>>
        tpu.wait_indirect_dma semaphore(%arg16 : memref<!tpu.dma_semaphore, #tpu.memory_space<semaphore_mem>>) src(%dma_wait3A_246 : memref<50000x32xf32, #tpu.memory_space<hbm>>) dst(%dma_wait3A_240 : memref<128x32xf32, #tpu.memory_space<vmem>>)
        %dma_wait3A_247 = arith.constant 2 : i32
        %dma_wait3A_248 = arith.constant 2 : i32
        %dma_wait3A_249 = arith.constant 0 : i32
        %dma_wait3A_250 = arith.constant 0 : i32
        %dma_wait3A_251 = tpu.memref_slice %arg13[%dma_wait3A_248, %dma_wait3A_249, %dma_wait3A_250] : memref<3x128x32xf32, #tpu.memory_space<vmem>> -> memref<1x128x32xf32, #tpu.memory_space<vmem>>
        %dma_wait3A_252 = tpu.memref_squeeze %dma_wait3A_251 : memref<1x128x32xf32, #tpu.memory_space<vmem>> -> memref<128x32xf32, #tpu.memory_space<vmem>>
        %dma_wait3A_253 = arith.constant 0 : i32
        %dma_wait3A_254 = tpu.memref_slice %arg11[%dma_wait3A_247, %dma_wait3A_253] : memref<3x128xi32, #tpu.memory_space<vmem>> -> memref<1x128xi32, #tpu.memory_space<vmem>>
        %dma_wait3A_255 = tpu.memref_squeeze %dma_wait3A_254 : memref<1x128xi32, #tpu.memory_space<vmem>> -> memref<128xi32, #tpu.memory_space<vmem>>
        %dma_wait3A_256 = arith.constant 0 : i32
        %dma_wait3A_257 = arith.constant 0 : i32
        %dma_wait3A_258 = tpu.memref_slice %arg3[%dma_wait3A_256, %dma_wait3A_257] : memref<50000x32xf32, #tpu.memory_space<hbm>> -> memref<50000x32xf32, #tpu.memory_space<hbm>>
        tpu.wait_indirect_dma semaphore(%arg16 : memref<!tpu.dma_semaphore, #tpu.memory_space<semaphore_mem>>) src(%dma_wait3A_258 : memref<50000x32xf32, #tpu.memory_space<hbm>>) dst(%dma_wait3A_252 : memref<128x32xf32, #tpu.memory_space<vmem>>)
        %dma_start3A_259 = arith.constant 0 : i32
        %dma_start3A_260 = arith.constant 0 : i32
        %dma_start3A_261 = arith.constant 0 : i32
        %dma_start3A_262 = arith.constant 0 : i32
        %dma_start3A_263 = tpu.memref_slice %arg13[%dma_start3A_259, %dma_start3A_261, %dma_start3A_262] : memref<3x128x32xf32, #tpu.memory_space<vmem>> -> memref<1x128x32xf32, #tpu.memory_space<vmem>>
        %dma_start3A_264 = tpu.memref_squeeze %dma_start3A_263 : memref<1x128x32xf32, #tpu.memory_space<vmem>> -> memref<128x32xf32, #tpu.memory_space<vmem>>
        %dma_start3A_265 = arith.constant 0 : i32
        %dma_start3A_266 = tpu.memref_slice %arg10[%dma_start3A_260, %dma_start3A_265] : memref<3x128xi32, #tpu.memory_space<vmem>> -> memref<1x128xi32, #tpu.memory_space<vmem>>
        %dma_start3A_267 = tpu.memref_squeeze %dma_start3A_266 : memref<1x128xi32, #tpu.memory_space<vmem>> -> memref<128xi32, #tpu.memory_space<vmem>>
        %dma_start3A_268 = arith.constant 0 : i32
        %dma_start3A_269 = arith.constant 0 : i32
        %dma_start3A_270 = tpu.memref_slice %arg14[%dma_start3A_268, %dma_start3A_269] : memref<50016x32xf32, #tpu.memory_space<vmem_shared>> -> memref<50016x32xf32, #tpu.memory_space<vmem_shared>>
        tpu.enqueue_indirect_dma source(%dma_start3A_264 : memref<128x32xf32, #tpu.memory_space<vmem>>) target(%dma_start3A_270 : memref<50016x32xf32, #tpu.memory_space<vmem_shared>>) offsets(%dma_start3A_267 : memref<128xi32, #tpu.memory_space<vmem>>) semaphore(%arg18 : memref<!tpu.dma_semaphore, #tpu.memory_space<semaphore_mem>>) {add = true}
        %dma_start3A_271 = arith.constant 1 : i32
        %dma_start3A_272 = arith.constant 1 : i32
        %dma_start3A_273 = arith.constant 0 : i32
        %dma_start3A_274 = arith.constant 0 : i32
        %dma_start3A_275 = tpu.memref_slice %arg13[%dma_start3A_271, %dma_start3A_273, %dma_start3A_274] : memref<3x128x32xf32, #tpu.memory_space<vmem>> -> memref<1x128x32xf32, #tpu.memory_space<vmem>>
        %dma_start3A_276 = tpu.memref_squeeze %dma_start3A_275 : memref<1x128x32xf32, #tpu.memory_space<vmem>> -> memref<128x32xf32, #tpu.memory_space<vmem>>
        %dma_start3A_277 = arith.constant 0 : i32
        %dma_start3A_278 = tpu.memref_slice %arg10[%dma_start3A_272, %dma_start3A_277] : memref<3x128xi32, #tpu.memory_space<vmem>> -> memref<1x128xi32, #tpu.memory_space<vmem>>
        %dma_start3A_279 = tpu.memref_squeeze %dma_start3A_278 : memref<1x128xi32, #tpu.memory_space<vmem>> -> memref<128xi32, #tpu.memory_space<vmem>>
        %dma_start3A_280 = arith.constant 0 : i32
        %dma_start3A_281 = arith.constant 0 : i32
        %dma_start3A_282 = tpu.memref_slice %arg14[%dma_start3A_280, %dma_start3A_281] : memref<50016x32xf32, #tpu.memory_space<vmem_shared>> -> memref<50016x32xf32, #tpu.memory_space<vmem_shared>>
        tpu.enqueue_indirect_dma source(%dma_start3A_276 : memref<128x32xf32, #tpu.memory_space<vmem>>) target(%dma_start3A_282 : memref<50016x32xf32, #tpu.memory_space<vmem_shared>>) offsets(%dma_start3A_279 : memref<128xi32, #tpu.memory_space<vmem>>) semaphore(%arg18 : memref<!tpu.dma_semaphore, #tpu.memory_space<semaphore_mem>>) {add = true}
        %dma_start3A_283 = arith.constant 2 : i32
        %dma_start3A_284 = arith.constant 2 : i32
        %dma_start3A_285 = arith.constant 0 : i32
        %dma_start3A_286 = arith.constant 0 : i32
        %dma_start3A_287 = tpu.memref_slice %arg13[%dma_start3A_283, %dma_start3A_285, %dma_start3A_286] : memref<3x128x32xf32, #tpu.memory_space<vmem>> -> memref<1x128x32xf32, #tpu.memory_space<vmem>>
        %dma_start3A_288 = tpu.memref_squeeze %dma_start3A_287 : memref<1x128x32xf32, #tpu.memory_space<vmem>> -> memref<128x32xf32, #tpu.memory_space<vmem>>
        %dma_start3A_289 = arith.constant 0 : i32
        %dma_start3A_290 = tpu.memref_slice %arg10[%dma_start3A_284, %dma_start3A_289] : memref<3x128xi32, #tpu.memory_space<vmem>> -> memref<1x128xi32, #tpu.memory_space<vmem>>
        %dma_start3A_291 = tpu.memref_squeeze %dma_start3A_290 : memref<1x128xi32, #tpu.memory_space<vmem>> -> memref<128xi32, #tpu.memory_space<vmem>>
        %dma_start3A_292 = arith.constant 0 : i32
        %dma_start3A_293 = arith.constant 0 : i32
        %dma_start3A_294 = tpu.memref_slice %arg14[%dma_start3A_292, %dma_start3A_293] : memref<50016x32xf32, #tpu.memory_space<vmem_shared>> -> memref<50016x32xf32, #tpu.memory_space<vmem_shared>>
        tpu.enqueue_indirect_dma source(%dma_start3A_288 : memref<128x32xf32, #tpu.memory_space<vmem>>) target(%dma_start3A_294 : memref<50016x32xf32, #tpu.memory_space<vmem_shared>>) offsets(%dma_start3A_291 : memref<128xi32, #tpu.memory_space<vmem>>) semaphore(%arg18 : memref<!tpu.dma_semaphore, #tpu.memory_space<semaphore_mem>>) {add = true}
        %dma_wait3A_295 = arith.constant 0 : i32
        %dma_wait3A_296 = arith.constant 0 : i32
        %dma_wait3A_297 = arith.constant 0 : i32
        %dma_wait3A_298 = arith.constant 0 : i32
        %dma_wait3A_299 = tpu.memref_slice %arg13[%dma_wait3A_295, %dma_wait3A_297, %dma_wait3A_298] : memref<3x128x32xf32, #tpu.memory_space<vmem>> -> memref<1x128x32xf32, #tpu.memory_space<vmem>>
        %dma_wait3A_300 = tpu.memref_squeeze %dma_wait3A_299 : memref<1x128x32xf32, #tpu.memory_space<vmem>> -> memref<128x32xf32, #tpu.memory_space<vmem>>
        %dma_wait3A_301 = arith.constant 0 : i32
        %dma_wait3A_302 = tpu.memref_slice %arg10[%dma_wait3A_296, %dma_wait3A_301] : memref<3x128xi32, #tpu.memory_space<vmem>> -> memref<1x128xi32, #tpu.memory_space<vmem>>
        %dma_wait3A_303 = tpu.memref_squeeze %dma_wait3A_302 : memref<1x128xi32, #tpu.memory_space<vmem>> -> memref<128xi32, #tpu.memory_space<vmem>>
        %dma_wait3A_304 = arith.constant 0 : i32
        %dma_wait3A_305 = arith.constant 0 : i32
        %dma_wait3A_306 = tpu.memref_slice %arg14[%dma_wait3A_304, %dma_wait3A_305] : memref<50016x32xf32, #tpu.memory_space<vmem_shared>> -> memref<50016x32xf32, #tpu.memory_space<vmem_shared>>
        tpu.wait_indirect_dma semaphore(%arg18 : memref<!tpu.dma_semaphore, #tpu.memory_space<semaphore_mem>>) src(%dma_wait3A_300 : memref<128x32xf32, #tpu.memory_space<vmem>>) dst(%dma_wait3A_306 : memref<50016x32xf32, #tpu.memory_space<vmem_shared>>)
        %dma_wait3A_307 = arith.constant 1 : i32
        %dma_wait3A_308 = arith.constant 1 : i32
        %dma_wait3A_309 = arith.constant 0 : i32
        %dma_wait3A_310 = arith.constant 0 : i32
        %dma_wait3A_311 = tpu.memref_slice %arg13[%dma_wait3A_307, %dma_wait3A_309, %dma_wait3A_310] : memref<3x128x32xf32, #tpu.memory_space<vmem>> -> memref<1x128x32xf32, #tpu.memory_space<vmem>>
        %dma_wait3A_312 = tpu.memref_squeeze %dma_wait3A_311 : memref<1x128x32xf32, #tpu.memory_space<vmem>> -> memref<128x32xf32, #tpu.memory_space<vmem>>
        %dma_wait3A_313 = arith.constant 0 : i32
        %dma_wait3A_314 = tpu.memref_slice %arg10[%dma_wait3A_308, %dma_wait3A_313] : memref<3x128xi32, #tpu.memory_space<vmem>> -> memref<1x128xi32, #tpu.memory_space<vmem>>
        %dma_wait3A_315 = tpu.memref_squeeze %dma_wait3A_314 : memref<1x128xi32, #tpu.memory_space<vmem>> -> memref<128xi32, #tpu.memory_space<vmem>>
        %dma_wait3A_316 = arith.constant 0 : i32
        %dma_wait3A_317 = arith.constant 0 : i32
        %dma_wait3A_318 = tpu.memref_slice %arg14[%dma_wait3A_316, %dma_wait3A_317] : memref<50016x32xf32, #tpu.memory_space<vmem_shared>> -> memref<50016x32xf32, #tpu.memory_space<vmem_shared>>
        tpu.wait_indirect_dma semaphore(%arg18 : memref<!tpu.dma_semaphore, #tpu.memory_space<semaphore_mem>>) src(%dma_wait3A_312 : memref<128x32xf32, #tpu.memory_space<vmem>>) dst(%dma_wait3A_318 : memref<50016x32xf32, #tpu.memory_space<vmem_shared>>)
        %dma_wait3A_319 = arith.constant 2 : i32
        %dma_wait3A_320 = arith.constant 2 : i32
        %dma_wait3A_321 = arith.constant 0 : i32
        %dma_wait3A_322 = arith.constant 0 : i32
        %dma_wait3A_323 = tpu.memref_slice %arg13[%dma_wait3A_319, %dma_wait3A_321, %dma_wait3A_322] : memref<3x128x32xf32, #tpu.memory_space<vmem>> -> memref<1x128x32xf32, #tpu.memory_space<vmem>>
        %dma_wait3A_324 = tpu.memref_squeeze %dma_wait3A_323 : memref<1x128x32xf32, #tpu.memory_space<vmem>> -> memref<128x32xf32, #tpu.memory_space<vmem>>
        %dma_wait3A_325 = arith.constant 0 : i32
        %dma_wait3A_326 = tpu.memref_slice %arg10[%dma_wait3A_320, %dma_wait3A_325] : memref<3x128xi32, #tpu.memory_space<vmem>> -> memref<1x128xi32, #tpu.memory_space<vmem>>
        %dma_wait3A_327 = tpu.memref_squeeze %dma_wait3A_326 : memref<1x128xi32, #tpu.memory_space<vmem>> -> memref<128xi32, #tpu.memory_space<vmem>>
        %dma_wait3A_328 = arith.constant 0 : i32
        %dma_wait3A_329 = arith.constant 0 : i32
        %dma_wait3A_330 = tpu.memref_slice %arg14[%dma_wait3A_328, %dma_wait3A_329] : memref<50016x32xf32, #tpu.memory_space<vmem_shared>> -> memref<50016x32xf32, #tpu.memory_space<vmem_shared>>
        tpu.wait_indirect_dma semaphore(%arg18 : memref<!tpu.dma_semaphore, #tpu.memory_space<semaphore_mem>>) src(%dma_wait3A_324 : memref<128x32xf32, #tpu.memory_space<vmem>>) dst(%dma_wait3A_330 : memref<50016x32xf32, #tpu.memory_space<vmem_shared>>)
      }
      %scan3A_18 = arith.constant 66 : i32
      %barrier3A_19 = arith.constant 0 : index
      tpu.barrier barrier_id(%barrier3A_19)
      %mul3A_20 = arith.constant 3125 : i32
      %mul3A_21 = arith.muli %arg1, %mul3A_20 : i32
      %mul3A_22 = arith.constant 3125 : i32
      %mul3A_23 = arith.muli %arg1, %mul3A_22 : i32
      "tpu.region"() ({
        %run_scoped3A = tpu.sem_alloc : memref<!tpu.dma_semaphore, #tpu.memory_space<semaphore_mem>>
        %dma_start3A = arith.constant 0 : i32
        %dma_start3A_24 = tpu.memref_slice %arg7[%mul3A_23, %dma_start3A] : memref<50000x32xf32, #tpu.memory_space<hbm>> -> memref<3125x32xf32, #tpu.memory_space<hbm>>
        %dma_start3A_25 = arith.constant 0 : i32
        %dma_start3A_26 = tpu.memref_slice %arg14[%mul3A_21, %dma_start3A_25] : memref<50016x32xf32, #tpu.memory_space<vmem_shared>> -> memref<3125x32xf32, #tpu.memory_space<vmem_shared>>
        tpu.enqueue_dma source(%dma_start3A_26 : memref<3125x32xf32, #tpu.memory_space<vmem_shared>>) target(%dma_start3A_24 : memref<3125x32xf32, #tpu.memory_space<hbm>>) target_semaphore(%run_scoped3A : memref<!tpu.dma_semaphore, #tpu.memory_space<semaphore_mem>>)
        %dma_wait3A = arith.constant 0 : i32
        %dma_wait3A_27 = tpu.memref_slice %arg7[%mul3A_23, %dma_wait3A] : memref<50000x32xf32, #tpu.memory_space<hbm>> -> memref<3125x32xf32, #tpu.memory_space<hbm>>
        %dma_wait3A_28 = arith.constant 0 : i32
        %dma_wait3A_29 = tpu.memref_slice %arg14[%mul3A_21, %dma_wait3A_28] : memref<50016x32xf32, #tpu.memory_space<vmem_shared>> -> memref<3125x32xf32, #tpu.memory_space<vmem_shared>>
        tpu.wait_dma2 semaphore(%run_scoped3A : memref<!tpu.dma_semaphore, #tpu.memory_space<semaphore_mem>>) src(%dma_wait3A_29 : memref<3125x32xf32, #tpu.memory_space<vmem_shared>>) dst(%dma_wait3A_27 : memref<3125x32xf32, #tpu.memory_space<hbm>>)
        tpu.yield
      }) : () -> ()
    } else {
    }
    return
  }
}

#map = affine_map<(d0, d1) -> (0, 0)>
module attributes {stable_mosaic.version = 14 : i64} {
  func.func @k(%arg0: i32, %arg1: i32, %arg2: memref<50000x32xf32, #tpu.memory_space<hbm>>, %arg3: memref<50000x32xf32, #tpu.memory_space<hbm>>, %arg4: memref<6384x128xi32, #tpu.memory_space<hbm>>, %arg5: memref<6384x128xi32, #tpu.memory_space<hbm>>, %arg6: memref<50000x32xf32, #tpu.memory_space<hbm>>, %arg7: memref<50000x32xf32, #tpu.memory_space<hbm>>, %arg8: memref<3x128xi32, #tpu.memory_space<vmem>>, %arg9: memref<3x128xi32, #tpu.memory_space<vmem>>, %arg10: memref<3x128xi32, #tpu.memory_space<vmem>>, %arg11: memref<3x128xi32, #tpu.memory_space<vmem>>, %arg12: memref<3x128x32xf32, #tpu.memory_space<vmem>>, %arg13: memref<3x128x32xf32, #tpu.memory_space<vmem>>, %arg14: memref<50016x32xf32, #tpu.memory_space<vmem_shared>>, %arg15: memref<!tpu.dma_semaphore, #tpu.memory_space<semaphore_mem>>, %arg16: memref<!tpu.dma_semaphore, #tpu.memory_space<semaphore_mem>>, %arg17: memref<!tpu.dma_semaphore, #tpu.memory_space<semaphore_mem>>, %arg18: memref<!tpu.dma_semaphore, #tpu.memory_space<semaphore_mem>>) attributes {dimension_semantics = [#tpu.dimension_semantics<core_parallel>, #tpu.dimension_semantics<subcore_parallel>], iteration_bounds = array<i64: 2, 16>, scalar_prefetch = 0 : i64, scratch_operands = 11 : i64, tpu.core_type = #tpu.core_type<sc_vector_subcore>, window_params = [{transform_indices = #map}, {transform_indices = #map}, {transform_indices = #map}, {transform_indices = #map}, {transform_indices = #map}, {transform_indices = #map}]} {
    %eq3A = arith.constant 0 : i32
    %eq3A_0 = arith.cmpi eq, %arg0, %eq3A : i32
    %convert_element_type3A = arith.extui %eq3A_0 : i1 to i32
    %cond3A = arith.constant 0 : i32
    %cond3A_1 = arith.cmpi ne, %convert_element_type3A, %cond3A : i32
    scf.if %cond3A_1 {
      %mul3A = arith.constant 3125 : i32
      %mul3A_7 = arith.muli %arg1, %mul3A : i32
      %mul3A_8 = arith.constant 3125 : i32
      %mul3A_9 = arith.muli %arg1, %mul3A_8 : i32
      "tpu.region"() ({
        %run_scoped3A = tpu.sem_alloc : memref<!tpu.dma_semaphore, #tpu.memory_space<semaphore_mem>>
        %dma_start3A = arith.constant 0 : i32
        %dma_start3A_24 = tpu.memref_slice %arg14[%mul3A_9, %dma_start3A] : memref<50016x32xf32, #tpu.memory_space<vmem_shared>> -> memref<3125x32xf32, #tpu.memory_space<vmem_shared>>
        %dma_start3A_25 = arith.constant 0 : i32
        %dma_start3A_26 = tpu.memref_slice %arg2[%mul3A_7, %dma_start3A_25] : memref<50000x32xf32, #tpu.memory_space<hbm>> -> memref<3125x32xf32, #tpu.memory_space<hbm>>
        tpu.enqueue_dma source(%dma_start3A_26 : memref<3125x32xf32, #tpu.memory_space<hbm>>) target(%dma_start3A_24 : memref<3125x32xf32, #tpu.memory_space<vmem_shared>>) target_semaphore(%run_scoped3A : memref<!tpu.dma_semaphore, #tpu.memory_space<semaphore_mem>>)
        %dma_wait3A = arith.constant 0 : i32
        %dma_wait3A_27 = tpu.memref_slice %arg14[%mul3A_9, %dma_wait3A] : memref<50016x32xf32, #tpu.memory_space<vmem_shared>> -> memref<3125x32xf32, #tpu.memory_space<vmem_shared>>
        %dma_wait3A_28 = arith.constant 0 : i32
        %dma_wait3A_29 = tpu.memref_slice %arg2[%mul3A_7, %dma_wait3A_28] : memref<50000x32xf32, #tpu.memory_space<hbm>> -> memref<3125x32xf32, #tpu.memory_space<hbm>>
        tpu.wait_dma2 semaphore(%run_scoped3A : memref<!tpu.dma_semaphore, #tpu.memory_space<semaphore_mem>>) src(%dma_wait3A_29 : memref<3125x32xf32, #tpu.memory_space<hbm>>) dst(%dma_wait3A_27 : memref<3125x32xf32, #tpu.memory_space<vmem_shared>>)
        tpu.yield
      }) : () -> ()
      %barrier3A = arith.constant 0 : index
      tpu.barrier barrier_id(%barrier3A)
      %mul3A_10 = arith.constant 399 : i32
      %mul3A_11 = arith.muli %arg1, %mul3A_10 : i32
      %add3A = arith.constant 0 : i32
      %add3A_12 = arith.addi %mul3A_11, %add3A : i32
      "tpu.region"() ({
        %run_scoped3A = tpu.sem_alloc : memref<!tpu.dma_semaphore, #tpu.memory_space<semaphore_mem>>
        %dma_start3A = arith.constant 0 : i32
        %dma_start3A_24 = tpu.memref_slice %arg4[%add3A_12, %dma_start3A] : memref<6384x128xi32, #tpu.memory_space<hbm>> -> memref<3x128xi32, #tpu.memory_space<hbm>>
        %dma_start3A_25 = arith.constant 0 : i32
        %dma_start3A_26 = tpu.memref_slice %arg4[%add3A_12, %dma_start3A_25] : memref<6384x128xi32, #tpu.memory_space<hbm>> -> memref<3x128xi32, #tpu.memory_space<hbm>>
        tpu.enqueue_dma source(%dma_start3A_26 : memref<3x128xi32, #tpu.memory_space<hbm>>) target(%arg8 : memref<3x128xi32, #tpu.memory_space<vmem>>) target_semaphore(%run_scoped3A : memref<!tpu.dma_semaphore, #tpu.memory_space<semaphore_mem>>)
        %dma_wait3A = arith.constant 0 : i32
        %dma_wait3A_27 = tpu.memref_slice %arg4[%add3A_12, %dma_wait3A] : memref<6384x128xi32, #tpu.memory_space<hbm>> -> memref<3x128xi32, #tpu.memory_space<hbm>>
        %dma_wait3A_28 = arith.constant 0 : i32
        %dma_wait3A_29 = tpu.memref_slice %arg4[%add3A_12, %dma_wait3A_28] : memref<6384x128xi32, #tpu.memory_space<hbm>> -> memref<3x128xi32, #tpu.memory_space<hbm>>
        tpu.wait_dma2 semaphore(%run_scoped3A : memref<!tpu.dma_semaphore, #tpu.memory_space<semaphore_mem>>) src(%dma_wait3A_29 : memref<3x128xi32, #tpu.memory_space<hbm>>) dst(%arg8 : memref<3x128xi32, #tpu.memory_space<vmem>>)
        tpu.yield
      }) : () -> ()
      %add3A_13 = arith.constant 0 : i32
      %add3A_14 = arith.addi %mul3A_11, %add3A_13 : i32
      "tpu.region"() ({
        %run_scoped3A = tpu.sem_alloc : memref<!tpu.dma_semaphore, #tpu.memory_space<semaphore_mem>>
        %dma_start3A = arith.constant 0 : i32
        %dma_start3A_24 = tpu.memref_slice %arg5[%add3A_14, %dma_start3A] : memref<6384x128xi32, #tpu.memory_space<hbm>> -> memref<3x128xi32, #tpu.memory_space<hbm>>
        %dma_start3A_25 = arith.constant 0 : i32
        %dma_start3A_26 = tpu.memref_slice %arg5[%add3A_14, %dma_start3A_25] : memref<6384x128xi32, #tpu.memory_space<hbm>> -> memref<3x128xi32, #tpu.memory_space<hbm>>
        tpu.enqueue_dma source(%dma_start3A_26 : memref<3x128xi32, #tpu.memory_space<hbm>>) target(%arg9 : memref<3x128xi32, #tpu.memory_space<vmem>>) target_semaphore(%run_scoped3A : memref<!tpu.dma_semaphore, #tpu.memory_space<semaphore_mem>>)
        %dma_wait3A = arith.constant 0 : i32
        %dma_wait3A_27 = tpu.memref_slice %arg5[%add3A_14, %dma_wait3A] : memref<6384x128xi32, #tpu.memory_space<hbm>> -> memref<3x128xi32, #tpu.memory_space<hbm>>
        %dma_wait3A_28 = arith.constant 0 : i32
        %dma_wait3A_29 = tpu.memref_slice %arg5[%add3A_14, %dma_wait3A_28] : memref<6384x128xi32, #tpu.memory_space<hbm>> -> memref<3x128xi32, #tpu.memory_space<hbm>>
        tpu.wait_dma2 semaphore(%run_scoped3A : memref<!tpu.dma_semaphore, #tpu.memory_space<semaphore_mem>>) src(%dma_wait3A_29 : memref<3x128xi32, #tpu.memory_space<hbm>>) dst(%arg9 : memref<3x128xi32, #tpu.memory_space<vmem>>)
        tpu.yield
      }) : () -> ()
      %scan3A = arith.constant 0 : i32
      %scan3A_15 = arith.constant 66 : i32
      %scan3A_16 = arith.addi %scan3A, %scan3A_15 : i32
      %scan3A_17 = arith.constant 1 : i32
      scf.for %scan3A_24 = %scan3A to %scan3A_16 step %scan3A_17  : i32 {
        %mul3A_25 = arith.constant 2 : i32
        %mul3A_26 = arith.muli %scan3A_24, %mul3A_25 : i32
        %add3A_27 = arith.constant 0 : i32
        %add3A_28 = arith.addi %add3A_27, %mul3A_26 : i32
        %dma_start3A = arith.constant 0 : i32
        %dma_start3A_29 = arith.constant 0 : i32
        %dma_start3A_30 = arith.constant 0 : i32
        %dma_start3A_31 = arith.constant 0 : i32
        %dma_start3A_32 = tpu.memref_slice %arg12[%dma_start3A_29, %dma_start3A_30, %dma_start3A_31] : memref<3x128x32xf32, #tpu.memory_space<vmem>> -> memref<1x128x32xf32, #tpu.memory_space<vmem>>
        %dma_start3A_33 = tpu.memref_squeeze %dma_start3A_32 : memref<1x128x32xf32, #tpu.memory_space<vmem>> -> memref<128x32xf32, #tpu.memory_space<vmem>>
        %dma_start3A_34 = arith.constant 0 : i32
        %dma_start3A_35 = tpu.memref_slice %arg9[%dma_start3A, %dma_start3A_34] : memref<3x128xi32, #tpu.memory_space<vmem>> -> memref<1x128xi32, #tpu.memory_space<vmem>>
        %dma_start3A_36 = tpu.memref_squeeze %dma_start3A_35 : memref<1x128xi32, #tpu.memory_space<vmem>> -> memref<128xi32, #tpu.memory_space<vmem>>
        %dma_start3A_37 = arith.constant 0 : i32
        %dma_start3A_38 = arith.constant 0 : i32
        %dma_start3A_39 = tpu.memref_slice %arg2[%dma_start3A_37, %dma_start3A_38] : memref<50000x32xf32, #tpu.memory_space<hbm>> -> memref<50000x32xf32, #tpu.memory_space<hbm>>
        tpu.enqueue_indirect_dma source(%dma_start3A_39 : memref<50000x32xf32, #tpu.memory_space<hbm>>) target(%dma_start3A_33 : memref<128x32xf32, #tpu.memory_space<vmem>>) offsets(%dma_start3A_36 : memref<128xi32, #tpu.memory_space<vmem>>) semaphore(%arg15 : memref<!tpu.dma_semaphore, #tpu.memory_space<semaphore_mem>>)
        %dma_start3A_40 = arith.constant 1 : i32
        %dma_start3A_41 = arith.constant 1 : i32
        %dma_start3A_42 = arith.constant 0 : i32
        %dma_start3A_43 = arith.constant 0 : i32
        %dma_start3A_44 = tpu.memref_slice %arg12[%dma_start3A_41, %dma_start3A_42, %dma_start3A_43] : memref<3x128x32xf32, #tpu.memory_space<vmem>> -> memref<1x128x32xf32, #tpu.memory_space<vmem>>
        %dma_start3A_45 = tpu.memref_squeeze %dma_start3A_44 : memref<1x128x32xf32, #tpu.memory_space<vmem>> -> memref<128x32xf32, #tpu.memory_space<vmem>>
        %dma_start3A_46 = arith.constant 0 : i32
        %dma_start3A_47 = tpu.memref_slice %arg9[%dma_start3A_40, %dma_start3A_46] : memref<3x128xi32, #tpu.memory_space<vmem>> -> memref<1x128xi32, #tpu.memory_space<vmem>>
        %dma_start3A_48 = tpu.memref_squeeze %dma_start3A_47 : memref<1x128xi32, #tpu.memory_space<vmem>> -> memref<128xi32, #tpu.memory_space<vmem>>
        %dma_start3A_49 = arith.constant 0 : i32
        %dma_start3A_50 = arith.constant 0 : i32
        %dma_start3A_51 = tpu.memref_slice %arg2[%dma_start3A_49, %dma_start3A_50] : memref<50000x32xf32, #tpu.memory_space<hbm>> -> memref<50000x32xf32, #tpu.memory_space<hbm>>
        tpu.enqueue_indirect_dma source(%dma_start3A_51 : memref<50000x32xf32, #tpu.memory_space<hbm>>) target(%dma_start3A_45 : memref<128x32xf32, #tpu.memory_space<vmem>>) offsets(%dma_start3A_48 : memref<128xi32, #tpu.memory_space<vmem>>) semaphore(%arg15 : memref<!tpu.dma_semaphore, #tpu.memory_space<semaphore_mem>>)
        %dma_start3A_52 = arith.constant 2 : i32
        %dma_start3A_53 = arith.constant 2 : i32
        %dma_start3A_54 = arith.constant 0 : i32
        %dma_start3A_55 = arith.constant 0 : i32
        %dma_start3A_56 = tpu.memref_slice %arg12[%dma_start3A_53, %dma_start3A_54, %dma_start3A_55] : memref<3x128x32xf32, #tpu.memory_space<vmem>> -> memref<1x128x32xf32, #tpu.memory_space<vmem>>
        %dma_start3A_57 = tpu.memref_squeeze %dma_start3A_56 : memref<1x128x32xf32, #tpu.memory_space<vmem>> -> memref<128x32xf32, #tpu.memory_space<vmem>>
        %dma_start3A_58 = arith.constant 0 : i32
        %dma_start3A_59 = tpu.memref_slice %arg9[%dma_start3A_52, %dma_start3A_58] : memref<3x128xi32, #tpu.memory_space<vmem>> -> memref<1x128xi32, #tpu.memory_space<vmem>>
        %dma_start3A_60 = tpu.memref_squeeze %dma_start3A_59 : memref<1x128xi32, #tpu.memory_space<vmem>> -> memref<128xi32, #tpu.memory_space<vmem>>
        %dma_start3A_61 = arith.constant 0 : i32
        %dma_start3A_62 = arith.constant 0 : i32
        %dma_start3A_63 = tpu.memref_slice %arg2[%dma_start3A_61, %dma_start3A_62] : memref<50000x32xf32, #tpu.memory_space<hbm>> -> memref<50000x32xf32, #tpu.memory_space<hbm>>
        tpu.enqueue_indirect_dma source(%dma_start3A_63 : memref<50000x32xf32, #tpu.memory_space<hbm>>) target(%dma_start3A_57 : memref<128x32xf32, #tpu.memory_space<vmem>>) offsets(%dma_start3A_60 : memref<128xi32, #tpu.memory_space<vmem>>) semaphore(%arg15 : memref<!tpu.dma_semaphore, #tpu.memory_space<semaphore_mem>>)
        %add3A_64 = arith.constant 1 : i32
        %add3A_65 = arith.addi %add3A_28, %add3A_64 : i32
        %mul3A_66 = arith.constant 3 : i32
        %mul3A_67 = arith.muli %add3A_65, %mul3A_66 : i32
        %add3A_68 = arith.addi %mul3A_11, %mul3A_67 : i32
        "tpu.region"() ({
          %run_scoped3A = tpu.sem_alloc : memref<!tpu.dma_semaphore, #tpu.memory_space<semaphore_mem>>
          %dma_start3A_331 = arith.constant 0 : i32
          %dma_start3A_332 = tpu.memref_slice %arg4[%add3A_68, %dma_start3A_331] : memref<6384x128xi32, #tpu.memory_space<hbm>> -> memref<3x128xi32, #tpu.memory_space<hbm>>
          %dma_start3A_333 = arith.constant 0 : i32
          %dma_start3A_334 = tpu.memref_slice %arg4[%add3A_68, %dma_start3A_333] : memref<6384x128xi32, #tpu.memory_space<hbm>> -> memref<3x128xi32, #tpu.memory_space<hbm>>
          tpu.enqueue_dma source(%dma_start3A_334 : memref<3x128xi32, #tpu.memory_space<hbm>>) target(%arg10 : memref<3x128xi32, #tpu.memory_space<vmem>>) target_semaphore(%run_scoped3A : memref<!tpu.dma_semaphore, #tpu.memory_space<semaphore_mem>>)
          %dma_wait3A_335 = arith.constant 0 : i32
          %dma_wait3A_336 = tpu.memref_slice %arg4[%add3A_68, %dma_wait3A_335] : memref<6384x128xi32, #tpu.memory_space<hbm>> -> memref<3x128xi32, #tpu.memory_space<hbm>>
          %dma_wait3A_337 = arith.constant 0 : i32
          %dma_wait3A_338 = tpu.memref_slice %arg4[%add3A_68, %dma_wait3A_337] : memref<6384x128xi32, #tpu.memory_space<hbm>> -> memref<3x128xi32, #tpu.memory_space<hbm>>
          tpu.wait_dma2 semaphore(%run_scoped3A : memref<!tpu.dma_semaphore, #tpu.memory_space<semaphore_mem>>) src(%dma_wait3A_338 : memref<3x128xi32, #tpu.memory_space<hbm>>) dst(%arg10 : memref<3x128xi32, #tpu.memory_space<vmem>>)
          tpu.yield
        }) : () -> ()
        %mul3A_69 = arith.constant 3 : i32
        %mul3A_70 = arith.muli %add3A_65, %mul3A_69 : i32
        %add3A_71 = arith.addi %mul3A_11, %mul3A_70 : i32
        "tpu.region"() ({
          %run_scoped3A = tpu.sem_alloc : memref<!tpu.dma_semaphore, #tpu.memory_space<semaphore_mem>>
          %dma_start3A_331 = arith.constant 0 : i32
          %dma_start3A_332 = tpu.memref_slice %arg5[%add3A_71, %dma_start3A_331] : memref<6384x128xi32, #tpu.memory_space<hbm>> -> memref<3x128xi32, #tpu.memory_space<hbm>>
          %dma_start3A_333 = arith.constant 0 : i32
          %dma_start3A_334 = tpu.memref_slice %arg5[%add3A_71, %dma_start3A_333] : memref<6384x128xi32, #tpu.memory_space<hbm>> -> memref<3x128xi32, #tpu.memory_space<hbm>>
          tpu.enqueue_dma source(%dma_start3A_334 : memref<3x128xi32, #tpu.memory_space<hbm>>) target(%arg11 : memref<3x128xi32, #tpu.memory_space<vmem>>) target_semaphore(%run_scoped3A : memref<!tpu.dma_semaphore, #tpu.memory_space<semaphore_mem>>)
          %dma_wait3A_335 = arith.constant 0 : i32
          %dma_wait3A_336 = tpu.memref_slice %arg5[%add3A_71, %dma_wait3A_335] : memref<6384x128xi32, #tpu.memory_space<hbm>> -> memref<3x128xi32, #tpu.memory_space<hbm>>
          %dma_wait3A_337 = arith.constant 0 : i32
          %dma_wait3A_338 = tpu.memref_slice %arg5[%add3A_71, %dma_wait3A_337] : memref<6384x128xi32, #tpu.memory_space<hbm>> -> memref<3x128xi32, #tpu.memory_space<hbm>>
          tpu.wait_dma2 semaphore(%run_scoped3A : memref<!tpu.dma_semaphore, #tpu.memory_space<semaphore_mem>>) src(%dma_wait3A_338 : memref<3x128xi32, #tpu.memory_space<hbm>>) dst(%arg11 : memref<3x128xi32, #tpu.memory_space<vmem>>)
          tpu.yield
        }) : () -> ()
        %dma_start3A_72 = arith.constant 0 : i32
        %dma_start3A_73 = arith.constant 0 : i32
        %dma_start3A_74 = arith.constant 0 : i32
        %dma_start3A_75 = arith.constant 0 : i32
        %dma_start3A_76 = tpu.memref_slice %arg13[%dma_start3A_73, %dma_start3A_74, %dma_start3A_75] : memref<3x128x32xf32, #tpu.memory_space<vmem>> -> memref<1x128x32xf32, #tpu.memory_space<vmem>>
        %dma_start3A_77 = tpu.memref_squeeze %dma_start3A_76 : memref<1x128x32xf32, #tpu.memory_space<vmem>> -> memref<128x32xf32, #tpu.memory_space<vmem>>
        %dma_start3A_78 = arith.constant 0 : i32
        %dma_start3A_79 = tpu.memref_slice %arg11[%dma_start3A_72, %dma_start3A_78] : memref<3x128xi32, #tpu.memory_space<vmem>> -> memref<1x128xi32, #tpu.memory_space<vmem>>
        %dma_start3A_80 = tpu.memref_squeeze %dma_start3A_79 : memref<1x128xi32, #tpu.memory_space<vmem>> -> memref<128xi32, #tpu.memory_space<vmem>>
        %dma_start3A_81 = arith.constant 0 : i32
        %dma_start3A_82 = arith.constant 0 : i32
        %dma_start3A_83 = tpu.memref_slice %arg2[%dma_start3A_81, %dma_start3A_82] : memref<50000x32xf32, #tpu.memory_space<hbm>> -> memref<50000x32xf32, #tpu.memory_space<hbm>>
        tpu.enqueue_indirect_dma source(%dma_start3A_83 : memref<50000x32xf32, #tpu.memory_space<hbm>>) target(%dma_start3A_77 : memref<128x32xf32, #tpu.memory_space<vmem>>) offsets(%dma_start3A_80 : memref<128xi32, #tpu.memory_space<vmem>>) semaphore(%arg16 : memref<!tpu.dma_semaphore, #tpu.memory_space<semaphore_mem>>)
        %dma_start3A_84 = arith.constant 1 : i32
        %dma_start3A_85 = arith.constant 1 : i32
        %dma_start3A_86 = arith.constant 0 : i32
        %dma_start3A_87 = arith.constant 0 : i32
        %dma_start3A_88 = tpu.memref_slice %arg13[%dma_start3A_85, %dma_start3A_86, %dma_start3A_87] : memref<3x128x32xf32, #tpu.memory_space<vmem>> -> memref<1x128x32xf32, #tpu.memory_space<vmem>>
        %dma_start3A_89 = tpu.memref_squeeze %dma_start3A_88 : memref<1x128x32xf32, #tpu.memory_space<vmem>> -> memref<128x32xf32, #tpu.memory_space<vmem>>
        %dma_start3A_90 = arith.constant 0 : i32
        %dma_start3A_91 = tpu.memref_slice %arg11[%dma_start3A_84, %dma_start3A_90] : memref<3x128xi32, #tpu.memory_space<vmem>> -> memref<1x128xi32, #tpu.memory_space<vmem>>
        %dma_start3A_92 = tpu.memref_squeeze %dma_start3A_91 : memref<1x128xi32, #tpu.memory_space<vmem>> -> memref<128xi32, #tpu.memory_space<vmem>>
        %dma_start3A_93 = arith.constant 0 : i32
        %dma_start3A_94 = arith.constant 0 : i32
        %dma_start3A_95 = tpu.memref_slice %arg2[%dma_start3A_93, %dma_start3A_94] : memref<50000x32xf32, #tpu.memory_space<hbm>> -> memref<50000x32xf32, #tpu.memory_space<hbm>>
        tpu.enqueue_indirect_dma source(%dma_start3A_95 : memref<50000x32xf32, #tpu.memory_space<hbm>>) target(%dma_start3A_89 : memref<128x32xf32, #tpu.memory_space<vmem>>) offsets(%dma_start3A_92 : memref<128xi32, #tpu.memory_space<vmem>>) semaphore(%arg16 : memref<!tpu.dma_semaphore, #tpu.memory_space<semaphore_mem>>)
        %dma_start3A_96 = arith.constant 2 : i32
        %dma_start3A_97 = arith.constant 2 : i32
        %dma_start3A_98 = arith.constant 0 : i32
        %dma_start3A_99 = arith.constant 0 : i32
        %dma_start3A_100 = tpu.memref_slice %arg13[%dma_start3A_97, %dma_start3A_98, %dma_start3A_99] : memref<3x128x32xf32, #tpu.memory_space<vmem>> -> memref<1x128x32xf32, #tpu.memory_space<vmem>>
        %dma_start3A_101 = tpu.memref_squeeze %dma_start3A_100 : memref<1x128x32xf32, #tpu.memory_space<vmem>> -> memref<128x32xf32, #tpu.memory_space<vmem>>
        %dma_start3A_102 = arith.constant 0 : i32
        %dma_start3A_103 = tpu.memref_slice %arg11[%dma_start3A_96, %dma_start3A_102] : memref<3x128xi32, #tpu.memory_space<vmem>> -> memref<1x128xi32, #tpu.memory_space<vmem>>
        %dma_start3A_104 = tpu.memref_squeeze %dma_start3A_103 : memref<1x128xi32, #tpu.memory_space<vmem>> -> memref<128xi32, #tpu.memory_space<vmem>>
        %dma_start3A_105 = arith.constant 0 : i32
        %dma_start3A_106 = arith.constant 0 : i32
        %dma_start3A_107 = tpu.memref_slice %arg2[%dma_start3A_105, %dma_start3A_106] : memref<50000x32xf32, #tpu.memory_space<hbm>> -> memref<50000x32xf32, #tpu.memory_space<hbm>>
        tpu.enqueue_indirect_dma source(%dma_start3A_107 : memref<50000x32xf32, #tpu.memory_space<hbm>>) target(%dma_start3A_101 : memref<128x32xf32, #tpu.memory_space<vmem>>) offsets(%dma_start3A_104 : memref<128xi32, #tpu.memory_space<vmem>>) semaphore(%arg16 : memref<!tpu.dma_semaphore, #tpu.memory_space<semaphore_mem>>)
        %dma_wait3A = arith.constant 0 : i32
        %dma_wait3A_108 = arith.constant 0 : i32
        %dma_wait3A_109 = arith.constant 0 : i32
        %dma_wait3A_110 = arith.constant 0 : i32
        %dma_wait3A_111 = tpu.memref_slice %arg12[%dma_wait3A_108, %dma_wait3A_109, %dma_wait3A_110] : memref<3x128x32xf32, #tpu.memory_space<vmem>> -> memref<1x128x32xf32, #tpu.memory_space<vmem>>
        %dma_wait3A_112 = tpu.memref_squeeze %dma_wait3A_111 : memref<1x128x32xf32, #tpu.memory_space<vmem>> -> memref<128x32xf32, #tpu.memory_space<vmem>>
        %dma_wait3A_113 = arith.constant 0 : i32
        %dma_wait3A_114 = tpu.memref_slice %arg9[%dma_wait3A, %dma_wait3A_113] : memref<3x128xi32, #tpu.memory_space<vmem>> -> memref<1x128xi32, #tpu.memory_space<vmem>>
        %dma_wait3A_115 = tpu.memref_squeeze %dma_wait3A_114 : memref<1x128xi32, #tpu.memory_space<vmem>> -> memref<128xi32, #tpu.memory_space<vmem>>
        %dma_wait3A_116 = arith.constant 0 : i32
        %dma_wait3A_117 = arith.constant 0 : i32
        %dma_wait3A_118 = tpu.memref_slice %arg2[%dma_wait3A_116, %dma_wait3A_117] : memref<50000x32xf32, #tpu.memory_space<hbm>> -> memref<50000x32xf32, #tpu.memory_space<hbm>>
        tpu.wait_indirect_dma semaphore(%arg15 : memref<!tpu.dma_semaphore, #tpu.memory_space<semaphore_mem>>) src(%dma_wait3A_118 : memref<50000x32xf32, #tpu.memory_space<hbm>>) dst(%dma_wait3A_112 : memref<128x32xf32, #tpu.memory_space<vmem>>)
        %dma_wait3A_119 = arith.constant 1 : i32
        %dma_wait3A_120 = arith.constant 1 : i32
        %dma_wait3A_121 = arith.constant 0 : i32
        %dma_wait3A_122 = arith.constant 0 : i32
        %dma_wait3A_123 = tpu.memref_slice %arg12[%dma_wait3A_120, %dma_wait3A_121, %dma_wait3A_122] : memref<3x128x32xf32, #tpu.memory_space<vmem>> -> memref<1x128x32xf32, #tpu.memory_space<vmem>>
        %dma_wait3A_124 = tpu.memref_squeeze %dma_wait3A_123 : memref<1x128x32xf32, #tpu.memory_space<vmem>> -> memref<128x32xf32, #tpu.memory_space<vmem>>
        %dma_wait3A_125 = arith.constant 0 : i32
        %dma_wait3A_126 = tpu.memref_slice %arg9[%dma_wait3A_119, %dma_wait3A_125] : memref<3x128xi32, #tpu.memory_space<vmem>> -> memref<1x128xi32, #tpu.memory_space<vmem>>
        %dma_wait3A_127 = tpu.memref_squeeze %dma_wait3A_126 : memref<1x128xi32, #tpu.memory_space<vmem>> -> memref<128xi32, #tpu.memory_space<vmem>>
        %dma_wait3A_128 = arith.constant 0 : i32
        %dma_wait3A_129 = arith.constant 0 : i32
        %dma_wait3A_130 = tpu.memref_slice %arg2[%dma_wait3A_128, %dma_wait3A_129] : memref<50000x32xf32, #tpu.memory_space<hbm>> -> memref<50000x32xf32, #tpu.memory_space<hbm>>
        tpu.wait_indirect_dma semaphore(%arg15 : memref<!tpu.dma_semaphore, #tpu.memory_space<semaphore_mem>>) src(%dma_wait3A_130 : memref<50000x32xf32, #tpu.memory_space<hbm>>) dst(%dma_wait3A_124 : memref<128x32xf32, #tpu.memory_space<vmem>>)
        %dma_wait3A_131 = arith.constant 2 : i32
        %dma_wait3A_132 = arith.constant 2 : i32
        %dma_wait3A_133 = arith.constant 0 : i32
        %dma_wait3A_134 = arith.constant 0 : i32
        %dma_wait3A_135 = tpu.memref_slice %arg12[%dma_wait3A_132, %dma_wait3A_133, %dma_wait3A_134] : memref<3x128x32xf32, #tpu.memory_space<vmem>> -> memref<1x128x32xf32, #tpu.memory_space<vmem>>
        %dma_wait3A_136 = tpu.memref_squeeze %dma_wait3A_135 : memref<1x128x32xf32, #tpu.memory_space<vmem>> -> memref<128x32xf32, #tpu.memory_space<vmem>>
        %dma_wait3A_137 = arith.constant 0 : i32
        %dma_wait3A_138 = tpu.memref_slice %arg9[%dma_wait3A_131, %dma_wait3A_137] : memref<3x128xi32, #tpu.memory_space<vmem>> -> memref<1x128xi32, #tpu.memory_space<vmem>>
        %dma_wait3A_139 = tpu.memref_squeeze %dma_wait3A_138 : memref<1x128xi32, #tpu.memory_space<vmem>> -> memref<128xi32, #tpu.memory_space<vmem>>
        %dma_wait3A_140 = arith.constant 0 : i32
        %dma_wait3A_141 = arith.constant 0 : i32
        %dma_wait3A_142 = tpu.memref_slice %arg2[%dma_wait3A_140, %dma_wait3A_141] : memref<50000x32xf32, #tpu.memory_space<hbm>> -> memref<50000x32xf32, #tpu.memory_space<hbm>>
        tpu.wait_indirect_dma semaphore(%arg15 : memref<!tpu.dma_semaphore, #tpu.memory_space<semaphore_mem>>) src(%dma_wait3A_142 : memref<50000x32xf32, #tpu.memory_space<hbm>>) dst(%dma_wait3A_136 : memref<128x32xf32, #tpu.memory_space<vmem>>)
        %dma_start3A_143 = arith.constant 0 : i32
        %dma_start3A_144 = arith.constant 0 : i32
        %dma_start3A_145 = arith.constant 0 : i32
        %dma_start3A_146 = arith.constant 0 : i32
        %dma_start3A_147 = tpu.memref_slice %arg12[%dma_start3A_143, %dma_start3A_145, %dma_start3A_146] : memref<3x128x32xf32, #tpu.memory_space<vmem>> -> memref<1x128x32xf32, #tpu.memory_space<vmem>>
        %dma_start3A_148 = tpu.memref_squeeze %dma_start3A_147 : memref<1x128x32xf32, #tpu.memory_space<vmem>> -> memref<128x32xf32, #tpu.memory_space<vmem>>
        %dma_start3A_149 = arith.constant 0 : i32
        %dma_start3A_150 = tpu.memref_slice %arg8[%dma_start3A_144, %dma_start3A_149] : memref<3x128xi32, #tpu.memory_space<vmem>> -> memref<1x128xi32, #tpu.memory_space<vmem>>
        %dma_start3A_151 = tpu.memref_squeeze %dma_start3A_150 : memref<1x128xi32, #tpu.memory_space<vmem>> -> memref<128xi32, #tpu.memory_space<vmem>>
        %dma_start3A_152 = arith.constant 0 : i32
        %dma_start3A_153 = arith.constant 0 : i32
        %dma_start3A_154 = tpu.memref_slice %arg14[%dma_start3A_152, %dma_start3A_153] : memref<50016x32xf32, #tpu.memory_space<vmem_shared>> -> memref<50016x32xf32, #tpu.memory_space<vmem_shared>>
        tpu.enqueue_indirect_dma source(%dma_start3A_148 : memref<128x32xf32, #tpu.memory_space<vmem>>) target(%dma_start3A_154 : memref<50016x32xf32, #tpu.memory_space<vmem_shared>>) offsets(%dma_start3A_151 : memref<128xi32, #tpu.memory_space<vmem>>) semaphore(%arg17 : memref<!tpu.dma_semaphore, #tpu.memory_space<semaphore_mem>>) {add = true}
        %dma_start3A_155 = arith.constant 1 : i32
        %dma_start3A_156 = arith.constant 1 : i32
        %dma_start3A_157 = arith.constant 0 : i32
        %dma_start3A_158 = arith.constant 0 : i32
        %dma_start3A_159 = tpu.memref_slice %arg12[%dma_start3A_155, %dma_start3A_157, %dma_start3A_158] : memref<3x128x32xf32, #tpu.memory_space<vmem>> -> memref<1x128x32xf32, #tpu.memory_space<vmem>>
        %dma_start3A_160 = tpu.memref_squeeze %dma_start3A_159 : memref<1x128x32xf32, #tpu.memory_space<vmem>> -> memref<128x32xf32, #tpu.memory_space<vmem>>
        %dma_start3A_161 = arith.constant 0 : i32
        %dma_start3A_162 = tpu.memref_slice %arg8[%dma_start3A_156, %dma_start3A_161] : memref<3x128xi32, #tpu.memory_space<vmem>> -> memref<1x128xi32, #tpu.memory_space<vmem>>
        %dma_start3A_163 = tpu.memref_squeeze %dma_start3A_162 : memref<1x128xi32, #tpu.memory_space<vmem>> -> memref<128xi32, #tpu.memory_space<vmem>>
        %dma_start3A_164 = arith.constant 0 : i32
        %dma_start3A_165 = arith.constant 0 : i32
        %dma_start3A_166 = tpu.memref_slice %arg14[%dma_start3A_164, %dma_start3A_165] : memref<50016x32xf32, #tpu.memory_space<vmem_shared>> -> memref<50016x32xf32, #tpu.memory_space<vmem_shared>>
        tpu.enqueue_indirect_dma source(%dma_start3A_160 : memref<128x32xf32, #tpu.memory_space<vmem>>) target(%dma_start3A_166 : memref<50016x32xf32, #tpu.memory_space<vmem_shared>>) offsets(%dma_start3A_163 : memref<128xi32, #tpu.memory_space<vmem>>) semaphore(%arg17 : memref<!tpu.dma_semaphore, #tpu.memory_space<semaphore_mem>>) {add = true}
        %dma_start3A_167 = arith.constant 2 : i32
        %dma_start3A_168 = arith.constant 2 : i32
        %dma_start3A_169 = arith.constant 0 : i32
        %dma_start3A_170 = arith.constant 0 : i32
        %dma_start3A_171 = tpu.memref_slice %arg12[%dma_start3A_167, %dma_start3A_169, %dma_start3A_170] : memref<3x128x32xf32, #tpu.memory_space<vmem>> -> memref<1x128x32xf32, #tpu.memory_space<vmem>>
        %dma_start3A_172 = tpu.memref_squeeze %dma_start3A_171 : memref<1x128x32xf32, #tpu.memory_space<vmem>> -> memref<128x32xf32, #tpu.memory_space<vmem>>
        %dma_start3A_173 = arith.constant 0 : i32
        %dma_start3A_174 = tpu.memref_slice %arg8[%dma_start3A_168, %dma_start3A_173] : memref<3x128xi32, #tpu.memory_space<vmem>> -> memref<1x128xi32, #tpu.memory_space<vmem>>
        %dma_start3A_175 = tpu.memref_squeeze %dma_start3A_174 : memref<1x128xi32, #tpu.memory_space<vmem>> -> memref<128xi32, #tpu.memory_space<vmem>>
        %dma_start3A_176 = arith.constant 0 : i32
        %dma_start3A_177 = arith.constant 0 : i32
        %dma_start3A_178 = tpu.memref_slice %arg14[%dma_start3A_176, %dma_start3A_177] : memref<50016x32xf32, #tpu.memory_space<vmem_shared>> -> memref<50016x32xf32, #tpu.memory_space<vmem_shared>>
        tpu.enqueue_indirect_dma source(%dma_start3A_172 : memref<128x32xf32, #tpu.memory_space<vmem>>) target(%dma_start3A_178 : memref<50016x32xf32, #tpu.memory_space<vmem_shared>>) offsets(%dma_start3A_175 : memref<128xi32, #tpu.memory_space<vmem>>) semaphore(%arg17 : memref<!tpu.dma_semaphore, #tpu.memory_space<semaphore_mem>>) {add = true}
        %dma_wait3A_179 = arith.constant 0 : i32
        %dma_wait3A_180 = arith.constant 0 : i32
        %dma_wait3A_181 = arith.constant 0 : i32
        %dma_wait3A_182 = arith.constant 0 : i32
        %dma_wait3A_183 = tpu.memref_slice %arg12[%dma_wait3A_179, %dma_wait3A_181, %dma_wait3A_182] : memref<3x128x32xf32, #tpu.memory_space<vmem>> -> memref<1x128x32xf32, #tpu.memory_space<vmem>>
        %dma_wait3A_184 = tpu.memref_squeeze %dma_wait3A_183 : memref<1x128x32xf32, #tpu.memory_space<vmem>> -> memref<128x32xf32, #tpu.memory_space<vmem>>
        %dma_wait3A_185 = arith.constant 0 : i32
        %dma_wait3A_186 = tpu.memref_slice %arg8[%dma_wait3A_180, %dma_wait3A_185] : memref<3x128xi32, #tpu.memory_space<vmem>> -> memref<1x128xi32, #tpu.memory_space<vmem>>
        %dma_wait3A_187 = tpu.memref_squeeze %dma_wait3A_186 : memref<1x128xi32, #tpu.memory_space<vmem>> -> memref<128xi32, #tpu.memory_space<vmem>>
        %dma_wait3A_188 = arith.constant 0 : i32
        %dma_wait3A_189 = arith.constant 0 : i32
        %dma_wait3A_190 = tpu.memref_slice %arg14[%dma_wait3A_188, %dma_wait3A_189] : memref<50016x32xf32, #tpu.memory_space<vmem_shared>> -> memref<50016x32xf32, #tpu.memory_space<vmem_shared>>
        tpu.wait_indirect_dma semaphore(%arg17 : memref<!tpu.dma_semaphore, #tpu.memory_space<semaphore_mem>>) src(%dma_wait3A_184 : memref<128x32xf32, #tpu.memory_space<vmem>>) dst(%dma_wait3A_190 : memref<50016x32xf32, #tpu.memory_space<vmem_shared>>)
        %dma_wait3A_191 = arith.constant 1 : i32
        %dma_wait3A_192 = arith.constant 1 : i32
        %dma_wait3A_193 = arith.constant 0 : i32
        %dma_wait3A_194 = arith.constant 0 : i32
        %dma_wait3A_195 = tpu.memref_slice %arg12[%dma_wait3A_191, %dma_wait3A_193, %dma_wait3A_194] : memref<3x128x32xf32, #tpu.memory_space<vmem>> -> memref<1x128x32xf32, #tpu.memory_space<vmem>>
        %dma_wait3A_196 = tpu.memref_squeeze %dma_wait3A_195 : memref<1x128x32xf32, #tpu.memory_space<vmem>> -> memref<128x32xf32, #tpu.memory_space<vmem>>
        %dma_wait3A_197 = arith.constant 0 : i32
        %dma_wait3A_198 = tpu.memref_slice %arg8[%dma_wait3A_192, %dma_wait3A_197] : memref<3x128xi32, #tpu.memory_space<vmem>> -> memref<1x128xi32, #tpu.memory_space<vmem>>
        %dma_wait3A_199 = tpu.memref_squeeze %dma_wait3A_198 : memref<1x128xi32, #tpu.memory_space<vmem>> -> memref<128xi32, #tpu.memory_space<vmem>>
        %dma_wait3A_200 = arith.constant 0 : i32
        %dma_wait3A_201 = arith.constant 0 : i32
        %dma_wait3A_202 = tpu.memref_slice %arg14[%dma_wait3A_200, %dma_wait3A_201] : memref<50016x32xf32, #tpu.memory_space<vmem_shared>> -> memref<50016x32xf32, #tpu.memory_space<vmem_shared>>
        tpu.wait_indirect_dma semaphore(%arg17 : memref<!tpu.dma_semaphore, #tpu.memory_space<semaphore_mem>>) src(%dma_wait3A_196 : memref<128x32xf32, #tpu.memory_space<vmem>>) dst(%dma_wait3A_202 : memref<50016x32xf32, #tpu.memory_space<vmem_shared>>)
        %dma_wait3A_203 = arith.constant 2 : i32
        %dma_wait3A_204 = arith.constant 2 : i32
        %dma_wait3A_205 = arith.constant 0 : i32
        %dma_wait3A_206 = arith.constant 0 : i32
        %dma_wait3A_207 = tpu.memref_slice %arg12[%dma_wait3A_203, %dma_wait3A_205, %dma_wait3A_206] : memref<3x128x32xf32, #tpu.memory_space<vmem>> -> memref<1x128x32xf32, #tpu.memory_space<vmem>>
        %dma_wait3A_208 = tpu.memref_squeeze %dma_wait3A_207 : memref<1x128x32xf32, #tpu.memory_space<vmem>> -> memref<128x32xf32, #tpu.memory_space<vmem>>
        %dma_wait3A_209 = arith.constant 0 : i32
        %dma_wait3A_210 = tpu.memref_slice %arg8[%dma_wait3A_204, %dma_wait3A_209] : memref<3x128xi32, #tpu.memory_space<vmem>> -> memref<1x128xi32, #tpu.memory_space<vmem>>
        %dma_wait3A_211 = tpu.memref_squeeze %dma_wait3A_210 : memref<1x128xi32, #tpu.memory_space<vmem>> -> memref<128xi32, #tpu.memory_space<vmem>>
        %dma_wait3A_212 = arith.constant 0 : i32
        %dma_wait3A_213 = arith.constant 0 : i32
        %dma_wait3A_214 = tpu.memref_slice %arg14[%dma_wait3A_212, %dma_wait3A_213] : memref<50016x32xf32, #tpu.memory_space<vmem_shared>> -> memref<50016x32xf32, #tpu.memory_space<vmem_shared>>
        tpu.wait_indirect_dma semaphore(%arg17 : memref<!tpu.dma_semaphore, #tpu.memory_space<semaphore_mem>>) src(%dma_wait3A_208 : memref<128x32xf32, #tpu.memory_space<vmem>>) dst(%dma_wait3A_214 : memref<50016x32xf32, #tpu.memory_space<vmem_shared>>)
        %add3A_215 = arith.constant 2 : i32
        %add3A_216 = arith.addi %add3A_28, %add3A_215 : i32
        %mul3A_217 = arith.constant 3 : i32
        %mul3A_218 = arith.muli %add3A_216, %mul3A_217 : i32
        %add3A_219 = arith.addi %mul3A_11, %mul3A_218 : i32
        "tpu.region"() ({
          %run_scoped3A = tpu.sem_alloc : memref<!tpu.dma_semaphore, #tpu.memory_space<semaphore_mem>>
          %dma_start3A_331 = arith.constant 0 : i32
          %dma_start3A_332 = tpu.memref_slice %arg4[%add3A_219, %dma_start3A_331] : memref<6384x128xi32, #tpu.memory_space<hbm>> -> memref<3x128xi32, #tpu.memory_space<hbm>>
          %dma_start3A_333 = arith.constant 0 : i32
          %dma_start3A_334 = tpu.memref_slice %arg4[%add3A_219, %dma_start3A_333] : memref<6384x128xi32, #tpu.memory_space<hbm>> -> memref<3x128xi32, #tpu.memory_space<hbm>>
          tpu.enqueue_dma source(%dma_start3A_334 : memref<3x128xi32, #tpu.memory_space<hbm>>) target(%arg8 : memref<3x128xi32, #tpu.memory_space<vmem>>) target_semaphore(%run_scoped3A : memref<!tpu.dma_semaphore, #tpu.memory_space<semaphore_mem>>)
          %dma_wait3A_335 = arith.constant 0 : i32
          %dma_wait3A_336 = tpu.memref_slice %arg4[%add3A_219, %dma_wait3A_335] : memref<6384x128xi32, #tpu.memory_space<hbm>> -> memref<3x128xi32, #tpu.memory_space<hbm>>
          %dma_wait3A_337 = arith.constant 0 : i32
          %dma_wait3A_338 = tpu.memref_slice %arg4[%add3A_219, %dma_wait3A_337] : memref<6384x128xi32, #tpu.memory_space<hbm>> -> memref<3x128xi32, #tpu.memory_space<hbm>>
          tpu.wait_dma2 semaphore(%run_scoped3A : memref<!tpu.dma_semaphore, #tpu.memory_space<semaphore_mem>>) src(%dma_wait3A_338 : memref<3x128xi32, #tpu.memory_space<hbm>>) dst(%arg8 : memref<3x128xi32, #tpu.memory_space<vmem>>)
          tpu.yield
        }) : () -> ()
        %mul3A_220 = arith.constant 3 : i32
        %mul3A_221 = arith.muli %add3A_216, %mul3A_220 : i32
        %add3A_222 = arith.addi %mul3A_11, %mul3A_221 : i32
        "tpu.region"() ({
          %run_scoped3A = tpu.sem_alloc : memref<!tpu.dma_semaphore, #tpu.memory_space<semaphore_mem>>
          %dma_start3A_331 = arith.constant 0 : i32
          %dma_start3A_332 = tpu.memref_slice %arg5[%add3A_222, %dma_start3A_331] : memref<6384x128xi32, #tpu.memory_space<hbm>> -> memref<3x128xi32, #tpu.memory_space<hbm>>
          %dma_start3A_333 = arith.constant 0 : i32
          %dma_start3A_334 = tpu.memref_slice %arg5[%add3A_222, %dma_start3A_333] : memref<6384x128xi32, #tpu.memory_space<hbm>> -> memref<3x128xi32, #tpu.memory_space<hbm>>
          tpu.enqueue_dma source(%dma_start3A_334 : memref<3x128xi32, #tpu.memory_space<hbm>>) target(%arg9 : memref<3x128xi32, #tpu.memory_space<vmem>>) target_semaphore(%run_scoped3A : memref<!tpu.dma_semaphore, #tpu.memory_space<semaphore_mem>>)
          %dma_wait3A_335 = arith.constant 0 : i32
          %dma_wait3A_336 = tpu.memref_slice %arg5[%add3A_222, %dma_wait3A_335] : memref<6384x128xi32, #tpu.memory_space<hbm>> -> memref<3x128xi32, #tpu.memory_space<hbm>>
          %dma_wait3A_337 = arith.constant 0 : i32
          %dma_wait3A_338 = tpu.memref_slice %arg5[%add3A_222, %dma_wait3A_337] : memref<6384x128xi32, #tpu.memory_space<hbm>> -> memref<3x128xi32, #tpu.memory_space<hbm>>
          tpu.wait_dma2 semaphore(%run_scoped3A : memref<!tpu.dma_semaphore, #tpu.memory_space<semaphore_mem>>) src(%dma_wait3A_338 : memref<3x128xi32, #tpu.memory_space<hbm>>) dst(%arg9 : memref<3x128xi32, #tpu.memory_space<vmem>>)
          tpu.yield
        }) : () -> ()
        %dma_wait3A_223 = arith.constant 0 : i32
        %dma_wait3A_224 = arith.constant 0 : i32
        %dma_wait3A_225 = arith.constant 0 : i32
        %dma_wait3A_226 = arith.constant 0 : i32
        %dma_wait3A_227 = tpu.memref_slice %arg13[%dma_wait3A_224, %dma_wait3A_225, %dma_wait3A_226] : memref<3x128x32xf32, #tpu.memory_space<vmem>> -> memref<1x128x32xf32, #tpu.memory_space<vmem>>
        %dma_wait3A_228 = tpu.memref_squeeze %dma_wait3A_227 : memref<1x128x32xf32, #tpu.memory_space<vmem>> -> memref<128x32xf32, #tpu.memory_space<vmem>>
        %dma_wait3A_229 = arith.constant 0 : i32
        %dma_wait3A_230 = tpu.memref_slice %arg11[%dma_wait3A_223, %dma_wait3A_229] : memref<3x128xi32, #tpu.memory_space<vmem>> -> memref<1x128xi32, #tpu.memory_space<vmem>>
        %dma_wait3A_231 = tpu.memref_squeeze %dma_wait3A_230 : memref<1x128xi32, #tpu.memory_space<vmem>> -> memref<128xi32, #tpu.memory_space<vmem>>
        %dma_wait3A_232 = arith.constant 0 : i32
        %dma_wait3A_233 = arith.constant 0 : i32
        %dma_wait3A_234 = tpu.memref_slice %arg2[%dma_wait3A_232, %dma_wait3A_233] : memref<50000x32xf32, #tpu.memory_space<hbm>> -> memref<50000x32xf32, #tpu.memory_space<hbm>>
        tpu.wait_indirect_dma semaphore(%arg16 : memref<!tpu.dma_semaphore, #tpu.memory_space<semaphore_mem>>) src(%dma_wait3A_234 : memref<50000x32xf32, #tpu.memory_space<hbm>>) dst(%dma_wait3A_228 : memref<128x32xf32, #tpu.memory_space<vmem>>)
        %dma_wait3A_235 = arith.constant 1 : i32
        %dma_wait3A_236 = arith.constant 1 : i32
        %dma_wait3A_237 = arith.constant 0 : i32
        %dma_wait3A_238 = arith.constant 0 : i32
        %dma_wait3A_239 = tpu.memref_slice %arg13[%dma_wait3A_236, %dma_wait3A_237, %dma_wait3A_238] : memref<3x128x32xf32, #tpu.memory_space<vmem>> -> memref<1x128x32xf32, #tpu.memory_space<vmem>>
        %dma_wait3A_240 = tpu.memref_squeeze %dma_wait3A_239 : memref<1x128x32xf32, #tpu.memory_space<vmem>> -> memref<128x32xf32, #tpu.memory_space<vmem>>
        %dma_wait3A_241 = arith.constant 0 : i32
        %dma_wait3A_242 = tpu.memref_slice %arg11[%dma_wait3A_235, %dma_wait3A_241] : memref<3x128xi32, #tpu.memory_space<vmem>> -> memref<1x128xi32, #tpu.memory_space<vmem>>
        %dma_wait3A_243 = tpu.memref_squeeze %dma_wait3A_242 : memref<1x128xi32, #tpu.memory_space<vmem>> -> memref<128xi32, #tpu.memory_space<vmem>>
        %dma_wait3A_244 = arith.constant 0 : i32
        %dma_wait3A_245 = arith.constant 0 : i32
        %dma_wait3A_246 = tpu.memref_slice %arg2[%dma_wait3A_244, %dma_wait3A_245] : memref<50000x32xf32, #tpu.memory_space<hbm>> -> memref<50000x32xf32, #tpu.memory_space<hbm>>
        tpu.wait_indirect_dma semaphore(%arg16 : memref<!tpu.dma_semaphore, #tpu.memory_space<semaphore_mem>>) src(%dma_wait3A_246 : memref<50000x32xf32, #tpu.memory_space<hbm>>) dst(%dma_wait3A_240 : memref<128x32xf32, #tpu.memory_space<vmem>>)
        %dma_wait3A_247 = arith.constant 2 : i32
        %dma_wait3A_248 = arith.constant 2 : i32
        %dma_wait3A_249 = arith.constant 0 : i32
        %dma_wait3A_250 = arith.constant 0 : i32
        %dma_wait3A_251 = tpu.memref_slice %arg13[%dma_wait3A_248, %dma_wait3A_249, %dma_wait3A_250] : memref<3x128x32xf32, #tpu.memory_space<vmem>> -> memref<1x128x32xf32, #tpu.memory_space<vmem>>
        %dma_wait3A_252 = tpu.memref_squeeze %dma_wait3A_251 : memref<1x128x32xf32, #tpu.memory_space<vmem>> -> memref<128x32xf32, #tpu.memory_space<vmem>>
        %dma_wait3A_253 = arith.constant 0 : i32
        %dma_wait3A_254 = tpu.memref_slice %arg11[%dma_wait3A_247, %dma_wait3A_253] : memref<3x128xi32, #tpu.memory_space<vmem>> -> memref<1x128xi32, #tpu.memory_space<vmem>>
        %dma_wait3A_255 = tpu.memref_squeeze %dma_wait3A_254 : memref<1x128xi32, #tpu.memory_space<vmem>> -> memref<128xi32, #tpu.memory_space<vmem>>
        %dma_wait3A_256 = arith.constant 0 : i32
        %dma_wait3A_257 = arith.constant 0 : i32
        %dma_wait3A_258 = tpu.memref_slice %arg2[%dma_wait3A_256, %dma_wait3A_257] : memref<50000x32xf32, #tpu.memory_space<hbm>> -> memref<50000x32xf32, #tpu.memory_space<hbm>>
        tpu.wait_indirect_dma semaphore(%arg16 : memref<!tpu.dma_semaphore, #tpu.memory_space<semaphore_mem>>) src(%dma_wait3A_258 : memref<50000x32xf32, #tpu.memory_space<hbm>>) dst(%dma_wait3A_252 : memref<128x32xf32, #tpu.memory_space<vmem>>)
        %dma_start3A_259 = arith.constant 0 : i32
        %dma_start3A_260 = arith.constant 0 : i32
        %dma_start3A_261 = arith.constant 0 : i32
        %dma_start3A_262 = arith.constant 0 : i32
        %dma_start3A_263 = tpu.memref_slice %arg13[%dma_start3A_259, %dma_start3A_261, %dma_start3A_262] : memref<3x128x32xf32, #tpu.memory_space<vmem>> -> memref<1x128x32xf32, #tpu.memory_space<vmem>>
        %dma_start3A_264 = tpu.memref_squeeze %dma_start3A_263 : memref<1x128x32xf32, #tpu.memory_space<vmem>> -> memref<128x32xf32, #tpu.memory_space<vmem>>
        %dma_start3A_265 = arith.constant 0 : i32
        %dma_start3A_266 = tpu.memref_slice %arg10[%dma_start3A_260, %dma_start3A_265] : memref<3x128xi32, #tpu.memory_space<vmem>> -> memref<1x128xi32, #tpu.memory_space<vmem>>
        %dma_start3A_267 = tpu.memref_squeeze %dma_start3A_266 : memref<1x128xi32, #tpu.memory_space<vmem>> -> memref<128xi32, #tpu.memory_space<vmem>>
        %dma_start3A_268 = arith.constant 0 : i32
        %dma_start3A_269 = arith.constant 0 : i32
        %dma_start3A_270 = tpu.memref_slice %arg14[%dma_start3A_268, %dma_start3A_269] : memref<50016x32xf32, #tpu.memory_space<vmem_shared>> -> memref<50016x32xf32, #tpu.memory_space<vmem_shared>>
        tpu.enqueue_indirect_dma source(%dma_start3A_264 : memref<128x32xf32, #tpu.memory_space<vmem>>) target(%dma_start3A_270 : memref<50016x32xf32, #tpu.memory_space<vmem_shared>>) offsets(%dma_start3A_267 : memref<128xi32, #tpu.memory_space<vmem>>) semaphore(%arg18 : memref<!tpu.dma_semaphore, #tpu.memory_space<semaphore_mem>>) {add = true}
        %dma_start3A_271 = arith.constant 1 : i32
        %dma_start3A_272 = arith.constant 1 : i32
        %dma_start3A_273 = arith.constant 0 : i32
        %dma_start3A_274 = arith.constant 0 : i32
        %dma_start3A_275 = tpu.memref_slice %arg13[%dma_start3A_271, %dma_start3A_273, %dma_start3A_274] : memref<3x128x32xf32, #tpu.memory_space<vmem>> -> memref<1x128x32xf32, #tpu.memory_space<vmem>>
        %dma_start3A_276 = tpu.memref_squeeze %dma_start3A_275 : memref<1x128x32xf32, #tpu.memory_space<vmem>> -> memref<128x32xf32, #tpu.memory_space<vmem>>
        %dma_start3A_277 = arith.constant 0 : i32
        %dma_start3A_278 = tpu.memref_slice %arg10[%dma_start3A_272, %dma_start3A_277] : memref<3x128xi32, #tpu.memory_space<vmem>> -> memref<1x128xi32, #tpu.memory_space<vmem>>
        %dma_start3A_279 = tpu.memref_squeeze %dma_start3A_278 : memref<1x128xi32, #tpu.memory_space<vmem>> -> memref<128xi32, #tpu.memory_space<vmem>>
        %dma_start3A_280 = arith.constant 0 : i32
        %dma_start3A_281 = arith.constant 0 : i32
        %dma_start3A_282 = tpu.memref_slice %arg14[%dma_start3A_280, %dma_start3A_281] : memref<50016x32xf32, #tpu.memory_space<vmem_shared>> -> memref<50016x32xf32, #tpu.memory_space<vmem_shared>>
        tpu.enqueue_indirect_dma source(%dma_start3A_276 : memref<128x32xf32, #tpu.memory_space<vmem>>) target(%dma_start3A_282 : memref<50016x32xf32, #tpu.memory_space<vmem_shared>>) offsets(%dma_start3A_279 : memref<128xi32, #tpu.memory_space<vmem>>) semaphore(%arg18 : memref<!tpu.dma_semaphore, #tpu.memory_space<semaphore_mem>>) {add = true}
        %dma_start3A_283 = arith.constant 2 : i32
        %dma_start3A_284 = arith.constant 2 : i32
        %dma_start3A_285 = arith.constant 0 : i32
        %dma_start3A_286 = arith.constant 0 : i32
        %dma_start3A_287 = tpu.memref_slice %arg13[%dma_start3A_283, %dma_start3A_285, %dma_start3A_286] : memref<3x128x32xf32, #tpu.memory_space<vmem>> -> memref<1x128x32xf32, #tpu.memory_space<vmem>>
        %dma_start3A_288 = tpu.memref_squeeze %dma_start3A_287 : memref<1x128x32xf32, #tpu.memory_space<vmem>> -> memref<128x32xf32, #tpu.memory_space<vmem>>
        %dma_start3A_289 = arith.constant 0 : i32
        %dma_start3A_290 = tpu.memref_slice %arg10[%dma_start3A_284, %dma_start3A_289] : memref<3x128xi32, #tpu.memory_space<vmem>> -> memref<1x128xi32, #tpu.memory_space<vmem>>
        %dma_start3A_291 = tpu.memref_squeeze %dma_start3A_290 : memref<1x128xi32, #tpu.memory_space<vmem>> -> memref<128xi32, #tpu.memory_space<vmem>>
        %dma_start3A_292 = arith.constant 0 : i32
        %dma_start3A_293 = arith.constant 0 : i32
        %dma_start3A_294 = tpu.memref_slice %arg14[%dma_start3A_292, %dma_start3A_293] : memref<50016x32xf32, #tpu.memory_space<vmem_shared>> -> memref<50016x32xf32, #tpu.memory_space<vmem_shared>>
        tpu.enqueue_indirect_dma source(%dma_start3A_288 : memref<128x32xf32, #tpu.memory_space<vmem>>) target(%dma_start3A_294 : memref<50016x32xf32, #tpu.memory_space<vmem_shared>>) offsets(%dma_start3A_291 : memref<128xi32, #tpu.memory_space<vmem>>) semaphore(%arg18 : memref<!tpu.dma_semaphore, #tpu.memory_space<semaphore_mem>>) {add = true}
        %dma_wait3A_295 = arith.constant 0 : i32
        %dma_wait3A_296 = arith.constant 0 : i32
        %dma_wait3A_297 = arith.constant 0 : i32
        %dma_wait3A_298 = arith.constant 0 : i32
        %dma_wait3A_299 = tpu.memref_slice %arg13[%dma_wait3A_295, %dma_wait3A_297, %dma_wait3A_298] : memref<3x128x32xf32, #tpu.memory_space<vmem>> -> memref<1x128x32xf32, #tpu.memory_space<vmem>>
        %dma_wait3A_300 = tpu.memref_squeeze %dma_wait3A_299 : memref<1x128x32xf32, #tpu.memory_space<vmem>> -> memref<128x32xf32, #tpu.memory_space<vmem>>
        %dma_wait3A_301 = arith.constant 0 : i32
        %dma_wait3A_302 = tpu.memref_slice %arg10[%dma_wait3A_296, %dma_wait3A_301] : memref<3x128xi32, #tpu.memory_space<vmem>> -> memref<1x128xi32, #tpu.memory_space<vmem>>
        %dma_wait3A_303 = tpu.memref_squeeze %dma_wait3A_302 : memref<1x128xi32, #tpu.memory_space<vmem>> -> memref<128xi32, #tpu.memory_space<vmem>>
        %dma_wait3A_304 = arith.constant 0 : i32
        %dma_wait3A_305 = arith.constant 0 : i32
        %dma_wait3A_306 = tpu.memref_slice %arg14[%dma_wait3A_304, %dma_wait3A_305] : memref<50016x32xf32, #tpu.memory_space<vmem_shared>> -> memref<50016x32xf32, #tpu.memory_space<vmem_shared>>
        tpu.wait_indirect_dma semaphore(%arg18 : memref<!tpu.dma_semaphore, #tpu.memory_space<semaphore_mem>>) src(%dma_wait3A_300 : memref<128x32xf32, #tpu.memory_space<vmem>>) dst(%dma_wait3A_306 : memref<50016x32xf32, #tpu.memory_space<vmem_shared>>)
        %dma_wait3A_307 = arith.constant 1 : i32
        %dma_wait3A_308 = arith.constant 1 : i32
        %dma_wait3A_309 = arith.constant 0 : i32
        %dma_wait3A_310 = arith.constant 0 : i32
        %dma_wait3A_311 = tpu.memref_slice %arg13[%dma_wait3A_307, %dma_wait3A_309, %dma_wait3A_310] : memref<3x128x32xf32, #tpu.memory_space<vmem>> -> memref<1x128x32xf32, #tpu.memory_space<vmem>>
        %dma_wait3A_312 = tpu.memref_squeeze %dma_wait3A_311 : memref<1x128x32xf32, #tpu.memory_space<vmem>> -> memref<128x32xf32, #tpu.memory_space<vmem>>
        %dma_wait3A_313 = arith.constant 0 : i32
        %dma_wait3A_314 = tpu.memref_slice %arg10[%dma_wait3A_308, %dma_wait3A_313] : memref<3x128xi32, #tpu.memory_space<vmem>> -> memref<1x128xi32, #tpu.memory_space<vmem>>
        %dma_wait3A_315 = tpu.memref_squeeze %dma_wait3A_314 : memref<1x128xi32, #tpu.memory_space<vmem>> -> memref<128xi32, #tpu.memory_space<vmem>>
        %dma_wait3A_316 = arith.constant 0 : i32
        %dma_wait3A_317 = arith.constant 0 : i32
        %dma_wait3A_318 = tpu.memref_slice %arg14[%dma_wait3A_316, %dma_wait3A_317] : memref<50016x32xf32, #tpu.memory_space<vmem_shared>> -> memref<50016x32xf32, #tpu.memory_space<vmem_shared>>
        tpu.wait_indirect_dma semaphore(%arg18 : memref<!tpu.dma_semaphore, #tpu.memory_space<semaphore_mem>>) src(%dma_wait3A_312 : memref<128x32xf32, #tpu.memory_space<vmem>>) dst(%dma_wait3A_318 : memref<50016x32xf32, #tpu.memory_space<vmem_shared>>)
        %dma_wait3A_319 = arith.constant 2 : i32
        %dma_wait3A_320 = arith.constant 2 : i32
        %dma_wait3A_321 = arith.constant 0 : i32
        %dma_wait3A_322 = arith.constant 0 : i32
        %dma_wait3A_323 = tpu.memref_slice %arg13[%dma_wait3A_319, %dma_wait3A_321, %dma_wait3A_322] : memref<3x128x32xf32, #tpu.memory_space<vmem>> -> memref<1x128x32xf32, #tpu.memory_space<vmem>>
        %dma_wait3A_324 = tpu.memref_squeeze %dma_wait3A_323 : memref<1x128x32xf32, #tpu.memory_space<vmem>> -> memref<128x32xf32, #tpu.memory_space<vmem>>
        %dma_wait3A_325 = arith.constant 0 : i32
        %dma_wait3A_326 = tpu.memref_slice %arg10[%dma_wait3A_320, %dma_wait3A_325] : memref<3x128xi32, #tpu.memory_space<vmem>> -> memref<1x128xi32, #tpu.memory_space<vmem>>
        %dma_wait3A_327 = tpu.memref_squeeze %dma_wait3A_326 : memref<1x128xi32, #tpu.memory_space<vmem>> -> memref<128xi32, #tpu.memory_space<vmem>>
        %dma_wait3A_328 = arith.constant 0 : i32
        %dma_wait3A_329 = arith.constant 0 : i32
        %dma_wait3A_330 = tpu.memref_slice %arg14[%dma_wait3A_328, %dma_wait3A_329] : memref<50016x32xf32, #tpu.memory_space<vmem_shared>> -> memref<50016x32xf32, #tpu.memory_space<vmem_shared>>
        tpu.wait_indirect_dma semaphore(%arg18 : memref<!tpu.dma_semaphore, #tpu.memory_space<semaphore_mem>>) src(%dma_wait3A_324 : memref<128x32xf32, #tpu.memory_space<vmem>>) dst(%dma_wait3A_330 : memref<50016x32xf32, #tpu.memory_space<vmem_shared>>)
      }
      %scan3A_18 = arith.constant 66 : i32
      %barrier3A_19 = arith.constant 0 : index
      tpu.barrier barrier_id(%barrier3A_19)
      %mul3A_20 = arith.constant 3125 : i32
      %mul3A_21 = arith.muli %arg1, %mul3A_20 : i32
      %mul3A_22 = arith.constant 3125 : i32
      %mul3A_23 = arith.muli %arg1, %mul3A_22 : i32
      "tpu.region"() ({
        %run_scoped3A = tpu.sem_alloc : memref<!tpu.dma_semaphore, #tpu.memory_space<semaphore_mem>>
        %dma_start3A = arith.constant 0 : i32
        %dma_start3A_24 = tpu.memref_slice %arg6[%mul3A_23, %dma_start3A] : memref<50000x32xf32, #tpu.memory_space<hbm>> -> memref<3125x32xf32, #tpu.memory_space<hbm>>
        %dma_start3A_25 = arith.constant 0 : i32
        %dma_start3A_26 = tpu.memref_slice %arg14[%mul3A_21, %dma_start3A_25] : memref<50016x32xf32, #tpu.memory_space<vmem_shared>> -> memref<3125x32xf32, #tpu.memory_space<vmem_shared>>
        tpu.enqueue_dma source(%dma_start3A_26 : memref<3125x32xf32, #tpu.memory_space<vmem_shared>>) target(%dma_start3A_24 : memref<3125x32xf32, #tpu.memory_space<hbm>>) target_semaphore(%run_scoped3A : memref<!tpu.dma_semaphore, #tpu.memory_space<semaphore_mem>>)
        %dma_wait3A = arith.constant 0 : i32
        %dma_wait3A_27 = tpu.memref_slice %arg6[%mul3A_23, %dma_wait3A] : memref<50000x32xf32, #tpu.memory_space<hbm>> -> memref<3125x32xf32, #tpu.memory_space<hbm>>
        %dma_wait3A_28 = arith.constant 0 : i32
        %dma_wait3A_29 = tpu.memref_slice %arg14[%mul3A_21, %dma_wait3A_28] : memref<50016x32xf32, #tpu.memory_space<vmem_shared>> -> memref<3125x32xf32, #tpu.memory_space<vmem_shared>>
        tpu.wait_dma2 semaphore(%run_scoped3A : memref<!tpu.dma_semaphore, #tpu.memory_space<semaphore_mem>>) src(%dma_wait3A_29 : memref<3125x32xf32, #tpu.memory_space<vmem_shared>>) dst(%dma_wait3A_27 : memref<3125x32xf32, #tpu.memory_space<hbm>>)
        tpu.yield
      }) : () -> ()
    } else {
    }
    %eq3A_2 = arith.constant 1 : i32
    %eq3A_3 = arith.cmpi eq, %arg0, %eq3A_2 : i32
    %convert_element_type3A_4 = arith.extui %eq3A_3 : i1 to i32
    %cond3A_5 = arith.constant 0 : i32
    %cond3A_6 = arith.cmpi ne, %convert_element_type3A_4, %cond3A_5 : i32
    scf.if %cond3A_6 {
      %mul3A = arith.constant 3125 : i32
      %mul3A_7 = arith.muli %arg1, %mul3A : i32
      %mul3A_8 = arith.constant 3125 : i32
      %mul3A_9 = arith.muli %arg1, %mul3A_8 : i32
      "tpu.region"() ({
        %run_scoped3A = tpu.sem_alloc : memref<!tpu.dma_semaphore, #tpu.memory_space<semaphore_mem>>
        %dma_start3A = arith.constant 0 : i32
        %dma_start3A_24 = tpu.memref_slice %arg14[%mul3A_9, %dma_start3A] : memref<50016x32xf32, #tpu.memory_space<vmem_shared>> -> memref<3125x32xf32, #tpu.memory_space<vmem_shared>>
        %dma_start3A_25 = arith.constant 0 : i32
        %dma_start3A_26 = tpu.memref_slice %arg3[%mul3A_7, %dma_start3A_25] : memref<50000x32xf32, #tpu.memory_space<hbm>> -> memref<3125x32xf32, #tpu.memory_space<hbm>>
        tpu.enqueue_dma source(%dma_start3A_26 : memref<3125x32xf32, #tpu.memory_space<hbm>>) target(%dma_start3A_24 : memref<3125x32xf32, #tpu.memory_space<vmem_shared>>) target_semaphore(%run_scoped3A : memref<!tpu.dma_semaphore, #tpu.memory_space<semaphore_mem>>)
        %dma_wait3A = arith.constant 0 : i32
        %dma_wait3A_27 = tpu.memref_slice %arg14[%mul3A_9, %dma_wait3A] : memref<50016x32xf32, #tpu.memory_space<vmem_shared>> -> memref<3125x32xf32, #tpu.memory_space<vmem_shared>>
        %dma_wait3A_28 = arith.constant 0 : i32
        %dma_wait3A_29 = tpu.memref_slice %arg3[%mul3A_7, %dma_wait3A_28] : memref<50000x32xf32, #tpu.memory_space<hbm>> -> memref<3125x32xf32, #tpu.memory_space<hbm>>
        tpu.wait_dma2 semaphore(%run_scoped3A : memref<!tpu.dma_semaphore, #tpu.memory_space<semaphore_mem>>) src(%dma_wait3A_29 : memref<3125x32xf32, #tpu.memory_space<hbm>>) dst(%dma_wait3A_27 : memref<3125x32xf32, #tpu.memory_space<vmem_shared>>)
        tpu.yield
      }) : () -> ()
      %barrier3A = arith.constant 0 : index
      tpu.barrier barrier_id(%barrier3A)
      %mul3A_10 = arith.constant 399 : i32
      %mul3A_11 = arith.muli %arg1, %mul3A_10 : i32
      %add3A = arith.constant 0 : i32
      %add3A_12 = arith.addi %mul3A_11, %add3A : i32
      "tpu.region"() ({
        %run_scoped3A = tpu.sem_alloc : memref<!tpu.dma_semaphore, #tpu.memory_space<semaphore_mem>>
        %dma_start3A = arith.constant 0 : i32
        %dma_start3A_24 = tpu.memref_slice %arg4[%add3A_12, %dma_start3A] : memref<6384x128xi32, #tpu.memory_space<hbm>> -> memref<3x128xi32, #tpu.memory_space<hbm>>
        %dma_start3A_25 = arith.constant 0 : i32
        %dma_start3A_26 = tpu.memref_slice %arg4[%add3A_12, %dma_start3A_25] : memref<6384x128xi32, #tpu.memory_space<hbm>> -> memref<3x128xi32, #tpu.memory_space<hbm>>
        tpu.enqueue_dma source(%dma_start3A_26 : memref<3x128xi32, #tpu.memory_space<hbm>>) target(%arg8 : memref<3x128xi32, #tpu.memory_space<vmem>>) target_semaphore(%run_scoped3A : memref<!tpu.dma_semaphore, #tpu.memory_space<semaphore_mem>>)
        %dma_wait3A = arith.constant 0 : i32
        %dma_wait3A_27 = tpu.memref_slice %arg4[%add3A_12, %dma_wait3A] : memref<6384x128xi32, #tpu.memory_space<hbm>> -> memref<3x128xi32, #tpu.memory_space<hbm>>
        %dma_wait3A_28 = arith.constant 0 : i32
        %dma_wait3A_29 = tpu.memref_slice %arg4[%add3A_12, %dma_wait3A_28] : memref<6384x128xi32, #tpu.memory_space<hbm>> -> memref<3x128xi32, #tpu.memory_space<hbm>>
        tpu.wait_dma2 semaphore(%run_scoped3A : memref<!tpu.dma_semaphore, #tpu.memory_space<semaphore_mem>>) src(%dma_wait3A_29 : memref<3x128xi32, #tpu.memory_space<hbm>>) dst(%arg8 : memref<3x128xi32, #tpu.memory_space<vmem>>)
        tpu.yield
      }) : () -> ()
      %add3A_13 = arith.constant 0 : i32
      %add3A_14 = arith.addi %mul3A_11, %add3A_13 : i32
      "tpu.region"() ({
        %run_scoped3A = tpu.sem_alloc : memref<!tpu.dma_semaphore, #tpu.memory_space<semaphore_mem>>
        %dma_start3A = arith.constant 0 : i32
        %dma_start3A_24 = tpu.memref_slice %arg5[%add3A_14, %dma_start3A] : memref<6384x128xi32, #tpu.memory_space<hbm>> -> memref<3x128xi32, #tpu.memory_space<hbm>>
        %dma_start3A_25 = arith.constant 0 : i32
        %dma_start3A_26 = tpu.memref_slice %arg5[%add3A_14, %dma_start3A_25] : memref<6384x128xi32, #tpu.memory_space<hbm>> -> memref<3x128xi32, #tpu.memory_space<hbm>>
        tpu.enqueue_dma source(%dma_start3A_26 : memref<3x128xi32, #tpu.memory_space<hbm>>) target(%arg9 : memref<3x128xi32, #tpu.memory_space<vmem>>) target_semaphore(%run_scoped3A : memref<!tpu.dma_semaphore, #tpu.memory_space<semaphore_mem>>)
        %dma_wait3A = arith.constant 0 : i32
        %dma_wait3A_27 = tpu.memref_slice %arg5[%add3A_14, %dma_wait3A] : memref<6384x128xi32, #tpu.memory_space<hbm>> -> memref<3x128xi32, #tpu.memory_space<hbm>>
        %dma_wait3A_28 = arith.constant 0 : i32
        %dma_wait3A_29 = tpu.memref_slice %arg5[%add3A_14, %dma_wait3A_28] : memref<6384x128xi32, #tpu.memory_space<hbm>> -> memref<3x128xi32, #tpu.memory_space<hbm>>
        tpu.wait_dma2 semaphore(%run_scoped3A : memref<!tpu.dma_semaphore, #tpu.memory_space<semaphore_mem>>) src(%dma_wait3A_29 : memref<3x128xi32, #tpu.memory_space<hbm>>) dst(%arg9 : memref<3x128xi32, #tpu.memory_space<vmem>>)
        tpu.yield
      }) : () -> ()
      %scan3A = arith.constant 0 : i32
      %scan3A_15 = arith.constant 66 : i32
      %scan3A_16 = arith.addi %scan3A, %scan3A_15 : i32
      %scan3A_17 = arith.constant 1 : i32
      scf.for %scan3A_24 = %scan3A to %scan3A_16 step %scan3A_17  : i32 {
        %mul3A_25 = arith.constant 2 : i32
        %mul3A_26 = arith.muli %scan3A_24, %mul3A_25 : i32
        %add3A_27 = arith.constant 0 : i32
        %add3A_28 = arith.addi %add3A_27, %mul3A_26 : i32
        %dma_start3A = arith.constant 0 : i32
        %dma_start3A_29 = arith.constant 0 : i32
        %dma_start3A_30 = arith.constant 0 : i32
        %dma_start3A_31 = arith.constant 0 : i32
        %dma_start3A_32 = tpu.memref_slice %arg12[%dma_start3A_29, %dma_start3A_30, %dma_start3A_31] : memref<3x128x32xf32, #tpu.memory_space<vmem>> -> memref<1x128x32xf32, #tpu.memory_space<vmem>>
        %dma_start3A_33 = tpu.memref_squeeze %dma_start3A_32 : memref<1x128x32xf32, #tpu.memory_space<vmem>> -> memref<128x32xf32, #tpu.memory_space<vmem>>
        %dma_start3A_34 = arith.constant 0 : i32
        %dma_start3A_35 = tpu.memref_slice %arg9[%dma_start3A, %dma_start3A_34] : memref<3x128xi32, #tpu.memory_space<vmem>> -> memref<1x128xi32, #tpu.memory_space<vmem>>
        %dma_start3A_36 = tpu.memref_squeeze %dma_start3A_35 : memref<1x128xi32, #tpu.memory_space<vmem>> -> memref<128xi32, #tpu.memory_space<vmem>>
        %dma_start3A_37 = arith.constant 0 : i32
        %dma_start3A_38 = arith.constant 0 : i32
        %dma_start3A_39 = tpu.memref_slice %arg3[%dma_start3A_37, %dma_start3A_38] : memref<50000x32xf32, #tpu.memory_space<hbm>> -> memref<50000x32xf32, #tpu.memory_space<hbm>>
        tpu.enqueue_indirect_dma source(%dma_start3A_39 : memref<50000x32xf32, #tpu.memory_space<hbm>>) target(%dma_start3A_33 : memref<128x32xf32, #tpu.memory_space<vmem>>) offsets(%dma_start3A_36 : memref<128xi32, #tpu.memory_space<vmem>>) semaphore(%arg15 : memref<!tpu.dma_semaphore, #tpu.memory_space<semaphore_mem>>)
        %dma_start3A_40 = arith.constant 1 : i32
        %dma_start3A_41 = arith.constant 1 : i32
        %dma_start3A_42 = arith.constant 0 : i32
        %dma_start3A_43 = arith.constant 0 : i32
        %dma_start3A_44 = tpu.memref_slice %arg12[%dma_start3A_41, %dma_start3A_42, %dma_start3A_43] : memref<3x128x32xf32, #tpu.memory_space<vmem>> -> memref<1x128x32xf32, #tpu.memory_space<vmem>>
        %dma_start3A_45 = tpu.memref_squeeze %dma_start3A_44 : memref<1x128x32xf32, #tpu.memory_space<vmem>> -> memref<128x32xf32, #tpu.memory_space<vmem>>
        %dma_start3A_46 = arith.constant 0 : i32
        %dma_start3A_47 = tpu.memref_slice %arg9[%dma_start3A_40, %dma_start3A_46] : memref<3x128xi32, #tpu.memory_space<vmem>> -> memref<1x128xi32, #tpu.memory_space<vmem>>
        %dma_start3A_48 = tpu.memref_squeeze %dma_start3A_47 : memref<1x128xi32, #tpu.memory_space<vmem>> -> memref<128xi32, #tpu.memory_space<vmem>>
        %dma_start3A_49 = arith.constant 0 : i32
        %dma_start3A_50 = arith.constant 0 : i32
        %dma_start3A_51 = tpu.memref_slice %arg3[%dma_start3A_49, %dma_start3A_50] : memref<50000x32xf32, #tpu.memory_space<hbm>> -> memref<50000x32xf32, #tpu.memory_space<hbm>>
        tpu.enqueue_indirect_dma source(%dma_start3A_51 : memref<50000x32xf32, #tpu.memory_space<hbm>>) target(%dma_start3A_45 : memref<128x32xf32, #tpu.memory_space<vmem>>) offsets(%dma_start3A_48 : memref<128xi32, #tpu.memory_space<vmem>>) semaphore(%arg15 : memref<!tpu.dma_semaphore, #tpu.memory_space<semaphore_mem>>)
        %dma_start3A_52 = arith.constant 2 : i32
        %dma_start3A_53 = arith.constant 2 : i32
        %dma_start3A_54 = arith.constant 0 : i32
        %dma_start3A_55 = arith.constant 0 : i32
        %dma_start3A_56 = tpu.memref_slice %arg12[%dma_start3A_53, %dma_start3A_54, %dma_start3A_55] : memref<3x128x32xf32, #tpu.memory_space<vmem>> -> memref<1x128x32xf32, #tpu.memory_space<vmem>>
        %dma_start3A_57 = tpu.memref_squeeze %dma_start3A_56 : memref<1x128x32xf32, #tpu.memory_space<vmem>> -> memref<128x32xf32, #tpu.memory_space<vmem>>
        %dma_start3A_58 = arith.constant 0 : i32
        %dma_start3A_59 = tpu.memref_slice %arg9[%dma_start3A_52, %dma_start3A_58] : memref<3x128xi32, #tpu.memory_space<vmem>> -> memref<1x128xi32, #tpu.memory_space<vmem>>
        %dma_start3A_60 = tpu.memref_squeeze %dma_start3A_59 : memref<1x128xi32, #tpu.memory_space<vmem>> -> memref<128xi32, #tpu.memory_space<vmem>>
        %dma_start3A_61 = arith.constant 0 : i32
        %dma_start3A_62 = arith.constant 0 : i32
        %dma_start3A_63 = tpu.memref_slice %arg3[%dma_start3A_61, %dma_start3A_62] : memref<50000x32xf32, #tpu.memory_space<hbm>> -> memref<50000x32xf32, #tpu.memory_space<hbm>>
        tpu.enqueue_indirect_dma source(%dma_start3A_63 : memref<50000x32xf32, #tpu.memory_space<hbm>>) target(%dma_start3A_57 : memref<128x32xf32, #tpu.memory_space<vmem>>) offsets(%dma_start3A_60 : memref<128xi32, #tpu.memory_space<vmem>>) semaphore(%arg15 : memref<!tpu.dma_semaphore, #tpu.memory_space<semaphore_mem>>)
        %add3A_64 = arith.constant 1 : i32
        %add3A_65 = arith.addi %add3A_28, %add3A_64 : i32
        %mul3A_66 = arith.constant 3 : i32
        %mul3A_67 = arith.muli %add3A_65, %mul3A_66 : i32
        %add3A_68 = arith.addi %mul3A_11, %mul3A_67 : i32
        "tpu.region"() ({
          %run_scoped3A = tpu.sem_alloc : memref<!tpu.dma_semaphore, #tpu.memory_space<semaphore_mem>>
          %dma_start3A_331 = arith.constant 0 : i32
          %dma_start3A_332 = tpu.memref_slice %arg4[%add3A_68, %dma_start3A_331] : memref<6384x128xi32, #tpu.memory_space<hbm>> -> memref<3x128xi32, #tpu.memory_space<hbm>>
          %dma_start3A_333 = arith.constant 0 : i32
          %dma_start3A_334 = tpu.memref_slice %arg4[%add3A_68, %dma_start3A_333] : memref<6384x128xi32, #tpu.memory_space<hbm>> -> memref<3x128xi32, #tpu.memory_space<hbm>>
          tpu.enqueue_dma source(%dma_start3A_334 : memref<3x128xi32, #tpu.memory_space<hbm>>) target(%arg10 : memref<3x128xi32, #tpu.memory_space<vmem>>) target_semaphore(%run_scoped3A : memref<!tpu.dma_semaphore, #tpu.memory_space<semaphore_mem>>)
          %dma_wait3A_335 = arith.constant 0 : i32
          %dma_wait3A_336 = tpu.memref_slice %arg4[%add3A_68, %dma_wait3A_335] : memref<6384x128xi32, #tpu.memory_space<hbm>> -> memref<3x128xi32, #tpu.memory_space<hbm>>
          %dma_wait3A_337 = arith.constant 0 : i32
          %dma_wait3A_338 = tpu.memref_slice %arg4[%add3A_68, %dma_wait3A_337] : memref<6384x128xi32, #tpu.memory_space<hbm>> -> memref<3x128xi32, #tpu.memory_space<hbm>>
          tpu.wait_dma2 semaphore(%run_scoped3A : memref<!tpu.dma_semaphore, #tpu.memory_space<semaphore_mem>>) src(%dma_wait3A_338 : memref<3x128xi32, #tpu.memory_space<hbm>>) dst(%arg10 : memref<3x128xi32, #tpu.memory_space<vmem>>)
          tpu.yield
        }) : () -> ()
        %mul3A_69 = arith.constant 3 : i32
        %mul3A_70 = arith.muli %add3A_65, %mul3A_69 : i32
        %add3A_71 = arith.addi %mul3A_11, %mul3A_70 : i32
        "tpu.region"() ({
          %run_scoped3A = tpu.sem_alloc : memref<!tpu.dma_semaphore, #tpu.memory_space<semaphore_mem>>
          %dma_start3A_331 = arith.constant 0 : i32
          %dma_start3A_332 = tpu.memref_slice %arg5[%add3A_71, %dma_start3A_331] : memref<6384x128xi32, #tpu.memory_space<hbm>> -> memref<3x128xi32, #tpu.memory_space<hbm>>
          %dma_start3A_333 = arith.constant 0 : i32
          %dma_start3A_334 = tpu.memref_slice %arg5[%add3A_71, %dma_start3A_333] : memref<6384x128xi32, #tpu.memory_space<hbm>> -> memref<3x128xi32, #tpu.memory_space<hbm>>
          tpu.enqueue_dma source(%dma_start3A_334 : memref<3x128xi32, #tpu.memory_space<hbm>>) target(%arg11 : memref<3x128xi32, #tpu.memory_space<vmem>>) target_semaphore(%run_scoped3A : memref<!tpu.dma_semaphore, #tpu.memory_space<semaphore_mem>>)
          %dma_wait3A_335 = arith.constant 0 : i32
          %dma_wait3A_336 = tpu.memref_slice %arg5[%add3A_71, %dma_wait3A_335] : memref<6384x128xi32, #tpu.memory_space<hbm>> -> memref<3x128xi32, #tpu.memory_space<hbm>>
          %dma_wait3A_337 = arith.constant 0 : i32
          %dma_wait3A_338 = tpu.memref_slice %arg5[%add3A_71, %dma_wait3A_337] : memref<6384x128xi32, #tpu.memory_space<hbm>> -> memref<3x128xi32, #tpu.memory_space<hbm>>
          tpu.wait_dma2 semaphore(%run_scoped3A : memref<!tpu.dma_semaphore, #tpu.memory_space<semaphore_mem>>) src(%dma_wait3A_338 : memref<3x128xi32, #tpu.memory_space<hbm>>) dst(%arg11 : memref<3x128xi32, #tpu.memory_space<vmem>>)
          tpu.yield
        }) : () -> ()
        %dma_start3A_72 = arith.constant 0 : i32
        %dma_start3A_73 = arith.constant 0 : i32
        %dma_start3A_74 = arith.constant 0 : i32
        %dma_start3A_75 = arith.constant 0 : i32
        %dma_start3A_76 = tpu.memref_slice %arg13[%dma_start3A_73, %dma_start3A_74, %dma_start3A_75] : memref<3x128x32xf32, #tpu.memory_space<vmem>> -> memref<1x128x32xf32, #tpu.memory_space<vmem>>
        %dma_start3A_77 = tpu.memref_squeeze %dma_start3A_76 : memref<1x128x32xf32, #tpu.memory_space<vmem>> -> memref<128x32xf32, #tpu.memory_space<vmem>>
        %dma_start3A_78 = arith.constant 0 : i32
        %dma_start3A_79 = tpu.memref_slice %arg11[%dma_start3A_72, %dma_start3A_78] : memref<3x128xi32, #tpu.memory_space<vmem>> -> memref<1x128xi32, #tpu.memory_space<vmem>>
        %dma_start3A_80 = tpu.memref_squeeze %dma_start3A_79 : memref<1x128xi32, #tpu.memory_space<vmem>> -> memref<128xi32, #tpu.memory_space<vmem>>
        %dma_start3A_81 = arith.constant 0 : i32
        %dma_start3A_82 = arith.constant 0 : i32
        %dma_start3A_83 = tpu.memref_slice %arg3[%dma_start3A_81, %dma_start3A_82] : memref<50000x32xf32, #tpu.memory_space<hbm>> -> memref<50000x32xf32, #tpu.memory_space<hbm>>
        tpu.enqueue_indirect_dma source(%dma_start3A_83 : memref<50000x32xf32, #tpu.memory_space<hbm>>) target(%dma_start3A_77 : memref<128x32xf32, #tpu.memory_space<vmem>>) offsets(%dma_start3A_80 : memref<128xi32, #tpu.memory_space<vmem>>) semaphore(%arg16 : memref<!tpu.dma_semaphore, #tpu.memory_space<semaphore_mem>>)
        %dma_start3A_84 = arith.constant 1 : i32
        %dma_start3A_85 = arith.constant 1 : i32
        %dma_start3A_86 = arith.constant 0 : i32
        %dma_start3A_87 = arith.constant 0 : i32
        %dma_start3A_88 = tpu.memref_slice %arg13[%dma_start3A_85, %dma_start3A_86, %dma_start3A_87] : memref<3x128x32xf32, #tpu.memory_space<vmem>> -> memref<1x128x32xf32, #tpu.memory_space<vmem>>
        %dma_start3A_89 = tpu.memref_squeeze %dma_start3A_88 : memref<1x128x32xf32, #tpu.memory_space<vmem>> -> memref<128x32xf32, #tpu.memory_space<vmem>>
        %dma_start3A_90 = arith.constant 0 : i32
        %dma_start3A_91 = tpu.memref_slice %arg11[%dma_start3A_84, %dma_start3A_90] : memref<3x128xi32, #tpu.memory_space<vmem>> -> memref<1x128xi32, #tpu.memory_space<vmem>>
        %dma_start3A_92 = tpu.memref_squeeze %dma_start3A_91 : memref<1x128xi32, #tpu.memory_space<vmem>> -> memref<128xi32, #tpu.memory_space<vmem>>
        %dma_start3A_93 = arith.constant 0 : i32
        %dma_start3A_94 = arith.constant 0 : i32
        %dma_start3A_95 = tpu.memref_slice %arg3[%dma_start3A_93, %dma_start3A_94] : memref<50000x32xf32, #tpu.memory_space<hbm>> -> memref<50000x32xf32, #tpu.memory_space<hbm>>
        tpu.enqueue_indirect_dma source(%dma_start3A_95 : memref<50000x32xf32, #tpu.memory_space<hbm>>) target(%dma_start3A_89 : memref<128x32xf32, #tpu.memory_space<vmem>>) offsets(%dma_start3A_92 : memref<128xi32, #tpu.memory_space<vmem>>) semaphore(%arg16 : memref<!tpu.dma_semaphore, #tpu.memory_space<semaphore_mem>>)
        %dma_start3A_96 = arith.constant 2 : i32
        %dma_start3A_97 = arith.constant 2 : i32
        %dma_start3A_98 = arith.constant 0 : i32
        %dma_start3A_99 = arith.constant 0 : i32
        %dma_start3A_100 = tpu.memref_slice %arg13[%dma_start3A_97, %dma_start3A_98, %dma_start3A_99] : memref<3x128x32xf32, #tpu.memory_space<vmem>> -> memref<1x128x32xf32, #tpu.memory_space<vmem>>
        %dma_start3A_101 = tpu.memref_squeeze %dma_start3A_100 : memref<1x128x32xf32, #tpu.memory_space<vmem>> -> memref<128x32xf32, #tpu.memory_space<vmem>>
        %dma_start3A_102 = arith.constant 0 : i32
        %dma_start3A_103 = tpu.memref_slice %arg11[%dma_start3A_96, %dma_start3A_102] : memref<3x128xi32, #tpu.memory_space<vmem>> -> memref<1x128xi32, #tpu.memory_space<vmem>>
        %dma_start3A_104 = tpu.memref_squeeze %dma_start3A_103 : memref<1x128xi32, #tpu.memory_space<vmem>> -> memref<128xi32, #tpu.memory_space<vmem>>
        %dma_start3A_105 = arith.constant 0 : i32
        %dma_start3A_106 = arith.constant 0 : i32
        %dma_start3A_107 = tpu.memref_slice %arg3[%dma_start3A_105, %dma_start3A_106] : memref<50000x32xf32, #tpu.memory_space<hbm>> -> memref<50000x32xf32, #tpu.memory_space<hbm>>
        tpu.enqueue_indirect_dma source(%dma_start3A_107 : memref<50000x32xf32, #tpu.memory_space<hbm>>) target(%dma_start3A_101 : memref<128x32xf32, #tpu.memory_space<vmem>>) offsets(%dma_start3A_104 : memref<128xi32, #tpu.memory_space<vmem>>) semaphore(%arg16 : memref<!tpu.dma_semaphore, #tpu.memory_space<semaphore_mem>>)
        %dma_wait3A = arith.constant 0 : i32
        %dma_wait3A_108 = arith.constant 0 : i32
        %dma_wait3A_109 = arith.constant 0 : i32
        %dma_wait3A_110 = arith.constant 0 : i32
        %dma_wait3A_111 = tpu.memref_slice %arg12[%dma_wait3A_108, %dma_wait3A_109, %dma_wait3A_110] : memref<3x128x32xf32, #tpu.memory_space<vmem>> -> memref<1x128x32xf32, #tpu.memory_space<vmem>>
        %dma_wait3A_112 = tpu.memref_squeeze %dma_wait3A_111 : memref<1x128x32xf32, #tpu.memory_space<vmem>> -> memref<128x32xf32, #tpu.memory_space<vmem>>
        %dma_wait3A_113 = arith.constant 0 : i32
        %dma_wait3A_114 = tpu.memref_slice %arg9[%dma_wait3A, %dma_wait3A_113] : memref<3x128xi32, #tpu.memory_space<vmem>> -> memref<1x128xi32, #tpu.memory_space<vmem>>
        %dma_wait3A_115 = tpu.memref_squeeze %dma_wait3A_114 : memref<1x128xi32, #tpu.memory_space<vmem>> -> memref<128xi32, #tpu.memory_space<vmem>>
        %dma_wait3A_116 = arith.constant 0 : i32
        %dma_wait3A_117 = arith.constant 0 : i32
        %dma_wait3A_118 = tpu.memref_slice %arg3[%dma_wait3A_116, %dma_wait3A_117] : memref<50000x32xf32, #tpu.memory_space<hbm>> -> memref<50000x32xf32, #tpu.memory_space<hbm>>
        tpu.wait_indirect_dma semaphore(%arg15 : memref<!tpu.dma_semaphore, #tpu.memory_space<semaphore_mem>>) src(%dma_wait3A_118 : memref<50000x32xf32, #tpu.memory_space<hbm>>) dst(%dma_wait3A_112 : memref<128x32xf32, #tpu.memory_space<vmem>>)
        %dma_wait3A_119 = arith.constant 1 : i32
        %dma_wait3A_120 = arith.constant 1 : i32
        %dma_wait3A_121 = arith.constant 0 : i32
        %dma_wait3A_122 = arith.constant 0 : i32
        %dma_wait3A_123 = tpu.memref_slice %arg12[%dma_wait3A_120, %dma_wait3A_121, %dma_wait3A_122] : memref<3x128x32xf32, #tpu.memory_space<vmem>> -> memref<1x128x32xf32, #tpu.memory_space<vmem>>
        %dma_wait3A_124 = tpu.memref_squeeze %dma_wait3A_123 : memref<1x128x32xf32, #tpu.memory_space<vmem>> -> memref<128x32xf32, #tpu.memory_space<vmem>>
        %dma_wait3A_125 = arith.constant 0 : i32
        %dma_wait3A_126 = tpu.memref_slice %arg9[%dma_wait3A_119, %dma_wait3A_125] : memref<3x128xi32, #tpu.memory_space<vmem>> -> memref<1x128xi32, #tpu.memory_space<vmem>>
        %dma_wait3A_127 = tpu.memref_squeeze %dma_wait3A_126 : memref<1x128xi32, #tpu.memory_space<vmem>> -> memref<128xi32, #tpu.memory_space<vmem>>
        %dma_wait3A_128 = arith.constant 0 : i32
        %dma_wait3A_129 = arith.constant 0 : i32
        %dma_wait3A_130 = tpu.memref_slice %arg3[%dma_wait3A_128, %dma_wait3A_129] : memref<50000x32xf32, #tpu.memory_space<hbm>> -> memref<50000x32xf32, #tpu.memory_space<hbm>>
        tpu.wait_indirect_dma semaphore(%arg15 : memref<!tpu.dma_semaphore, #tpu.memory_space<semaphore_mem>>) src(%dma_wait3A_130 : memref<50000x32xf32, #tpu.memory_space<hbm>>) dst(%dma_wait3A_124 : memref<128x32xf32, #tpu.memory_space<vmem>>)
        %dma_wait3A_131 = arith.constant 2 : i32
        %dma_wait3A_132 = arith.constant 2 : i32
        %dma_wait3A_133 = arith.constant 0 : i32
        %dma_wait3A_134 = arith.constant 0 : i32
        %dma_wait3A_135 = tpu.memref_slice %arg12[%dma_wait3A_132, %dma_wait3A_133, %dma_wait3A_134] : memref<3x128x32xf32, #tpu.memory_space<vmem>> -> memref<1x128x32xf32, #tpu.memory_space<vmem>>
        %dma_wait3A_136 = tpu.memref_squeeze %dma_wait3A_135 : memref<1x128x32xf32, #tpu.memory_space<vmem>> -> memref<128x32xf32, #tpu.memory_space<vmem>>
        %dma_wait3A_137 = arith.constant 0 : i32
        %dma_wait3A_138 = tpu.memref_slice %arg9[%dma_wait3A_131, %dma_wait3A_137] : memref<3x128xi32, #tpu.memory_space<vmem>> -> memref<1x128xi32, #tpu.memory_space<vmem>>
        %dma_wait3A_139 = tpu.memref_squeeze %dma_wait3A_138 : memref<1x128xi32, #tpu.memory_space<vmem>> -> memref<128xi32, #tpu.memory_space<vmem>>
        %dma_wait3A_140 = arith.constant 0 : i32
        %dma_wait3A_141 = arith.constant 0 : i32
        %dma_wait3A_142 = tpu.memref_slice %arg3[%dma_wait3A_140, %dma_wait3A_141] : memref<50000x32xf32, #tpu.memory_space<hbm>> -> memref<50000x32xf32, #tpu.memory_space<hbm>>
        tpu.wait_indirect_dma semaphore(%arg15 : memref<!tpu.dma_semaphore, #tpu.memory_space<semaphore_mem>>) src(%dma_wait3A_142 : memref<50000x32xf32, #tpu.memory_space<hbm>>) dst(%dma_wait3A_136 : memref<128x32xf32, #tpu.memory_space<vmem>>)
        %dma_start3A_143 = arith.constant 0 : i32
        %dma_start3A_144 = arith.constant 0 : i32
        %dma_start3A_145 = arith.constant 0 : i32
        %dma_start3A_146 = arith.constant 0 : i32
        %dma_start3A_147 = tpu.memref_slice %arg12[%dma_start3A_143, %dma_start3A_145, %dma_start3A_146] : memref<3x128x32xf32, #tpu.memory_space<vmem>> -> memref<1x128x32xf32, #tpu.memory_space<vmem>>
        %dma_start3A_148 = tpu.memref_squeeze %dma_start3A_147 : memref<1x128x32xf32, #tpu.memory_space<vmem>> -> memref<128x32xf32, #tpu.memory_space<vmem>>
        %dma_start3A_149 = arith.constant 0 : i32
        %dma_start3A_150 = tpu.memref_slice %arg8[%dma_start3A_144, %dma_start3A_149] : memref<3x128xi32, #tpu.memory_space<vmem>> -> memref<1x128xi32, #tpu.memory_space<vmem>>
        %dma_start3A_151 = tpu.memref_squeeze %dma_start3A_150 : memref<1x128xi32, #tpu.memory_space<vmem>> -> memref<128xi32, #tpu.memory_space<vmem>>
        %dma_start3A_152 = arith.constant 0 : i32
        %dma_start3A_153 = arith.constant 0 : i32
        %dma_start3A_154 = tpu.memref_slice %arg14[%dma_start3A_152, %dma_start3A_153] : memref<50016x32xf32, #tpu.memory_space<vmem_shared>> -> memref<50016x32xf32, #tpu.memory_space<vmem_shared>>
        tpu.enqueue_indirect_dma source(%dma_start3A_148 : memref<128x32xf32, #tpu.memory_space<vmem>>) target(%dma_start3A_154 : memref<50016x32xf32, #tpu.memory_space<vmem_shared>>) offsets(%dma_start3A_151 : memref<128xi32, #tpu.memory_space<vmem>>) semaphore(%arg17 : memref<!tpu.dma_semaphore, #tpu.memory_space<semaphore_mem>>) {add = true}
        %dma_start3A_155 = arith.constant 1 : i32
        %dma_start3A_156 = arith.constant 1 : i32
        %dma_start3A_157 = arith.constant 0 : i32
        %dma_start3A_158 = arith.constant 0 : i32
        %dma_start3A_159 = tpu.memref_slice %arg12[%dma_start3A_155, %dma_start3A_157, %dma_start3A_158] : memref<3x128x32xf32, #tpu.memory_space<vmem>> -> memref<1x128x32xf32, #tpu.memory_space<vmem>>
        %dma_start3A_160 = tpu.memref_squeeze %dma_start3A_159 : memref<1x128x32xf32, #tpu.memory_space<vmem>> -> memref<128x32xf32, #tpu.memory_space<vmem>>
        %dma_start3A_161 = arith.constant 0 : i32
        %dma_start3A_162 = tpu.memref_slice %arg8[%dma_start3A_156, %dma_start3A_161] : memref<3x128xi32, #tpu.memory_space<vmem>> -> memref<1x128xi32, #tpu.memory_space<vmem>>
        %dma_start3A_163 = tpu.memref_squeeze %dma_start3A_162 : memref<1x128xi32, #tpu.memory_space<vmem>> -> memref<128xi32, #tpu.memory_space<vmem>>
        %dma_start3A_164 = arith.constant 0 : i32
        %dma_start3A_165 = arith.constant 0 : i32
        %dma_start3A_166 = tpu.memref_slice %arg14[%dma_start3A_164, %dma_start3A_165] : memref<50016x32xf32, #tpu.memory_space<vmem_shared>> -> memref<50016x32xf32, #tpu.memory_space<vmem_shared>>
        tpu.enqueue_indirect_dma source(%dma_start3A_160 : memref<128x32xf32, #tpu.memory_space<vmem>>) target(%dma_start3A_166 : memref<50016x32xf32, #tpu.memory_space<vmem_shared>>) offsets(%dma_start3A_163 : memref<128xi32, #tpu.memory_space<vmem>>) semaphore(%arg17 : memref<!tpu.dma_semaphore, #tpu.memory_space<semaphore_mem>>) {add = true}
        %dma_start3A_167 = arith.constant 2 : i32
        %dma_start3A_168 = arith.constant 2 : i32
        %dma_start3A_169 = arith.constant 0 : i32
        %dma_start3A_170 = arith.constant 0 : i32
        %dma_start3A_171 = tpu.memref_slice %arg12[%dma_start3A_167, %dma_start3A_169, %dma_start3A_170] : memref<3x128x32xf32, #tpu.memory_space<vmem>> -> memref<1x128x32xf32, #tpu.memory_space<vmem>>
        %dma_start3A_172 = tpu.memref_squeeze %dma_start3A_171 : memref<1x128x32xf32, #tpu.memory_space<vmem>> -> memref<128x32xf32, #tpu.memory_space<vmem>>
        %dma_start3A_173 = arith.constant 0 : i32
        %dma_start3A_174 = tpu.memref_slice %arg8[%dma_start3A_168, %dma_start3A_173] : memref<3x128xi32, #tpu.memory_space<vmem>> -> memref<1x128xi32, #tpu.memory_space<vmem>>
        %dma_start3A_175 = tpu.memref_squeeze %dma_start3A_174 : memref<1x128xi32, #tpu.memory_space<vmem>> -> memref<128xi32, #tpu.memory_space<vmem>>
        %dma_start3A_176 = arith.constant 0 : i32
        %dma_start3A_177 = arith.constant 0 : i32
        %dma_start3A_178 = tpu.memref_slice %arg14[%dma_start3A_176, %dma_start3A_177] : memref<50016x32xf32, #tpu.memory_space<vmem_shared>> -> memref<50016x32xf32, #tpu.memory_space<vmem_shared>>
        tpu.enqueue_indirect_dma source(%dma_start3A_172 : memref<128x32xf32, #tpu.memory_space<vmem>>) target(%dma_start3A_178 : memref<50016x32xf32, #tpu.memory_space<vmem_shared>>) offsets(%dma_start3A_175 : memref<128xi32, #tpu.memory_space<vmem>>) semaphore(%arg17 : memref<!tpu.dma_semaphore, #tpu.memory_space<semaphore_mem>>) {add = true}
        %dma_wait3A_179 = arith.constant 0 : i32
        %dma_wait3A_180 = arith.constant 0 : i32
        %dma_wait3A_181 = arith.constant 0 : i32
        %dma_wait3A_182 = arith.constant 0 : i32
        %dma_wait3A_183 = tpu.memref_slice %arg12[%dma_wait3A_179, %dma_wait3A_181, %dma_wait3A_182] : memref<3x128x32xf32, #tpu.memory_space<vmem>> -> memref<1x128x32xf32, #tpu.memory_space<vmem>>
        %dma_wait3A_184 = tpu.memref_squeeze %dma_wait3A_183 : memref<1x128x32xf32, #tpu.memory_space<vmem>> -> memref<128x32xf32, #tpu.memory_space<vmem>>
        %dma_wait3A_185 = arith.constant 0 : i32
        %dma_wait3A_186 = tpu.memref_slice %arg8[%dma_wait3A_180, %dma_wait3A_185] : memref<3x128xi32, #tpu.memory_space<vmem>> -> memref<1x128xi32, #tpu.memory_space<vmem>>
        %dma_wait3A_187 = tpu.memref_squeeze %dma_wait3A_186 : memref<1x128xi32, #tpu.memory_space<vmem>> -> memref<128xi32, #tpu.memory_space<vmem>>
        %dma_wait3A_188 = arith.constant 0 : i32
        %dma_wait3A_189 = arith.constant 0 : i32
        %dma_wait3A_190 = tpu.memref_slice %arg14[%dma_wait3A_188, %dma_wait3A_189] : memref<50016x32xf32, #tpu.memory_space<vmem_shared>> -> memref<50016x32xf32, #tpu.memory_space<vmem_shared>>
        tpu.wait_indirect_dma semaphore(%arg17 : memref<!tpu.dma_semaphore, #tpu.memory_space<semaphore_mem>>) src(%dma_wait3A_184 : memref<128x32xf32, #tpu.memory_space<vmem>>) dst(%dma_wait3A_190 : memref<50016x32xf32, #tpu.memory_space<vmem_shared>>)
        %dma_wait3A_191 = arith.constant 1 : i32
        %dma_wait3A_192 = arith.constant 1 : i32
        %dma_wait3A_193 = arith.constant 0 : i32
        %dma_wait3A_194 = arith.constant 0 : i32
        %dma_wait3A_195 = tpu.memref_slice %arg12[%dma_wait3A_191, %dma_wait3A_193, %dma_wait3A_194] : memref<3x128x32xf32, #tpu.memory_space<vmem>> -> memref<1x128x32xf32, #tpu.memory_space<vmem>>
        %dma_wait3A_196 = tpu.memref_squeeze %dma_wait3A_195 : memref<1x128x32xf32, #tpu.memory_space<vmem>> -> memref<128x32xf32, #tpu.memory_space<vmem>>
        %dma_wait3A_197 = arith.constant 0 : i32
        %dma_wait3A_198 = tpu.memref_slice %arg8[%dma_wait3A_192, %dma_wait3A_197] : memref<3x128xi32, #tpu.memory_space<vmem>> -> memref<1x128xi32, #tpu.memory_space<vmem>>
        %dma_wait3A_199 = tpu.memref_squeeze %dma_wait3A_198 : memref<1x128xi32, #tpu.memory_space<vmem>> -> memref<128xi32, #tpu.memory_space<vmem>>
        %dma_wait3A_200 = arith.constant 0 : i32
        %dma_wait3A_201 = arith.constant 0 : i32
        %dma_wait3A_202 = tpu.memref_slice %arg14[%dma_wait3A_200, %dma_wait3A_201] : memref<50016x32xf32, #tpu.memory_space<vmem_shared>> -> memref<50016x32xf32, #tpu.memory_space<vmem_shared>>
        tpu.wait_indirect_dma semaphore(%arg17 : memref<!tpu.dma_semaphore, #tpu.memory_space<semaphore_mem>>) src(%dma_wait3A_196 : memref<128x32xf32, #tpu.memory_space<vmem>>) dst(%dma_wait3A_202 : memref<50016x32xf32, #tpu.memory_space<vmem_shared>>)
        %dma_wait3A_203 = arith.constant 2 : i32
        %dma_wait3A_204 = arith.constant 2 : i32
        %dma_wait3A_205 = arith.constant 0 : i32
        %dma_wait3A_206 = arith.constant 0 : i32
        %dma_wait3A_207 = tpu.memref_slice %arg12[%dma_wait3A_203, %dma_wait3A_205, %dma_wait3A_206] : memref<3x128x32xf32, #tpu.memory_space<vmem>> -> memref<1x128x32xf32, #tpu.memory_space<vmem>>
        %dma_wait3A_208 = tpu.memref_squeeze %dma_wait3A_207 : memref<1x128x32xf32, #tpu.memory_space<vmem>> -> memref<128x32xf32, #tpu.memory_space<vmem>>
        %dma_wait3A_209 = arith.constant 0 : i32
        %dma_wait3A_210 = tpu.memref_slice %arg8[%dma_wait3A_204, %dma_wait3A_209] : memref<3x128xi32, #tpu.memory_space<vmem>> -> memref<1x128xi32, #tpu.memory_space<vmem>>
        %dma_wait3A_211 = tpu.memref_squeeze %dma_wait3A_210 : memref<1x128xi32, #tpu.memory_space<vmem>> -> memref<128xi32, #tpu.memory_space<vmem>>
        %dma_wait3A_212 = arith.constant 0 : i32
        %dma_wait3A_213 = arith.constant 0 : i32
        %dma_wait3A_214 = tpu.memref_slice %arg14[%dma_wait3A_212, %dma_wait3A_213] : memref<50016x32xf32, #tpu.memory_space<vmem_shared>> -> memref<50016x32xf32, #tpu.memory_space<vmem_shared>>
        tpu.wait_indirect_dma semaphore(%arg17 : memref<!tpu.dma_semaphore, #tpu.memory_space<semaphore_mem>>) src(%dma_wait3A_208 : memref<128x32xf32, #tpu.memory_space<vmem>>) dst(%dma_wait3A_214 : memref<50016x32xf32, #tpu.memory_space<vmem_shared>>)
        %add3A_215 = arith.constant 2 : i32
        %add3A_216 = arith.addi %add3A_28, %add3A_215 : i32
        %mul3A_217 = arith.constant 3 : i32
        %mul3A_218 = arith.muli %add3A_216, %mul3A_217 : i32
        %add3A_219 = arith.addi %mul3A_11, %mul3A_218 : i32
        "tpu.region"() ({
          %run_scoped3A = tpu.sem_alloc : memref<!tpu.dma_semaphore, #tpu.memory_space<semaphore_mem>>
          %dma_start3A_331 = arith.constant 0 : i32
          %dma_start3A_332 = tpu.memref_slice %arg4[%add3A_219, %dma_start3A_331] : memref<6384x128xi32, #tpu.memory_space<hbm>> -> memref<3x128xi32, #tpu.memory_space<hbm>>
          %dma_start3A_333 = arith.constant 0 : i32
          %dma_start3A_334 = tpu.memref_slice %arg4[%add3A_219, %dma_start3A_333] : memref<6384x128xi32, #tpu.memory_space<hbm>> -> memref<3x128xi32, #tpu.memory_space<hbm>>
          tpu.enqueue_dma source(%dma_start3A_334 : memref<3x128xi32, #tpu.memory_space<hbm>>) target(%arg8 : memref<3x128xi32, #tpu.memory_space<vmem>>) target_semaphore(%run_scoped3A : memref<!tpu.dma_semaphore, #tpu.memory_space<semaphore_mem>>)
          %dma_wait3A_335 = arith.constant 0 : i32
          %dma_wait3A_336 = tpu.memref_slice %arg4[%add3A_219, %dma_wait3A_335] : memref<6384x128xi32, #tpu.memory_space<hbm>> -> memref<3x128xi32, #tpu.memory_space<hbm>>
          %dma_wait3A_337 = arith.constant 0 : i32
          %dma_wait3A_338 = tpu.memref_slice %arg4[%add3A_219, %dma_wait3A_337] : memref<6384x128xi32, #tpu.memory_space<hbm>> -> memref<3x128xi32, #tpu.memory_space<hbm>>
          tpu.wait_dma2 semaphore(%run_scoped3A : memref<!tpu.dma_semaphore, #tpu.memory_space<semaphore_mem>>) src(%dma_wait3A_338 : memref<3x128xi32, #tpu.memory_space<hbm>>) dst(%arg8 : memref<3x128xi32, #tpu.memory_space<vmem>>)
          tpu.yield
        }) : () -> ()
        %mul3A_220 = arith.constant 3 : i32
        %mul3A_221 = arith.muli %add3A_216, %mul3A_220 : i32
        %add3A_222 = arith.addi %mul3A_11, %mul3A_221 : i32
        "tpu.region"() ({
          %run_scoped3A = tpu.sem_alloc : memref<!tpu.dma_semaphore, #tpu.memory_space<semaphore_mem>>
          %dma_start3A_331 = arith.constant 0 : i32
          %dma_start3A_332 = tpu.memref_slice %arg5[%add3A_222, %dma_start3A_331] : memref<6384x128xi32, #tpu.memory_space<hbm>> -> memref<3x128xi32, #tpu.memory_space<hbm>>
          %dma_start3A_333 = arith.constant 0 : i32
          %dma_start3A_334 = tpu.memref_slice %arg5[%add3A_222, %dma_start3A_333] : memref<6384x128xi32, #tpu.memory_space<hbm>> -> memref<3x128xi32, #tpu.memory_space<hbm>>
          tpu.enqueue_dma source(%dma_start3A_334 : memref<3x128xi32, #tpu.memory_space<hbm>>) target(%arg9 : memref<3x128xi32, #tpu.memory_space<vmem>>) target_semaphore(%run_scoped3A : memref<!tpu.dma_semaphore, #tpu.memory_space<semaphore_mem>>)
          %dma_wait3A_335 = arith.constant 0 : i32
          %dma_wait3A_336 = tpu.memref_slice %arg5[%add3A_222, %dma_wait3A_335] : memref<6384x128xi32, #tpu.memory_space<hbm>> -> memref<3x128xi32, #tpu.memory_space<hbm>>
          %dma_wait3A_337 = arith.constant 0 : i32
          %dma_wait3A_338 = tpu.memref_slice %arg5[%add3A_222, %dma_wait3A_337] : memref<6384x128xi32, #tpu.memory_space<hbm>> -> memref<3x128xi32, #tpu.memory_space<hbm>>
          tpu.wait_dma2 semaphore(%run_scoped3A : memref<!tpu.dma_semaphore, #tpu.memory_space<semaphore_mem>>) src(%dma_wait3A_338 : memref<3x128xi32, #tpu.memory_space<hbm>>) dst(%arg9 : memref<3x128xi32, #tpu.memory_space<vmem>>)
          tpu.yield
        }) : () -> ()
        %dma_wait3A_223 = arith.constant 0 : i32
        %dma_wait3A_224 = arith.constant 0 : i32
        %dma_wait3A_225 = arith.constant 0 : i32
        %dma_wait3A_226 = arith.constant 0 : i32
        %dma_wait3A_227 = tpu.memref_slice %arg13[%dma_wait3A_224, %dma_wait3A_225, %dma_wait3A_226] : memref<3x128x32xf32, #tpu.memory_space<vmem>> -> memref<1x128x32xf32, #tpu.memory_space<vmem>>
        %dma_wait3A_228 = tpu.memref_squeeze %dma_wait3A_227 : memref<1x128x32xf32, #tpu.memory_space<vmem>> -> memref<128x32xf32, #tpu.memory_space<vmem>>
        %dma_wait3A_229 = arith.constant 0 : i32
        %dma_wait3A_230 = tpu.memref_slice %arg11[%dma_wait3A_223, %dma_wait3A_229] : memref<3x128xi32, #tpu.memory_space<vmem>> -> memref<1x128xi32, #tpu.memory_space<vmem>>
        %dma_wait3A_231 = tpu.memref_squeeze %dma_wait3A_230 : memref<1x128xi32, #tpu.memory_space<vmem>> -> memref<128xi32, #tpu.memory_space<vmem>>
        %dma_wait3A_232 = arith.constant 0 : i32
        %dma_wait3A_233 = arith.constant 0 : i32
        %dma_wait3A_234 = tpu.memref_slice %arg3[%dma_wait3A_232, %dma_wait3A_233] : memref<50000x32xf32, #tpu.memory_space<hbm>> -> memref<50000x32xf32, #tpu.memory_space<hbm>>
        tpu.wait_indirect_dma semaphore(%arg16 : memref<!tpu.dma_semaphore, #tpu.memory_space<semaphore_mem>>) src(%dma_wait3A_234 : memref<50000x32xf32, #tpu.memory_space<hbm>>) dst(%dma_wait3A_228 : memref<128x32xf32, #tpu.memory_space<vmem>>)
        %dma_wait3A_235 = arith.constant 1 : i32
        %dma_wait3A_236 = arith.constant 1 : i32
        %dma_wait3A_237 = arith.constant 0 : i32
        %dma_wait3A_238 = arith.constant 0 : i32
        %dma_wait3A_239 = tpu.memref_slice %arg13[%dma_wait3A_236, %dma_wait3A_237, %dma_wait3A_238] : memref<3x128x32xf32, #tpu.memory_space<vmem>> -> memref<1x128x32xf32, #tpu.memory_space<vmem>>
        %dma_wait3A_240 = tpu.memref_squeeze %dma_wait3A_239 : memref<1x128x32xf32, #tpu.memory_space<vmem>> -> memref<128x32xf32, #tpu.memory_space<vmem>>
        %dma_wait3A_241 = arith.constant 0 : i32
        %dma_wait3A_242 = tpu.memref_slice %arg11[%dma_wait3A_235, %dma_wait3A_241] : memref<3x128xi32, #tpu.memory_space<vmem>> -> memref<1x128xi32, #tpu.memory_space<vmem>>
        %dma_wait3A_243 = tpu.memref_squeeze %dma_wait3A_242 : memref<1x128xi32, #tpu.memory_space<vmem>> -> memref<128xi32, #tpu.memory_space<vmem>>
        %dma_wait3A_244 = arith.constant 0 : i32
        %dma_wait3A_245 = arith.constant 0 : i32
        %dma_wait3A_246 = tpu.memref_slice %arg3[%dma_wait3A_244, %dma_wait3A_245] : memref<50000x32xf32, #tpu.memory_space<hbm>> -> memref<50000x32xf32, #tpu.memory_space<hbm>>
        tpu.wait_indirect_dma semaphore(%arg16 : memref<!tpu.dma_semaphore, #tpu.memory_space<semaphore_mem>>) src(%dma_wait3A_246 : memref<50000x32xf32, #tpu.memory_space<hbm>>) dst(%dma_wait3A_240 : memref<128x32xf32, #tpu.memory_space<vmem>>)
        %dma_wait3A_247 = arith.constant 2 : i32
        %dma_wait3A_248 = arith.constant 2 : i32
        %dma_wait3A_249 = arith.constant 0 : i32
        %dma_wait3A_250 = arith.constant 0 : i32
        %dma_wait3A_251 = tpu.memref_slice %arg13[%dma_wait3A_248, %dma_wait3A_249, %dma_wait3A_250] : memref<3x128x32xf32, #tpu.memory_space<vmem>> -> memref<1x128x32xf32, #tpu.memory_space<vmem>>
        %dma_wait3A_252 = tpu.memref_squeeze %dma_wait3A_251 : memref<1x128x32xf32, #tpu.memory_space<vmem>> -> memref<128x32xf32, #tpu.memory_space<vmem>>
        %dma_wait3A_253 = arith.constant 0 : i32
        %dma_wait3A_254 = tpu.memref_slice %arg11[%dma_wait3A_247, %dma_wait3A_253] : memref<3x128xi32, #tpu.memory_space<vmem>> -> memref<1x128xi32, #tpu.memory_space<vmem>>
        %dma_wait3A_255 = tpu.memref_squeeze %dma_wait3A_254 : memref<1x128xi32, #tpu.memory_space<vmem>> -> memref<128xi32, #tpu.memory_space<vmem>>
        %dma_wait3A_256 = arith.constant 0 : i32
        %dma_wait3A_257 = arith.constant 0 : i32
        %dma_wait3A_258 = tpu.memref_slice %arg3[%dma_wait3A_256, %dma_wait3A_257] : memref<50000x32xf32, #tpu.memory_space<hbm>> -> memref<50000x32xf32, #tpu.memory_space<hbm>>
        tpu.wait_indirect_dma semaphore(%arg16 : memref<!tpu.dma_semaphore, #tpu.memory_space<semaphore_mem>>) src(%dma_wait3A_258 : memref<50000x32xf32, #tpu.memory_space<hbm>>) dst(%dma_wait3A_252 : memref<128x32xf32, #tpu.memory_space<vmem>>)
        %dma_start3A_259 = arith.constant 0 : i32
        %dma_start3A_260 = arith.constant 0 : i32
        %dma_start3A_261 = arith.constant 0 : i32
        %dma_start3A_262 = arith.constant 0 : i32
        %dma_start3A_263 = tpu.memref_slice %arg13[%dma_start3A_259, %dma_start3A_261, %dma_start3A_262] : memref<3x128x32xf32, #tpu.memory_space<vmem>> -> memref<1x128x32xf32, #tpu.memory_space<vmem>>
        %dma_start3A_264 = tpu.memref_squeeze %dma_start3A_263 : memref<1x128x32xf32, #tpu.memory_space<vmem>> -> memref<128x32xf32, #tpu.memory_space<vmem>>
        %dma_start3A_265 = arith.constant 0 : i32
        %dma_start3A_266 = tpu.memref_slice %arg10[%dma_start3A_260, %dma_start3A_265] : memref<3x128xi32, #tpu.memory_space<vmem>> -> memref<1x128xi32, #tpu.memory_space<vmem>>
        %dma_start3A_267 = tpu.memref_squeeze %dma_start3A_266 : memref<1x128xi32, #tpu.memory_space<vmem>> -> memref<128xi32, #tpu.memory_space<vmem>>
        %dma_start3A_268 = arith.constant 0 : i32
        %dma_start3A_269 = arith.constant 0 : i32
        %dma_start3A_270 = tpu.memref_slice %arg14[%dma_start3A_268, %dma_start3A_269] : memref<50016x32xf32, #tpu.memory_space<vmem_shared>> -> memref<50016x32xf32, #tpu.memory_space<vmem_shared>>
        tpu.enqueue_indirect_dma source(%dma_start3A_264 : memref<128x32xf32, #tpu.memory_space<vmem>>) target(%dma_start3A_270 : memref<50016x32xf32, #tpu.memory_space<vmem_shared>>) offsets(%dma_start3A_267 : memref<128xi32, #tpu.memory_space<vmem>>) semaphore(%arg18 : memref<!tpu.dma_semaphore, #tpu.memory_space<semaphore_mem>>) {add = true}
        %dma_start3A_271 = arith.constant 1 : i32
        %dma_start3A_272 = arith.constant 1 : i32
        %dma_start3A_273 = arith.constant 0 : i32
        %dma_start3A_274 = arith.constant 0 : i32
        %dma_start3A_275 = tpu.memref_slice %arg13[%dma_start3A_271, %dma_start3A_273, %dma_start3A_274] : memref<3x128x32xf32, #tpu.memory_space<vmem>> -> memref<1x128x32xf32, #tpu.memory_space<vmem>>
        %dma_start3A_276 = tpu.memref_squeeze %dma_start3A_275 : memref<1x128x32xf32, #tpu.memory_space<vmem>> -> memref<128x32xf32, #tpu.memory_space<vmem>>
        %dma_start3A_277 = arith.constant 0 : i32
        %dma_start3A_278 = tpu.memref_slice %arg10[%dma_start3A_272, %dma_start3A_277] : memref<3x128xi32, #tpu.memory_space<vmem>> -> memref<1x128xi32, #tpu.memory_space<vmem>>
        %dma_start3A_279 = tpu.memref_squeeze %dma_start3A_278 : memref<1x128xi32, #tpu.memory_space<vmem>> -> memref<128xi32, #tpu.memory_space<vmem>>
        %dma_start3A_280 = arith.constant 0 : i32
        %dma_start3A_281 = arith.constant 0 : i32
        %dma_start3A_282 = tpu.memref_slice %arg14[%dma_start3A_280, %dma_start3A_281] : memref<50016x32xf32, #tpu.memory_space<vmem_shared>> -> memref<50016x32xf32, #tpu.memory_space<vmem_shared>>
        tpu.enqueue_indirect_dma source(%dma_start3A_276 : memref<128x32xf32, #tpu.memory_space<vmem>>) target(%dma_start3A_282 : memref<50016x32xf32, #tpu.memory_space<vmem_shared>>) offsets(%dma_start3A_279 : memref<128xi32, #tpu.memory_space<vmem>>) semaphore(%arg18 : memref<!tpu.dma_semaphore, #tpu.memory_space<semaphore_mem>>) {add = true}
        %dma_start3A_283 = arith.constant 2 : i32
        %dma_start3A_284 = arith.constant 2 : i32
        %dma_start3A_285 = arith.constant 0 : i32
        %dma_start3A_286 = arith.constant 0 : i32
        %dma_start3A_287 = tpu.memref_slice %arg13[%dma_start3A_283, %dma_start3A_285, %dma_start3A_286] : memref<3x128x32xf32, #tpu.memory_space<vmem>> -> memref<1x128x32xf32, #tpu.memory_space<vmem>>
        %dma_start3A_288 = tpu.memref_squeeze %dma_start3A_287 : memref<1x128x32xf32, #tpu.memory_space<vmem>> -> memref<128x32xf32, #tpu.memory_space<vmem>>
        %dma_start3A_289 = arith.constant 0 : i32
        %dma_start3A_290 = tpu.memref_slice %arg10[%dma_start3A_284, %dma_start3A_289] : memref<3x128xi32, #tpu.memory_space<vmem>> -> memref<1x128xi32, #tpu.memory_space<vmem>>
        %dma_start3A_291 = tpu.memref_squeeze %dma_start3A_290 : memref<1x128xi32, #tpu.memory_space<vmem>> -> memref<128xi32, #tpu.memory_space<vmem>>
        %dma_start3A_292 = arith.constant 0 : i32
        %dma_start3A_293 = arith.constant 0 : i32
        %dma_start3A_294 = tpu.memref_slice %arg14[%dma_start3A_292, %dma_start3A_293] : memref<50016x32xf32, #tpu.memory_space<vmem_shared>> -> memref<50016x32xf32, #tpu.memory_space<vmem_shared>>
        tpu.enqueue_indirect_dma source(%dma_start3A_288 : memref<128x32xf32, #tpu.memory_space<vmem>>) target(%dma_start3A_294 : memref<50016x32xf32, #tpu.memory_space<vmem_shared>>) offsets(%dma_start3A_291 : memref<128xi32, #tpu.memory_space<vmem>>) semaphore(%arg18 : memref<!tpu.dma_semaphore, #tpu.memory_space<semaphore_mem>>) {add = true}
        %dma_wait3A_295 = arith.constant 0 : i32
        %dma_wait3A_296 = arith.constant 0 : i32
        %dma_wait3A_297 = arith.constant 0 : i32
        %dma_wait3A_298 = arith.constant 0 : i32
        %dma_wait3A_299 = tpu.memref_slice %arg13[%dma_wait3A_295, %dma_wait3A_297, %dma_wait3A_298] : memref<3x128x32xf32, #tpu.memory_space<vmem>> -> memref<1x128x32xf32, #tpu.memory_space<vmem>>
        %dma_wait3A_300 = tpu.memref_squeeze %dma_wait3A_299 : memref<1x128x32xf32, #tpu.memory_space<vmem>> -> memref<128x32xf32, #tpu.memory_space<vmem>>
        %dma_wait3A_301 = arith.constant 0 : i32
        %dma_wait3A_302 = tpu.memref_slice %arg10[%dma_wait3A_296, %dma_wait3A_301] : memref<3x128xi32, #tpu.memory_space<vmem>> -> memref<1x128xi32, #tpu.memory_space<vmem>>
        %dma_wait3A_303 = tpu.memref_squeeze %dma_wait3A_302 : memref<1x128xi32, #tpu.memory_space<vmem>> -> memref<128xi32, #tpu.memory_space<vmem>>
        %dma_wait3A_304 = arith.constant 0 : i32
        %dma_wait3A_305 = arith.constant 0 : i32
        %dma_wait3A_306 = tpu.memref_slice %arg14[%dma_wait3A_304, %dma_wait3A_305] : memref<50016x32xf32, #tpu.memory_space<vmem_shared>> -> memref<50016x32xf32, #tpu.memory_space<vmem_shared>>
        tpu.wait_indirect_dma semaphore(%arg18 : memref<!tpu.dma_semaphore, #tpu.memory_space<semaphore_mem>>) src(%dma_wait3A_300 : memref<128x32xf32, #tpu.memory_space<vmem>>) dst(%dma_wait3A_306 : memref<50016x32xf32, #tpu.memory_space<vmem_shared>>)
        %dma_wait3A_307 = arith.constant 1 : i32
        %dma_wait3A_308 = arith.constant 1 : i32
        %dma_wait3A_309 = arith.constant 0 : i32
        %dma_wait3A_310 = arith.constant 0 : i32
        %dma_wait3A_311 = tpu.memref_slice %arg13[%dma_wait3A_307, %dma_wait3A_309, %dma_wait3A_310] : memref<3x128x32xf32, #tpu.memory_space<vmem>> -> memref<1x128x32xf32, #tpu.memory_space<vmem>>
        %dma_wait3A_312 = tpu.memref_squeeze %dma_wait3A_311 : memref<1x128x32xf32, #tpu.memory_space<vmem>> -> memref<128x32xf32, #tpu.memory_space<vmem>>
        %dma_wait3A_313 = arith.constant 0 : i32
        %dma_wait3A_314 = tpu.memref_slice %arg10[%dma_wait3A_308, %dma_wait3A_313] : memref<3x128xi32, #tpu.memory_space<vmem>> -> memref<1x128xi32, #tpu.memory_space<vmem>>
        %dma_wait3A_315 = tpu.memref_squeeze %dma_wait3A_314 : memref<1x128xi32, #tpu.memory_space<vmem>> -> memref<128xi32, #tpu.memory_space<vmem>>
        %dma_wait3A_316 = arith.constant 0 : i32
        %dma_wait3A_317 = arith.constant 0 : i32
        %dma_wait3A_318 = tpu.memref_slice %arg14[%dma_wait3A_316, %dma_wait3A_317] : memref<50016x32xf32, #tpu.memory_space<vmem_shared>> -> memref<50016x32xf32, #tpu.memory_space<vmem_shared>>
        tpu.wait_indirect_dma semaphore(%arg18 : memref<!tpu.dma_semaphore, #tpu.memory_space<semaphore_mem>>) src(%dma_wait3A_312 : memref<128x32xf32, #tpu.memory_space<vmem>>) dst(%dma_wait3A_318 : memref<50016x32xf32, #tpu.memory_space<vmem_shared>>)
        %dma_wait3A_319 = arith.constant 2 : i32
        %dma_wait3A_320 = arith.constant 2 : i32
        %dma_wait3A_321 = arith.constant 0 : i32
        %dma_wait3A_322 = arith.constant 0 : i32
        %dma_wait3A_323 = tpu.memref_slice %arg13[%dma_wait3A_319, %dma_wait3A_321, %dma_wait3A_322] : memref<3x128x32xf32, #tpu.memory_space<vmem>> -> memref<1x128x32xf32, #tpu.memory_space<vmem>>
        %dma_wait3A_324 = tpu.memref_squeeze %dma_wait3A_323 : memref<1x128x32xf32, #tpu.memory_space<vmem>> -> memref<128x32xf32, #tpu.memory_space<vmem>>
        %dma_wait3A_325 = arith.constant 0 : i32
        %dma_wait3A_326 = tpu.memref_slice %arg10[%dma_wait3A_320, %dma_wait3A_325] : memref<3x128xi32, #tpu.memory_space<vmem>> -> memref<1x128xi32, #tpu.memory_space<vmem>>
        %dma_wait3A_327 = tpu.memref_squeeze %dma_wait3A_326 : memref<1x128xi32, #tpu.memory_space<vmem>> -> memref<128xi32, #tpu.memory_space<vmem>>
        %dma_wait3A_328 = arith.constant 0 : i32
        %dma_wait3A_329 = arith.constant 0 : i32
        %dma_wait3A_330 = tpu.memref_slice %arg14[%dma_wait3A_328, %dma_wait3A_329] : memref<50016x32xf32, #tpu.memory_space<vmem_shared>> -> memref<50016x32xf32, #tpu.memory_space<vmem_shared>>
        tpu.wait_indirect_dma semaphore(%arg18 : memref<!tpu.dma_semaphore, #tpu.memory_space<semaphore_mem>>) src(%dma_wait3A_324 : memref<128x32xf32, #tpu.memory_space<vmem>>) dst(%dma_wait3A_330 : memref<50016x32xf32, #tpu.memory_space<vmem_shared>>)
      }
      %scan3A_18 = arith.constant 66 : i32
      %barrier3A_19 = arith.constant 0 : index
      tpu.barrier barrier_id(%barrier3A_19)
      %mul3A_20 = arith.constant 3125 : i32
      %mul3A_21 = arith.muli %arg1, %mul3A_20 : i32
      %mul3A_22 = arith.constant 3125 : i32
      %mul3A_23 = arith.muli %arg1, %mul3A_22 : i32
      "tpu.region"() ({
        %run_scoped3A = tpu.sem_alloc : memref<!tpu.dma_semaphore, #tpu.memory_space<semaphore_mem>>
        %dma_start3A = arith.constant 0 : i32
        %dma_start3A_24 = tpu.memref_slice %arg7[%mul3A_23, %dma_start3A] : memref<50000x32xf32, #tpu.memory_space<hbm>> -> memref<3125x32xf32, #tpu.memory_space<hbm>>
        %dma_start3A_25 = arith.constant 0 : i32
        %dma_start3A_26 = tpu.memref_slice %arg14[%mul3A_21, %dma_start3A_25] : memref<50016x32xf32, #tpu.memory_space<vmem_shared>> -> memref<3125x32xf32, #tpu.memory_space<vmem_shared>>
        tpu.enqueue_dma source(%dma_start3A_26 : memref<3125x32xf32, #tpu.memory_space<vmem_shared>>) target(%dma_start3A_24 : memref<3125x32xf32, #tpu.memory_space<hbm>>) target_semaphore(%run_scoped3A : memref<!tpu.dma_semaphore, #tpu.memory_space<semaphore_mem>>)
        %dma_wait3A = arith.constant 0 : i32
        %dma_wait3A_27 = tpu.memref_slice %arg7[%mul3A_23, %dma_wait3A] : memref<50000x32xf32, #tpu.memory_space<hbm>> -> memref<3125x32xf32, #tpu.memory_space<hbm>>
        %dma_wait3A_28 = arith.constant 0 : i32
        %dma_wait3A_29 = tpu.memref_slice %arg14[%mul3A_21, %dma_wait3A_28] : memref<50016x32xf32, #tpu.memory_space<vmem_shared>> -> memref<3125x32xf32, #tpu.memory_space<vmem_shared>>
        tpu.wait_dma2 semaphore(%run_scoped3A : memref<!tpu.dma_semaphore, #tpu.memory_space<semaphore_mem>>) src(%dma_wait3A_29 : memref<3125x32xf32, #tpu.memory_space<vmem_shared>>) dst(%dma_wait3A_27 : memref<3125x32xf32, #tpu.memory_space<hbm>>)
        tpu.yield
      }) : () -> ()
    } else {
    }
    return
  }
}

module attributes {stable_mosaic.version = 14 : i64} {
  func.func @body(%arg0: memref<12500x128xf32, #tpu.memory_space<vmem>>, %arg1: memref<12500x128xf32, #tpu.memory_space<vmem>>, %arg2: memref<128x128xf32, #tpu.memory_space<vmem>>, %arg3: memref<128x128xf32, #tpu.memory_space<vmem>>, %arg4: memref<128x128xf32, #tpu.memory_space<vmem>>, %arg5: memref<128x128xf32, #tpu.memory_space<vmem>>, %arg6: memref<1x128xf32, #tpu.memory_space<vmem>>, %arg7: memref<1x128xf32, #tpu.memory_space<vmem>>, %arg8: memref<12500x128xf32, #tpu.memory_space<vmem>>, %arg9: memref<12500x128xf32, #tpu.memory_space<vmem>>) attributes {dimension_semantics = [], scalar_prefetch = 0 : i64, scratch_operands = 0 : i64, tpu.core_type = #tpu.core_type<tc>} {
    %get3A = arith.constant 0 : index
    %get3A_0 = arith.constant 0 : index
    %get3A_1 = vector.load %arg0[%get3A, %get3A_0] : memref<12500x128xf32, #tpu.memory_space<vmem>>, vector<12500x128xf32>
    %get3A_2 = arith.constant 0 : index
    %get3A_3 = arith.constant 0 : index
    %get3A_4 = vector.load %arg2[%get3A_2, %get3A_3] : memref<128x128xf32, #tpu.memory_space<vmem>>, vector<128x128xf32>
    %dot_general3A = arith.constant dense<0.000000e+00> : vector<12500x128xf32>
    %dot_general3A_5 = tpu.matmul %get3A_1, %get3A_4, %dot_general3A {dimension_numbers = #tpu.dot_dimension_numbers<[1], [0], [0], [1], [0, 0, 1, 1], [], []>, transpose_lhs_hint = false} : vector<12500x128xf32>, vector<128x128xf32>, vector<12500x128xf32> -> vector<12500x128xf32>
    %get3A_6 = arith.constant 0 : index
    %get3A_7 = arith.constant 0 : index
    %get3A_8 = vector.load %arg1[%get3A_6, %get3A_7] : memref<12500x128xf32, #tpu.memory_space<vmem>>, vector<12500x128xf32>
    %get3A_9 = arith.constant 0 : index
    %get3A_10 = arith.constant 0 : index
    %get3A_11 = vector.load %arg4[%get3A_9, %get3A_10] : memref<128x128xf32, #tpu.memory_space<vmem>>, vector<128x128xf32>
    %dot_general3A_12 = arith.constant dense<0.000000e+00> : vector<12500x128xf32>
    %dot_general3A_13 = tpu.matmul %get3A_8, %get3A_11, %dot_general3A_12 {dimension_numbers = #tpu.dot_dimension_numbers<[1], [0], [0], [1], [0, 0, 1, 1], [], []>, transpose_lhs_hint = false} : vector<12500x128xf32>, vector<128x128xf32>, vector<12500x128xf32> -> vector<12500x128xf32>
    %add3A = arith.addf %dot_general3A_5, %dot_general3A_13 : vector<12500x128xf32>
    %get3A_14 = arith.constant 0 : index
    %get3A_15 = arith.constant 0 : index
    %get3A_16 = vector.load %arg6[%get3A_14, %get3A_15] : memref<1x128xf32, #tpu.memory_space<vmem>>, vector<1x128xf32>
    %add3A_17 = vector.broadcast %get3A_16 : vector<1x128xf32> to vector<12500x128xf32>
    %add3A_18 = arith.addf %add3A, %add3A_17 : vector<12500x128xf32>
    %max3A = arith.constant 0.000000e+00 : f32
    %max3A_19 = vector.broadcast %max3A : f32 to vector<12500x128xf32>
    %max3A_20 = arith.maximumf %add3A_18, %max3A_19 : vector<12500x128xf32>
    %swap3A = arith.constant 0 : index
    %swap3A_21 = arith.constant 0 : index
    %swap3A_22 = vector.load %arg8[%swap3A, %swap3A_21] : memref<12500x128xf32, #tpu.memory_space<vmem>>, vector<12500x128xf32>
    tpu.vector_store %arg8[%swap3A, %swap3A_21], %max3A_20 {strides = array<i32>} : memref<12500x128xf32, #tpu.memory_space<vmem>>, vector<12500x128xf32>,
    %get3A_23 = arith.constant 0 : index
    %get3A_24 = arith.constant 0 : index
    %get3A_25 = vector.load %arg0[%get3A_23, %get3A_24] : memref<12500x128xf32, #tpu.memory_space<vmem>>, vector<12500x128xf32>
    %get3A_26 = arith.constant 0 : index
    %get3A_27 = arith.constant 0 : index
    %get3A_28 = vector.load %arg3[%get3A_26, %get3A_27] : memref<128x128xf32, #tpu.memory_space<vmem>>, vector<128x128xf32>
    %dot_general3A_29 = arith.constant dense<0.000000e+00> : vector<12500x128xf32>
    %dot_general3A_30 = tpu.matmul %get3A_25, %get3A_28, %dot_general3A_29 {dimension_numbers = #tpu.dot_dimension_numbers<[1], [0], [0], [1], [0, 0, 1, 1], [], []>, transpose_lhs_hint = false} : vector<12500x128xf32>, vector<128x128xf32>, vector<12500x128xf32> -> vector<12500x128xf32>
    %get3A_31 = arith.constant 0 : index
    %get3A_32 = arith.constant 0 : index
    %get3A_33 = vector.load %arg1[%get3A_31, %get3A_32] : memref<12500x128xf32, #tpu.memory_space<vmem>>, vector<12500x128xf32>
    %get3A_34 = arith.constant 0 : index
    %get3A_35 = arith.constant 0 : index
    %get3A_36 = vector.load %arg5[%get3A_34, %get3A_35] : memref<128x128xf32, #tpu.memory_space<vmem>>, vector<128x128xf32>
    %dot_general3A_37 = arith.constant dense<0.000000e+00> : vector<12500x128xf32>
    %dot_general3A_38 = tpu.matmul %get3A_33, %get3A_36, %dot_general3A_37 {dimension_numbers = #tpu.dot_dimension_numbers<[1], [0], [0], [1], [0, 0, 1, 1], [], []>, transpose_lhs_hint = false} : vector<12500x128xf32>, vector<128x128xf32>, vector<12500x128xf32> -> vector<12500x128xf32>
    %add3A_39 = arith.addf %dot_general3A_30, %dot_general3A_38 : vector<12500x128xf32>
    %get3A_40 = arith.constant 0 : index
    %get3A_41 = arith.constant 0 : index
    %get3A_42 = vector.load %arg7[%get3A_40, %get3A_41] : memref<1x128xf32, #tpu.memory_space<vmem>>, vector<1x128xf32>
    %add3A_43 = vector.broadcast %get3A_42 : vector<1x128xf32> to vector<12500x128xf32>
    %add3A_44 = arith.addf %add3A_39, %add3A_43 : vector<12500x128xf32>
    %max3A_45 = arith.constant 0.000000e+00 : f32
    %max3A_46 = vector.broadcast %max3A_45 : f32 to vector<12500x128xf32>
    %max3A_47 = arith.maximumf %add3A_44, %max3A_46 : vector<12500x128xf32>
    %swap3A_48 = arith.constant 0 : index
    %swap3A_49 = arith.constant 0 : index
    %swap3A_50 = vector.load %arg9[%swap3A_48, %swap3A_49] : memref<12500x128xf32, #tpu.memory_space<vmem>>, vector<12500x128xf32>
    tpu.vector_store %arg9[%swap3A_48, %swap3A_49], %max3A_47 {strides = array<i32>} : memref<12500x128xf32, #tpu.memory_space<vmem>>, vector<12500x128xf32>,
    return
  }
}

</mosaic_0001>

<sc_bundles>
// kernel: kernel.12.cloned.1.call-start
scs
__scs_entry_jumppad:
0x0: {  	(pc) =	sbr.rel $0x88, $3  }
0x1: {  	(tag) =	ssettag $0x0;
	lr =	simm.s32 $0x1  }
0x2: {  	[smem:$0x3F98] =	sst lr;
	_ =	strace $0xD0000000  }
0x3: {  	_ = 	snop  }
0x4: {  	_ = 	snop  }
0x5: {  	_ = 	snop  }
0x6: {  	_ = 	snop  }
0x7: {  	_ = 	snop  }
__scs_overlays_trampoline_lowered:
0x8: {  	[smem:$0x3FA7] =	sst s0  }
0x9: {  	[smem:$0x3FA8] =	sst s1  }
0xa: {  	[smem:$0x3FA9] =	sst s2  }
0xb: {  	[smem:$0x3FAA] =	sst s3  }
0xc: {  	[smem:$0x3FAB] =	sst s4  }
0xd: {  	[smem:$0x3FAC] =	sst s5  }
0xe: {  	[smem:$0x3FAD] =	sst s6  }
0xf: {  	[smem:$0x3FAE] =	sst s7  }
0x10: {  	[smem:$0x3FAF] =	sst s8  }
0x11: {  	[smem:$0x3FB0] =	sst s9;
	s0 =	simm.s32 @!p0 $0x0  }
0x12: {  	s1 =	sld [smem:$0x3F96];
	s0 =	simm.s32 @p0 $0x1  }
0x13: {  	[smem:$0x3FB1] =	sst s0;
	s0 =	simm.s32 @!p1 $0x0  }
0x14: {  	s2 =	sld [smem:$0x3F95];
	s0 =	simm.s32 @p1 $0x1  }
0x15: {  	[smem:$0x3FB2] =	sst s0;
	s0 =	simm.s32 @!p2 $0x0  }
0x16: {  	s3 =	sld [smem:$0x3FDB];
	s0 =	simm.s32 @p2 $0x1  }
0x17: {  	s4 =	simm.s32 $0x1BF5;
	[smem:$0x3FB4] =	sst s0  }
0x18: {  	s0 =	sld [smem:$0x3F97];
	_ =	swait.ge [sflag:s4], $0x0  }
0x19: {  	s7 =	sld [smem:$0x3F98]  }
0x1a: {  	s8 =	sadd.s32 $0xFFFFE003, lr  }
0x1b: {  	s9 =	sadd.s32 $0xFFFFFEF7, lr;
	s5 =	simm.s32 $0xFFFFFFFF;
	p2 =	slt.u32 s8, $0xFFFFF086  }
0x1c: {  	p1 =	slt.u32 s9, $0xF7A;
	s5 =	simm.s32 @!p2 $0x0  }
0x1d: {  	s5 =	simm.s32 @p1 $0x1;
	p0 =	seq.s32 s7, s2  }
0x1e: {  	s7 =	smul.u32 @!p0 $0xF7A, s2;
	p2 =	seq.s32 @!p0 s5, $0x0  }
0x1f: {  	s9 =	smul.u32 $0xF7A, s1;
	s8 =	simm.s32 @!p0 $0x1BF5;
	p2 =	por !p2, p0  }
0x20: {  	[sflag:s8] =	ssyncset.s32 @!p0 $0xFFFFF086;
	s6 =	sadd.s32 @!p0 s3, s7;
	s7 =	simm.s32 @!p0 $0x108  }
0x21: {  	s3 =	sadd.s32 s3, s9;
	s6 =	sadd.s32 @!p0 $0x88, s6;
	s7 =	simm.s32 @p2 $0x1082  }
0x22: {  	[simem:s7], [sflag:s8] =	dma.local @!p0 [hbm:s6], $0xF7A  }
0x23: {  	s9 =	sor.u32 $0xD0000000, s2;
	s6 =	simm.s32 $0x108;
	_ =	swait.ge @!p0 [sflag:s8], $0x0  }
0x24: {  	s3 =	sadd.s32 $0x88, s3;
	s6 =	simm.s32 @!p1 $0x1082;
	[sflag:s4] =	ssyncset.s32 $0xFFFFF086  }
0x25: {  	[simem:s6], [sflag:s4] =	dma.local [hbm:s3], $0xF7A  }
0x26: {  	[smem:$0x3F98] =	sst s1;
	(tag) =	ssettag s2;
	_ =	strace s9  }
0x27: {  	s1 =	sld [smem:$0x3FA8]  }
0x28: {  	s2 =	sld [smem:$0x3FA9]  }
0x29: {  	s4 =	sld [smem:$0x3FAB]  }
0x2a: {  	p0 =	seq.s32 s5, $0x0;
	s5 =	sld [smem:$0x3FAC]  }
0x2b: {  	s6 =	sld [smem:$0x3FAD]  }
0x2c: {  	s7 =	sld [smem:$0x3FAE]  }
0x2d: {  	s3 =	simm.s32 $0x108;
	s8 =	sld [smem:$0x3FAF]  }
0x2e: {  	s3 =	simm.s32 @!p0 $0x1082;
	s9 =	sld [smem:$0x3FB0]  }
0x2f: {  	lr =	sadd.s32 s0, s3;
	s0 =	sld [smem:$0x3FA7]  }
0x30: {  	s3 =	sld [smem:$0x3FAA]  }
0x31: {  	[smem:$0x3FB3] =	sst s10  }
0x32: {  	s10 =	sld [smem:$0x3FB1];
	_ =	sdelay $0x3  }
0x33: {  	p0 =	seq.s32 s10, $0x1;
	s10 =	sld [smem:$0x3FB3];
	_ =	sdelay $0x3  }
0x34: {  	[smem:$0x3FB3] =	sst s10  }
0x35: {  	s10 =	sld [smem:$0x3FB2];
	_ =	sdelay $0x3  }
0x36: {  	p1 =	seq.s32 s10, $0x1;
	s10 =	sld [smem:$0x3FB3];
	_ =	sdelay $0x3  }
0x37: {  	[smem:$0x3FB3] =	sst s10  }
0x38: {  	s10 =	sld [smem:$0x3FB4]  }
0x39: {  	_ = 	snop;
	(pc) =	sbr.ind lr, $3  }
0x3a: {  	_ = 	snop  }
0x3b: {  	_ = 	snop  }
0x3c: {  	p2 =	seq.s32 s10, $0x1;
	s10 =	sld [smem:$0x3FB3]  }
0x3d: {  	_ =	shalt  }
0x3e: {  	_ =	shalt  }
0x3f: {  	_ =	shalt  }
0x40: {  	_ =	shalt  }
0x41: {  	_ =	shalt  }
0x42: {  	_ =	shalt  }
0x43: {  	_ =	shalt  }
0x44: {  	_ =	shalt  }
0x45: {  	_ =	shalt  }
0x46: {  	_ =	shalt  }
0x47: {  	_ =	shalt  }
0x48: {  	_ =	shalt  }
0x49: {  	_ =	shalt  }
0x4a: {  	_ =	shalt  }
0x4b: {  	_ =	shalt  }
0x4c: {  	_ =	shalt  }
0x4d: {  	_ =	shalt  }
0x4e: {  	_ =	shalt  }
0x4f: {  	_ =	shalt  }
0x50: {  	_ =	shalt  }
0x51: {  	_ =	shalt  }
0x52: {  	_ =	shalt  }
0x53: {  	_ =	shalt  }
0x54: {  	_ =	shalt  }
0x55: {  	_ =	shalt  }
0x56: {  	_ =	shalt  }
0x57: {  	_ =	shalt  }
0x58: {  	_ =	shalt  }
0x59: {  	_ =	shalt  }
0x5a: {  	_ =	shalt  }
0x5b: {  	_ =	shalt  }
0x5c: {  	_ =	shalt  }
0x5d: {  	_ =	shalt  }
0x5e: {  	_ =	shalt  }
0x5f: {  	_ =	shalt  }
0x60: {  	_ =	shalt  }
0x61: {  	_ =	shalt  }
0x62: {  	_ =	shalt  }
0x63: {  	_ =	shalt  }
0x64: {  	_ =	shalt  }
0x65: {  	_ =	shalt  }
0x66: {  	_ =	shalt  }
0x67: {  	_ =	shalt  }
0x68: {  	_ =	shalt  }
0x69: {  	_ =	shalt  }
0x6a: {  	_ =	shalt  }
0x6b: {  	_ =	shalt  }
0x6c: {  	_ =	shalt  }
0x6d: {  	_ =	shalt  }
0x6e: {  	_ =	shalt  }
0x6f: {  	_ =	shalt  }
0x70: {  	_ =	shalt  }
0x71: {  	_ =	shalt  }
0x72: {  	_ =	shalt  }
0x73: {  	_ =	shalt  }
0x74: {  	_ =	shalt  }
0x75: {  	_ =	shalt  }
0x76: {  	_ =	shalt  }
0x77: {  	_ =	shalt  }
0x78: {  	_ =	shalt  }
0x79: {  	_ =	shalt  }
0x7a: {  	_ =	shalt  }
0x7b: {  	_ =	shalt  }
0x7c: {  	_ =	shalt  }
0x7d: {  	_ =	shalt  }
0x7e: {  	_ =	shalt  }
0x7f: {  	_ =	shalt  }
0x80: {  	_ =	shalt  }
0x81: {  	_ =	shalt  }
0x82: {  	_ =	shalt  }
0x83: {  	_ =	shalt  }
0x84: {  	_ =	shalt  }
0x85: {  	_ =	shalt  }
0x86: {  	_ =	shalt  }
0x87: {  	_ =	shalt  }
.Lfunc_end0:
.L_simem_size_0:
called_computation.1_lowered:
.L_overlay_start_0:
0x88: {  	s2 =	sld [smem:$0x3FD9]  }
0x89: {  	s3 =	sld [smem:$0x3FFE];
	_ =	sdelay $0x1  }
0x8a: {  	s1 =	srdreg.scid  }
0x8b: {  	s0 =	sand.u32 $0x1, s1  }
0x8c: {  	s17 =	sshll.u32 s0, $0xA;
	s2 =	sadd.s32 s3, s2  }
0x8d: {  	s2 =	sadd.s32 s2, s17  }
0x8e: {  	[smem:$0x3FBF] =	sst s2  }
0x8f: {  	_ = 	snop  }
0x90: {  	s2 =	sld [smem:$0x3FD0];
	(tm) =	ssettm $0x1  }
0x91: {  	s18 =	sld [smem:$0x3FFB];
	_ =	sdelay $0x3  }
0x92: {  	_ =	strace s18  }
0x93: {  	s3 =	sld [smem:$0x3FFC];
	_ =	sdelay $0x3  }
0x94: {  	_ =	strace s3  }
0x95: {  	s3 =	sld [smem:$0x3FFD];
	_ =	sdelay $0x3  }
0x96: {  	_ =	strace s3  }
0x97: {  	_ =	strace $0x8FFFFFFF  }
0x98: {  	s19 =	sld [smem:$0x3FDB];
	_ =	sdelay $0x1  }
0x99: {  	s4 =	simm.s32 $_scs_section_size  }
0x9a: {  	s5 =	simm.s32 $_size__tile_overlayer_lowered;
	s6 =	simm.s32 $_tile_overlayer_lowered  }
0x9b: {  	s22 =	simm.s32 $0x1BFF;
	s21 =	sshll.u32 s6, $0x1;
	s3 =	sadd.s32 s4, s19  }
0x9c: {  	s7 =	simm.s32 $0x0;
	s20 =	sshll.u32 s5, $0x1;
	s5 =	sadd.s32 s21, s3  }
0x9d: {  	[timem:s7], [sflag:s22] =	dma.local [hbm:s5], s20  }
0x9e: {  	_ =	swait.ge [sflag:s22], s20  }
0x9f: {  	s4 =	ssub.s32 $0x0, s20;
	[sflag:s22] =	ssyncset.done $0x0  }
0xa0: {  	[sflag:s22] =	ssyncadd.s32 s4;
	_ =	sdelay $0x1  }
0xa1: {  	s23 =	simm.s32 $0x1B8B  }
0xa2: {  	_ =	swait.ge [sflag:s23], $0x1  }
0xa3: {  	[sflag:s23] =	ssyncset.done $0x0  }
0xa4: {  	s25 =	simm.s32 $0x1B8E;
	s24 =	sld [smem:$0x3FFE];
	[sflag:s23] =	ssyncadd.s32 $0xFFFFFFFF  }
0xa5: {  	s26 =	simm.s32 $execute0_lowered;
	[smem:$0x3FD2] =	sst s25  }
0xa6: {  	s5 =	sshll.u32 s26, $0x1;
	_ =	strace $0x80000049;
	[dreg:$0x1] =	wrdreg $0xFFFFFFFF  }
0xa7: {  	s28 =	simm.s32 $_size_execute0_lowered;
	s3 =	sadd.s32 s3, s5;
	[dreg:$0x0] =	wrdreg $0x0  }
0xa8: {  	s5 =	sshll.u32 s28, $0x1;
	[dreg:$0x2] =	wrdreg s3  }
0xa9: {  	[dreg:$0x3] =	wrdreg s5  }
0xaa: {  	[dreg:$0x4] =	wrdreg $0xC0  }
0xab: {  	_ =	task [dreg:s7], $0x5FFFF  }
0xac: {  	[dreg:$0x1] =	wrdreg $0xFFFFFFFF  }
0xad: {  	[dreg:$0x0] =	wrdreg $0x60  }
0xae: {  	[dreg:$0x2] =	wrdreg s2  }
0xaf: {  	[dreg:$0x3] =	wrdreg s24  }
0xb0: {  	[dreg:$0x4] =	wrdreg $0x66000  }
0xb1: {  	[dreg:$0x5] =	wrdreg $0x9  }
0xb2: {  	_ =	task.clear_ibuf [dreg:s7], $0x6FFFF;
	_ =	strace $0x90000049  }
0xb3: {  	s29 =	simm.s32 $0x9;
	_ =	strace $0x8000004B  }
0xb4: {  	_ =	swait.ge [sflag:s29], $0x1  }
0xb5: {  	[sflag:s29] =	ssyncadd.s32 $0xFFFFFFFF  }
0xb6: {  	_ =	strace $0x9000004B  }
0xb7: {  	_ =	sfence  }
0xb8: {  	s30 =	sld [smem:$0x0];
	_ =	sdelay $0x2  }
0xb9: {  	s31 =	sshll.u32 s1, $0xD;
	s1 =	sshrl.u32 s1, $0x2  }
0xba: {  	s3 =	sand.u32 $0x4000, s31;
	s1 =	sadd.s32 s1, s30  }
0xbb: {  	s0 =	sor.u32 s3, s0;
	s1 =	sshll.u32 s1, $0x11  }
0xbc: {  	s0 =	sor.u32 s1, s0  }
0xbd: {  	s0 =	sadd.s32 $0x8F2B, s0  }
0xbe: {  	[sflag:s0] =	ssyncadd.remote.s32 $0x1  }
0xbf: {  	_ =	sfence.sel $0xFFFF  }
0xc0: {  	[dreg:$0x0] =	wrdreg $0xFFFFFFFF;
	(pc) =	sbr.abs _section_cstart, $3  }
0xc1: {  	[dreg:$0x1] =	wrdreg $0xFFFFFFFF  }
0xc2: {  	_ =	task.clear_ibuf [dreg:s7], $0x2FFFF;
	_ =	strace $0x9FFFFFFF  }
0xc3: {  	(tm) =	ssettm $0x7FFFFFFF  }
tec
execute0_lowered:
.L_overlay_start_1:
0x0: {  	(tag) =	ssettag $0x1  }
0x1: {  	s1 =	rddreg [dreg:$0x0]  }
0x2: {  	s0 =	rddreg [dreg:$0x1]  }
0x3: {  	s3 =	rddreg [dreg:$0x2];
	s4 =	simm.s32 $0x0;
	s12 =	stileid.u32  }
0x4: {  	s2 =	srdreg.scid;
	s17 =	simm.s32 $0x5;
	s18 =	simm.s32 $0x180  }
0x5: {  	s19 =	simm.s32 $0x80;
	s28 =	simm.s32 $0x3600;
	s29 =	simm.s32 $0x500  }
0x6: {  	s30 =	simm.s32 $0x4600;
	s31 =	simm.s32 $0x580;
	s13 =	simm.s32 $0x380  }
0x7: {  	s14 =	simm.s32 $0x4;
	s16 =	simm.s32 $0x0;
	[smem:$0x7FF] =	sst s4  }
0x8: {  	s6 =	smul.u32 $0x18F0, s12;
	s2 =	sand.u32 $0x1, s2;
	s5 =	sadd.s32 $0x4C00, s0  }
0x9: {  	s8 =	smul.u32 $0x186A0, s12;
	s9 =	sadd.s32 $0x6AA00, s0;
	s25 =	sshll.u32 s12, $0x6  }
0xa: {  	s12 =	simm.s32 $0x400;
	_ =	strace $0x8000004A;
	[dreg:$0x4] =	wrdreg s9  }
0xb: {  	s7 =	ssub.s32 $0x2, s2;
	p0 =	seq.s32 s2, $0x1;
	[dreg:$0x8] =	wrdreg s25  }
0xc: {  	s26 =	sor.u32 $0x1C05, s25;
	s25 =	simm.s32 $0x300;
	s2 =	simm.s32 $0x1  }
0xd: {  	s9 =	simm.s32 $0x3;
	s6 =	sadd.s32 s6, s0;
	s20 =	sshrl.u32 s7, $0x1  }
0xe: {  	s0 =	sadd.s32 $0x9B800, s0;
	s22 =	sshrl.u32 s8, $0x3;
	[dreg:$0xb] =	wrdreg s26  }
0xf: {  	s23 =	sadd.s32 s8, s3;
	s26 =	simm.s32 $0x480;
	[dreg:$0x5] =	wrdreg s0  }
0x10: {  	s21 =	ssub.s32 s7, s20;
	s24 =	sadd.s32 s1, s22;
	s10 =	sadd.s32 $0x51A00, s6  }
0x11: {  	s11 =	sadd.s32 $0x38A00, s6;
	[dreg:$0x6] =	wrdreg s22;
	s7 =	sadd.s32 s5, s22  }
.Ltmp0:
0x12: {  	s15 =	sshrl.u32 s23, $0x3;
	s20 =	simm.s32 $0x600;
	(pc) =	sbr.rel .LBB2_1-.Ltmp0, $4  }
0x13: {  	s22 =	simm.s32 $0x1600;
	s23 =	simm.s32 $0x280;
	[dreg:$0x7] =	wrdreg s24  }
0x14: {  	s6 =	simm.s32 $0x100;
	[dreg:$0x9] =	wrdreg s7;
	s0 =	smax.u32 s21, $0x1  }
0x15: {  	s21 =	simm.s32 $0x200;
	s24 =	simm.s32 $0x2600;
	[dreg:$0xc] =	wrdreg s15  }
0x16: {  	s7 =	simm.s32 $0x2;
	[dreg:$0xa] =	wrdreg s0;
	s0 =	simm.s32 $0x5600  }
.LBB2_7:
0x17: {  	s8 =	rddreg [dreg:$0x5]  }
0x18: {  	s15 =	rddreg [dreg:$0xb]  }
0x19: {  	[sflag:s14] =	ssyncadd.s32 $0xFFFFF000;
	[dreg:$0xe] =	wrdreg s15  }
.LBB2_8:
0x1a: {  	s15 =	rddreg [dreg:$0x6]  }
0x1b: {  	s8 =	sadd.s32 s8, s15  }
0x1c: {  	[dreg:$0xf] =	wrdreg s8  }
0x1d: {  	[bflag:$0x0] =	sbarrier.arrive $0xFFFF  }
0x1e: {  	s8 =	rddreg [dreg:$0xe]  }
0x1f: {  	s15 =	rddreg [dreg:$0xf]  }
0x20: {  	s16 =	rddreg [dreg:$0xc]  }
0x21: {  	[hbm:s15], [sflag:s8] =	dma.local [spmem:s16], $0x30D4  }
0x22: {  	_ =	swait.ge [sflag:s17], $0x30D4  }
0x23: {  	s8 =	rddreg [dreg:$0xd]  }
0x24: {  	s15 =	rddreg [dreg:$0xa];
	s16 =	sadd.s32 $0x1, s8  }
0x25: {  	p1 =	sne.s32 s16, s15  }
.Ltmp1:
0x26: {  	_ = 	snop;
	(pc) =	sbr.rel @!p1 .LBB2_9-.Ltmp1, $3  }
0x27: {  	_ =	sdelay $0x1  }
0x28: {  	[sflag:s17] =	ssyncset.done $0x0  }
0x29: {  	[sflag:s17] =	ssyncadd.s32 $0xFFFFCF2C  }
.LBB2_1:
.Ltmp2:
0x2a: {  	(pc) =	sbr.rel @!p0 .LBB2_2-.Ltmp2, $2  }
0x2b: {  	_ =	sdelay $0x2  }
0x2c: {  	[dreg:$0xd] =	wrdreg s16  }
0x2d: {  	s8 =	rddreg [dreg:$0x9]  }
0x2e: {  	s15 =	rddreg [dreg:$0xb]  }
0x2f: {  	s16 =	rddreg [dreg:$0xc]  }
0x30: {  	[spmem:s16], [sflag:s15] =	dma.local [hbm:s8], $0x30D4  }
0x31: {  	_ =	swait.ge [sflag:s17], $0x30D4  }
0x32: {  	[sflag:s17] =	ssyncset.done $0x0  }
0x33: {  	[sflag:s17] =	ssyncadd.s32 $0xFFFFCF2C  }
0x34: {  	[bflag:$0x0] =	sbarrier.arrive $0xFFFF  }
0x35: {  	[tilespmem:s4], [sflag:$0x5] =	stream.linear.gather [hbm4b:s10+s4], $0x180, $0x38;
	[tilespmem:$0x1ECC0] =	vst v63  }
0x36: {  	_ =	swait.ge [sflag:s17], $0x180  }
0x37: {  	[sflag:s17] =	ssyncset.done $0x0  }
0x38: {  	[sflag:s17] =	ssyncadd.s32 $0xFFFFFE80  }
0x39: {  	[tilespmem:s18], [sflag:$0x5] =	stream.linear.gather [hbm4b:s11+s4], $0x180, $0x38;
	[tilespmem:$0x1ECC0] =	vst v63  }
0x3a: {  	_ =	swait.ge [sflag:s17], $0x180  }
0x3b: {  	[sflag:s17] =	ssyncset.done $0x0  }
0x3c: {  	[sflag:s17] =	ssyncadd.s32 $0xFFFFFE80  }
0x3d: {  	[tilespmem:s20], [sflag:$0x1] =	stream.indirect.gather [hbm4b:s5+s19], $0x20, s18, s19, $0xb8;
	[tilespmem:$0x1ECC0] =	vst v63  }
0x3e: {  	_ = 	snop  }
0x3f: {  	[tilespmem:s22], [sflag:$0x1] =	stream.indirect.gather [hbm4b:s5+s19], $0x20, s21, s19, $0xb8;
	[tilespmem:$0x1ECC0] =	vst v63  }
0x40: {  	s8 =	sadd.s32 $0xFFFFE740, s10  }
0x41: {  	[tilespmem:s24], [sflag:$0x1] =	stream.indirect.gather [hbm4b:s5+s19], $0x20, s23, s19, $0xb8;
	[tilespmem:$0x1ECC0] =	vst v63  }
0x42: {  	s16 =	sadd.s32 $0x18F0, s8  }
0x43: {  	[tilespmem:s25], [sflag:$0x5] =	stream.linear.gather [hbm4b:s16+s4], $0x180, $0x38;
	[tilespmem:$0x1ECC0] =	vst v63  }
0x44: {  	_ =	swait.ge [sflag:s17], $0x180  }
0x45: {  	s15 =	sadd.s32 $0xFFFFE740, s11;
	[sflag:s17] =	ssyncset.done $0x0  }
0x46: {  	s16 =	sadd.s32 $0x18F0, s15;
	[sflag:s17] =	ssyncadd.s32 $0xFFFFFE80  }
0x47: {  	[tilespmem:s26], [sflag:$0x5] =	stream.linear.gather [hbm4b:s16+s4], $0x180, $0x38;
	[tilespmem:$0x1ECC0] =	vst v63  }
0x48: {  	_ =	swait.ge [sflag:s17], $0x180  }
0x49: {  	[sflag:s17] =	ssyncset.done $0x0  }
0x4a: {  	[sflag:s17] =	ssyncadd.s32 $0xFFFFFE80  }
0x4b: {  	[tilespmem:s28], [sflag:$0x2] =	stream.indirect.gather [hbm4b:s5+s19], $0x20, s26, s19, $0xb8;
	[tilespmem:$0x1ECC0] =	vst v63  }
0x4c: {  	_ = 	snop  }
0x4d: {  	[tilespmem:s30], [sflag:$0x2] =	stream.indirect.gather [hbm4b:s5+s19], $0x20, s29, s19, $0xb8;
	[tilespmem:$0x1ECC0] =	vst v63  }
0x4e: {  	_ = 	snop  }
0x4f: {  	[tilespmem:s0], [sflag:$0x2] =	stream.indirect.gather [hbm4b:s5+s19], $0x20, s31, s19, $0xb8;
	[tilespmem:$0x1ECC0] =	vst v63  }
0x50: {  	_ =	swait.ge [sflag:s2], $0x1000  }
0x51: {  	[sflag:s2] =	ssyncset.done $0x0  }
0x52: {  	[sflag:s2] =	ssyncadd.s32 $0xFFFFF000  }
0x53: {  	_ =	swait.ge [sflag:s2], $0x1000  }
0x54: {  	[sflag:s2] =	ssyncset.done $0x0  }
0x55: {  	[sflag:s2] =	ssyncadd.s32 $0xFFFFF000  }
0x56: {  	_ =	swait.ge [sflag:s2], $0x1000  }
0x57: {  	[sflag:s2] =	ssyncset.done $0x0  }
0x58: {  	[sflag:s2] =	ssyncadd.s32 $0xFFFFF000  }
0x59: {  	[spmem:s3] =	stream.indirect.scatter.add.f32 [tilespmem:s20], [sflag:$0x3], $0x20, s4, s19, $0xb8;
	[tilespmem:$0x1ECC0] =	vst v63  }
0x5a: {  	_ = 	snop  }
0x5b: {  	[spmem:s3] =	stream.indirect.scatter.add.f32 [tilespmem:s22], [sflag:$0x3], $0x20, s19, s19, $0xb8;
	[tilespmem:$0x1ECC0] =	vst v63  }
0x5c: {  	_ = 	snop  }
0x5d: {  	[spmem:s3] =	stream.indirect.scatter.add.f32 [tilespmem:s24], [sflag:$0x3], $0x20, s6, s19, $0xb8;
	[tilespmem:$0x1ECC0] =	vst v63  }
0x5e: {  	_ =	swait.ge [sflag:s9], $0x1000  }
0x5f: {  	[sflag:s9] =	ssyncset.done $0x0  }
0x60: {  	[sflag:s9] =	ssyncadd.s32 $0xFFFFF000  }
0x61: {  	_ =	swait.ge [sflag:s9], $0x1000  }
0x62: {  	[sflag:s9] =	ssyncset.done $0x0  }
0x63: {  	[sflag:s9] =	ssyncadd.s32 $0xFFFFF000  }
0x64: {  	_ =	swait.ge [sflag:s9], $0x1000  }
0x65: {  	[sflag:s9] =	ssyncset.done $0x0  }
0x66: {  	s8 =	sadd.s32 $0x1920, s8;
	[sflag:s9] =	ssyncadd.s32 $0xFFFFF000  }
0x67: {  	[tilespmem:s4], [sflag:$0x5] =	stream.linear.gather [hbm4b:s8+s4], $0x180, $0x38;
	[tilespmem:$0x1ECC0] =	vst v63  }
0x68: {  	_ =	swait.ge [sflag:s17], $0x180  }
0x69: {  	[sflag:s17] =	ssyncset.done $0x0  }
0x6a: {  	s16 =	sadd.s32 $0x1920, s15;
	[sflag:s17] =	ssyncadd.s32 $0xFFFFFE80  }
0x6b: {  	[tilespmem:s18], [sflag:$0x5] =	stream.linear.gather [hbm4b:s16+s4], $0x180, $0x38;
	[tilespmem:$0x1ECC0] =	vst v63  }
0x6c: {  	_ =	swait.ge [sflag:s17], $0x180  }
0x6d: {  	[sflag:s17] =	ssyncset.done $0x0  }
0x6e: {  	[sflag:s17] =	ssyncadd.s32 $0xFFFFFE80  }
0x6f: {  	_ =	swait.ge [sflag:s7], $0x1000  }
0x70: {  	[sflag:s7] =	ssyncset.done $0x0  }
0x71: {  	[sflag:s7] =	ssyncadd.s32 $0xFFFFF000  }
0x72: {  	_ =	swait.ge [sflag:s7], $0x1000  }
0x73: {  	[sflag:s7] =	ssyncset.done $0x0  }
0x74: {  	[sflag:s7] =	ssyncadd.s32 $0xFFFFF000  }
0x75: {  	_ =	swait.ge [sflag:s7], $0x1000  }
0x76: {  	[sflag:s7] =	ssyncset.done $0x0  }
0x77: {  	[sflag:s7] =	ssyncadd.s32 $0xFFFFF000  }
0x78: {  	[spmem:s3] =	stream.indirect.scatter.add.f32 [tilespmem:s28], [sflag:$0x4], $0x20, s25, s19, $0xb8;
	[tilespmem:$0x1ECC0] =	vst v63  }
0x79: {  	_ = 	snop  }
0x7a: {  	[spmem:s3] =	stream.indirect.scatter.add.f32 [tilespmem:s30], [sflag:$0x4], $0x20, s13, s19, $0xb8;
	[tilespmem:$0x1ECC0] =	vst v63  }
0x7b: {  	_ = 	snop  }
0x7c: {  	[spmem:s3] =	stream.indirect.scatter.add.f32 [tilespmem:s0], [sflag:$0x4], $0x20, s12, s19, $0xb8;
	[tilespmem:$0x1ECC0] =	vst v63  }
0x7d: {  	_ =	swait.ge [sflag:s14], $0x1000  }
0x7e: {  	[sflag:s14] =	ssyncset.done $0x0  }
0x7f: {  	[sflag:s14] =	ssyncadd.s32 $0xFFFFF000  }
0x80: {  	_ =	swait.ge [sflag:s14], $0x1000  }
0x81: {  	[sflag:s14] =	ssyncset.done $0x0  }
0x82: {  	[sflag:s14] =	ssyncadd.s32 $0xFFFFF000  }
0x83: {  	_ =	swait.ge [sflag:s14], $0x1000  }
0x84: {  	s8 =	simm.s32 $0xFFFFE7A0;
	[sflag:s14] =	ssyncset.done $0x0  }
.LBB2_6:
0x85: {  	p1 =	sne.s32 s8, $0xFFFFFFA0  }
0x86: {  	[sflag:s14] =	ssyncadd.s32 $0xFFFFF000;
	s15 =	smov.u32 s8;
	s8 =	sadd.s32 $0x60, s8  }
0x87: {  	[tilespmem:s20], [sflag:$0x1] =	stream.indirect.gather [hbm4b:s5+s19], $0x20, s18, s19, $0xb8;
	[tilespmem:$0x1ECC0] =	vst v63  }
0x88: {  	_ = 	snop  }
0x89: {  	[tilespmem:s22], [sflag:$0x1] =	stream.indirect.gather [hbm4b:s5+s19], $0x20, s21, s19, $0xb8;
	[tilespmem:$0x1ECC0] =	vst v63  }
0x8a: {  	s16 =	sadd.s32 s15, s10  }
0x8b: {  	[tilespmem:s24], [sflag:$0x1] =	stream.indirect.gather [hbm4b:s5+s19], $0x20, s23, s19, $0xb8;
	[tilespmem:$0x1ECC0] =	vst v63  }
0x8c: {  	s21 =	sadd.s32 $0x18F0, s16  }
0x8d: {  	[tilespmem:s25], [sflag:$0x5] =	stream.linear.gather [hbm4b:s21+s4], $0x180, $0x38;
	[tilespmem:$0x1ECC0] =	vst v63  }
0x8e: {  	_ =	swait.ge [sflag:s17], $0x180  }
0x8f: {  	s15 =	sadd.s32 s15, s11;
	[sflag:s17] =	ssyncset.done $0x0  }
0x90: {  	s21 =	sadd.s32 $0x18F0, s15;
	[sflag:s17] =	ssyncadd.s32 $0xFFFFFE80  }
0x91: {  	[tilespmem:s26], [sflag:$0x5] =	stream.linear.gather [hbm4b:s21+s4], $0x180, $0x38;
	[tilespmem:$0x1ECC0] =	vst v63  }
0x92: {  	s21 =	simm.s32 $0x200  }
0x93: {  	_ =	swait.ge [sflag:s17], $0x180  }
0x94: {  	[sflag:s17] =	ssyncset.done $0x0  }
0x95: {  	[sflag:s17] =	ssyncadd.s32 $0xFFFFFE80  }
0x96: {  	[tilespmem:s28], [sflag:$0x2] =	stream.indirect.gather [hbm4b:s5+s19], $0x20, s26, s19, $0xb8;
	[tilespmem:$0x1ECC0] =	vst v63  }
0x97: {  	_ = 	snop  }
0x98: {  	[tilespmem:s30], [sflag:$0x2] =	stream.indirect.gather [hbm4b:s5+s19], $0x20, s29, s19, $0xb8;
	[tilespmem:$0x1ECC0] =	vst v63  }
0x99: {  	_ = 	snop  }
0x9a: {  	[tilespmem:s0], [sflag:$0x2] =	stream.indirect.gather [hbm4b:s5+s19], $0x20, s31, s19, $0xb8;
	[tilespmem:$0x1ECC0] =	vst v63  }
0x9b: {  	_ =	swait.ge [sflag:s2], $0x1000  }
0x9c: {  	[sflag:s2] =	ssyncset.done $0x0  }
0x9d: {  	[sflag:s2] =	ssyncadd.s32 $0xFFFFF000  }
0x9e: {  	_ =	swait.ge [sflag:s2], $0x1000  }
0x9f: {  	[sflag:s2] =	ssyncset.done $0x0  }
0xa0: {  	[sflag:s2] =	ssyncadd.s32 $0xFFFFF000  }
0xa1: {  	_ =	swait.ge [sflag:s2], $0x1000  }
0xa2: {  	[sflag:s2] =	ssyncset.done $0x0  }
0xa3: {  	[sflag:s2] =	ssyncadd.s32 $0xFFFFF000  }
0xa4: {  	[spmem:s3] =	stream.indirect.scatter.add.f32 [tilespmem:s20], [sflag:$0x3], $0x20, s4, s19, $0xb8;
	[tilespmem:$0x1ECC0] =	vst v63  }
0xa5: {  	_ = 	snop  }
0xa6: {  	[spmem:s3] =	stream.indirect.scatter.add.f32 [tilespmem:s22], [sflag:$0x3], $0x20, s19, s19, $0xb8;
	[tilespmem:$0x1ECC0] =	vst v63  }
0xa7: {  	_ = 	snop  }
0xa8: {  	[spmem:s3] =	stream.indirect.scatter.add.f32 [tilespmem:s24], [sflag:$0x3], $0x20, s6, s19, $0xb8;
	[tilespmem:$0x1ECC0] =	vst v63  }
0xa9: {  	_ =	swait.ge [sflag:s9], $0x1000  }
0xaa: {  	[sflag:s9] =	ssyncset.done $0x0  }
0xab: {  	[sflag:s9] =	ssyncadd.s32 $0xFFFFF000  }
0xac: {  	_ =	swait.ge [sflag:s9], $0x1000  }
0xad: {  	[sflag:s9] =	ssyncset.done $0x0  }
0xae: {  	[sflag:s9] =	ssyncadd.s32 $0xFFFFF000  }
0xaf: {  	_ =	swait.ge [sflag:s9], $0x1000  }
0xb0: {  	[sflag:s9] =	ssyncset.done $0x0  }
0xb1: {  	s16 =	sadd.s32 $0x1920, s16;
	[sflag:s9] =	ssyncadd.s32 $0xFFFFF000  }
0xb2: {  	[tilespmem:s4], [sflag:$0x5] =	stream.linear.gather [hbm4b:s16+s4], $0x180, $0x38;
	[tilespmem:$0x1ECC0] =	vst v63  }
0xb3: {  	_ =	swait.ge [sflag:s17], $0x180  }
0xb4: {  	[sflag:s17] =	ssyncset.done $0x0  }
0xb5: {  	s15 =	sadd.s32 $0x1920, s15;
	[sflag:s17] =	ssyncadd.s32 $0xFFFFFE80  }
0xb6: {  	[tilespmem:s18], [sflag:$0x5] =	stream.linear.gather [hbm4b:s15+s4], $0x180, $0x38;
	[tilespmem:$0x1ECC0] =	vst v63  }
0xb7: {  	_ =	swait.ge [sflag:s17], $0x180  }
0xb8: {  	[sflag:s17] =	ssyncset.done $0x0  }
0xb9: {  	[sflag:s17] =	ssyncadd.s32 $0xFFFFFE80  }
0xba: {  	_ =	swait.ge [sflag:s7], $0x1000  }
0xbb: {  	[sflag:s7] =	ssyncset.done $0x0  }
0xbc: {  	[sflag:s7] =	ssyncadd.s32 $0xFFFFF000  }
0xbd: {  	_ =	swait.ge [sflag:s7], $0x1000  }
0xbe: {  	[sflag:s7] =	ssyncset.done $0x0  }
0xbf: {  	[sflag:s7] =	ssyncadd.s32 $0xFFFFF000  }
0xc0: {  	_ =	swait.ge [sflag:s7], $0x1000  }
0xc1: {  	[sflag:s7] =	ssyncset.done $0x0  }
0xc2: {  	[sflag:s7] =	ssyncadd.s32 $0xFFFFF000  }
0xc3: {  	[spmem:s3] =	stream.indirect.scatter.add.f32 [tilespmem:s28], [sflag:$0x4], $0x20, s25, s19, $0xb8;
	[tilespmem:$0x1ECC0] =	vst v63  }
0xc4: {  	_ = 	snop  }
0xc5: {  	[spmem:s3] =	stream.indirect.scatter.add.f32 [tilespmem:s30], [sflag:$0x4], $0x20, s13, s19, $0xb8;
	[tilespmem:$0x1ECC0] =	vst v63  }
0xc6: {  	_ = 	snop  }
0xc7: {  	[spmem:s3] =	stream.indirect.scatter.add.f32 [tilespmem:s0], [sflag:$0x4], $0x20, s12, s19, $0xb8;
	[tilespmem:$0x1ECC0] =	vst v63  }
0xc8: {  	_ =	swait.ge [sflag:s14], $0x1000  }
0xc9: {  	[sflag:s14] =	ssyncset.done $0x0  }
0xca: {  	[sflag:s14] =	ssyncadd.s32 $0xFFFFF000  }
.Ltmp3:
0xcb: {  	_ =	swait.ge [sflag:s14], $0x1000;
	(pc) =	sbr.rel @p1 .LBB2_6-.Ltmp3, $4  }
0xcc: {  	[sflag:s14] =	ssyncset.done $0x0  }
0xcd: {  	[sflag:s14] =	ssyncadd.s32 $0xFFFFF000  }
0xce: {  	_ =	swait.ge [sflag:s14], $0x1000  }
0xcf: {  	[sflag:s14] =	ssyncset.done $0x0  }
.Ltmp4:
0xd0: {  	_ = 	snop;
	(pc) =	sbr.rel .LBB2_7-.Ltmp4, $1  }
0xd1: {  	_ =	sdelay $0x3  }
.LBB2_2:
0xd2: {  	s8 =	rddreg [dreg:$0x8]  }
0xd3: {  	s16 =	rddreg [dreg:$0xc]  }
0xd4: {  	s15 =	sor.u32 $0x1C05, s8;
	s8 =	rddreg [dreg:$0x7]  }
0xd5: {  	[dreg:$0xe] =	wrdreg s15  }
0xd6: {  	[spmem:s16], [sflag:s15] =	dma.local [hbm:s8], $0x30D4  }
0xd7: {  	_ =	swait.ge [sflag:s17], $0x30D4  }
0xd8: {  	[sflag:s17] =	ssyncset.done $0x0  }
0xd9: {  	[sflag:s17] =	ssyncadd.s32 $0xFFFFCF2C  }
0xda: {  	[bflag:$0x0] =	sbarrier.arrive $0xFFFF  }
0xdb: {  	[tilespmem:s4], [sflag:$0x5] =	stream.linear.gather [hbm4b:s10+s4], $0x180, $0x38;
	[tilespmem:$0x1ECC0] =	vst v63  }
0xdc: {  	_ =	swait.ge [sflag:s17], $0x180  }
0xdd: {  	[sflag:s17] =	ssyncset.done $0x0  }
0xde: {  	[sflag:s17] =	ssyncadd.s32 $0xFFFFFE80  }
0xdf: {  	[tilespmem:s18], [sflag:$0x5] =	stream.linear.gather [hbm4b:s11+s4], $0x180, $0x38;
	[tilespmem:$0x1ECC0] =	vst v63  }
0xe0: {  	_ =	swait.ge [sflag:s17], $0x180  }
0xe1: {  	[sflag:s17] =	ssyncset.done $0x0  }
0xe2: {  	[sflag:s17] =	ssyncadd.s32 $0xFFFFFE80  }
0xe3: {  	[tilespmem:s20], [sflag:$0x1] =	stream.indirect.gather [hbm4b:s1+s19], $0x20, s18, s19, $0xb8;
	[tilespmem:$0x1ECC0] =	vst v63  }
0xe4: {  	_ = 	snop  }
0xe5: {  	[tilespmem:s22], [sflag:$0x1] =	stream.indirect.gather [hbm4b:s1+s19], $0x20, s21, s19, $0xb8;
	[tilespmem:$0x1ECC0] =	vst v63  }
0xe6: {  	s8 =	sadd.s32 $0xFFFFE740, s10  }
0xe7: {  	[tilespmem:s24], [sflag:$0x1] =	stream.indirect.gather [hbm4b:s1+s19], $0x20, s23, s19, $0xb8;
	[tilespmem:$0x1ECC0] =	vst v63  }
0xe8: {  	s16 =	sadd.s32 $0x18F0, s8  }
0xe9: {  	[tilespmem:s25], [sflag:$0x5] =	stream.linear.gather [hbm4b:s16+s4], $0x180, $0x38;
	[tilespmem:$0x1ECC0] =	vst v63  }
0xea: {  	_ =	swait.ge [sflag:s17], $0x180  }
0xeb: {  	s15 =	sadd.s32 $0xFFFFE740, s11;
	[sflag:s17] =	ssyncset.done $0x0  }
0xec: {  	s16 =	sadd.s32 $0x18F0, s15;
	[sflag:s17] =	ssyncadd.s32 $0xFFFFFE80  }
0xed: {  	[tilespmem:s26], [sflag:$0x5] =	stream.linear.gather [hbm4b:s16+s4], $0x180, $0x38;
	[tilespmem:$0x1ECC0] =	vst v63  }
0xee: {  	_ =	swait.ge [sflag:s17], $0x180  }
0xef: {  	[sflag:s17] =	ssyncset.done $0x0  }
0xf0: {  	[sflag:s17] =	ssyncadd.s32 $0xFFFFFE80  }
0xf1: {  	[tilespmem:s28], [sflag:$0x2] =	stream.indirect.gather [hbm4b:s1+s19], $0x20, s26, s19, $0xb8;
	[tilespmem:$0x1ECC0] =	vst v63  }
0xf2: {  	_ = 	snop  }
0xf3: {  	[tilespmem:s30], [sflag:$0x2] =	stream.indirect.gather [hbm4b:s1+s19], $0x20, s29, s19, $0xb8;
	[tilespmem:$0x1ECC0] =	vst v63  }
0xf4: {  	_ = 	snop  }
0xf5: {  	[tilespmem:s0], [sflag:$0x2] =	stream.indirect.gather [hbm4b:s1+s19], $0x20, s31, s19, $0xb8;
	[tilespmem:$0x1ECC0] =	vst v63  }
0xf6: {  	_ =	swait.ge [sflag:s2], $0x1000  }
0xf7: {  	[sflag:s2] =	ssyncset.done $0x0  }
0xf8: {  	[sflag:s2] =	ssyncadd.s32 $0xFFFFF000  }
0xf9: {  	_ =	swait.ge [sflag:s2], $0x1000  }
0xfa: {  	[sflag:s2] =	ssyncset.done $0x0  }
0xfb: {  	[sflag:s2] =	ssyncadd.s32 $0xFFFFF000  }
0xfc: {  	_ =	swait.ge [sflag:s2], $0x1000  }
0xfd: {  	[sflag:s2] =	ssyncset.done $0x0  }
0xfe: {  	[sflag:s2] =	ssyncadd.s32 $0xFFFFF000  }
0xff: {  	[spmem:s3] =	stream.indirect.scatter.add.f32 [tilespmem:s20], [sflag:$0x3], $0x20, s4, s19, $0xb8;
	[tilespmem:$0x1ECC0] =	vst v63  }
0x100: {  	_ = 	snop  }
0x101: {  	[spmem:s3] =	stream.indirect.scatter.add.f32 [tilespmem:s22], [sflag:$0x3], $0x20, s19, s19, $0xb8;
	[tilespmem:$0x1ECC0] =	vst v63  }
0x102: {  	_ = 	snop  }
0x103: {  	[spmem:s3] =	stream.indirect.scatter.add.f32 [tilespmem:s24], [sflag:$0x3], $0x20, s6, s19, $0xb8;
	[tilespmem:$0x1ECC0] =	vst v63  }
0x104: {  	_ =	swait.ge [sflag:s9], $0x1000  }
0x105: {  	[sflag:s9] =	ssyncset.done $0x0  }
0x106: {  	[sflag:s9] =	ssyncadd.s32 $0xFFFFF000  }
0x107: {  	_ =	swait.ge [sflag:s9], $0x1000  }
0x108: {  	[sflag:s9] =	ssyncset.done $0x0  }
0x109: {  	[sflag:s9] =	ssyncadd.s32 $0xFFFFF000  }
0x10a: {  	_ =	swait.ge [sflag:s9], $0x1000  }
0x10b: {  	[sflag:s9] =	ssyncset.done $0x0  }
0x10c: {  	s8 =	sadd.s32 $0x1920, s8;
	[sflag:s9] =	ssyncadd.s32 $0xFFFFF000  }
0x10d: {  	[tilespmem:s4], [sflag:$0x5] =	stream.linear.gather [hbm4b:s8+s4], $0x180, $0x38;
	[tilespmem:$0x1ECC0] =	vst v63  }
0x10e: {  	_ =	swait.ge [sflag:s17], $0x180  }
0x10f: {  	[sflag:s17] =	ssyncset.done $0x0  }
0x110: {  	s16 =	sadd.s32 $0x1920, s15;
	[sflag:s17] =	ssyncadd.s32 $0xFFFFFE80  }
0x111: {  	[tilespmem:s18], [sflag:$0x5] =	stream.linear.gather [hbm4b:s16+s4], $0x180, $0x38;
	[tilespmem:$0x1ECC0] =	vst v63  }
0x112: {  	_ =	swait.ge [sflag:s17], $0x180  }
0x113: {  	[sflag:s17] =	ssyncset.done $0x0  }
0x114: {  	[sflag:s17] =	ssyncadd.s32 $0xFFFFFE80  }
0x115: {  	_ =	swait.ge [sflag:s7], $0x1000  }
0x116: {  	[sflag:s7] =	ssyncset.done $0x0  }
0x117: {  	[sflag:s7] =	ssyncadd.s32 $0xFFFFF000  }
0x118: {  	_ =	swait.ge [sflag:s7], $0x1000  }
0x119: {  	[sflag:s7] =	ssyncset.done $0x0  }
0x11a: {  	[sflag:s7] =	ssyncadd.s32 $0xFFFFF000  }
0x11b: {  	_ =	swait.ge [sflag:s7], $0x1000  }
0x11c: {  	[sflag:s7] =	ssyncset.done $0x0  }
0x11d: {  	[sflag:s7] =	ssyncadd.s32 $0xFFFFF000  }
0x11e: {  	[spmem:s3] =	stream.indirect.scatter.add.f32 [tilespmem:s28], [sflag:$0x4], $0x20, s25, s19, $0xb8;
	[tilespmem:$0x1ECC0] =	vst v63  }
0x11f: {  	_ = 	snop  }
0x120: {  	[spmem:s3] =	stream.indirect.scatter.add.f32 [tilespmem:s30], [sflag:$0x4], $0x20, s13, s19, $0xb8;
	[tilespmem:$0x1ECC0] =	vst v63  }
0x121: {  	_ = 	snop  }
0x122: {  	[spmem:s3] =	stream.indirect.scatter.add.f32 [tilespmem:s0], [sflag:$0x4], $0x20, s12, s19, $0xb8;
	[tilespmem:$0x1ECC0] =	vst v63  }
0x123: {  	_ =	swait.ge [sflag:s14], $0x1000  }
0x124: {  	[sflag:s14] =	ssyncset.done $0x0  }
0x125: {  	[sflag:s14] =	ssyncadd.s32 $0xFFFFF000  }
0x126: {  	_ =	swait.ge [sflag:s14], $0x1000  }
0x127: {  	[sflag:s14] =	ssyncset.done $0x0  }
0x128: {  	[sflag:s14] =	ssyncadd.s32 $0xFFFFF000  }
0x129: {  	_ =	swait.ge [sflag:s14], $0x1000  }
0x12a: {  	s16 =	simm.s32 $0xFFFFE7A0;
	[sflag:s14] =	ssyncset.done $0x0  }
.LBB2_3:
0x12b: {  	p1 =	seq.s32 s16, $0xFFFFFFA0  }
0x12c: {  	[sflag:s14] =	ssyncadd.s32 $0xFFFFF000;
	s15 =	smov.u32 s16;
	s16 =	sadd.s32 $0x60, s16  }
0x12d: {  	[tilespmem:s20], [sflag:$0x1] =	stream.indirect.gather [hbm4b:s1+s19], $0x20, s18, s19, $0xb8;
	[tilespmem:$0x1ECC0] =	vst v63  }
0x12e: {  	_ = 	snop  }
0x12f: {  	[tilespmem:s22], [sflag:$0x1] =	stream.indirect.gather [hbm4b:s1+s19], $0x20, s21, s19, $0xb8;
	[tilespmem:$0x1ECC0] =	vst v63  }
0x130: {  	s8 =	sadd.s32 s15, s10  }
0x131: {  	[tilespmem:s24], [sflag:$0x1] =	stream.indirect.gather [hbm4b:s1+s19], $0x20, s23, s19, $0xb8;
	[tilespmem:$0x1ECC0] =	vst v63  }
0x132: {  	s21 =	sadd.s32 $0x18F0, s8  }
0x133: {  	[tilespmem:s25], [sflag:$0x5] =	stream.linear.gather [hbm4b:s21+s4], $0x180, $0x38;
	[tilespmem:$0x1ECC0] =	vst v63  }
0x134: {  	_ =	swait.ge [sflag:s17], $0x180  }
0x135: {  	s15 =	sadd.s32 s15, s11;
	[sflag:s17] =	ssyncset.done $0x0  }
0x136: {  	s21 =	sadd.s32 $0x18F0, s15;
	[sflag:s17] =	ssyncadd.s32 $0xFFFFFE80  }
0x137: {  	[tilespmem:s26], [sflag:$0x5] =	stream.linear.gather [hbm4b:s21+s4], $0x180, $0x38;
	[tilespmem:$0x1ECC0] =	vst v63  }
0x138: {  	s21 =	simm.s32 $0x200  }
0x139: {  	_ =	swait.ge [sflag:s17], $0x180  }
0x13a: {  	[sflag:s17] =	ssyncset.done $0x0  }
0x13b: {  	[sflag:s17] =	ssyncadd.s32 $0xFFFFFE80  }
0x13c: {  	[tilespmem:s28], [sflag:$0x2] =	stream.indirect.gather [hbm4b:s1+s19], $0x20, s26, s19, $0xb8;
	[tilespmem:$0x1ECC0] =	vst v63  }
0x13d: {  	_ = 	snop  }
0x13e: {  	[tilespmem:s30], [sflag:$0x2] =	stream.indirect.gather [hbm4b:s1+s19], $0x20, s29, s19, $0xb8;
	[tilespmem:$0x1ECC0] =	vst v63  }
0x13f: {  	_ = 	snop  }
0x140: {  	[tilespmem:s0], [sflag:$0x2] =	stream.indirect.gather [hbm4b:s1+s19], $0x20, s31, s19, $0xb8;
	[tilespmem:$0x1ECC0] =	vst v63  }
0x141: {  	_ =	swait.ge [sflag:s2], $0x1000  }
0x142: {  	[sflag:s2] =	ssyncset.done $0x0  }
0x143: {  	[sflag:s2] =	ssyncadd.s32 $0xFFFFF000  }
0x144: {  	_ =	swait.ge [sflag:s2], $0x1000  }
0x145: {  	[sflag:s2] =	ssyncset.done $0x0  }
0x146: {  	[sflag:s2] =	ssyncadd.s32 $0xFFFFF000  }
0x147: {  	_ =	swait.ge [sflag:s2], $0x1000  }
0x148: {  	[sflag:s2] =	ssyncset.done $0x0  }
0x149: {  	[sflag:s2] =	ssyncadd.s32 $0xFFFFF000  }
0x14a: {  	[spmem:s3] =	stream.indirect.scatter.add.f32 [tilespmem:s20], [sflag:$0x3], $0x20, s4, s19, $0xb8;
	[tilespmem:$0x1ECC0] =	vst v63  }
0x14b: {  	_ = 	snop  }
0x14c: {  	[spmem:s3] =	stream.indirect.scatter.add.f32 [tilespmem:s22], [sflag:$0x3], $0x20, s19, s19, $0xb8;
	[tilespmem:$0x1ECC0] =	vst v63  }
0x14d: {  	_ = 	snop  }
0x14e: {  	[spmem:s3] =	stream.indirect.scatter.add.f32 [tilespmem:s24], [sflag:$0x3], $0x20, s6, s19, $0xb8;
	[tilespmem:$0x1ECC0] =	vst v63  }
0x14f: {  	_ =	swait.ge [sflag:s9], $0x1000  }
0x150: {  	[sflag:s9] =	ssyncset.done $0x0  }
0x151: {  	[sflag:s9] =	ssyncadd.s32 $0xFFFFF000  }
0x152: {  	_ =	swait.ge [sflag:s9], $0x1000  }
0x153: {  	[sflag:s9] =	ssyncset.done $0x0  }
0x154: {  	[sflag:s9] =	ssyncadd.s32 $0xFFFFF000  }
0x155: {  	_ =	swait.ge [sflag:s9], $0x1000  }
0x156: {  	[sflag:s9] =	ssyncset.done $0x0  }
0x157: {  	s8 =	sadd.s32 $0x1920, s8;
	[sflag:s9] =	ssyncadd.s32 $0xFFFFF000  }
0x158: {  	[tilespmem:s4], [sflag:$0x5] =	stream.linear.gather [hbm4b:s8+s4], $0x180, $0x38;
	[tilespmem:$0x1ECC0] =	vst v63  }
0x159: {  	_ =	swait.ge [sflag:s17], $0x180  }
0x15a: {  	[sflag:s17] =	ssyncset.done $0x0  }
0x15b: {  	s8 =	sadd.s32 $0x1920, s15;
	[sflag:s17] =	ssyncadd.s32 $0xFFFFFE80  }
0x15c: {  	[tilespmem:s18], [sflag:$0x5] =	stream.linear.gather [hbm4b:s8+s4], $0x180, $0x38;
	[tilespmem:$0x1ECC0] =	vst v63  }
0x15d: {  	_ =	swait.ge [sflag:s17], $0x180  }
0x15e: {  	[sflag:s17] =	ssyncset.done $0x0  }
0x15f: {  	[sflag:s17] =	ssyncadd.s32 $0xFFFFFE80  }
0x160: {  	_ =	swait.ge [sflag:s7], $0x1000  }
0x161: {  	[sflag:s7] =	ssyncset.done $0x0  }
0x162: {  	[sflag:s7] =	ssyncadd.s32 $0xFFFFF000  }
0x163: {  	_ =	swait.ge [sflag:s7], $0x1000  }
0x164: {  	[sflag:s7] =	ssyncset.done $0x0  }
0x165: {  	[sflag:s7] =	ssyncadd.s32 $0xFFFFF000  }
0x166: {  	_ =	swait.ge [sflag:s7], $0x1000  }
0x167: {  	[sflag:s7] =	ssyncset.done $0x0  }
0x168: {  	[sflag:s7] =	ssyncadd.s32 $0xFFFFF000  }
0x169: {  	[spmem:s3] =	stream.indirect.scatter.add.f32 [tilespmem:s28], [sflag:$0x4], $0x20, s25, s19, $0xb8;
	[tilespmem:$0x1ECC0] =	vst v63  }
0x16a: {  	_ = 	snop  }
0x16b: {  	[spmem:s3] =	stream.indirect.scatter.add.f32 [tilespmem:s30], [sflag:$0x4], $0x20, s13, s19, $0xb8;
	[tilespmem:$0x1ECC0] =	vst v63  }
0x16c: {  	_ = 	snop  }
0x16d: {  	[spmem:s3] =	stream.indirect.scatter.add.f32 [tilespmem:s0], [sflag:$0x4], $0x20, s12, s19, $0xb8;
	[tilespmem:$0x1ECC0] =	vst v63  }
0x16e: {  	_ =	swait.ge [sflag:s14], $0x1000  }
0x16f: {  	[sflag:s14] =	ssyncset.done $0x0  }
0x170: {  	[sflag:s14] =	ssyncadd.s32 $0xFFFFF000  }
.Ltmp5:
0x171: {  	_ =	swait.ge [sflag:s14], $0x1000;
	(pc) =	sbr.rel @!p1 .LBB2_3-.Ltmp5, $4  }
0x172: {  	[sflag:s14] =	ssyncset.done $0x0  }
0x173: {  	[sflag:s14] =	ssyncadd.s32 $0xFFFFF000  }
0x174: {  	_ =	swait.ge [sflag:s14], $0x1000  }
0x175: {  	[sflag:s14] =	ssyncset.done $0x0  }
.Ltmp6:
0x176: {  	(pc) =	sbr.rel .LBB2_8-.Ltmp6, $2  }
0x177: {  	_ =	sdelay $0x2  }
0x178: {  	[sflag:s14] =	ssyncadd.s32 $0xFFFFF000;
	s8 =	rddreg [dreg:$0x4]  }
.LBB2_9:
0x179: {  	_ =	sfence.sel $0x180000  }
0x17a: {  	[bflag:$0x0] =	sbarrier.arrive $0xFFFF  }
0x17b: {  	_ =	strace $0x9000004A  }
0x17c: {  	s0 =	stileid.u32;
	[bflag:$0x2] =	sbarrier.arrive $0xFFFF  }
0x17d: {  	p0 =	sne.s32 s0, $0x0;
	s0 =	rddreg [dreg:$0x3]  }
0x17e: {  	s0 =	sadd.s32 @!p0 $0x100000, s0  }
0x17f: {  	[sflag:s0] =	ssyncadd.tile.s32 @!p0 $0x1;
	_ =	shalt  }
.Lfunc_end2:
_tile_overlayer_lowered:
.L_overlay_start_2:
0x180: {  	(tag) =	ssettag $0x2  }
0x181: {  	s0 =	rddreg [dreg:$0x0];
	s2 =	stileid.u32  }
0x182: {  	s1 =	rddreg [dreg:$0x1];
	p0 =	sne.s32 s2, $0x0  }
0x183: {  	s3 =	rddreg [dreg:$0x2];
	[bflag:$0x3] =	sbarrier.arrive $0xFFFF;
	s2 =	simm.s32 @!p0 $0x1C05  }
0x184: {  	[timem:s3], [sflag:s2] =	dma.local @!p0 [hbm:s0], s1  }
0x185: {  	s0 =	simm.s32 @!p0 $0x5  }
0x186: {  	_ =	swait.ge @!p0 [sflag:s0], s1  }
0x187: {  	s1 =	ssub.s32 @!p0 $0x0, s1;
	[sflag:s0] =	ssyncset.done @!p0 $0x0  }
0x188: {  	[sflag:s0] =	ssyncadd.s32 @!p0 s1  }
0x189: {  	[bflag:$0x3] =	sbarrier.arrive $0xFFFF  }
0x18a: {  	_ =	shalt  }

// kernel: kernel.15.cloned.1.call-start
scs
__scs_entry_jumppad:
0x0: {  	(pc) =	sbr.rel $0x88, $3  }
0x1: {  	(tag) =	ssettag $0x0;
	lr =	simm.s32 $0x1  }
0x2: {  	[smem:$0x3F98] =	sst lr;
	_ =	strace $0xD0000000  }
0x3: {  	_ = 	snop  }
0x4: {  	_ = 	snop  }
0x5: {  	_ = 	snop  }
0x6: {  	_ = 	snop  }
0x7: {  	_ = 	snop  }
__scs_overlays_trampoline_lowered:
0x8: {  	[smem:$0x3FA7] =	sst s0  }
0x9: {  	[smem:$0x3FA8] =	sst s1  }
0xa: {  	[smem:$0x3FA9] =	sst s2  }
0xb: {  	[smem:$0x3FAA] =	sst s3  }
0xc: {  	[smem:$0x3FAB] =	sst s4  }
0xd: {  	[smem:$0x3FAC] =	sst s5  }
0xe: {  	[smem:$0x3FAD] =	sst s6  }
0xf: {  	[smem:$0x3FAE] =	sst s7  }
0x10: {  	[smem:$0x3FAF] =	sst s8  }
0x11: {  	[smem:$0x3FB0] =	sst s9;
	s0 =	simm.s32 @!p0 $0x0  }
0x12: {  	s1 =	sld [smem:$0x3F96];
	s0 =	simm.s32 @p0 $0x1  }
0x13: {  	[smem:$0x3FB1] =	sst s0;
	s0 =	simm.s32 @!p1 $0x0  }
0x14: {  	s2 =	sld [smem:$0x3F95];
	s0 =	simm.s32 @p1 $0x1  }
0x15: {  	[smem:$0x3FB2] =	sst s0;
	s0 =	simm.s32 @!p2 $0x0  }
0x16: {  	s3 =	sld [smem:$0x3FDB];
	s0 =	simm.s32 @p2 $0x1  }
0x17: {  	s4 =	simm.s32 $0x1BF5;
	[smem:$0x3FB4] =	sst s0  }
0x18: {  	s0 =	sld [smem:$0x3F97];
	_ =	swait.ge [sflag:s4], $0x0  }
0x19: {  	s7 =	sld [smem:$0x3F98]  }
0x1a: {  	s8 =	sadd.s32 $0xFFFFE003, lr  }
0x1b: {  	s9 =	sadd.s32 $0xFFFFFEF7, lr;
	s5 =	simm.s32 $0xFFFFFFFF;
	p2 =	slt.u32 s8, $0xFFFFF086  }
0x1c: {  	p1 =	slt.u32 s9, $0xF7A;
	s5 =	simm.s32 @!p2 $0x0  }
0x1d: {  	s5 =	simm.s32 @p1 $0x1;
	p0 =	seq.s32 s7, s2  }
0x1e: {  	s7 =	smul.u32 @!p0 $0xF7A, s2;
	p2 =	seq.s32 @!p0 s5, $0x0  }
0x1f: {  	s9 =	smul.u32 $0xF7A, s1;
	s8 =	simm.s32 @!p0 $0x1BF5;
	p2 =	por !p2, p0  }
0x20: {  	[sflag:s8] =	ssyncset.s32 @!p0 $0xFFFFF086;
	s6 =	sadd.s32 @!p0 s3, s7;
	s7 =	simm.s32 @!p0 $0x108  }
0x21: {  	s3 =	sadd.s32 s3, s9;
	s6 =	sadd.s32 @!p0 $0x88, s6;
	s7 =	simm.s32 @p2 $0x1082  }
0x22: {  	[simem:s7], [sflag:s8] =	dma.local @!p0 [hbm:s6], $0xF7A  }
0x23: {  	s9 =	sor.u32 $0xD0000000, s2;
	s6 =	simm.s32 $0x108;
	_ =	swait.ge @!p0 [sflag:s8], $0x0  }
0x24: {  	s3 =	sadd.s32 $0x88, s3;
	s6 =	simm.s32 @!p1 $0x1082;
	[sflag:s4] =	ssyncset.s32 $0xFFFFF086  }
0x25: {  	[simem:s6], [sflag:s4] =	dma.local [hbm:s3], $0xF7A  }
0x26: {  	[smem:$0x3F98] =	sst s1;
	(tag) =	ssettag s2;
	_ =	strace s9  }
0x27: {  	s1 =	sld [smem:$0x3FA8]  }
0x28: {  	s2 =	sld [smem:$0x3FA9]  }
0x29: {  	s4 =	sld [smem:$0x3FAB]  }
0x2a: {  	p0 =	seq.s32 s5, $0x0;
	s5 =	sld [smem:$0x3FAC]  }
0x2b: {  	s6 =	sld [smem:$0x3FAD]  }
0x2c: {  	s7 =	sld [smem:$0x3FAE]  }
0x2d: {  	s3 =	simm.s32 $0x108;
	s8 =	sld [smem:$0x3FAF]  }
0x2e: {  	s3 =	simm.s32 @!p0 $0x1082;
	s9 =	sld [smem:$0x3FB0]  }
0x2f: {  	lr =	sadd.s32 s0, s3;
	s0 =	sld [smem:$0x3FA7]  }
0x30: {  	s3 =	sld [smem:$0x3FAA]  }
0x31: {  	[smem:$0x3FB3] =	sst s10  }
0x32: {  	s10 =	sld [smem:$0x3FB1];
	_ =	sdelay $0x3  }
0x33: {  	p0 =	seq.s32 s10, $0x1;
	s10 =	sld [smem:$0x3FB3];
	_ =	sdelay $0x3  }
0x34: {  	[smem:$0x3FB3] =	sst s10  }
0x35: {  	s10 =	sld [smem:$0x3FB2];
	_ =	sdelay $0x3  }
0x36: {  	p1 =	seq.s32 s10, $0x1;
	s10 =	sld [smem:$0x3FB3];
	_ =	sdelay $0x3  }
0x37: {  	[smem:$0x3FB3] =	sst s10  }
0x38: {  	s10 =	sld [smem:$0x3FB4]  }
0x39: {  	_ = 	snop;
	(pc) =	sbr.ind lr, $3  }
0x3a: {  	_ = 	snop  }
0x3b: {  	_ = 	snop  }
0x3c: {  	p2 =	seq.s32 s10, $0x1;
	s10 =	sld [smem:$0x3FB3]  }
0x3d: {  	_ =	shalt  }
0x3e: {  	_ =	shalt  }
0x3f: {  	_ =	shalt  }
0x40: {  	_ =	shalt  }
0x41: {  	_ =	shalt  }
0x42: {  	_ =	shalt  }
0x43: {  	_ =	shalt  }
0x44: {  	_ =	shalt  }
0x45: {  	_ =	shalt  }
0x46: {  	_ =	shalt  }
0x47: {  	_ =	shalt  }
0x48: {  	_ =	shalt  }
0x49: {  	_ =	shalt  }
0x4a: {  	_ =	shalt  }
0x4b: {  	_ =	shalt  }
0x4c: {  	_ =	shalt  }
0x4d: {  	_ =	shalt  }
0x4e: {  	_ =	shalt  }
0x4f: {  	_ =	shalt  }
0x50: {  	_ =	shalt  }
0x51: {  	_ =	shalt  }
0x52: {  	_ =	shalt  }
0x53: {  	_ =	shalt  }
0x54: {  	_ =	shalt  }
0x55: {  	_ =	shalt  }
0x56: {  	_ =	shalt  }
0x57: {  	_ =	shalt  }
0x58: {  	_ =	shalt  }
0x59: {  	_ =	shalt  }
0x5a: {  	_ =	shalt  }
0x5b: {  	_ =	shalt  }
0x5c: {  	_ =	shalt  }
0x5d: {  	_ =	shalt  }
0x5e: {  	_ =	shalt  }
0x5f: {  	_ =	shalt  }
0x60: {  	_ =	shalt  }
0x61: {  	_ =	shalt  }
0x62: {  	_ =	shalt  }
0x63: {  	_ =	shalt  }
0x64: {  	_ =	shalt  }
0x65: {  	_ =	shalt  }
0x66: {  	_ =	shalt  }
0x67: {  	_ =	shalt  }
0x68: {  	_ =	shalt  }
0x69: {  	_ =	shalt  }
0x6a: {  	_ =	shalt  }
0x6b: {  	_ =	shalt  }
0x6c: {  	_ =	shalt  }
0x6d: {  	_ =	shalt  }
0x6e: {  	_ =	shalt  }
0x6f: {  	_ =	shalt  }
0x70: {  	_ =	shalt  }
0x71: {  	_ =	shalt  }
0x72: {  	_ =	shalt  }
0x73: {  	_ =	shalt  }
0x74: {  	_ =	shalt  }
0x75: {  	_ =	shalt  }
0x76: {  	_ =	shalt  }
0x77: {  	_ =	shalt  }
0x78: {  	_ =	shalt  }
0x79: {  	_ =	shalt  }
0x7a: {  	_ =	shalt  }
0x7b: {  	_ =	shalt  }
0x7c: {  	_ =	shalt  }
0x7d: {  	_ =	shalt  }
0x7e: {  	_ =	shalt  }
0x7f: {  	_ =	shalt  }
0x80: {  	_ =	shalt  }
0x81: {  	_ =	shalt  }
0x82: {  	_ =	shalt  }
0x83: {  	_ =	shalt  }
0x84: {  	_ =	shalt  }
0x85: {  	_ =	shalt  }
0x86: {  	_ =	shalt  }
0x87: {  	_ =	shalt  }
.Lfunc_end0:
.L_simem_size_0:
called_computation.2_lowered:
.L_overlay_start_0:
0x88: {  	s2 =	sld [smem:$0x3FD9]  }
0x89: {  	s3 =	sld [smem:$0x3FFE];
	_ =	sdelay $0x1  }
0x8a: {  	s1 =	srdreg.scid  }
0x8b: {  	s0 =	sand.u32 $0x1, s1  }
0x8c: {  	s17 =	sshll.u32 s0, $0xA;
	s2 =	sadd.s32 s3, s2  }
0x8d: {  	s2 =	sadd.s32 s2, s17  }
0x8e: {  	[smem:$0x3FBF] =	sst s2  }
0x8f: {  	_ = 	snop  }
0x90: {  	s2 =	sld [smem:$0x3FD0];
	(tm) =	ssettm $0x1  }
0x91: {  	s18 =	sld [smem:$0x3FFB];
	_ =	sdelay $0x3  }
0x92: {  	_ =	strace s18  }
0x93: {  	s3 =	sld [smem:$0x3FFC];
	_ =	sdelay $0x3  }
0x94: {  	_ =	strace s3  }
0x95: {  	s3 =	sld [smem:$0x3FFD];
	_ =	sdelay $0x3  }
0x96: {  	_ =	strace s3  }
0x97: {  	_ =	strace $0x8FFFFFFF  }
0x98: {  	s19 =	sld [smem:$0x3FDB];
	_ =	sdelay $0x1  }
0x99: {  	s4 =	simm.s32 $_scs_section_size  }
0x9a: {  	s5 =	simm.s32 $_size__tile_overlayer_lowered;
	s6 =	simm.s32 $_tile_overlayer_lowered  }
0x9b: {  	s22 =	simm.s32 $0x1BFF;
	s21 =	sshll.u32 s6, $0x1;
	s3 =	sadd.s32 s4, s19  }
0x9c: {  	s7 =	simm.s32 $0x0;
	s20 =	sshll.u32 s5, $0x1;
	s5 =	sadd.s32 s21, s3  }
0x9d: {  	[timem:s7], [sflag:s22] =	dma.local [hbm:s5], s20  }
0x9e: {  	_ =	swait.ge [sflag:s22], s20  }
0x9f: {  	s4 =	ssub.s32 $0x0, s20;
	[sflag:s22] =	ssyncset.done $0x0  }
0xa0: {  	[sflag:s22] =	ssyncadd.s32 s4;
	_ =	sdelay $0x1  }
0xa1: {  	s23 =	simm.s32 $0x1B8B  }
0xa2: {  	_ =	swait.ge [sflag:s23], $0x1  }
0xa3: {  	[sflag:s23] =	ssyncset.done $0x0  }
0xa4: {  	s25 =	simm.s32 $0x1B8E;
	s24 =	sld [smem:$0x3FFE];
	[sflag:s23] =	ssyncadd.s32 $0xFFFFFFFF  }
0xa5: {  	s26 =	simm.s32 $execute0_lowered;
	[smem:$0x3FD2] =	sst s25  }
0xa6: {  	s5 =	sshll.u32 s26, $0x1;
	_ =	strace $0x8000004C;
	[dreg:$0x1] =	wrdreg $0xFFFFFFFF  }
0xa7: {  	s28 =	simm.s32 $_size_execute0_lowered;
	s3 =	sadd.s32 s3, s5;
	[dreg:$0x0] =	wrdreg $0x0  }
0xa8: {  	s5 =	sshll.u32 s28, $0x1;
	[dreg:$0x2] =	wrdreg s3  }
0xa9: {  	[dreg:$0x3] =	wrdreg s5  }
0xaa: {  	[dreg:$0x4] =	wrdreg $0xC0  }
0xab: {  	_ =	task [dreg:s7], $0x5FFFF  }
0xac: {  	[dreg:$0x1] =	wrdreg $0xFFFFFFFF  }
0xad: {  	[dreg:$0x0] =	wrdreg $0x60  }
0xae: {  	[dreg:$0x2] =	wrdreg s2  }
0xaf: {  	[dreg:$0x3] =	wrdreg s24  }
0xb0: {  	[dreg:$0x4] =	wrdreg $0x66000  }
0xb1: {  	[dreg:$0x5] =	wrdreg $0x9  }
0xb2: {  	_ =	task.clear_ibuf [dreg:s7], $0x6FFFF;
	_ =	strace $0x9000004C  }
0xb3: {  	s29 =	simm.s32 $0x9;
	_ =	strace $0x8000004E  }
0xb4: {  	_ =	swait.ge [sflag:s29], $0x1  }
0xb5: {  	[sflag:s29] =	ssyncadd.s32 $0xFFFFFFFF  }
0xb6: {  	_ =	strace $0x9000004E  }
0xb7: {  	_ =	sfence  }
0xb8: {  	s30 =	sld [smem:$0x0];
	_ =	sdelay $0x2  }
0xb9: {  	s31 =	sshll.u32 s1, $0xD;
	s1 =	sshrl.u32 s1, $0x2  }
0xba: {  	s3 =	sand.u32 $0x4000, s31;
	s1 =	sadd.s32 s1, s30  }
0xbb: {  	s0 =	sor.u32 s3, s0;
	s1 =	sshll.u32 s1, $0x11  }
0xbc: {  	s0 =	sor.u32 s1, s0  }
0xbd: {  	s0 =	sadd.s32 $0x8F2B, s0  }
0xbe: {  	[sflag:s0] =	ssyncadd.remote.s32 $0x1  }
0xbf: {  	_ =	sfence.sel $0xFFFF  }
0xc0: {  	[dreg:$0x0] =	wrdreg $0xFFFFFFFF;
	(pc) =	sbr.abs _section_cstart, $3  }
0xc1: {  	[dreg:$0x1] =	wrdreg $0xFFFFFFFF  }
0xc2: {  	_ =	task.clear_ibuf [dreg:s7], $0x2FFFF;
	_ =	strace $0x9FFFFFFF  }
0xc3: {  	(tm) =	ssettm $0x7FFFFFFF  }
tec
execute0_lowered:
.L_overlay_start_1:
0x0: {  	(tag) =	ssettag $0x1  }
0x1: {  	s1 =	rddreg [dreg:$0x0]  }
0x2: {  	s0 =	rddreg [dreg:$0x1]  }
0x3: {  	s3 =	rddreg [dreg:$0x2];
	s4 =	simm.s32 $0x0;
	s12 =	stileid.u32  }
0x4: {  	s2 =	srdreg.scid;
	s17 =	simm.s32 $0x5;
	s18 =	simm.s32 $0x180  }
0x5: {  	s19 =	simm.s32 $0x80;
	s28 =	simm.s32 $0x3600;
	s29 =	simm.s32 $0x500  }
0x6: {  	s30 =	simm.s32 $0x4600;
	s31 =	simm.s32 $0x580;
	s13 =	simm.s32 $0x380  }
0x7: {  	s14 =	simm.s32 $0x4;
	s16 =	simm.s32 $0x0;
	[smem:$0x7FF] =	sst s4  }
0x8: {  	s6 =	smul.u32 $0x18F0, s12;
	s2 =	sand.u32 $0x1, s2;
	s5 =	sadd.s32 $0x4C00, s0  }
0x9: {  	s8 =	smul.u32 $0x186A0, s12;
	s9 =	sadd.s32 $0x6AA00, s0;
	s25 =	sshll.u32 s12, $0x6  }
0xa: {  	s12 =	simm.s32 $0x400;
	_ =	strace $0x8000004D;
	[dreg:$0x4] =	wrdreg s9  }
0xb: {  	s7 =	ssub.s32 $0x2, s2;
	p0 =	seq.s32 s2, $0x1;
	[dreg:$0x8] =	wrdreg s25  }
0xc: {  	s26 =	sor.u32 $0x1C05, s25;
	s25 =	simm.s32 $0x300;
	s2 =	simm.s32 $0x1  }
0xd: {  	s9 =	simm.s32 $0x3;
	s6 =	sadd.s32 s6, s0;
	s20 =	sshrl.u32 s7, $0x1  }
0xe: {  	s0 =	sadd.s32 $0x9B800, s0;
	s22 =	sshrl.u32 s8, $0x3;
	[dreg:$0xb] =	wrdreg s26  }
0xf: {  	s23 =	sadd.s32 s8, s3;
	s26 =	simm.s32 $0x480;
	[dreg:$0x5] =	wrdreg s0  }
0x10: {  	s21 =	ssub.s32 s7, s20;
	s24 =	sadd.s32 s1, s22;
	s10 =	sadd.s32 $0x51A00, s6  }
0x11: {  	s11 =	sadd.s32 $0x38A00, s6;
	[dreg:$0x6] =	wrdreg s22;
	s7 =	sadd.s32 s5, s22  }
.Ltmp0:
0x12: {  	s15 =	sshrl.u32 s23, $0x3;
	s20 =	simm.s32 $0x600;
	(pc) =	sbr.rel .LBB2_1-.Ltmp0, $4  }
0x13: {  	s22 =	simm.s32 $0x1600;
	s23 =	simm.s32 $0x280;
	[dreg:$0x7] =	wrdreg s24  }
0x14: {  	s6 =	simm.s32 $0x100;
	[dreg:$0x9] =	wrdreg s7;
	s0 =	smax.u32 s21, $0x1  }
0x15: {  	s21 =	simm.s32 $0x200;
	s24 =	simm.s32 $0x2600;
	[dreg:$0xc] =	wrdreg s15  }
0x16: {  	s7 =	simm.s32 $0x2;
	[dreg:$0xa] =	wrdreg s0;
	s0 =	simm.s32 $0x5600  }
.LBB2_7:
0x17: {  	s8 =	rddreg [dreg:$0x5]  }
0x18: {  	s15 =	rddreg [dreg:$0xb]  }
0x19: {  	[sflag:s14] =	ssyncadd.s32 $0xFFFFF000;
	[dreg:$0xe] =	wrdreg s15  }
.LBB2_8:
0x1a: {  	s15 =	rddreg [dreg:$0x6]  }
0x1b: {  	s8 =	sadd.s32 s8, s15  }
0x1c: {  	[dreg:$0xf] =	wrdreg s8  }
0x1d: {  	[bflag:$0x0] =	sbarrier.arrive $0xFFFF  }
0x1e: {  	s8 =	rddreg [dreg:$0xe]  }
0x1f: {  	s15 =	rddreg [dreg:$0xf]  }
0x20: {  	s16 =	rddreg [dreg:$0xc]  }
0x21: {  	[hbm:s15], [sflag:s8] =	dma.local [spmem:s16], $0x30D4  }
0x22: {  	_ =	swait.ge [sflag:s17], $0x30D4  }
0x23: {  	s8 =	rddreg [dreg:$0xd]  }
0x24: {  	s15 =	rddreg [dreg:$0xa];
	s16 =	sadd.s32 $0x1, s8  }
0x25: {  	p1 =	sne.s32 s16, s15  }
.Ltmp1:
0x26: {  	_ = 	snop;
	(pc) =	sbr.rel @!p1 .LBB2_9-.Ltmp1, $3  }
0x27: {  	_ =	sdelay $0x1  }
0x28: {  	[sflag:s17] =	ssyncset.done $0x0  }
0x29: {  	[sflag:s17] =	ssyncadd.s32 $0xFFFFCF2C  }
.LBB2_1:
.Ltmp2:
0x2a: {  	(pc) =	sbr.rel @!p0 .LBB2_2-.Ltmp2, $2  }
0x2b: {  	_ =	sdelay $0x2  }
0x2c: {  	[dreg:$0xd] =	wrdreg s16  }
0x2d: {  	s8 =	rddreg [dreg:$0x9]  }
0x2e: {  	s15 =	rddreg [dreg:$0xb]  }
0x2f: {  	s16 =	rddreg [dreg:$0xc]  }
0x30: {  	[spmem:s16], [sflag:s15] =	dma.local [hbm:s8], $0x30D4  }
0x31: {  	_ =	swait.ge [sflag:s17], $0x30D4  }
0x32: {  	[sflag:s17] =	ssyncset.done $0x0  }
0x33: {  	[sflag:s17] =	ssyncadd.s32 $0xFFFFCF2C  }
0x34: {  	[bflag:$0x0] =	sbarrier.arrive $0xFFFF  }
0x35: {  	[tilespmem:s4], [sflag:$0x5] =	stream.linear.gather [hbm4b:s10+s4], $0x180, $0x38;
	[tilespmem:$0x1ECC0] =	vst v63  }
0x36: {  	_ =	swait.ge [sflag:s17], $0x180  }
0x37: {  	[sflag:s17] =	ssyncset.done $0x0  }
0x38: {  	[sflag:s17] =	ssyncadd.s32 $0xFFFFFE80  }
0x39: {  	[tilespmem:s18], [sflag:$0x5] =	stream.linear.gather [hbm4b:s11+s4], $0x180, $0x38;
	[tilespmem:$0x1ECC0] =	vst v63  }
0x3a: {  	_ =	swait.ge [sflag:s17], $0x180  }
0x3b: {  	[sflag:s17] =	ssyncset.done $0x0  }
0x3c: {  	[sflag:s17] =	ssyncadd.s32 $0xFFFFFE80  }
0x3d: {  	[tilespmem:s20], [sflag:$0x1] =	stream.indirect.gather [hbm4b:s5+s19], $0x20, s18, s19, $0xb8;
	[tilespmem:$0x1ECC0] =	vst v63  }
0x3e: {  	_ = 	snop  }
0x3f: {  	[tilespmem:s22], [sflag:$0x1] =	stream.indirect.gather [hbm4b:s5+s19], $0x20, s21, s19, $0xb8;
	[tilespmem:$0x1ECC0] =	vst v63  }
0x40: {  	s8 =	sadd.s32 $0xFFFFE740, s10  }
0x41: {  	[tilespmem:s24], [sflag:$0x1] =	stream.indirect.gather [hbm4b:s5+s19], $0x20, s23, s19, $0xb8;
	[tilespmem:$0x1ECC0] =	vst v63  }
0x42: {  	s16 =	sadd.s32 $0x18F0, s8  }
0x43: {  	[tilespmem:s25], [sflag:$0x5] =	stream.linear.gather [hbm4b:s16+s4], $0x180, $0x38;
	[tilespmem:$0x1ECC0] =	vst v63  }
0x44: {  	_ =	swait.ge [sflag:s17], $0x180  }
0x45: {  	s15 =	sadd.s32 $0xFFFFE740, s11;
	[sflag:s17] =	ssyncset.done $0x0  }
0x46: {  	s16 =	sadd.s32 $0x18F0, s15;
	[sflag:s17] =	ssyncadd.s32 $0xFFFFFE80  }
0x47: {  	[tilespmem:s26], [sflag:$0x5] =	stream.linear.gather [hbm4b:s16+s4], $0x180, $0x38;
	[tilespmem:$0x1ECC0] =	vst v63  }
0x48: {  	_ =	swait.ge [sflag:s17], $0x180  }
0x49: {  	[sflag:s17] =	ssyncset.done $0x0  }
0x4a: {  	[sflag:s17] =	ssyncadd.s32 $0xFFFFFE80  }
0x4b: {  	[tilespmem:s28], [sflag:$0x2] =	stream.indirect.gather [hbm4b:s5+s19], $0x20, s26, s19, $0xb8;
	[tilespmem:$0x1ECC0] =	vst v63  }
0x4c: {  	_ = 	snop  }
0x4d: {  	[tilespmem:s30], [sflag:$0x2] =	stream.indirect.gather [hbm4b:s5+s19], $0x20, s29, s19, $0xb8;
	[tilespmem:$0x1ECC0] =	vst v63  }
0x4e: {  	_ = 	snop  }
0x4f: {  	[tilespmem:s0], [sflag:$0x2] =	stream.indirect.gather [hbm4b:s5+s19], $0x20, s31, s19, $0xb8;
	[tilespmem:$0x1ECC0] =	vst v63  }
0x50: {  	_ =	swait.ge [sflag:s2], $0x1000  }
0x51: {  	[sflag:s2] =	ssyncset.done $0x0  }
0x52: {  	[sflag:s2] =	ssyncadd.s32 $0xFFFFF000  }
0x53: {  	_ =	swait.ge [sflag:s2], $0x1000  }
0x54: {  	[sflag:s2] =	ssyncset.done $0x0  }
0x55: {  	[sflag:s2] =	ssyncadd.s32 $0xFFFFF000  }
0x56: {  	_ =	swait.ge [sflag:s2], $0x1000  }
0x57: {  	[sflag:s2] =	ssyncset.done $0x0  }
0x58: {  	[sflag:s2] =	ssyncadd.s32 $0xFFFFF000  }
0x59: {  	[spmem:s3] =	stream.indirect.scatter.add.f32 [tilespmem:s20], [sflag:$0x3], $0x20, s4, s19, $0xb8;
	[tilespmem:$0x1ECC0] =	vst v63  }
0x5a: {  	_ = 	snop  }
0x5b: {  	[spmem:s3] =	stream.indirect.scatter.add.f32 [tilespmem:s22], [sflag:$0x3], $0x20, s19, s19, $0xb8;
	[tilespmem:$0x1ECC0] =	vst v63  }
0x5c: {  	_ = 	snop  }
0x5d: {  	[spmem:s3] =	stream.indirect.scatter.add.f32 [tilespmem:s24], [sflag:$0x3], $0x20, s6, s19, $0xb8;
	[tilespmem:$0x1ECC0] =	vst v63  }
0x5e: {  	_ =	swait.ge [sflag:s9], $0x1000  }
0x5f: {  	[sflag:s9] =	ssyncset.done $0x0  }
0x60: {  	[sflag:s9] =	ssyncadd.s32 $0xFFFFF000  }
0x61: {  	_ =	swait.ge [sflag:s9], $0x1000  }
0x62: {  	[sflag:s9] =	ssyncset.done $0x0  }
0x63: {  	[sflag:s9] =	ssyncadd.s32 $0xFFFFF000  }
0x64: {  	_ =	swait.ge [sflag:s9], $0x1000  }
0x65: {  	[sflag:s9] =	ssyncset.done $0x0  }
0x66: {  	s8 =	sadd.s32 $0x1920, s8;
	[sflag:s9] =	ssyncadd.s32 $0xFFFFF000  }
0x67: {  	[tilespmem:s4], [sflag:$0x5] =	stream.linear.gather [hbm4b:s8+s4], $0x180, $0x38;
	[tilespmem:$0x1ECC0] =	vst v63  }
0x68: {  	_ =	swait.ge [sflag:s17], $0x180  }
0x69: {  	[sflag:s17] =	ssyncset.done $0x0  }
0x6a: {  	s16 =	sadd.s32 $0x1920, s15;
	[sflag:s17] =	ssyncadd.s32 $0xFFFFFE80  }
0x6b: {  	[tilespmem:s18], [sflag:$0x5] =	stream.linear.gather [hbm4b:s16+s4], $0x180, $0x38;
	[tilespmem:$0x1ECC0] =	vst v63  }
0x6c: {  	_ =	swait.ge [sflag:s17], $0x180  }
0x6d: {  	[sflag:s17] =	ssyncset.done $0x0  }
0x6e: {  	[sflag:s17] =	ssyncadd.s32 $0xFFFFFE80  }
0x6f: {  	_ =	swait.ge [sflag:s7], $0x1000  }
0x70: {  	[sflag:s7] =	ssyncset.done $0x0  }
0x71: {  	[sflag:s7] =	ssyncadd.s32 $0xFFFFF000  }
0x72: {  	_ =	swait.ge [sflag:s7], $0x1000  }
0x73: {  	[sflag:s7] =	ssyncset.done $0x0  }
0x74: {  	[sflag:s7] =	ssyncadd.s32 $0xFFFFF000  }
0x75: {  	_ =	swait.ge [sflag:s7], $0x1000  }
0x76: {  	[sflag:s7] =	ssyncset.done $0x0  }
0x77: {  	[sflag:s7] =	ssyncadd.s32 $0xFFFFF000  }
0x78: {  	[spmem:s3] =	stream.indirect.scatter.add.f32 [tilespmem:s28], [sflag:$0x4], $0x20, s25, s19, $0xb8;
	[tilespmem:$0x1ECC0] =	vst v63  }
0x79: {  	_ = 	snop  }
0x7a: {  	[spmem:s3] =	stream.indirect.scatter.add.f32 [tilespmem:s30], [sflag:$0x4], $0x20, s13, s19, $0xb8;
	[tilespmem:$0x1ECC0] =	vst v63  }
0x7b: {  	_ = 	snop  }
0x7c: {  	[spmem:s3] =	stream.indirect.scatter.add.f32 [tilespmem:s0], [sflag:$0x4], $0x20, s12, s19, $0xb8;
	[tilespmem:$0x1ECC0] =	vst v63  }
0x7d: {  	_ =	swait.ge [sflag:s14], $0x1000  }
0x7e: {  	[sflag:s14] =	ssyncset.done $0x0  }
0x7f: {  	[sflag:s14] =	ssyncadd.s32 $0xFFFFF000  }
0x80: {  	_ =	swait.ge [sflag:s14], $0x1000  }
0x81: {  	[sflag:s14] =	ssyncset.done $0x0  }
0x82: {  	[sflag:s14] =	ssyncadd.s32 $0xFFFFF000  }
0x83: {  	_ =	swait.ge [sflag:s14], $0x1000  }
0x84: {  	s8 =	simm.s32 $0xFFFFE7A0;
	[sflag:s14] =	ssyncset.done $0x0  }
.LBB2_6:
0x85: {  	p1 =	sne.s32 s8, $0xFFFFFFA0  }
0x86: {  	[sflag:s14] =	ssyncadd.s32 $0xFFFFF000;
	s15 =	smov.u32 s8;
	s8 =	sadd.s32 $0x60, s8  }
0x87: {  	[tilespmem:s20], [sflag:$0x1] =	stream.indirect.gather [hbm4b:s5+s19], $0x20, s18, s19, $0xb8;
	[tilespmem:$0x1ECC0] =	vst v63  }
0x88: {  	_ = 	snop  }
0x89: {  	[tilespmem:s22], [sflag:$0x1] =	stream.indirect.gather [hbm4b:s5+s19], $0x20, s21, s19, $0xb8;
	[tilespmem:$0x1ECC0] =	vst v63  }
0x8a: {  	s16 =	sadd.s32 s15, s10  }
0x8b: {  	[tilespmem:s24], [sflag:$0x1] =	stream.indirect.gather [hbm4b:s5+s19], $0x20, s23, s19, $0xb8;
	[tilespmem:$0x1ECC0] =	vst v63  }
0x8c: {  	s21 =	sadd.s32 $0x18F0, s16  }
0x8d: {  	[tilespmem:s25], [sflag:$0x5] =	stream.linear.gather [hbm4b:s21+s4], $0x180, $0x38;
	[tilespmem:$0x1ECC0] =	vst v63  }
0x8e: {  	_ =	swait.ge [sflag:s17], $0x180  }
0x8f: {  	s15 =	sadd.s32 s15, s11;
	[sflag:s17] =	ssyncset.done $0x0  }
0x90: {  	s21 =	sadd.s32 $0x18F0, s15;
	[sflag:s17] =	ssyncadd.s32 $0xFFFFFE80  }
0x91: {  	[tilespmem:s26], [sflag:$0x5] =	stream.linear.gather [hbm4b:s21+s4], $0x180, $0x38;
	[tilespmem:$0x1ECC0] =	vst v63  }
0x92: {  	s21 =	simm.s32 $0x200  }
0x93: {  	_ =	swait.ge [sflag:s17], $0x180  }
0x94: {  	[sflag:s17] =	ssyncset.done $0x0  }
0x95: {  	[sflag:s17] =	ssyncadd.s32 $0xFFFFFE80  }
0x96: {  	[tilespmem:s28], [sflag:$0x2] =	stream.indirect.gather [hbm4b:s5+s19], $0x20, s26, s19, $0xb8;
	[tilespmem:$0x1ECC0] =	vst v63  }
0x97: {  	_ = 	snop  }
0x98: {  	[tilespmem:s30], [sflag:$0x2] =	stream.indirect.gather [hbm4b:s5+s19], $0x20, s29, s19, $0xb8;
	[tilespmem:$0x1ECC0] =	vst v63  }
0x99: {  	_ = 	snop  }
0x9a: {  	[tilespmem:s0], [sflag:$0x2] =	stream.indirect.gather [hbm4b:s5+s19], $0x20, s31, s19, $0xb8;
	[tilespmem:$0x1ECC0] =	vst v63  }
0x9b: {  	_ =	swait.ge [sflag:s2], $0x1000  }
0x9c: {  	[sflag:s2] =	ssyncset.done $0x0  }
0x9d: {  	[sflag:s2] =	ssyncadd.s32 $0xFFFFF000  }
0x9e: {  	_ =	swait.ge [sflag:s2], $0x1000  }
0x9f: {  	[sflag:s2] =	ssyncset.done $0x0  }
0xa0: {  	[sflag:s2] =	ssyncadd.s32 $0xFFFFF000  }
0xa1: {  	_ =	swait.ge [sflag:s2], $0x1000  }
0xa2: {  	[sflag:s2] =	ssyncset.done $0x0  }
0xa3: {  	[sflag:s2] =	ssyncadd.s32 $0xFFFFF000  }
0xa4: {  	[spmem:s3] =	stream.indirect.scatter.add.f32 [tilespmem:s20], [sflag:$0x3], $0x20, s4, s19, $0xb8;
	[tilespmem:$0x1ECC0] =	vst v63  }
0xa5: {  	_ = 	snop  }
0xa6: {  	[spmem:s3] =	stream.indirect.scatter.add.f32 [tilespmem:s22], [sflag:$0x3], $0x20, s19, s19, $0xb8;
	[tilespmem:$0x1ECC0] =	vst v63  }
0xa7: {  	_ = 	snop  }
0xa8: {  	[spmem:s3] =	stream.indirect.scatter.add.f32 [tilespmem:s24], [sflag:$0x3], $0x20, s6, s19, $0xb8;
	[tilespmem:$0x1ECC0] =	vst v63  }
0xa9: {  	_ =	swait.ge [sflag:s9], $0x1000  }
0xaa: {  	[sflag:s9] =	ssyncset.done $0x0  }
0xab: {  	[sflag:s9] =	ssyncadd.s32 $0xFFFFF000  }
0xac: {  	_ =	swait.ge [sflag:s9], $0x1000  }
0xad: {  	[sflag:s9] =	ssyncset.done $0x0  }
0xae: {  	[sflag:s9] =	ssyncadd.s32 $0xFFFFF000  }
0xaf: {  	_ =	swait.ge [sflag:s9], $0x1000  }
0xb0: {  	[sflag:s9] =	ssyncset.done $0x0  }
0xb1: {  	s16 =	sadd.s32 $0x1920, s16;
	[sflag:s9] =	ssyncadd.s32 $0xFFFFF000  }
0xb2: {  	[tilespmem:s4], [sflag:$0x5] =	stream.linear.gather [hbm4b:s16+s4], $0x180, $0x38;
	[tilespmem:$0x1ECC0] =	vst v63  }
0xb3: {  	_ =	swait.ge [sflag:s17], $0x180  }
0xb4: {  	[sflag:s17] =	ssyncset.done $0x0  }
0xb5: {  	s15 =	sadd.s32 $0x1920, s15;
	[sflag:s17] =	ssyncadd.s32 $0xFFFFFE80  }
0xb6: {  	[tilespmem:s18], [sflag:$0x5] =	stream.linear.gather [hbm4b:s15+s4], $0x180, $0x38;
	[tilespmem:$0x1ECC0] =	vst v63  }
0xb7: {  	_ =	swait.ge [sflag:s17], $0x180  }
0xb8: {  	[sflag:s17] =	ssyncset.done $0x0  }
0xb9: {  	[sflag:s17] =	ssyncadd.s32 $0xFFFFFE80  }
0xba: {  	_ =	swait.ge [sflag:s7], $0x1000  }
0xbb: {  	[sflag:s7] =	ssyncset.done $0x0  }
0xbc: {  	[sflag:s7] =	ssyncadd.s32 $0xFFFFF000  }
0xbd: {  	_ =	swait.ge [sflag:s7], $0x1000  }
0xbe: {  	[sflag:s7] =	ssyncset.done $0x0  }
0xbf: {  	[sflag:s7] =	ssyncadd.s32 $0xFFFFF000  }
0xc0: {  	_ =	swait.ge [sflag:s7], $0x1000  }
0xc1: {  	[sflag:s7] =	ssyncset.done $0x0  }
0xc2: {  	[sflag:s7] =	ssyncadd.s32 $0xFFFFF000  }
0xc3: {  	[spmem:s3] =	stream.indirect.scatter.add.f32 [tilespmem:s28], [sflag:$0x4], $0x20, s25, s19, $0xb8;
	[tilespmem:$0x1ECC0] =	vst v63  }
0xc4: {  	_ = 	snop  }
0xc5: {  	[spmem:s3] =	stream.indirect.scatter.add.f32 [tilespmem:s30], [sflag:$0x4], $0x20, s13, s19, $0xb8;
	[tilespmem:$0x1ECC0] =	vst v63  }
0xc6: {  	_ = 	snop  }
0xc7: {  	[spmem:s3] =	stream.indirect.scatter.add.f32 [tilespmem:s0], [sflag:$0x4], $0x20, s12, s19, $0xb8;
	[tilespmem:$0x1ECC0] =	vst v63  }
0xc8: {  	_ =	swait.ge [sflag:s14], $0x1000  }
0xc9: {  	[sflag:s14] =	ssyncset.done $0x0  }
0xca: {  	[sflag:s14] =	ssyncadd.s32 $0xFFFFF000  }
.Ltmp3:
0xcb: {  	_ =	swait.ge [sflag:s14], $0x1000;
	(pc) =	sbr.rel @p1 .LBB2_6-.Ltmp3, $4  }
0xcc: {  	[sflag:s14] =	ssyncset.done $0x0  }
0xcd: {  	[sflag:s14] =	ssyncadd.s32 $0xFFFFF000  }
0xce: {  	_ =	swait.ge [sflag:s14], $0x1000  }
0xcf: {  	[sflag:s14] =	ssyncset.done $0x0  }
.Ltmp4:
0xd0: {  	_ = 	snop;
	(pc) =	sbr.rel .LBB2_7-.Ltmp4, $1  }
0xd1: {  	_ =	sdelay $0x3  }
.LBB2_2:
0xd2: {  	s8 =	rddreg [dreg:$0x8]  }
0xd3: {  	s16 =	rddreg [dreg:$0xc]  }
0xd4: {  	s15 =	sor.u32 $0x1C05, s8;
	s8 =	rddreg [dreg:$0x7]  }
0xd5: {  	[dreg:$0xe] =	wrdreg s15  }
0xd6: {  	[spmem:s16], [sflag:s15] =	dma.local [hbm:s8], $0x30D4  }
0xd7: {  	_ =	swait.ge [sflag:s17], $0x30D4  }
0xd8: {  	[sflag:s17] =	ssyncset.done $0x0  }
0xd9: {  	[sflag:s17] =	ssyncadd.s32 $0xFFFFCF2C  }
0xda: {  	[bflag:$0x0] =	sbarrier.arrive $0xFFFF  }
0xdb: {  	[tilespmem:s4], [sflag:$0x5] =	stream.linear.gather [hbm4b:s10+s4], $0x180, $0x38;
	[tilespmem:$0x1ECC0] =	vst v63  }
0xdc: {  	_ =	swait.ge [sflag:s17], $0x180  }
0xdd: {  	[sflag:s17] =	ssyncset.done $0x0  }
0xde: {  	[sflag:s17] =	ssyncadd.s32 $0xFFFFFE80  }
0xdf: {  	[tilespmem:s18], [sflag:$0x5] =	stream.linear.gather [hbm4b:s11+s4], $0x180, $0x38;
	[tilespmem:$0x1ECC0] =	vst v63  }
0xe0: {  	_ =	swait.ge [sflag:s17], $0x180  }
0xe1: {  	[sflag:s17] =	ssyncset.done $0x0  }
0xe2: {  	[sflag:s17] =	ssyncadd.s32 $0xFFFFFE80  }
0xe3: {  	[tilespmem:s20], [sflag:$0x1] =	stream.indirect.gather [hbm4b:s1+s19], $0x20, s18, s19, $0xb8;
	[tilespmem:$0x1ECC0] =	vst v63  }
0xe4: {  	_ = 	snop  }
0xe5: {  	[tilespmem:s22], [sflag:$0x1] =	stream.indirect.gather [hbm4b:s1+s19], $0x20, s21, s19, $0xb8;
	[tilespmem:$0x1ECC0] =	vst v63  }
0xe6: {  	s8 =	sadd.s32 $0xFFFFE740, s10  }
0xe7: {  	[tilespmem:s24], [sflag:$0x1] =	stream.indirect.gather [hbm4b:s1+s19], $0x20, s23, s19, $0xb8;
	[tilespmem:$0x1ECC0] =	vst v63  }
0xe8: {  	s16 =	sadd.s32 $0x18F0, s8  }
0xe9: {  	[tilespmem:s25], [sflag:$0x5] =	stream.linear.gather [hbm4b:s16+s4], $0x180, $0x38;
	[tilespmem:$0x1ECC0] =	vst v63  }
0xea: {  	_ =	swait.ge [sflag:s17], $0x180  }
0xeb: {  	s15 =	sadd.s32 $0xFFFFE740, s11;
	[sflag:s17] =	ssyncset.done $0x0  }
0xec: {  	s16 =	sadd.s32 $0x18F0, s15;
	[sflag:s17] =	ssyncadd.s32 $0xFFFFFE80  }
0xed: {  	[tilespmem:s26], [sflag:$0x5] =	stream.linear.gather [hbm4b:s16+s4], $0x180, $0x38;
	[tilespmem:$0x1ECC0] =	vst v63  }
0xee: {  	_ =	swait.ge [sflag:s17], $0x180  }
0xef: {  	[sflag:s17] =	ssyncset.done $0x0  }
0xf0: {  	[sflag:s17] =	ssyncadd.s32 $0xFFFFFE80  }
0xf1: {  	[tilespmem:s28], [sflag:$0x2] =	stream.indirect.gather [hbm4b:s1+s19], $0x20, s26, s19, $0xb8;
	[tilespmem:$0x1ECC0] =	vst v63  }
0xf2: {  	_ = 	snop  }
0xf3: {  	[tilespmem:s30], [sflag:$0x2] =	stream.indirect.gather [hbm4b:s1+s19], $0x20, s29, s19, $0xb8;
	[tilespmem:$0x1ECC0] =	vst v63  }
0xf4: {  	_ = 	snop  }
0xf5: {  	[tilespmem:s0], [sflag:$0x2] =	stream.indirect.gather [hbm4b:s1+s19], $0x20, s31, s19, $0xb8;
	[tilespmem:$0x1ECC0] =	vst v63  }
0xf6: {  	_ =	swait.ge [sflag:s2], $0x1000  }
0xf7: {  	[sflag:s2] =	ssyncset.done $0x0  }
0xf8: {  	[sflag:s2] =	ssyncadd.s32 $0xFFFFF000  }
0xf9: {  	_ =	swait.ge [sflag:s2], $0x1000  }
0xfa: {  	[sflag:s2] =	ssyncset.done $0x0  }
0xfb: {  	[sflag:s2] =	ssyncadd.s32 $0xFFFFF000  }
0xfc: {  	_ =	swait.ge [sflag:s2], $0x1000  }
0xfd: {  	[sflag:s2] =	ssyncset.done $0x0  }
0xfe: {  	[sflag:s2] =	ssyncadd.s32 $0xFFFFF000  }
0xff: {  	[spmem:s3] =	stream.indirect.scatter.add.f32 [tilespmem:s20], [sflag:$0x3], $0x20, s4, s19, $0xb8;
	[tilespmem:$0x1ECC0] =	vst v63  }
0x100: {  	_ = 	snop  }
0x101: {  	[spmem:s3] =	stream.indirect.scatter.add.f32 [tilespmem:s22], [sflag:$0x3], $0x20, s19, s19, $0xb8;
	[tilespmem:$0x1ECC0] =	vst v63  }
0x102: {  	_ = 	snop  }
0x103: {  	[spmem:s3] =	stream.indirect.scatter.add.f32 [tilespmem:s24], [sflag:$0x3], $0x20, s6, s19, $0xb8;
	[tilespmem:$0x1ECC0] =	vst v63  }
0x104: {  	_ =	swait.ge [sflag:s9], $0x1000  }
0x105: {  	[sflag:s9] =	ssyncset.done $0x0  }
0x106: {  	[sflag:s9] =	ssyncadd.s32 $0xFFFFF000  }
0x107: {  	_ =	swait.ge [sflag:s9], $0x1000  }
0x108: {  	[sflag:s9] =	ssyncset.done $0x0  }
0x109: {  	[sflag:s9] =	ssyncadd.s32 $0xFFFFF000  }
0x10a: {  	_ =	swait.ge [sflag:s9], $0x1000  }
0x10b: {  	[sflag:s9] =	ssyncset.done $0x0  }
0x10c: {  	s8 =	sadd.s32 $0x1920, s8;
	[sflag:s9] =	ssyncadd.s32 $0xFFFFF000  }
0x10d: {  	[tilespmem:s4], [sflag:$0x5] =	stream.linear.gather [hbm4b:s8+s4], $0x180, $0x38;
	[tilespmem:$0x1ECC0] =	vst v63  }
0x10e: {  	_ =	swait.ge [sflag:s17], $0x180  }
0x10f: {  	[sflag:s17] =	ssyncset.done $0x0  }
0x110: {  	s16 =	sadd.s32 $0x1920, s15;
	[sflag:s17] =	ssyncadd.s32 $0xFFFFFE80  }
0x111: {  	[tilespmem:s18], [sflag:$0x5] =	stream.linear.gather [hbm4b:s16+s4], $0x180, $0x38;
	[tilespmem:$0x1ECC0] =	vst v63  }
0x112: {  	_ =	swait.ge [sflag:s17], $0x180  }
0x113: {  	[sflag:s17] =	ssyncset.done $0x0  }
0x114: {  	[sflag:s17] =	ssyncadd.s32 $0xFFFFFE80  }
0x115: {  	_ =	swait.ge [sflag:s7], $0x1000  }
0x116: {  	[sflag:s7] =	ssyncset.done $0x0  }
0x117: {  	[sflag:s7] =	ssyncadd.s32 $0xFFFFF000  }
0x118: {  	_ =	swait.ge [sflag:s7], $0x1000  }
0x119: {  	[sflag:s7] =	ssyncset.done $0x0  }
0x11a: {  	[sflag:s7] =	ssyncadd.s32 $0xFFFFF000  }
0x11b: {  	_ =	swait.ge [sflag:s7], $0x1000  }
0x11c: {  	[sflag:s7] =	ssyncset.done $0x0  }
0x11d: {  	[sflag:s7] =	ssyncadd.s32 $0xFFFFF000  }
0x11e: {  	[spmem:s3] =	stream.indirect.scatter.add.f32 [tilespmem:s28], [sflag:$0x4], $0x20, s25, s19, $0xb8;
	[tilespmem:$0x1ECC0] =	vst v63  }
0x11f: {  	_ = 	snop  }
0x120: {  	[spmem:s3] =	stream.indirect.scatter.add.f32 [tilespmem:s30], [sflag:$0x4], $0x20, s13, s19, $0xb8;
	[tilespmem:$0x1ECC0] =	vst v63  }
0x121: {  	_ = 	snop  }
0x122: {  	[spmem:s3] =	stream.indirect.scatter.add.f32 [tilespmem:s0], [sflag:$0x4], $0x20, s12, s19, $0xb8;
	[tilespmem:$0x1ECC0] =	vst v63  }
0x123: {  	_ =	swait.ge [sflag:s14], $0x1000  }
0x124: {  	[sflag:s14] =	ssyncset.done $0x0  }
0x125: {  	[sflag:s14] =	ssyncadd.s32 $0xFFFFF000  }
0x126: {  	_ =	swait.ge [sflag:s14], $0x1000  }
0x127: {  	[sflag:s14] =	ssyncset.done $0x0  }
0x128: {  	[sflag:s14] =	ssyncadd.s32 $0xFFFFF000  }
0x129: {  	_ =	swait.ge [sflag:s14], $0x1000  }
0x12a: {  	s16 =	simm.s32 $0xFFFFE7A0;
	[sflag:s14] =	ssyncset.done $0x0  }
.LBB2_3:
0x12b: {  	p1 =	seq.s32 s16, $0xFFFFFFA0  }
0x12c: {  	[sflag:s14] =	ssyncadd.s32 $0xFFFFF000;
	s15 =	smov.u32 s16;
	s16 =	sadd.s32 $0x60, s16  }
0x12d: {  	[tilespmem:s20], [sflag:$0x1] =	stream.indirect.gather [hbm4b:s1+s19], $0x20, s18, s19, $0xb8;
	[tilespmem:$0x1ECC0] =	vst v63  }
0x12e: {  	_ = 	snop  }
0x12f: {  	[tilespmem:s22], [sflag:$0x1] =	stream.indirect.gather [hbm4b:s1+s19], $0x20, s21, s19, $0xb8;
	[tilespmem:$0x1ECC0] =	vst v63  }
0x130: {  	s8 =	sadd.s32 s15, s10  }
0x131: {  	[tilespmem:s24], [sflag:$0x1] =	stream.indirect.gather [hbm4b:s1+s19], $0x20, s23, s19, $0xb8;
	[tilespmem:$0x1ECC0] =	vst v63  }
0x132: {  	s21 =	sadd.s32 $0x18F0, s8  }
0x133: {  	[tilespmem:s25], [sflag:$0x5] =	stream.linear.gather [hbm4b:s21+s4], $0x180, $0x38;
	[tilespmem:$0x1ECC0] =	vst v63  }
0x134: {  	_ =	swait.ge [sflag:s17], $0x180  }
0x135: {  	s15 =	sadd.s32 s15, s11;
	[sflag:s17] =	ssyncset.done $0x0  }
0x136: {  	s21 =	sadd.s32 $0x18F0, s15;
	[sflag:s17] =	ssyncadd.s32 $0xFFFFFE80  }
0x137: {  	[tilespmem:s26], [sflag:$0x5] =	stream.linear.gather [hbm4b:s21+s4], $0x180, $0x38;
	[tilespmem:$0x1ECC0] =	vst v63  }
0x138: {  	s21 =	simm.s32 $0x200  }
0x139: {  	_ =	swait.ge [sflag:s17], $0x180  }
0x13a: {  	[sflag:s17] =	ssyncset.done $0x0  }
0x13b: {  	[sflag:s17] =	ssyncadd.s32 $0xFFFFFE80  }
0x13c: {  	[tilespmem:s28], [sflag:$0x2] =	stream.indirect.gather [hbm4b:s1+s19], $0x20, s26, s19, $0xb8;
	[tilespmem:$0x1ECC0] =	vst v63  }
0x13d: {  	_ = 	snop  }
0x13e: {  	[tilespmem:s30], [sflag:$0x2] =	stream.indirect.gather [hbm4b:s1+s19], $0x20, s29, s19, $0xb8;
	[tilespmem:$0x1ECC0] =	vst v63  }
0x13f: {  	_ = 	snop  }
0x140: {  	[tilespmem:s0], [sflag:$0x2] =	stream.indirect.gather [hbm4b:s1+s19], $0x20, s31, s19, $0xb8;
	[tilespmem:$0x1ECC0] =	vst v63  }
0x141: {  	_ =	swait.ge [sflag:s2], $0x1000  }
0x142: {  	[sflag:s2] =	ssyncset.done $0x0  }
0x143: {  	[sflag:s2] =	ssyncadd.s32 $0xFFFFF000  }
0x144: {  	_ =	swait.ge [sflag:s2], $0x1000  }
0x145: {  	[sflag:s2] =	ssyncset.done $0x0  }
0x146: {  	[sflag:s2] =	ssyncadd.s32 $0xFFFFF000  }
0x147: {  	_ =	swait.ge [sflag:s2], $0x1000  }
0x148: {  	[sflag:s2] =	ssyncset.done $0x0  }
0x149: {  	[sflag:s2] =	ssyncadd.s32 $0xFFFFF000  }
0x14a: {  	[spmem:s3] =	stream.indirect.scatter.add.f32 [tilespmem:s20], [sflag:$0x3], $0x20, s4, s19, $0xb8;
	[tilespmem:$0x1ECC0] =	vst v63  }
0x14b: {  	_ = 	snop  }
0x14c: {  	[spmem:s3] =	stream.indirect.scatter.add.f32 [tilespmem:s22], [sflag:$0x3], $0x20, s19, s19, $0xb8;
	[tilespmem:$0x1ECC0] =	vst v63  }
0x14d: {  	_ = 	snop  }
0x14e: {  	[spmem:s3] =	stream.indirect.scatter.add.f32 [tilespmem:s24], [sflag:$0x3], $0x20, s6, s19, $0xb8;
	[tilespmem:$0x1ECC0] =	vst v63  }
0x14f: {  	_ =	swait.ge [sflag:s9], $0x1000  }
0x150: {  	[sflag:s9] =	ssyncset.done $0x0  }
0x151: {  	[sflag:s9] =	ssyncadd.s32 $0xFFFFF000  }
0x152: {  	_ =	swait.ge [sflag:s9], $0x1000  }
0x153: {  	[sflag:s9] =	ssyncset.done $0x0  }
0x154: {  	[sflag:s9] =	ssyncadd.s32 $0xFFFFF000  }
0x155: {  	_ =	swait.ge [sflag:s9], $0x1000  }
0x156: {  	[sflag:s9] =	ssyncset.done $0x0  }
0x157: {  	s8 =	sadd.s32 $0x1920, s8;
	[sflag:s9] =	ssyncadd.s32 $0xFFFFF000  }
0x158: {  	[tilespmem:s4], [sflag:$0x5] =	stream.linear.gather [hbm4b:s8+s4], $0x180, $0x38;
	[tilespmem:$0x1ECC0] =	vst v63  }
0x159: {  	_ =	swait.ge [sflag:s17], $0x180  }
0x15a: {  	[sflag:s17] =	ssyncset.done $0x0  }
0x15b: {  	s8 =	sadd.s32 $0x1920, s15;
	[sflag:s17] =	ssyncadd.s32 $0xFFFFFE80  }
0x15c: {  	[tilespmem:s18], [sflag:$0x5] =	stream.linear.gather [hbm4b:s8+s4], $0x180, $0x38;
	[tilespmem:$0x1ECC0] =	vst v63  }
0x15d: {  	_ =	swait.ge [sflag:s17], $0x180  }
0x15e: {  	[sflag:s17] =	ssyncset.done $0x0  }
0x15f: {  	[sflag:s17] =	ssyncadd.s32 $0xFFFFFE80  }
0x160: {  	_ =	swait.ge [sflag:s7], $0x1000  }
0x161: {  	[sflag:s7] =	ssyncset.done $0x0  }
0x162: {  	[sflag:s7] =	ssyncadd.s32 $0xFFFFF000  }
0x163: {  	_ =	swait.ge [sflag:s7], $0x1000  }
0x164: {  	[sflag:s7] =	ssyncset.done $0x0  }
0x165: {  	[sflag:s7] =	ssyncadd.s32 $0xFFFFF000  }
0x166: {  	_ =	swait.ge [sflag:s7], $0x1000  }
0x167: {  	[sflag:s7] =	ssyncset.done $0x0  }
0x168: {  	[sflag:s7] =	ssyncadd.s32 $0xFFFFF000  }
0x169: {  	[spmem:s3] =	stream.indirect.scatter.add.f32 [tilespmem:s28], [sflag:$0x4], $0x20, s25, s19, $0xb8;
	[tilespmem:$0x1ECC0] =	vst v63  }
0x16a: {  	_ = 	snop  }
0x16b: {  	[spmem:s3] =	stream.indirect.scatter.add.f32 [tilespmem:s30], [sflag:$0x4], $0x20, s13, s19, $0xb8;
	[tilespmem:$0x1ECC0] =	vst v63  }
0x16c: {  	_ = 	snop  }
0x16d: {  	[spmem:s3] =	stream.indirect.scatter.add.f32 [tilespmem:s0], [sflag:$0x4], $0x20, s12, s19, $0xb8;
	[tilespmem:$0x1ECC0] =	vst v63  }
0x16e: {  	_ =	swait.ge [sflag:s14], $0x1000  }
0x16f: {  	[sflag:s14] =	ssyncset.done $0x0  }
0x170: {  	[sflag:s14] =	ssyncadd.s32 $0xFFFFF000  }
.Ltmp5:
0x171: {  	_ =	swait.ge [sflag:s14], $0x1000;
	(pc) =	sbr.rel @!p1 .LBB2_3-.Ltmp5, $4  }
0x172: {  	[sflag:s14] =	ssyncset.done $0x0  }
0x173: {  	[sflag:s14] =	ssyncadd.s32 $0xFFFFF000  }
0x174: {  	_ =	swait.ge [sflag:s14], $0x1000  }
0x175: {  	[sflag:s14] =	ssyncset.done $0x0  }
.Ltmp6:
0x176: {  	(pc) =	sbr.rel .LBB2_8-.Ltmp6, $2  }
0x177: {  	_ =	sdelay $0x2  }
0x178: {  	[sflag:s14] =	ssyncadd.s32 $0xFFFFF000;
	s8 =	rddreg [dreg:$0x4]  }
.LBB2_9:
0x179: {  	_ =	sfence.sel $0x180000  }
0x17a: {  	[bflag:$0x0] =	sbarrier.arrive $0xFFFF  }
0x17b: {  	_ =	strace $0x9000004D  }
0x17c: {  	s0 =	stileid.u32;
	[bflag:$0x2] =	sbarrier.arrive $0xFFFF  }
0x17d: {  	p0 =	sne.s32 s0, $0x0;
	s0 =	rddreg [dreg:$0x3]  }
0x17e: {  	s0 =	sadd.s32 @!p0 $0x100000, s0  }
0x17f: {  	[sflag:s0] =	ssyncadd.tile.s32 @!p0 $0x1;
	_ =	shalt  }
.Lfunc_end2:
_tile_overlayer_lowered:
.L_overlay_start_2:
0x180: {  	(tag) =	ssettag $0x2  }
0x181: {  	s0 =	rddreg [dreg:$0x0];
	s2 =	stileid.u32  }
0x182: {  	s1 =	rddreg [dreg:$0x1];
	p0 =	sne.s32 s2, $0x0  }
0x183: {  	s3 =	rddreg [dreg:$0x2];
	[bflag:$0x3] =	sbarrier.arrive $0xFFFF;
	s2 =	simm.s32 @!p0 $0x1C05  }
0x184: {  	[timem:s3], [sflag:s2] =	dma.local @!p0 [hbm:s0], s1  }
0x185: {  	s0 =	simm.s32 @!p0 $0x5  }
0x186: {  	_ =	swait.ge @!p0 [sflag:s0], s1  }
0x187: {  	s1 =	ssub.s32 @!p0 $0x0, s1;
	[sflag:s0] =	ssyncset.done @!p0 $0x0  }
0x188: {  	[sflag:s0] =	ssyncadd.s32 @!p0 s1  }
0x189: {  	[bflag:$0x3] =	sbarrier.arrive $0xFFFF  }
0x18a: {  	_ =	shalt  }

// kernel: kernel.18.cloned.1.call-start
scs
__scs_entry_jumppad:
0x0: {  	(pc) =	sbr.rel $0x88, $3  }
0x1: {  	(tag) =	ssettag $0x0;
	lr =	simm.s32 $0x1  }
0x2: {  	[smem:$0x3F98] =	sst lr;
	_ =	strace $0xD0000000  }
0x3: {  	_ = 	snop  }
0x4: {  	_ = 	snop  }
0x5: {  	_ = 	snop  }
0x6: {  	_ = 	snop  }
0x7: {  	_ = 	snop  }
__scs_overlays_trampoline_lowered:
0x8: {  	[smem:$0x3FA7] =	sst s0  }
0x9: {  	[smem:$0x3FA8] =	sst s1  }
0xa: {  	[smem:$0x3FA9] =	sst s2  }
0xb: {  	[smem:$0x3FAA] =	sst s3  }
0xc: {  	[smem:$0x3FAB] =	sst s4  }
0xd: {  	[smem:$0x3FAC] =	sst s5  }
0xe: {  	[smem:$0x3FAD] =	sst s6  }
0xf: {  	[smem:$0x3FAE] =	sst s7  }
0x10: {  	[smem:$0x3FAF] =	sst s8  }
0x11: {  	[smem:$0x3FB0] =	sst s9;
	s0 =	simm.s32 @!p0 $0x0  }
0x12: {  	s1 =	sld [smem:$0x3F96];
	s0 =	simm.s32 @p0 $0x1  }
0x13: {  	[smem:$0x3FB1] =	sst s0;
	s0 =	simm.s32 @!p1 $0x0  }
0x14: {  	s2 =	sld [smem:$0x3F95];
	s0 =	simm.s32 @p1 $0x1  }
0x15: {  	[smem:$0x3FB2] =	sst s0;
	s0 =	simm.s32 @!p2 $0x0  }
0x16: {  	s3 =	sld [smem:$0x3FDB];
	s0 =	simm.s32 @p2 $0x1  }
0x17: {  	s4 =	simm.s32 $0x1BF5;
	[smem:$0x3FB4] =	sst s0  }
0x18: {  	s0 =	sld [smem:$0x3F97];
	_ =	swait.ge [sflag:s4], $0x0  }
0x19: {  	s7 =	sld [smem:$0x3F98]  }
0x1a: {  	s8 =	sadd.s32 $0xFFFFE003, lr  }
0x1b: {  	s9 =	sadd.s32 $0xFFFFFEF7, lr;
	s5 =	simm.s32 $0xFFFFFFFF;
	p2 =	slt.u32 s8, $0xFFFFF086  }
0x1c: {  	p1 =	slt.u32 s9, $0xF7A;
	s5 =	simm.s32 @!p2 $0x0  }
0x1d: {  	s5 =	simm.s32 @p1 $0x1;
	p0 =	seq.s32 s7, s2  }
0x1e: {  	s7 =	smul.u32 @!p0 $0xF7A, s2;
	p2 =	seq.s32 @!p0 s5, $0x0  }
0x1f: {  	s9 =	smul.u32 $0xF7A, s1;
	s8 =	simm.s32 @!p0 $0x1BF5;
	p2 =	por !p2, p0  }
0x20: {  	[sflag:s8] =	ssyncset.s32 @!p0 $0xFFFFF086;
	s6 =	sadd.s32 @!p0 s3, s7;
	s7 =	simm.s32 @!p0 $0x108  }
0x21: {  	s3 =	sadd.s32 s3, s9;
	s6 =	sadd.s32 @!p0 $0x88, s6;
	s7 =	simm.s32 @p2 $0x1082  }
0x22: {  	[simem:s7], [sflag:s8] =	dma.local @!p0 [hbm:s6], $0xF7A  }
0x23: {  	s9 =	sor.u32 $0xD0000000, s2;
	s6 =	simm.s32 $0x108;
	_ =	swait.ge @!p0 [sflag:s8], $0x0  }
0x24: {  	s3 =	sadd.s32 $0x88, s3;
	s6 =	simm.s32 @!p1 $0x1082;
	[sflag:s4] =	ssyncset.s32 $0xFFFFF086  }
0x25: {  	[simem:s6], [sflag:s4] =	dma.local [hbm:s3], $0xF7A  }
0x26: {  	[smem:$0x3F98] =	sst s1;
	(tag) =	ssettag s2;
	_ =	strace s9  }
0x27: {  	s1 =	sld [smem:$0x3FA8]  }
0x28: {  	s2 =	sld [smem:$0x3FA9]  }
0x29: {  	s4 =	sld [smem:$0x3FAB]  }
0x2a: {  	p0 =	seq.s32 s5, $0x0;
	s5 =	sld [smem:$0x3FAC]  }
0x2b: {  	s6 =	sld [smem:$0x3FAD]  }
0x2c: {  	s7 =	sld [smem:$0x3FAE]  }
0x2d: {  	s3 =	simm.s32 $0x108;
	s8 =	sld [smem:$0x3FAF]  }
0x2e: {  	s3 =	simm.s32 @!p0 $0x1082;
	s9 =	sld [smem:$0x3FB0]  }
0x2f: {  	lr =	sadd.s32 s0, s3;
	s0 =	sld [smem:$0x3FA7]  }
0x30: {  	s3 =	sld [smem:$0x3FAA]  }
0x31: {  	[smem:$0x3FB3] =	sst s10  }
0x32: {  	s10 =	sld [smem:$0x3FB1];
	_ =	sdelay $0x3  }
0x33: {  	p0 =	seq.s32 s10, $0x1;
	s10 =	sld [smem:$0x3FB3];
	_ =	sdelay $0x3  }
0x34: {  	[smem:$0x3FB3] =	sst s10  }
0x35: {  	s10 =	sld [smem:$0x3FB2];
	_ =	sdelay $0x3  }
0x36: {  	p1 =	seq.s32 s10, $0x1;
	s10 =	sld [smem:$0x3FB3];
	_ =	sdelay $0x3  }
0x37: {  	[smem:$0x3FB3] =	sst s10  }
0x38: {  	s10 =	sld [smem:$0x3FB4]  }
0x39: {  	_ = 	snop;
	(pc) =	sbr.ind lr, $3  }
0x3a: {  	_ = 	snop  }
0x3b: {  	_ = 	snop  }
0x3c: {  	p2 =	seq.s32 s10, $0x1;
	s10 =	sld [smem:$0x3FB3]  }
0x3d: {  	_ =	shalt  }
0x3e: {  	_ =	shalt  }
0x3f: {  	_ =	shalt  }
0x40: {  	_ =	shalt  }
0x41: {  	_ =	shalt  }
0x42: {  	_ =	shalt  }
0x43: {  	_ =	shalt  }
0x44: {  	_ =	shalt  }
0x45: {  	_ =	shalt  }
0x46: {  	_ =	shalt  }
0x47: {  	_ =	shalt  }
0x48: {  	_ =	shalt  }
0x49: {  	_ =	shalt  }
0x4a: {  	_ =	shalt  }
0x4b: {  	_ =	shalt  }
0x4c: {  	_ =	shalt  }
0x4d: {  	_ =	shalt  }
0x4e: {  	_ =	shalt  }
0x4f: {  	_ =	shalt  }
0x50: {  	_ =	shalt  }
0x51: {  	_ =	shalt  }
0x52: {  	_ =	shalt  }
0x53: {  	_ =	shalt  }
0x54: {  	_ =	shalt  }
0x55: {  	_ =	shalt  }
0x56: {  	_ =	shalt  }
0x57: {  	_ =	shalt  }
0x58: {  	_ =	shalt  }
0x59: {  	_ =	shalt  }
0x5a: {  	_ =	shalt  }
0x5b: {  	_ =	shalt  }
0x5c: {  	_ =	shalt  }
0x5d: {  	_ =	shalt  }
0x5e: {  	_ =	shalt  }
0x5f: {  	_ =	shalt  }
0x60: {  	_ =	shalt  }
0x61: {  	_ =	shalt  }
0x62: {  	_ =	shalt  }
0x63: {  	_ =	shalt  }
0x64: {  	_ =	shalt  }
0x65: {  	_ =	shalt  }
0x66: {  	_ =	shalt  }
0x67: {  	_ =	shalt  }
0x68: {  	_ =	shalt  }
0x69: {  	_ =	shalt  }
0x6a: {  	_ =	shalt  }
0x6b: {  	_ =	shalt  }
0x6c: {  	_ =	shalt  }
0x6d: {  	_ =	shalt  }
0x6e: {  	_ =	shalt  }
0x6f: {  	_ =	shalt  }
0x70: {  	_ =	shalt  }
0x71: {  	_ =	shalt  }
0x72: {  	_ =	shalt  }
0x73: {  	_ =	shalt  }
0x74: {  	_ =	shalt  }
0x75: {  	_ =	shalt  }
0x76: {  	_ =	shalt  }
0x77: {  	_ =	shalt  }
0x78: {  	_ =	shalt  }
0x79: {  	_ =	shalt  }
0x7a: {  	_ =	shalt  }
0x7b: {  	_ =	shalt  }
0x7c: {  	_ =	shalt  }
0x7d: {  	_ =	shalt  }
0x7e: {  	_ =	shalt  }
0x7f: {  	_ =	shalt  }
0x80: {  	_ =	shalt  }
0x81: {  	_ =	shalt  }
0x82: {  	_ =	shalt  }
0x83: {  	_ =	shalt  }
0x84: {  	_ =	shalt  }
0x85: {  	_ =	shalt  }
0x86: {  	_ =	shalt  }
0x87: {  	_ =	shalt  }
.Lfunc_end0:
.L_simem_size_0:
called_computation.3_lowered:
.L_overlay_start_0:
0x88: {  	s2 =	sld [smem:$0x3FD9]  }
0x89: {  	s3 =	sld [smem:$0x3FFE];
	_ =	sdelay $0x1  }
0x8a: {  	s1 =	srdreg.scid  }
0x8b: {  	s0 =	sand.u32 $0x1, s1  }
0x8c: {  	s17 =	sshll.u32 s0, $0xA;
	s2 =	sadd.s32 s3, s2  }
0x8d: {  	s2 =	sadd.s32 s2, s17  }
0x8e: {  	[smem:$0x3FBF] =	sst s2  }
0x8f: {  	_ = 	snop  }
0x90: {  	s2 =	sld [smem:$0x3FD0];
	(tm) =	ssettm $0x1  }
0x91: {  	s18 =	sld [smem:$0x3FFB];
	_ =	sdelay $0x3  }
0x92: {  	_ =	strace s18  }
0x93: {  	s3 =	sld [smem:$0x3FFC];
	_ =	sdelay $0x3  }
0x94: {  	_ =	strace s3  }
0x95: {  	s3 =	sld [smem:$0x3FFD];
	_ =	sdelay $0x3  }
0x96: {  	_ =	strace s3  }
0x97: {  	_ =	strace $0x8FFFFFFF  }
0x98: {  	s19 =	sld [smem:$0x3FDB];
	_ =	sdelay $0x1  }
0x99: {  	s4 =	simm.s32 $_scs_section_size  }
0x9a: {  	s5 =	simm.s32 $_size__tile_overlayer_lowered;
	s6 =	simm.s32 $_tile_overlayer_lowered  }
0x9b: {  	s22 =	simm.s32 $0x1BFF;
	s21 =	sshll.u32 s6, $0x1;
	s3 =	sadd.s32 s4, s19  }
0x9c: {  	s7 =	simm.s32 $0x0;
	s20 =	sshll.u32 s5, $0x1;
	s5 =	sadd.s32 s21, s3  }
0x9d: {  	[timem:s7], [sflag:s22] =	dma.local [hbm:s5], s20  }
0x9e: {  	_ =	swait.ge [sflag:s22], s20  }
0x9f: {  	s4 =	ssub.s32 $0x0, s20;
	[sflag:s22] =	ssyncset.done $0x0  }
0xa0: {  	[sflag:s22] =	ssyncadd.s32 s4;
	_ =	sdelay $0x1  }
0xa1: {  	s23 =	simm.s32 $0x1B8B  }
0xa2: {  	_ =	swait.ge [sflag:s23], $0x1  }
0xa3: {  	[sflag:s23] =	ssyncset.done $0x0  }
0xa4: {  	s25 =	simm.s32 $0x1B8E;
	s24 =	sld [smem:$0x3FFE];
	[sflag:s23] =	ssyncadd.s32 $0xFFFFFFFF  }
0xa5: {  	s26 =	simm.s32 $execute0_lowered;
	[smem:$0x3FD2] =	sst s25  }
0xa6: {  	s5 =	sshll.u32 s26, $0x1;
	_ =	strace $0x8000004F;
	[dreg:$0x1] =	wrdreg $0xFFFFFFFF  }
0xa7: {  	s28 =	simm.s32 $_size_execute0_lowered;
	s3 =	sadd.s32 s3, s5;
	[dreg:$0x0] =	wrdreg $0x0  }
0xa8: {  	s5 =	sshll.u32 s28, $0x1;
	[dreg:$0x2] =	wrdreg s3  }
0xa9: {  	[dreg:$0x3] =	wrdreg s5  }
0xaa: {  	[dreg:$0x4] =	wrdreg $0xC0  }
0xab: {  	_ =	task [dreg:s7], $0x5FFFF  }
0xac: {  	[dreg:$0x1] =	wrdreg $0xFFFFFFFF  }
0xad: {  	[dreg:$0x0] =	wrdreg $0x60  }
0xae: {  	[dreg:$0x2] =	wrdreg s2  }
0xaf: {  	[dreg:$0x3] =	wrdreg s24  }
0xb0: {  	[dreg:$0x4] =	wrdreg $0x66000  }
0xb1: {  	[dreg:$0x5] =	wrdreg $0x9  }
0xb2: {  	_ =	task.clear_ibuf [dreg:s7], $0x6FFFF;
	_ =	strace $0x9000004F  }
0xb3: {  	s29 =	simm.s32 $0x9;
	_ =	strace $0x80000051  }
0xb4: {  	_ =	swait.ge [sflag:s29], $0x1  }
0xb5: {  	[sflag:s29] =	ssyncadd.s32 $0xFFFFFFFF  }
0xb6: {  	_ =	strace $0x90000051  }
0xb7: {  	_ =	sfence  }
0xb8: {  	s30 =	sld [smem:$0x0];
	_ =	sdelay $0x2  }
0xb9: {  	s31 =	sshll.u32 s1, $0xD;
	s1 =	sshrl.u32 s1, $0x2  }
0xba: {  	s3 =	sand.u32 $0x4000, s31;
	s1 =	sadd.s32 s1, s30  }
0xbb: {  	s0 =	sor.u32 s3, s0;
	s1 =	sshll.u32 s1, $0x11  }
0xbc: {  	s0 =	sor.u32 s1, s0  }
0xbd: {  	s0 =	sadd.s32 $0x8F2B, s0  }
0xbe: {  	[sflag:s0] =	ssyncadd.remote.s32 $0x1  }
0xbf: {  	_ =	sfence.sel $0xFFFF  }
0xc0: {  	[dreg:$0x0] =	wrdreg $0xFFFFFFFF;
	(pc) =	sbr.abs _section_cstart, $3  }
0xc1: {  	[dreg:$0x1] =	wrdreg $0xFFFFFFFF  }
0xc2: {  	_ =	task.clear_ibuf [dreg:s7], $0x2FFFF;
	_ =	strace $0x9FFFFFFF  }
0xc3: {  	(tm) =	ssettm $0x7FFFFFFF  }
tec
execute0_lowered:
.L_overlay_start_1:
0x0: {  	(tag) =	ssettag $0x1  }
0x1: {  	s1 =	rddreg [dreg:$0x0]  }
0x2: {  	s0 =	rddreg [dreg:$0x1]  }
0x3: {  	s3 =	rddreg [dreg:$0x2];
	s4 =	simm.s32 $0x0;
	s12 =	stileid.u32  }
0x4: {  	s2 =	srdreg.scid;
	s17 =	simm.s32 $0x5;
	s18 =	simm.s32 $0x180  }
0x5: {  	s19 =	simm.s32 $0x80;
	s28 =	simm.s32 $0x3600;
	s29 =	simm.s32 $0x500  }
0x6: {  	s30 =	simm.s32 $0x4600;
	s31 =	simm.s32 $0x580;
	s13 =	simm.s32 $0x380  }
0x7: {  	s14 =	simm.s32 $0x4;
	s16 =	simm.s32 $0x0;
	[smem:$0x7FF] =	sst s4  }
0x8: {  	s6 =	smul.u32 $0x18F0, s12;
	s2 =	sand.u32 $0x1, s2;
	s5 =	sadd.s32 $0x4C00, s0  }
0x9: {  	s8 =	smul.u32 $0x186A0, s12;
	s9 =	sadd.s32 $0x6AA00, s0;
	s25 =	sshll.u32 s12, $0x6  }
0xa: {  	s12 =	simm.s32 $0x400;
	_ =	strace $0x80000050;
	[dreg:$0x4] =	wrdreg s9  }
0xb: {  	s7 =	ssub.s32 $0x2, s2;
	p0 =	seq.s32 s2, $0x1;
	[dreg:$0x8] =	wrdreg s25  }
0xc: {  	s26 =	sor.u32 $0x1C05, s25;
	s25 =	simm.s32 $0x300;
	s2 =	simm.s32 $0x1  }
0xd: {  	s9 =	simm.s32 $0x3;
	s6 =	sadd.s32 s6, s0;
	s20 =	sshrl.u32 s7, $0x1  }
0xe: {  	s0 =	sadd.s32 $0x9B800, s0;
	s22 =	sshrl.u32 s8, $0x3;
	[dreg:$0xb] =	wrdreg s26  }
0xf: {  	s23 =	sadd.s32 s8, s3;
	s26 =	simm.s32 $0x480;
	[dreg:$0x5] =	wrdreg s0  }
0x10: {  	s21 =	ssub.s32 s7, s20;
	s24 =	sadd.s32 s1, s22;
	s10 =	sadd.s32 $0x51A00, s6  }
0x11: {  	s11 =	sadd.s32 $0x38A00, s6;
	[dreg:$0x6] =	wrdreg s22;
	s7 =	sadd.s32 s5, s22  }
.Ltmp0:
0x12: {  	s15 =	sshrl.u32 s23, $0x3;
	s20 =	simm.s32 $0x600;
	(pc) =	sbr.rel .LBB2_1-.Ltmp0, $4  }
0x13: {  	s22 =	simm.s32 $0x1600;
	s23 =	simm.s32 $0x280;
	[dreg:$0x7] =	wrdreg s24  }
0x14: {  	s6 =	simm.s32 $0x100;
	[dreg:$0x9] =	wrdreg s7;
	s0 =	smax.u32 s21, $0x1  }
0x15: {  	s21 =	simm.s32 $0x200;
	s24 =	simm.s32 $0x2600;
	[dreg:$0xc] =	wrdreg s15  }
0x16: {  	s7 =	simm.s32 $0x2;
	[dreg:$0xa] =	wrdreg s0;
	s0 =	simm.s32 $0x5600  }
.LBB2_7:
0x17: {  	s8 =	rddreg [dreg:$0x5]  }
0x18: {  	s15 =	rddreg [dreg:$0xb]  }
0x19: {  	[sflag:s14] =	ssyncadd.s32 $0xFFFFF000;
	[dreg:$0xe] =	wrdreg s15  }
.LBB2_8:
0x1a: {  	s15 =	rddreg [dreg:$0x6]  }
0x1b: {  	s8 =	sadd.s32 s8, s15  }
0x1c: {  	[dreg:$0xf] =	wrdreg s8  }
0x1d: {  	[bflag:$0x0] =	sbarrier.arrive $0xFFFF  }
0x1e: {  	s8 =	rddreg [dreg:$0xe]  }
0x1f: {  	s15 =	rddreg [dreg:$0xf]  }
0x20: {  	s16 =	rddreg [dreg:$0xc]  }
0x21: {  	[hbm:s15], [sflag:s8] =	dma.local [spmem:s16], $0x30D4  }
0x22: {  	_ =	swait.ge [sflag:s17], $0x30D4  }
0x23: {  	s8 =	rddreg [dreg:$0xd]  }
0x24: {  	s15 =	rddreg [dreg:$0xa];
	s16 =	sadd.s32 $0x1, s8  }
0x25: {  	p1 =	sne.s32 s16, s15  }
.Ltmp1:
0x26: {  	_ = 	snop;
	(pc) =	sbr.rel @!p1 .LBB2_9-.Ltmp1, $3  }
0x27: {  	_ =	sdelay $0x1  }
0x28: {  	[sflag:s17] =	ssyncset.done $0x0  }
0x29: {  	[sflag:s17] =	ssyncadd.s32 $0xFFFFCF2C  }
.LBB2_1:
.Ltmp2:
0x2a: {  	(pc) =	sbr.rel @!p0 .LBB2_2-.Ltmp2, $2  }
0x2b: {  	_ =	sdelay $0x2  }
0x2c: {  	[dreg:$0xd] =	wrdreg s16  }
0x2d: {  	s8 =	rddreg [dreg:$0x9]  }
0x2e: {  	s15 =	rddreg [dreg:$0xb]  }
0x2f: {  	s16 =	rddreg [dreg:$0xc]  }
0x30: {  	[spmem:s16], [sflag:s15] =	dma.local [hbm:s8], $0x30D4  }
0x31: {  	_ =	swait.ge [sflag:s17], $0x30D4  }
0x32: {  	[sflag:s17] =	ssyncset.done $0x0  }
0x33: {  	[sflag:s17] =	ssyncadd.s32 $0xFFFFCF2C  }
0x34: {  	[bflag:$0x0] =	sbarrier.arrive $0xFFFF  }
0x35: {  	[tilespmem:s4], [sflag:$0x5] =	stream.linear.gather [hbm4b:s10+s4], $0x180, $0x38;
	[tilespmem:$0x1ECC0] =	vst v63  }
0x36: {  	_ =	swait.ge [sflag:s17], $0x180  }
0x37: {  	[sflag:s17] =	ssyncset.done $0x0  }
0x38: {  	[sflag:s17] =	ssyncadd.s32 $0xFFFFFE80  }
0x39: {  	[tilespmem:s18], [sflag:$0x5] =	stream.linear.gather [hbm4b:s11+s4], $0x180, $0x38;
	[tilespmem:$0x1ECC0] =	vst v63  }
0x3a: {  	_ =	swait.ge [sflag:s17], $0x180  }
0x3b: {  	[sflag:s17] =	ssyncset.done $0x0  }
0x3c: {  	[sflag:s17] =	ssyncadd.s32 $0xFFFFFE80  }
0x3d: {  	[tilespmem:s20], [sflag:$0x1] =	stream.indirect.gather [hbm4b:s5+s19], $0x20, s18, s19, $0xb8;
	[tilespmem:$0x1ECC0] =	vst v63  }
0x3e: {  	_ = 	snop  }
0x3f: {  	[tilespmem:s22], [sflag:$0x1] =	stream.indirect.gather [hbm4b:s5+s19], $0x20, s21, s19, $0xb8;
	[tilespmem:$0x1ECC0] =	vst v63  }
0x40: {  	s8 =	sadd.s32 $0xFFFFE740, s10  }
0x41: {  	[tilespmem:s24], [sflag:$0x1] =	stream.indirect.gather [hbm4b:s5+s19], $0x20, s23, s19, $0xb8;
	[tilespmem:$0x1ECC0] =	vst v63  }
0x42: {  	s16 =	sadd.s32 $0x18F0, s8  }
0x43: {  	[tilespmem:s25], [sflag:$0x5] =	stream.linear.gather [hbm4b:s16+s4], $0x180, $0x38;
	[tilespmem:$0x1ECC0] =	vst v63  }
0x44: {  	_ =	swait.ge [sflag:s17], $0x180  }
0x45: {  	s15 =	sadd.s32 $0xFFFFE740, s11;
	[sflag:s17] =	ssyncset.done $0x0  }
0x46: {  	s16 =	sadd.s32 $0x18F0, s15;
	[sflag:s17] =	ssyncadd.s32 $0xFFFFFE80  }
0x47: {  	[tilespmem:s26], [sflag:$0x5] =	stream.linear.gather [hbm4b:s16+s4], $0x180, $0x38;
	[tilespmem:$0x1ECC0] =	vst v63  }
0x48: {  	_ =	swait.ge [sflag:s17], $0x180  }
0x49: {  	[sflag:s17] =	ssyncset.done $0x0  }
0x4a: {  	[sflag:s17] =	ssyncadd.s32 $0xFFFFFE80  }
0x4b: {  	[tilespmem:s28], [sflag:$0x2] =	stream.indirect.gather [hbm4b:s5+s19], $0x20, s26, s19, $0xb8;
	[tilespmem:$0x1ECC0] =	vst v63  }
0x4c: {  	_ = 	snop  }
0x4d: {  	[tilespmem:s30], [sflag:$0x2] =	stream.indirect.gather [hbm4b:s5+s19], $0x20, s29, s19, $0xb8;
	[tilespmem:$0x1ECC0] =	vst v63  }
0x4e: {  	_ = 	snop  }
0x4f: {  	[tilespmem:s0], [sflag:$0x2] =	stream.indirect.gather [hbm4b:s5+s19], $0x20, s31, s19, $0xb8;
	[tilespmem:$0x1ECC0] =	vst v63  }
0x50: {  	_ =	swait.ge [sflag:s2], $0x1000  }
0x51: {  	[sflag:s2] =	ssyncset.done $0x0  }
0x52: {  	[sflag:s2] =	ssyncadd.s32 $0xFFFFF000  }
0x53: {  	_ =	swait.ge [sflag:s2], $0x1000  }
0x54: {  	[sflag:s2] =	ssyncset.done $0x0  }
0x55: {  	[sflag:s2] =	ssyncadd.s32 $0xFFFFF000  }
0x56: {  	_ =	swait.ge [sflag:s2], $0x1000  }
0x57: {  	[sflag:s2] =	ssyncset.done $0x0  }
0x58: {  	[sflag:s2] =	ssyncadd.s32 $0xFFFFF000  }
0x59: {  	[spmem:s3] =	stream.indirect.scatter.add.f32 [tilespmem:s20], [sflag:$0x3], $0x20, s4, s19, $0xb8;
	[tilespmem:$0x1ECC0] =	vst v63  }
0x5a: {  	_ = 	snop  }
0x5b: {  	[spmem:s3] =	stream.indirect.scatter.add.f32 [tilespmem:s22], [sflag:$0x3], $0x20, s19, s19, $0xb8;
	[tilespmem:$0x1ECC0] =	vst v63  }
0x5c: {  	_ = 	snop  }
0x5d: {  	[spmem:s3] =	stream.indirect.scatter.add.f32 [tilespmem:s24], [sflag:$0x3], $0x20, s6, s19, $0xb8;
	[tilespmem:$0x1ECC0] =	vst v63  }
0x5e: {  	_ =	swait.ge [sflag:s9], $0x1000  }
0x5f: {  	[sflag:s9] =	ssyncset.done $0x0  }
0x60: {  	[sflag:s9] =	ssyncadd.s32 $0xFFFFF000  }
0x61: {  	_ =	swait.ge [sflag:s9], $0x1000  }
0x62: {  	[sflag:s9] =	ssyncset.done $0x0  }
0x63: {  	[sflag:s9] =	ssyncadd.s32 $0xFFFFF000  }
0x64: {  	_ =	swait.ge [sflag:s9], $0x1000  }
0x65: {  	[sflag:s9] =	ssyncset.done $0x0  }
0x66: {  	s8 =	sadd.s32 $0x1920, s8;
	[sflag:s9] =	ssyncadd.s32 $0xFFFFF000  }
0x67: {  	[tilespmem:s4], [sflag:$0x5] =	stream.linear.gather [hbm4b:s8+s4], $0x180, $0x38;
	[tilespmem:$0x1ECC0] =	vst v63  }
0x68: {  	_ =	swait.ge [sflag:s17], $0x180  }
0x69: {  	[sflag:s17] =	ssyncset.done $0x0  }
0x6a: {  	s16 =	sadd.s32 $0x1920, s15;
	[sflag:s17] =	ssyncadd.s32 $0xFFFFFE80  }
0x6b: {  	[tilespmem:s18], [sflag:$0x5] =	stream.linear.gather [hbm4b:s16+s4], $0x180, $0x38;
	[tilespmem:$0x1ECC0] =	vst v63  }
0x6c: {  	_ =	swait.ge [sflag:s17], $0x180  }
0x6d: {  	[sflag:s17] =	ssyncset.done $0x0  }
0x6e: {  	[sflag:s17] =	ssyncadd.s32 $0xFFFFFE80  }
0x6f: {  	_ =	swait.ge [sflag:s7], $0x1000  }
0x70: {  	[sflag:s7] =	ssyncset.done $0x0  }
0x71: {  	[sflag:s7] =	ssyncadd.s32 $0xFFFFF000  }
0x72: {  	_ =	swait.ge [sflag:s7], $0x1000  }
0x73: {  	[sflag:s7] =	ssyncset.done $0x0  }
0x74: {  	[sflag:s7] =	ssyncadd.s32 $0xFFFFF000  }
0x75: {  	_ =	swait.ge [sflag:s7], $0x1000  }
0x76: {  	[sflag:s7] =	ssyncset.done $0x0  }
0x77: {  	[sflag:s7] =	ssyncadd.s32 $0xFFFFF000  }
0x78: {  	[spmem:s3] =	stream.indirect.scatter.add.f32 [tilespmem:s28], [sflag:$0x4], $0x20, s25, s19, $0xb8;
	[tilespmem:$0x1ECC0] =	vst v63  }
0x79: {  	_ = 	snop  }
0x7a: {  	[spmem:s3] =	stream.indirect.scatter.add.f32 [tilespmem:s30], [sflag:$0x4], $0x20, s13, s19, $0xb8;
	[tilespmem:$0x1ECC0] =	vst v63  }
0x7b: {  	_ = 	snop  }
0x7c: {  	[spmem:s3] =	stream.indirect.scatter.add.f32 [tilespmem:s0], [sflag:$0x4], $0x20, s12, s19, $0xb8;
	[tilespmem:$0x1ECC0] =	vst v63  }
0x7d: {  	_ =	swait.ge [sflag:s14], $0x1000  }
0x7e: {  	[sflag:s14] =	ssyncset.done $0x0  }
0x7f: {  	[sflag:s14] =	ssyncadd.s32 $0xFFFFF000  }
0x80: {  	_ =	swait.ge [sflag:s14], $0x1000  }
0x81: {  	[sflag:s14] =	ssyncset.done $0x0  }
0x82: {  	[sflag:s14] =	ssyncadd.s32 $0xFFFFF000  }
0x83: {  	_ =	swait.ge [sflag:s14], $0x1000  }
0x84: {  	s8 =	simm.s32 $0xFFFFE7A0;
	[sflag:s14] =	ssyncset.done $0x0  }
.LBB2_6:
0x85: {  	p1 =	sne.s32 s8, $0xFFFFFFA0  }
0x86: {  	[sflag:s14] =	ssyncadd.s32 $0xFFFFF000;
	s15 =	smov.u32 s8;
	s8 =	sadd.s32 $0x60, s8  }
0x87: {  	[tilespmem:s20], [sflag:$0x1] =	stream.indirect.gather [hbm4b:s5+s19], $0x20, s18, s19, $0xb8;
	[tilespmem:$0x1ECC0] =	vst v63  }
0x88: {  	_ = 	snop  }
0x89: {  	[tilespmem:s22], [sflag:$0x1] =	stream.indirect.gather [hbm4b:s5+s19], $0x20, s21, s19, $0xb8;
	[tilespmem:$0x1ECC0] =	vst v63  }
0x8a: {  	s16 =	sadd.s32 s15, s10  }
0x8b: {  	[tilespmem:s24], [sflag:$0x1] =	stream.indirect.gather [hbm4b:s5+s19], $0x20, s23, s19, $0xb8;
	[tilespmem:$0x1ECC0] =	vst v63  }
0x8c: {  	s21 =	sadd.s32 $0x18F0, s16  }
0x8d: {  	[tilespmem:s25], [sflag:$0x5] =	stream.linear.gather [hbm4b:s21+s4], $0x180, $0x38;
	[tilespmem:$0x1ECC0] =	vst v63  }
0x8e: {  	_ =	swait.ge [sflag:s17], $0x180  }
0x8f: {  	s15 =	sadd.s32 s15, s11;
	[sflag:s17] =	ssyncset.done $0x0  }
0x90: {  	s21 =	sadd.s32 $0x18F0, s15;
	[sflag:s17] =	ssyncadd.s32 $0xFFFFFE80  }
0x91: {  	[tilespmem:s26], [sflag:$0x5] =	stream.linear.gather [hbm4b:s21+s4], $0x180, $0x38;
	[tilespmem:$0x1ECC0] =	vst v63  }
0x92: {  	s21 =	simm.s32 $0x200  }
0x93: {  	_ =	swait.ge [sflag:s17], $0x180  }
0x94: {  	[sflag:s17] =	ssyncset.done $0x0  }
0x95: {  	[sflag:s17] =	ssyncadd.s32 $0xFFFFFE80  }
0x96: {  	[tilespmem:s28], [sflag:$0x2] =	stream.indirect.gather [hbm4b:s5+s19], $0x20, s26, s19, $0xb8;
	[tilespmem:$0x1ECC0] =	vst v63  }
0x97: {  	_ = 	snop  }
0x98: {  	[tilespmem:s30], [sflag:$0x2] =	stream.indirect.gather [hbm4b:s5+s19], $0x20, s29, s19, $0xb8;
	[tilespmem:$0x1ECC0] =	vst v63  }
0x99: {  	_ = 	snop  }
0x9a: {  	[tilespmem:s0], [sflag:$0x2] =	stream.indirect.gather [hbm4b:s5+s19], $0x20, s31, s19, $0xb8;
	[tilespmem:$0x1ECC0] =	vst v63  }
0x9b: {  	_ =	swait.ge [sflag:s2], $0x1000  }
0x9c: {  	[sflag:s2] =	ssyncset.done $0x0  }
0x9d: {  	[sflag:s2] =	ssyncadd.s32 $0xFFFFF000  }
0x9e: {  	_ =	swait.ge [sflag:s2], $0x1000  }
0x9f: {  	[sflag:s2] =	ssyncset.done $0x0  }
0xa0: {  	[sflag:s2] =	ssyncadd.s32 $0xFFFFF000  }
0xa1: {  	_ =	swait.ge [sflag:s2], $0x1000  }
0xa2: {  	[sflag:s2] =	ssyncset.done $0x0  }
0xa3: {  	[sflag:s2] =	ssyncadd.s32 $0xFFFFF000  }
0xa4: {  	[spmem:s3] =	stream.indirect.scatter.add.f32 [tilespmem:s20], [sflag:$0x3], $0x20, s4, s19, $0xb8;
	[tilespmem:$0x1ECC0] =	vst v63  }
0xa5: {  	_ = 	snop  }
0xa6: {  	[spmem:s3] =	stream.indirect.scatter.add.f32 [tilespmem:s22], [sflag:$0x3], $0x20, s19, s19, $0xb8;
	[tilespmem:$0x1ECC0] =	vst v63  }
0xa7: {  	_ = 	snop  }
0xa8: {  	[spmem:s3] =	stream.indirect.scatter.add.f32 [tilespmem:s24], [sflag:$0x3], $0x20, s6, s19, $0xb8;
	[tilespmem:$0x1ECC0] =	vst v63  }
0xa9: {  	_ =	swait.ge [sflag:s9], $0x1000  }
0xaa: {  	[sflag:s9] =	ssyncset.done $0x0  }
0xab: {  	[sflag:s9] =	ssyncadd.s32 $0xFFFFF000  }
0xac: {  	_ =	swait.ge [sflag:s9], $0x1000  }
0xad: {  	[sflag:s9] =	ssyncset.done $0x0  }
0xae: {  	[sflag:s9] =	ssyncadd.s32 $0xFFFFF000  }
0xaf: {  	_ =	swait.ge [sflag:s9], $0x1000  }
0xb0: {  	[sflag:s9] =	ssyncset.done $0x0  }
0xb1: {  	s16 =	sadd.s32 $0x1920, s16;
	[sflag:s9] =	ssyncadd.s32 $0xFFFFF000  }
0xb2: {  	[tilespmem:s4], [sflag:$0x5] =	stream.linear.gather [hbm4b:s16+s4], $0x180, $0x38;
	[tilespmem:$0x1ECC0] =	vst v63  }
0xb3: {  	_ =	swait.ge [sflag:s17], $0x180  }
0xb4: {  	[sflag:s17] =	ssyncset.done $0x0  }
0xb5: {  	s15 =	sadd.s32 $0x1920, s15;
	[sflag:s17] =	ssyncadd.s32 $0xFFFFFE80  }
0xb6: {  	[tilespmem:s18], [sflag:$0x5] =	stream.linear.gather [hbm4b:s15+s4], $0x180, $0x38;
	[tilespmem:$0x1ECC0] =	vst v63  }
0xb7: {  	_ =	swait.ge [sflag:s17], $0x180  }
0xb8: {  	[sflag:s17] =	ssyncset.done $0x0  }
0xb9: {  	[sflag:s17] =	ssyncadd.s32 $0xFFFFFE80  }
0xba: {  	_ =	swait.ge [sflag:s7], $0x1000  }
0xbb: {  	[sflag:s7] =	ssyncset.done $0x0  }
0xbc: {  	[sflag:s7] =	ssyncadd.s32 $0xFFFFF000  }
0xbd: {  	_ =	swait.ge [sflag:s7], $0x1000  }
0xbe: {  	[sflag:s7] =	ssyncset.done $0x0  }
0xbf: {  	[sflag:s7] =	ssyncadd.s32 $0xFFFFF000  }
0xc0: {  	_ =	swait.ge [sflag:s7], $0x1000  }
0xc1: {  	[sflag:s7] =	ssyncset.done $0x0  }
0xc2: {  	[sflag:s7] =	ssyncadd.s32 $0xFFFFF000  }
0xc3: {  	[spmem:s3] =	stream.indirect.scatter.add.f32 [tilespmem:s28], [sflag:$0x4], $0x20, s25, s19, $0xb8;
	[tilespmem:$0x1ECC0] =	vst v63  }
0xc4: {  	_ = 	snop  }
0xc5: {  	[spmem:s3] =	stream.indirect.scatter.add.f32 [tilespmem:s30], [sflag:$0x4], $0x20, s13, s19, $0xb8;
	[tilespmem:$0x1ECC0] =	vst v63  }
0xc6: {  	_ = 	snop  }
0xc7: {  	[spmem:s3] =	stream.indirect.scatter.add.f32 [tilespmem:s0], [sflag:$0x4], $0x20, s12, s19, $0xb8;
	[tilespmem:$0x1ECC0] =	vst v63  }
0xc8: {  	_ =	swait.ge [sflag:s14], $0x1000  }
0xc9: {  	[sflag:s14] =	ssyncset.done $0x0  }
0xca: {  	[sflag:s14] =	ssyncadd.s32 $0xFFFFF000  }
.Ltmp3:
0xcb: {  	_ =	swait.ge [sflag:s14], $0x1000;
	(pc) =	sbr.rel @p1 .LBB2_6-.Ltmp3, $4  }
0xcc: {  	[sflag:s14] =	ssyncset.done $0x0  }
0xcd: {  	[sflag:s14] =	ssyncadd.s32 $0xFFFFF000  }
0xce: {  	_ =	swait.ge [sflag:s14], $0x1000  }
0xcf: {  	[sflag:s14] =	ssyncset.done $0x0  }
.Ltmp4:
0xd0: {  	_ = 	snop;
	(pc) =	sbr.rel .LBB2_7-.Ltmp4, $1  }
0xd1: {  	_ =	sdelay $0x3  }
.LBB2_2:
0xd2: {  	s8 =	rddreg [dreg:$0x8]  }
0xd3: {  	s16 =	rddreg [dreg:$0xc]  }
0xd4: {  	s15 =	sor.u32 $0x1C05, s8;
	s8 =	rddreg [dreg:$0x7]  }
0xd5: {  	[dreg:$0xe] =	wrdreg s15  }
0xd6: {  	[spmem:s16], [sflag:s15] =	dma.local [hbm:s8], $0x30D4  }
0xd7: {  	_ =	swait.ge [sflag:s17], $0x30D4  }
0xd8: {  	[sflag:s17] =	ssyncset.done $0x0  }
0xd9: {  	[sflag:s17] =	ssyncadd.s32 $0xFFFFCF2C  }
0xda: {  	[bflag:$0x0] =	sbarrier.arrive $0xFFFF  }
0xdb: {  	[tilespmem:s4], [sflag:$0x5] =	stream.linear.gather [hbm4b:s10+s4], $0x180, $0x38;
	[tilespmem:$0x1ECC0] =	vst v63  }
0xdc: {  	_ =	swait.ge [sflag:s17], $0x180  }
0xdd: {  	[sflag:s17] =	ssyncset.done $0x0  }
0xde: {  	[sflag:s17] =	ssyncadd.s32 $0xFFFFFE80  }
0xdf: {  	[tilespmem:s18], [sflag:$0x5] =	stream.linear.gather [hbm4b:s11+s4], $0x180, $0x38;
	[tilespmem:$0x1ECC0] =	vst v63  }
0xe0: {  	_ =	swait.ge [sflag:s17], $0x180  }
0xe1: {  	[sflag:s17] =	ssyncset.done $0x0  }
0xe2: {  	[sflag:s17] =	ssyncadd.s32 $0xFFFFFE80  }
0xe3: {  	[tilespmem:s20], [sflag:$0x1] =	stream.indirect.gather [hbm4b:s1+s19], $0x20, s18, s19, $0xb8;
	[tilespmem:$0x1ECC0] =	vst v63  }
0xe4: {  	_ = 	snop  }
0xe5: {  	[tilespmem:s22], [sflag:$0x1] =	stream.indirect.gather [hbm4b:s1+s19], $0x20, s21, s19, $0xb8;
	[tilespmem:$0x1ECC0] =	vst v63  }
0xe6: {  	s8 =	sadd.s32 $0xFFFFE740, s10  }
0xe7: {  	[tilespmem:s24], [sflag:$0x1] =	stream.indirect.gather [hbm4b:s1+s19], $0x20, s23, s19, $0xb8;
	[tilespmem:$0x1ECC0] =	vst v63  }
0xe8: {  	s16 =	sadd.s32 $0x18F0, s8  }
0xe9: {  	[tilespmem:s25], [sflag:$0x5] =	stream.linear.gather [hbm4b:s16+s4], $0x180, $0x38;
	[tilespmem:$0x1ECC0] =	vst v63  }
0xea: {  	_ =	swait.ge [sflag:s17], $0x180  }
0xeb: {  	s15 =	sadd.s32 $0xFFFFE740, s11;
	[sflag:s17] =	ssyncset.done $0x0  }
0xec: {  	s16 =	sadd.s32 $0x18F0, s15;
	[sflag:s17] =	ssyncadd.s32 $0xFFFFFE80  }
0xed: {  	[tilespmem:s26], [sflag:$0x5] =	stream.linear.gather [hbm4b:s16+s4], $0x180, $0x38;
	[tilespmem:$0x1ECC0] =	vst v63  }
0xee: {  	_ =	swait.ge [sflag:s17], $0x180  }
0xef: {  	[sflag:s17] =	ssyncset.done $0x0  }
0xf0: {  	[sflag:s17] =	ssyncadd.s32 $0xFFFFFE80  }
0xf1: {  	[tilespmem:s28], [sflag:$0x2] =	stream.indirect.gather [hbm4b:s1+s19], $0x20, s26, s19, $0xb8;
	[tilespmem:$0x1ECC0] =	vst v63  }
0xf2: {  	_ = 	snop  }
0xf3: {  	[tilespmem:s30], [sflag:$0x2] =	stream.indirect.gather [hbm4b:s1+s19], $0x20, s29, s19, $0xb8;
	[tilespmem:$0x1ECC0] =	vst v63  }
0xf4: {  	_ = 	snop  }
0xf5: {  	[tilespmem:s0], [sflag:$0x2] =	stream.indirect.gather [hbm4b:s1+s19], $0x20, s31, s19, $0xb8;
	[tilespmem:$0x1ECC0] =	vst v63  }
0xf6: {  	_ =	swait.ge [sflag:s2], $0x1000  }
0xf7: {  	[sflag:s2] =	ssyncset.done $0x0  }
0xf8: {  	[sflag:s2] =	ssyncadd.s32 $0xFFFFF000  }
0xf9: {  	_ =	swait.ge [sflag:s2], $0x1000  }
0xfa: {  	[sflag:s2] =	ssyncset.done $0x0  }
0xfb: {  	[sflag:s2] =	ssyncadd.s32 $0xFFFFF000  }
0xfc: {  	_ =	swait.ge [sflag:s2], $0x1000  }
0xfd: {  	[sflag:s2] =	ssyncset.done $0x0  }
0xfe: {  	[sflag:s2] =	ssyncadd.s32 $0xFFFFF000  }
0xff: {  	[spmem:s3] =	stream.indirect.scatter.add.f32 [tilespmem:s20], [sflag:$0x3], $0x20, s4, s19, $0xb8;
	[tilespmem:$0x1ECC0] =	vst v63  }
0x100: {  	_ = 	snop  }
0x101: {  	[spmem:s3] =	stream.indirect.scatter.add.f32 [tilespmem:s22], [sflag:$0x3], $0x20, s19, s19, $0xb8;
	[tilespmem:$0x1ECC0] =	vst v63  }
0x102: {  	_ = 	snop  }
0x103: {  	[spmem:s3] =	stream.indirect.scatter.add.f32 [tilespmem:s24], [sflag:$0x3], $0x20, s6, s19, $0xb8;
	[tilespmem:$0x1ECC0] =	vst v63  }
0x104: {  	_ =	swait.ge [sflag:s9], $0x1000  }
0x105: {  	[sflag:s9] =	ssyncset.done $0x0  }
0x106: {  	[sflag:s9] =	ssyncadd.s32 $0xFFFFF000  }
0x107: {  	_ =	swait.ge [sflag:s9], $0x1000  }
0x108: {  	[sflag:s9] =	ssyncset.done $0x0  }
0x109: {  	[sflag:s9] =	ssyncadd.s32 $0xFFFFF000  }
0x10a: {  	_ =	swait.ge [sflag:s9], $0x1000  }
0x10b: {  	[sflag:s9] =	ssyncset.done $0x0  }
0x10c: {  	s8 =	sadd.s32 $0x1920, s8;
	[sflag:s9] =	ssyncadd.s32 $0xFFFFF000  }
0x10d: {  	[tilespmem:s4], [sflag:$0x5] =	stream.linear.gather [hbm4b:s8+s4], $0x180, $0x38;
	[tilespmem:$0x1ECC0] =	vst v63  }
0x10e: {  	_ =	swait.ge [sflag:s17], $0x180  }
0x10f: {  	[sflag:s17] =	ssyncset.done $0x0  }
0x110: {  	s16 =	sadd.s32 $0x1920, s15;
	[sflag:s17] =	ssyncadd.s32 $0xFFFFFE80  }
0x111: {  	[tilespmem:s18], [sflag:$0x5] =	stream.linear.gather [hbm4b:s16+s4], $0x180, $0x38;
	[tilespmem:$0x1ECC0] =	vst v63  }
0x112: {  	_ =	swait.ge [sflag:s17], $0x180  }
0x113: {  	[sflag:s17] =	ssyncset.done $0x0  }
0x114: {  	[sflag:s17] =	ssyncadd.s32 $0xFFFFFE80  }
0x115: {  	_ =	swait.ge [sflag:s7], $0x1000  }
0x116: {  	[sflag:s7] =	ssyncset.done $0x0  }
0x117: {  	[sflag:s7] =	ssyncadd.s32 $0xFFFFF000  }
0x118: {  	_ =	swait.ge [sflag:s7], $0x1000  }
0x119: {  	[sflag:s7] =	ssyncset.done $0x0  }
0x11a: {  	[sflag:s7] =	ssyncadd.s32 $0xFFFFF000  }
0x11b: {  	_ =	swait.ge [sflag:s7], $0x1000  }
0x11c: {  	[sflag:s7] =	ssyncset.done $0x0  }
0x11d: {  	[sflag:s7] =	ssyncadd.s32 $0xFFFFF000  }
0x11e: {  	[spmem:s3] =	stream.indirect.scatter.add.f32 [tilespmem:s28], [sflag:$0x4], $0x20, s25, s19, $0xb8;
	[tilespmem:$0x1ECC0] =	vst v63  }
0x11f: {  	_ = 	snop  }
0x120: {  	[spmem:s3] =	stream.indirect.scatter.add.f32 [tilespmem:s30], [sflag:$0x4], $0x20, s13, s19, $0xb8;
	[tilespmem:$0x1ECC0] =	vst v63  }
0x121: {  	_ = 	snop  }
0x122: {  	[spmem:s3] =	stream.indirect.scatter.add.f32 [tilespmem:s0], [sflag:$0x4], $0x20, s12, s19, $0xb8;
	[tilespmem:$0x1ECC0] =	vst v63  }
0x123: {  	_ =	swait.ge [sflag:s14], $0x1000  }
0x124: {  	[sflag:s14] =	ssyncset.done $0x0  }
0x125: {  	[sflag:s14] =	ssyncadd.s32 $0xFFFFF000  }
0x126: {  	_ =	swait.ge [sflag:s14], $0x1000  }
0x127: {  	[sflag:s14] =	ssyncset.done $0x0  }
0x128: {  	[sflag:s14] =	ssyncadd.s32 $0xFFFFF000  }
0x129: {  	_ =	swait.ge [sflag:s14], $0x1000  }
0x12a: {  	s16 =	simm.s32 $0xFFFFE7A0;
	[sflag:s14] =	ssyncset.done $0x0  }
.LBB2_3:
0x12b: {  	p1 =	seq.s32 s16, $0xFFFFFFA0  }
0x12c: {  	[sflag:s14] =	ssyncadd.s32 $0xFFFFF000;
	s15 =	smov.u32 s16;
	s16 =	sadd.s32 $0x60, s16  }
0x12d: {  	[tilespmem:s20], [sflag:$0x1] =	stream.indirect.gather [hbm4b:s1+s19], $0x20, s18, s19, $0xb8;
	[tilespmem:$0x1ECC0] =	vst v63  }
0x12e: {  	_ = 	snop  }
0x12f: {  	[tilespmem:s22], [sflag:$0x1] =	stream.indirect.gather [hbm4b:s1+s19], $0x20, s21, s19, $0xb8;
	[tilespmem:$0x1ECC0] =	vst v63  }
0x130: {  	s8 =	sadd.s32 s15, s10  }
0x131: {  	[tilespmem:s24], [sflag:$0x1] =	stream.indirect.gather [hbm4b:s1+s19], $0x20, s23, s19, $0xb8;
	[tilespmem:$0x1ECC0] =	vst v63  }
0x132: {  	s21 =	sadd.s32 $0x18F0, s8  }
0x133: {  	[tilespmem:s25], [sflag:$0x5] =	stream.linear.gather [hbm4b:s21+s4], $0x180, $0x38;
	[tilespmem:$0x1ECC0] =	vst v63  }
0x134: {  	_ =	swait.ge [sflag:s17], $0x180  }
0x135: {  	s15 =	sadd.s32 s15, s11;
	[sflag:s17] =	ssyncset.done $0x0  }
0x136: {  	s21 =	sadd.s32 $0x18F0, s15;
	[sflag:s17] =	ssyncadd.s32 $0xFFFFFE80  }
0x137: {  	[tilespmem:s26], [sflag:$0x5] =	stream.linear.gather [hbm4b:s21+s4], $0x180, $0x38;
	[tilespmem:$0x1ECC0] =	vst v63  }
0x138: {  	s21 =	simm.s32 $0x200  }
0x139: {  	_ =	swait.ge [sflag:s17], $0x180  }
0x13a: {  	[sflag:s17] =	ssyncset.done $0x0  }
0x13b: {  	[sflag:s17] =	ssyncadd.s32 $0xFFFFFE80  }
0x13c: {  	[tilespmem:s28], [sflag:$0x2] =	stream.indirect.gather [hbm4b:s1+s19], $0x20, s26, s19, $0xb8;
	[tilespmem:$0x1ECC0] =	vst v63  }
0x13d: {  	_ = 	snop  }
0x13e: {  	[tilespmem:s30], [sflag:$0x2] =	stream.indirect.gather [hbm4b:s1+s19], $0x20, s29, s19, $0xb8;
	[tilespmem:$0x1ECC0] =	vst v63  }
0x13f: {  	_ = 	snop  }
0x140: {  	[tilespmem:s0], [sflag:$0x2] =	stream.indirect.gather [hbm4b:s1+s19], $0x20, s31, s19, $0xb8;
	[tilespmem:$0x1ECC0] =	vst v63  }
0x141: {  	_ =	swait.ge [sflag:s2], $0x1000  }
0x142: {  	[sflag:s2] =	ssyncset.done $0x0  }
0x143: {  	[sflag:s2] =	ssyncadd.s32 $0xFFFFF000  }
0x144: {  	_ =	swait.ge [sflag:s2], $0x1000  }
0x145: {  	[sflag:s2] =	ssyncset.done $0x0  }
0x146: {  	[sflag:s2] =	ssyncadd.s32 $0xFFFFF000  }
0x147: {  	_ =	swait.ge [sflag:s2], $0x1000  }
0x148: {  	[sflag:s2] =	ssyncset.done $0x0  }
0x149: {  	[sflag:s2] =	ssyncadd.s32 $0xFFFFF000  }
0x14a: {  	[spmem:s3] =	stream.indirect.scatter.add.f32 [tilespmem:s20], [sflag:$0x3], $0x20, s4, s19, $0xb8;
	[tilespmem:$0x1ECC0] =	vst v63  }
0x14b: {  	_ = 	snop  }
0x14c: {  	[spmem:s3] =	stream.indirect.scatter.add.f32 [tilespmem:s22], [sflag:$0x3], $0x20, s19, s19, $0xb8;
	[tilespmem:$0x1ECC0] =	vst v63  }
0x14d: {  	_ = 	snop  }
0x14e: {  	[spmem:s3] =	stream.indirect.scatter.add.f32 [tilespmem:s24], [sflag:$0x3], $0x20, s6, s19, $0xb8;
	[tilespmem:$0x1ECC0] =	vst v63  }
0x14f: {  	_ =	swait.ge [sflag:s9], $0x1000  }
0x150: {  	[sflag:s9] =	ssyncset.done $0x0  }
0x151: {  	[sflag:s9] =	ssyncadd.s32 $0xFFFFF000  }
0x152: {  	_ =	swait.ge [sflag:s9], $0x1000  }
0x153: {  	[sflag:s9] =	ssyncset.done $0x0  }
0x154: {  	[sflag:s9] =	ssyncadd.s32 $0xFFFFF000  }
0x155: {  	_ =	swait.ge [sflag:s9], $0x1000  }
0x156: {  	[sflag:s9] =	ssyncset.done $0x0  }
0x157: {  	s8 =	sadd.s32 $0x1920, s8;
	[sflag:s9] =	ssyncadd.s32 $0xFFFFF000  }
0x158: {  	[tilespmem:s4], [sflag:$0x5] =	stream.linear.gather [hbm4b:s8+s4], $0x180, $0x38;
	[tilespmem:$0x1ECC0] =	vst v63  }
0x159: {  	_ =	swait.ge [sflag:s17], $0x180  }
0x15a: {  	[sflag:s17] =	ssyncset.done $0x0  }
0x15b: {  	s8 =	sadd.s32 $0x1920, s15;
	[sflag:s17] =	ssyncadd.s32 $0xFFFFFE80  }
0x15c: {  	[tilespmem:s18], [sflag:$0x5] =	stream.linear.gather [hbm4b:s8+s4], $0x180, $0x38;
	[tilespmem:$0x1ECC0] =	vst v63  }
0x15d: {  	_ =	swait.ge [sflag:s17], $0x180  }
0x15e: {  	[sflag:s17] =	ssyncset.done $0x0  }
0x15f: {  	[sflag:s17] =	ssyncadd.s32 $0xFFFFFE80  }
0x160: {  	_ =	swait.ge [sflag:s7], $0x1000  }
0x161: {  	[sflag:s7] =	ssyncset.done $0x0  }
0x162: {  	[sflag:s7] =	ssyncadd.s32 $0xFFFFF000  }
0x163: {  	_ =	swait.ge [sflag:s7], $0x1000  }
0x164: {  	[sflag:s7] =	ssyncset.done $0x0  }
0x165: {  	[sflag:s7] =	ssyncadd.s32 $0xFFFFF000  }
0x166: {  	_ =	swait.ge [sflag:s7], $0x1000  }
0x167: {  	[sflag:s7] =	ssyncset.done $0x0  }
0x168: {  	[sflag:s7] =	ssyncadd.s32 $0xFFFFF000  }
0x169: {  	[spmem:s3] =	stream.indirect.scatter.add.f32 [tilespmem:s28], [sflag:$0x4], $0x20, s25, s19, $0xb8;
	[tilespmem:$0x1ECC0] =	vst v63  }
0x16a: {  	_ = 	snop  }
0x16b: {  	[spmem:s3] =	stream.indirect.scatter.add.f32 [tilespmem:s30], [sflag:$0x4], $0x20, s13, s19, $0xb8;
	[tilespmem:$0x1ECC0] =	vst v63  }
0x16c: {  	_ = 	snop  }
0x16d: {  	[spmem:s3] =	stream.indirect.scatter.add.f32 [tilespmem:s0], [sflag:$0x4], $0x20, s12, s19, $0xb8;
	[tilespmem:$0x1ECC0] =	vst v63  }
0x16e: {  	_ =	swait.ge [sflag:s14], $0x1000  }
0x16f: {  	[sflag:s14] =	ssyncset.done $0x0  }
0x170: {  	[sflag:s14] =	ssyncadd.s32 $0xFFFFF000  }
.Ltmp5:
0x171: {  	_ =	swait.ge [sflag:s14], $0x1000;
	(pc) =	sbr.rel @!p1 .LBB2_3-.Ltmp5, $4  }
0x172: {  	[sflag:s14] =	ssyncset.done $0x0  }
0x173: {  	[sflag:s14] =	ssyncadd.s32 $0xFFFFF000  }
0x174: {  	_ =	swait.ge [sflag:s14], $0x1000  }
0x175: {  	[sflag:s14] =	ssyncset.done $0x0  }
.Ltmp6:
0x176: {  	(pc) =	sbr.rel .LBB2_8-.Ltmp6, $2  }
0x177: {  	_ =	sdelay $0x2  }
0x178: {  	[sflag:s14] =	ssyncadd.s32 $0xFFFFF000;
	s8 =	rddreg [dreg:$0x4]  }
.LBB2_9:
0x179: {  	_ =	sfence.sel $0x180000  }
0x17a: {  	[bflag:$0x0] =	sbarrier.arrive $0xFFFF  }
0x17b: {  	_ =	strace $0x90000050  }
0x17c: {  	s0 =	stileid.u32;
	[bflag:$0x2] =	sbarrier.arrive $0xFFFF  }
0x17d: {  	p0 =	sne.s32 s0, $0x0;
	s0 =	rddreg [dreg:$0x3]  }
0x17e: {  	s0 =	sadd.s32 @!p0 $0x100000, s0  }
0x17f: {  	[sflag:s0] =	ssyncadd.tile.s32 @!p0 $0x1;
	_ =	shalt  }
.Lfunc_end2:
_tile_overlayer_lowered:
.L_overlay_start_2:
0x180: {  	(tag) =	ssettag $0x2  }
0x181: {  	s0 =	rddreg [dreg:$0x0];
	s2 =	stileid.u32  }
0x182: {  	s1 =	rddreg [dreg:$0x1];
	p0 =	sne.s32 s2, $0x0  }
0x183: {  	s3 =	rddreg [dreg:$0x2];
	[bflag:$0x3] =	sbarrier.arrive $0xFFFF;
	s2 =	simm.s32 @!p0 $0x1C05  }
0x184: {  	[timem:s3], [sflag:s2] =	dma.local @!p0 [hbm:s0], s1  }
0x185: {  	s0 =	simm.s32 @!p0 $0x5  }
0x186: {  	_ =	swait.ge @!p0 [sflag:s0], s1  }
0x187: {  	s1 =	ssub.s32 @!p0 $0x0, s1;
	[sflag:s0] =	ssyncset.done @!p0 $0x0  }
0x188: {  	[sflag:s0] =	ssyncadd.s32 @!p0 s1  }
0x189: {  	[bflag:$0x3] =	sbarrier.arrive $0xFFFF  }
0x18a: {  	_ =	shalt  }

// kernel: kernel.9.cloned.1.call-start
scs
__scs_entry_jumppad:
0x0: {  	(pc) =	sbr.rel $0x88, $3  }
0x1: {  	(tag) =	ssettag $0x0;
	lr =	simm.s32 $0x1  }
0x2: {  	[smem:$0x3F98] =	sst lr;
	_ =	strace $0xD0000000  }
0x3: {  	_ = 	snop  }
0x4: {  	_ = 	snop  }
0x5: {  	_ = 	snop  }
0x6: {  	_ = 	snop  }
0x7: {  	_ = 	snop  }
__scs_overlays_trampoline_lowered:
0x8: {  	[smem:$0x3FA7] =	sst s0  }
0x9: {  	[smem:$0x3FA8] =	sst s1  }
0xa: {  	[smem:$0x3FA9] =	sst s2  }
0xb: {  	[smem:$0x3FAA] =	sst s3  }
0xc: {  	[smem:$0x3FAB] =	sst s4  }
0xd: {  	[smem:$0x3FAC] =	sst s5  }
0xe: {  	[smem:$0x3FAD] =	sst s6  }
0xf: {  	[smem:$0x3FAE] =	sst s7  }
0x10: {  	[smem:$0x3FAF] =	sst s8  }
0x11: {  	[smem:$0x3FB0] =	sst s9;
	s0 =	simm.s32 @!p0 $0x0  }
0x12: {  	s1 =	sld [smem:$0x3F96];
	s0 =	simm.s32 @p0 $0x1  }
0x13: {  	[smem:$0x3FB1] =	sst s0;
	s0 =	simm.s32 @!p1 $0x0  }
0x14: {  	s2 =	sld [smem:$0x3F95];
	s0 =	simm.s32 @p1 $0x1  }
0x15: {  	[smem:$0x3FB2] =	sst s0;
	s0 =	simm.s32 @!p2 $0x0  }
0x16: {  	s3 =	sld [smem:$0x3FDB];
	s0 =	simm.s32 @p2 $0x1  }
0x17: {  	s4 =	simm.s32 $0x1BF5;
	[smem:$0x3FB4] =	sst s0  }
0x18: {  	s0 =	sld [smem:$0x3F97];
	_ =	swait.ge [sflag:s4], $0x0  }
0x19: {  	s7 =	sld [smem:$0x3F98]  }
0x1a: {  	s8 =	sadd.s32 $0xFFFFE003, lr  }
0x1b: {  	s9 =	sadd.s32 $0xFFFFFEF7, lr;
	s5 =	simm.s32 $0xFFFFFFFF;
	p2 =	slt.u32 s8, $0xFFFFF086  }
0x1c: {  	p1 =	slt.u32 s9, $0xF7A;
	s5 =	simm.s32 @!p2 $0x0  }
0x1d: {  	s5 =	simm.s32 @p1 $0x1;
	p0 =	seq.s32 s7, s2  }
0x1e: {  	s7 =	smul.u32 @!p0 $0xF7A, s2;
	p2 =	seq.s32 @!p0 s5, $0x0  }
0x1f: {  	s9 =	smul.u32 $0xF7A, s1;
	s8 =	simm.s32 @!p0 $0x1BF5;
	p2 =	por !p2, p0  }
0x20: {  	[sflag:s8] =	ssyncset.s32 @!p0 $0xFFFFF086;
	s6 =	sadd.s32 @!p0 s3, s7;
	s7 =	simm.s32 @!p0 $0x108  }
0x21: {  	s3 =	sadd.s32 s3, s9;
	s6 =	sadd.s32 @!p0 $0x88, s6;
	s7 =	simm.s32 @p2 $0x1082  }
0x22: {  	[simem:s7], [sflag:s8] =	dma.local @!p0 [hbm:s6], $0xF7A  }
0x23: {  	s9 =	sor.u32 $0xD0000000, s2;
	s6 =	simm.s32 $0x108;
	_ =	swait.ge @!p0 [sflag:s8], $0x0  }
0x24: {  	s3 =	sadd.s32 $0x88, s3;
	s6 =	simm.s32 @!p1 $0x1082;
	[sflag:s4] =	ssyncset.s32 $0xFFFFF086  }
0x25: {  	[simem:s6], [sflag:s4] =	dma.local [hbm:s3], $0xF7A  }
0x26: {  	[smem:$0x3F98] =	sst s1;
	(tag) =	ssettag s2;
	_ =	strace s9  }
0x27: {  	s1 =	sld [smem:$0x3FA8]  }
0x28: {  	s2 =	sld [smem:$0x3FA9]  }
0x29: {  	s4 =	sld [smem:$0x3FAB]  }
0x2a: {  	p0 =	seq.s32 s5, $0x0;
	s5 =	sld [smem:$0x3FAC]  }
0x2b: {  	s6 =	sld [smem:$0x3FAD]  }
0x2c: {  	s7 =	sld [smem:$0x3FAE]  }
0x2d: {  	s3 =	simm.s32 $0x108;
	s8 =	sld [smem:$0x3FAF]  }
0x2e: {  	s3 =	simm.s32 @!p0 $0x1082;
	s9 =	sld [smem:$0x3FB0]  }
0x2f: {  	lr =	sadd.s32 s0, s3;
	s0 =	sld [smem:$0x3FA7]  }
0x30: {  	s3 =	sld [smem:$0x3FAA]  }
0x31: {  	[smem:$0x3FB3] =	sst s10  }
0x32: {  	s10 =	sld [smem:$0x3FB1];
	_ =	sdelay $0x3  }
0x33: {  	p0 =	seq.s32 s10, $0x1;
	s10 =	sld [smem:$0x3FB3];
	_ =	sdelay $0x3  }
0x34: {  	[smem:$0x3FB3] =	sst s10  }
0x35: {  	s10 =	sld [smem:$0x3FB2];
	_ =	sdelay $0x3  }
0x36: {  	p1 =	seq.s32 s10, $0x1;
	s10 =	sld [smem:$0x3FB3];
	_ =	sdelay $0x3  }
0x37: {  	[smem:$0x3FB3] =	sst s10  }
0x38: {  	s10 =	sld [smem:$0x3FB4]  }
0x39: {  	_ = 	snop;
	(pc) =	sbr.ind lr, $3  }
0x3a: {  	_ = 	snop  }
0x3b: {  	_ = 	snop  }
0x3c: {  	p2 =	seq.s32 s10, $0x1;
	s10 =	sld [smem:$0x3FB3]  }
0x3d: {  	_ =	shalt  }
0x3e: {  	_ =	shalt  }
0x3f: {  	_ =	shalt  }
0x40: {  	_ =	shalt  }
0x41: {  	_ =	shalt  }
0x42: {  	_ =	shalt  }
0x43: {  	_ =	shalt  }
0x44: {  	_ =	shalt  }
0x45: {  	_ =	shalt  }
0x46: {  	_ =	shalt  }
0x47: {  	_ =	shalt  }
0x48: {  	_ =	shalt  }
0x49: {  	_ =	shalt  }
0x4a: {  	_ =	shalt  }
0x4b: {  	_ =	shalt  }
0x4c: {  	_ =	shalt  }
0x4d: {  	_ =	shalt  }
0x4e: {  	_ =	shalt  }
0x4f: {  	_ =	shalt  }
0x50: {  	_ =	shalt  }
0x51: {  	_ =	shalt  }
0x52: {  	_ =	shalt  }
0x53: {  	_ =	shalt  }
0x54: {  	_ =	shalt  }
0x55: {  	_ =	shalt  }
0x56: {  	_ =	shalt  }
0x57: {  	_ =	shalt  }
0x58: {  	_ =	shalt  }
0x59: {  	_ =	shalt  }
0x5a: {  	_ =	shalt  }
0x5b: {  	_ =	shalt  }
0x5c: {  	_ =	shalt  }
0x5d: {  	_ =	shalt  }
0x5e: {  	_ =	shalt  }
0x5f: {  	_ =	shalt  }
0x60: {  	_ =	shalt  }
0x61: {  	_ =	shalt  }
0x62: {  	_ =	shalt  }
0x63: {  	_ =	shalt  }
0x64: {  	_ =	shalt  }
0x65: {  	_ =	shalt  }
0x66: {  	_ =	shalt  }
0x67: {  	_ =	shalt  }
0x68: {  	_ =	shalt  }
0x69: {  	_ =	shalt  }
0x6a: {  	_ =	shalt  }
0x6b: {  	_ =	shalt  }
0x6c: {  	_ =	shalt  }
0x6d: {  	_ =	shalt  }
0x6e: {  	_ =	shalt  }
0x6f: {  	_ =	shalt  }
0x70: {  	_ =	shalt  }
0x71: {  	_ =	shalt  }
0x72: {  	_ =	shalt  }
0x73: {  	_ =	shalt  }
0x74: {  	_ =	shalt  }
0x75: {  	_ =	shalt  }
0x76: {  	_ =	shalt  }
0x77: {  	_ =	shalt  }
0x78: {  	_ =	shalt  }
0x79: {  	_ =	shalt  }
0x7a: {  	_ =	shalt  }
0x7b: {  	_ =	shalt  }
0x7c: {  	_ =	shalt  }
0x7d: {  	_ =	shalt  }
0x7e: {  	_ =	shalt  }
0x7f: {  	_ =	shalt  }
0x80: {  	_ =	shalt  }
0x81: {  	_ =	shalt  }
0x82: {  	_ =	shalt  }
0x83: {  	_ =	shalt  }
0x84: {  	_ =	shalt  }
0x85: {  	_ =	shalt  }
0x86: {  	_ =	shalt  }
0x87: {  	_ =	shalt  }
.Lfunc_end0:
.L_simem_size_0:
called_computation_lowered:
.L_overlay_start_0:
0x88: {  	s2 =	sld [smem:$0x3FD9]  }
0x89: {  	s3 =	sld [smem:$0x3FFE];
	_ =	sdelay $0x1  }
0x8a: {  	s1 =	srdreg.scid  }
0x8b: {  	s0 =	sand.u32 $0x1, s1  }
0x8c: {  	s17 =	sshll.u32 s0, $0xA;
	s2 =	sadd.s32 s3, s2  }
0x8d: {  	s2 =	sadd.s32 s2, s17  }
0x8e: {  	[smem:$0x3FBF] =	sst s2  }
0x8f: {  	_ = 	snop  }
0x90: {  	s2 =	sld [smem:$0x3FD0];
	(tm) =	ssettm $0x1  }
0x91: {  	s18 =	sld [smem:$0x3FFB];
	_ =	sdelay $0x3  }
0x92: {  	_ =	strace s18  }
0x93: {  	s3 =	sld [smem:$0x3FFC];
	_ =	sdelay $0x3  }
0x94: {  	_ =	strace s3  }
0x95: {  	s3 =	sld [smem:$0x3FFD];
	_ =	sdelay $0x3  }
0x96: {  	_ =	strace s3  }
0x97: {  	_ =	strace $0x8FFFFFFF  }
0x98: {  	s19 =	sld [smem:$0x3FDB];
	_ =	sdelay $0x1  }
0x99: {  	s4 =	simm.s32 $_scs_section_size  }
0x9a: {  	s5 =	simm.s32 $_size__tile_overlayer_lowered;
	s6 =	simm.s32 $_tile_overlayer_lowered  }
0x9b: {  	s22 =	simm.s32 $0x1BFF;
	s21 =	sshll.u32 s6, $0x1;
	s3 =	sadd.s32 s4, s19  }
0x9c: {  	s7 =	simm.s32 $0x0;
	s20 =	sshll.u32 s5, $0x1;
	s5 =	sadd.s32 s21, s3  }
0x9d: {  	[timem:s7], [sflag:s22] =	dma.local [hbm:s5], s20  }
0x9e: {  	_ =	swait.ge [sflag:s22], s20  }
0x9f: {  	s4 =	ssub.s32 $0x0, s20;
	[sflag:s22] =	ssyncset.done $0x0  }
0xa0: {  	[sflag:s22] =	ssyncadd.s32 s4;
	_ =	sdelay $0x1  }
0xa1: {  	s23 =	simm.s32 $0x1B8B  }
0xa2: {  	_ =	swait.ge [sflag:s23], $0x1  }
0xa3: {  	[sflag:s23] =	ssyncset.done $0x0  }
0xa4: {  	s25 =	simm.s32 $0x1B8E;
	s24 =	sld [smem:$0x3FFE];
	[sflag:s23] =	ssyncadd.s32 $0xFFFFFFFF  }
0xa5: {  	s26 =	simm.s32 $execute0_lowered;
	[smem:$0x3FD2] =	sst s25  }
0xa6: {  	s5 =	sshll.u32 s26, $0x1;
	_ =	strace $0x80000046;
	[dreg:$0x1] =	wrdreg $0xFFFFFFFF  }
0xa7: {  	s28 =	simm.s32 $_size_execute0_lowered;
	s3 =	sadd.s32 s3, s5;
	[dreg:$0x0] =	wrdreg $0x0  }
0xa8: {  	s5 =	sshll.u32 s28, $0x1;
	[dreg:$0x2] =	wrdreg s3  }
0xa9: {  	[dreg:$0x3] =	wrdreg s5  }
0xaa: {  	[dreg:$0x4] =	wrdreg $0xC0  }
0xab: {  	_ =	task [dreg:s7], $0x5FFFF  }
0xac: {  	[dreg:$0x1] =	wrdreg $0xFFFFFFFF  }
0xad: {  	[dreg:$0x0] =	wrdreg $0x60  }
0xae: {  	[dreg:$0x2] =	wrdreg s24  }
0xaf: {  	[dreg:$0x3] =	wrdreg s2  }
0xb0: {  	[dreg:$0x4] =	wrdreg $0x9  }
0xb1: {  	_ =	task.clear_ibuf [dreg:s7], $0x5FFFF;
	_ =	strace $0x90000046  }
0xb2: {  	s29 =	simm.s32 $0x9;
	_ =	strace $0x80000048  }
0xb3: {  	_ =	swait.ge [sflag:s29], $0x1  }
0xb4: {  	[sflag:s29] =	ssyncadd.s32 $0xFFFFFFFF  }
0xb5: {  	_ =	strace $0x90000048  }
0xb6: {  	_ =	sfence  }
0xb7: {  	s30 =	sld [smem:$0x0];
	_ =	sdelay $0x2  }
0xb8: {  	s31 =	sshll.u32 s1, $0xD;
	s1 =	sshrl.u32 s1, $0x2  }
0xb9: {  	s3 =	sand.u32 $0x4000, s31;
	s1 =	sadd.s32 s1, s30  }
0xba: {  	s0 =	sor.u32 s3, s0;
	s1 =	sshll.u32 s1, $0x11  }
0xbb: {  	s0 =	sor.u32 s1, s0  }
0xbc: {  	s0 =	sadd.s32 $0x8F2B, s0  }
0xbd: {  	[sflag:s0] =	ssyncadd.remote.s32 $0x1  }
0xbe: {  	_ =	sfence.sel $0xFFFF  }
0xbf: {  	[dreg:$0x0] =	wrdreg $0xFFFFFFFF;
	(pc) =	sbr.abs _section_cstart, $3  }
0xc0: {  	[dreg:$0x1] =	wrdreg $0xFFFFFFFF  }
0xc1: {  	_ =	task.clear_ibuf [dreg:s7], $0x2FFFF;
	_ =	strace $0x9FFFFFFF  }
0xc2: {  	(tm) =	ssettm $0x7FFFFFFF  }
0xc3: {  	_ =	shalt  }
tec
execute0_lowered:
.L_overlay_start_1:
0x0: {  	(tag) =	ssettag $0x1  }
0x1: {  	s5 =	rddreg [dreg:$0x0]  }
0x2: {  	s6 =	rddreg [dreg:$0x1]  }
0x3: {  	s0 =	rddreg [dreg:$0x2];
	s1 =	stileid.u32  }
0x4: {  	s2 =	simm.s32 $0x0;
	s3 =	srdreg.scid;
	s4 =	smul.u32 $0x190, s1  }
0x5: {  	[smem:$0x7FF] =	sst s2;
	s7 =	sand.u32 $0x1, s3;
	s8 =	smul.u32 $0x3200, s1  }
0x6: {  	s3 =	sadd.s32 $0x4E00, s5;
	_ =	strace $0x80000047;
	s9 =	ssub.s32 $0x2, s7  }
.Ltmp0:
0x7: {  	p0 =	seq.s32 s7, $0x1;
	s10 =	sadd.s32 s4, s5;
	(pc) =	sbr.rel .LBB2_1-.Ltmp0, $4  }
0x8: {  	s11 =	sshrl.u32 s9, $0x1;
	s4 =	sadd.s32 $0x4C00, s5;
	s12 =	sadd.s32 s8, s5  }
0x9: {  	s6 =	sadd.s32 s8, s6;
	s31 =	ssub.s32 s9, s11;
	s7 =	sadd.s32 $0x5000, s10  }
0xa: {  	s8 =	sadd.s32 $0x6A00, s12;
	s9 =	simm.s32 $0x2;
	s10 =	simm.s32 $0x80  }
0xb: {  	s11 =	simm.s32 $0x1;
	s12 =	simm.s32 $0x0;
	s5 =	smax.u32 s31, $0x1  }
.LBB2_7:
0xc: {  	s14 =	sadd.s32 s14, s7;
	[sflag:s9] =	ssyncadd.s32 $0xFFFFF000  }
0xd: {  	[tilespmem:s2], [sflag:$0x2] =	stream.linear.gather [hbm4b:s14+s2], $0x80, $0x38;
	[tilespmem:$0x1080] =	vst v63  }
0xe: {  	_ =	swait.ge [sflag:s9], $0x80  }
0xf: {  	[sflag:s9] =	ssyncset.done $0x0  }
0x10: {  	[sflag:s9] =	ssyncadd.s32 $0xFFFFFF80  }
0x11: {  	[tilespmem:s10], [sflag:$0x1] =	stream.indirect.gather [hbm4b:s4+s10], $0x20, s2, s10, $0xb8;
	[tilespmem:$0x1080] =	vst v63  }
0x12: {  	_ =	swait.ge [sflag:s11], $0x1000  }
0x13: {  	[sflag:s11] =	ssyncset.done $0x0  }
0x14: {  	[sflag:s11] =	ssyncadd.s32 $0xFFFFF000  }
0x15: {  	[hbm4b:s13+s2] =	stream.linear.scatter [tilespmem:s10], [sflag:$0x2], $0x1000, $0x38;
	[tilespmem:$0x1080] =	vst v63  }
0x16: {  	_ =	swait.ge [sflag:s9], $0x1000  }
0x17: {  	[sflag:s9] =	ssyncset.done $0x0  }
0x18: {  	[sflag:s9] =	ssyncadd.s32 $0xFFFFF000  }
.LBB2_8:
0x19: {  	s12 =	sadd.s32 $0x1, s12  }
0x1a: {  	p1 =	sne.s32 s12, s5  }
.Ltmp1:
0x1b: {  	_ = 	snop;
	(pc) =	sbr.rel @!p1 .LBB2_9-.Ltmp1, $1  }
0x1c: {  	_ =	sdelay $0x3  }
.LBB2_1:
.Ltmp2:
0x1d: {  	(pc) =	sbr.rel @!p0 .LBB2_2-.Ltmp2, $2  }
0x1e: {  	_ =	sdelay $0x2  }
0x1f: {  	s13 =	sadd.s32 $0x0, s7  }
0x20: {  	[tilespmem:s2], [sflag:$0x2] =	stream.linear.gather [hbm4b:s13+s2], $0x80, $0x38;
	[tilespmem:$0x1080] =	vst v63  }
0x21: {  	_ =	swait.ge [sflag:s9], $0x80  }
0x22: {  	[sflag:s9] =	ssyncset.done $0x0  }
0x23: {  	[sflag:s9] =	ssyncadd.s32 $0xFFFFFF80  }
0x24: {  	[tilespmem:s10], [sflag:$0x1] =	stream.indirect.gather [hbm4b:s4+s10], $0x20, s2, s10, $0xb8;
	[tilespmem:$0x1080] =	vst v63  }
0x25: {  	_ =	swait.ge [sflag:s11], $0x1000  }
0x26: {  	[sflag:s11] =	ssyncset.done $0x0  }
0x27: {  	[sflag:s11] =	ssyncadd.s32 $0xFFFFF000  }
0x28: {  	[hbm4b:s8+s2] =	stream.linear.scatter [tilespmem:s10], [sflag:$0x2], $0x1000, $0x38;
	[tilespmem:$0x1080] =	vst v63  }
0x29: {  	s14 =	simm.s32 $0x10;
	_ =	swait.ge [sflag:s9], $0x1000  }
0x2a: {  	s15 =	simm.s32 $0x20;
	s13 =	sadd.s32 $0x200, s8;
	[sflag:s9] =	ssyncset.done $0x0  }
.LBB2_6:
0x2b: {  	s16 =	sadd.s32 s14, s7  }
0x2c: {  	[sflag:s9] =	ssyncadd.s32 $0xFFFFF000;
	s14 =	smov.u32 s15;
	s17 =	sadd.s32 $0x10, s15  }
0x2d: {  	[tilespmem:s2], [sflag:$0x2] =	stream.linear.gather [hbm4b:s16+s2], $0x80, $0x38;
	[tilespmem:$0x1080] =	vst v63  }
0x2e: {  	p1 =	sne.s32 s15, $0x180;
	_ =	swait.ge [sflag:s9], $0x80  }
0x2f: {  	[sflag:s9] =	ssyncset.done $0x0  }
0x30: {  	[sflag:s9] =	ssyncadd.s32 $0xFFFFFF80  }
0x31: {  	[tilespmem:s10], [sflag:$0x1] =	stream.indirect.gather [hbm4b:s4+s10], $0x20, s2, s10, $0xb8;
	[tilespmem:$0x1080] =	vst v63  }
0x32: {  	_ =	swait.ge [sflag:s11], $0x1000  }
.Ltmp3:
0x33: {  	[sflag:s11] =	ssyncset.done $0x0;
	(pc) =	sbr.rel @p1 .LBB2_6-.Ltmp3, $4  }
0x34: {  	[sflag:s11] =	ssyncadd.s32 $0xFFFFF000  }
0x35: {  	[hbm4b:s13+s2] =	stream.linear.scatter [tilespmem:s10], [sflag:$0x2], $0x1000, $0x38;
	[tilespmem:$0x1080] =	vst v63  }
0x36: {  	_ =	swait.ge [sflag:s9], $0x1000  }
0x37: {  	s15 =	smov.u32 s17;
	s13 =	sadd.s32 $0x200, s13;
	[sflag:s9] =	ssyncset.done $0x0  }
.Ltmp4:
0x38: {  	_ = 	snop;
	(pc) =	sbr.rel .LBB2_7-.Ltmp4, $1  }
0x39: {  	_ =	sdelay $0x3  }
.LBB2_2:
0x3a: {  	[tilespmem:s2], [sflag:$0x2] =	stream.linear.gather [hbm4b:s13+s2], $0x80, $0x38;
	[tilespmem:$0x1080] =	vst v63  }
0x3b: {  	_ =	swait.ge [sflag:s9], $0x80  }
0x3c: {  	[sflag:s9] =	ssyncset.done $0x0  }
0x3d: {  	[sflag:s9] =	ssyncadd.s32 $0xFFFFFF80  }
0x3e: {  	[tilespmem:s10], [sflag:$0x1] =	stream.indirect.gather [hbm4b:s3+s10], $0x20, s2, s10, $0xb8;
	[tilespmem:$0x1080] =	vst v63  }
0x3f: {  	_ =	swait.ge [sflag:s11], $0x1000  }
0x40: {  	[sflag:s11] =	ssyncset.done $0x0  }
0x41: {  	[sflag:s11] =	ssyncadd.s32 $0xFFFFF000  }
0x42: {  	[hbm4b:s6+s2] =	stream.linear.scatter [tilespmem:s10], [sflag:$0x2], $0x1000, $0x38;
	[tilespmem:$0x1080] =	vst v63  }
0x43: {  	s14 =	simm.s32 $0x10;
	_ =	swait.ge [sflag:s9], $0x1000  }
0x44: {  	s15 =	simm.s32 $0x20;
	s13 =	sadd.s32 $0x200, s6;
	[sflag:s9] =	ssyncset.done $0x0  }
.LBB2_3:
0x45: {  	s16 =	sadd.s32 s14, s7  }
0x46: {  	[sflag:s9] =	ssyncadd.s32 $0xFFFFF000;
	s14 =	smov.u32 s15;
	s17 =	sadd.s32 $0x10, s15  }
0x47: {  	[tilespmem:s2], [sflag:$0x2] =	stream.linear.gather [hbm4b:s16+s2], $0x80, $0x38;
	[tilespmem:$0x1080] =	vst v63  }
0x48: {  	p1 =	seq.s32 s15, $0x180;
	_ =	swait.ge [sflag:s9], $0x80  }
0x49: {  	[sflag:s9] =	ssyncset.done $0x0  }
0x4a: {  	[sflag:s9] =	ssyncadd.s32 $0xFFFFFF80  }
0x4b: {  	[tilespmem:s10], [sflag:$0x1] =	stream.indirect.gather [hbm4b:s3+s10], $0x20, s2, s10, $0xb8;
	[tilespmem:$0x1080] =	vst v63  }
0x4c: {  	_ =	swait.ge [sflag:s11], $0x1000  }
.Ltmp5:
0x4d: {  	[sflag:s11] =	ssyncset.done $0x0;
	(pc) =	sbr.rel @!p1 .LBB2_3-.Ltmp5, $4  }
0x4e: {  	[sflag:s11] =	ssyncadd.s32 $0xFFFFF000  }
0x4f: {  	[hbm4b:s13+s2] =	stream.linear.scatter [tilespmem:s10], [sflag:$0x2], $0x1000, $0x38;
	[tilespmem:$0x1080] =	vst v63  }
0x50: {  	_ =	swait.ge [sflag:s9], $0x1000  }
0x51: {  	s15 =	smov.u32 s17;
	s13 =	sadd.s32 $0x200, s13;
	[sflag:s9] =	ssyncset.done $0x0  }
0x52: {  	s14 =	sadd.s32 s14, s7;
	[sflag:s9] =	ssyncadd.s32 $0xFFFFF000  }
0x53: {  	[tilespmem:s2], [sflag:$0x2] =	stream.linear.gather [hbm4b:s14+s2], $0x80, $0x38;
	[tilespmem:$0x1080] =	vst v63  }
0x54: {  	_ =	swait.ge [sflag:s9], $0x80  }
0x55: {  	[sflag:s9] =	ssyncset.done $0x0  }
0x56: {  	[sflag:s9] =	ssyncadd.s32 $0xFFFFFF80  }
0x57: {  	[tilespmem:s10], [sflag:$0x1] =	stream.indirect.gather [hbm4b:s3+s10], $0x20, s2, s10, $0xb8;
	[tilespmem:$0x1080] =	vst v63  }
0x58: {  	_ =	swait.ge [sflag:s11], $0x1000  }
0x59: {  	[sflag:s11] =	ssyncset.done $0x0  }
.Ltmp6:
0x5a: {  	[sflag:s11] =	ssyncadd.s32 $0xFFFFF000;
	(pc) =	sbr.rel .LBB2_8-.Ltmp6, $4  }
0x5b: {  	[hbm4b:s13+s2] =	stream.linear.scatter [tilespmem:s10], [sflag:$0x2], $0x1000, $0x38;
	[tilespmem:$0x1080] =	vst v63  }
0x5c: {  	_ =	swait.ge [sflag:s9], $0x1000  }
0x5d: {  	[sflag:s9] =	ssyncset.done $0x0  }
0x5e: {  	[sflag:s9] =	ssyncadd.s32 $0xFFFFF000  }
.LBB2_9:
0x5f: {  	_ =	sfence.sel $0x180000  }
0x60: {  	[bflag:$0x0] =	sbarrier.arrive $0xFFFF  }
0x61: {  	p0 =	sne.s32 s1, $0x0;
	_ =	strace $0x90000047  }
0x62: {  	s0 =	sadd.s32 @!p0 $0x100000, s0;
	[bflag:$0x2] =	sbarrier.arrive $0xFFFF  }
0x63: {  	[sflag:s0] =	ssyncadd.tile.s32 @!p0 $0x1;
	_ =	shalt  }
.Lfunc_end2:
_tile_overlayer_lowered:
.L_overlay_start_2:
0x64: {  	(tag) =	ssettag $0x2  }
0x65: {  	s0 =	rddreg [dreg:$0x0];
	s2 =	stileid.u32  }
0x66: {  	s1 =	rddreg [dreg:$0x1];
	p0 =	sne.s32 s2, $0x0  }
0x67: {  	s3 =	rddreg [dreg:$0x2];
	[bflag:$0x3] =	sbarrier.arrive $0xFFFF;
	s2 =	simm.s32 @!p0 $0x1C02  }
0x68: {  	[timem:s3], [sflag:s2] =	dma.local @!p0 [hbm:s0], s1  }
0x69: {  	s0 =	simm.s32 @!p0 $0x2  }
0x6a: {  	_ =	swait.ge @!p0 [sflag:s0], s1  }
0x6b: {  	s1 =	ssub.s32 @!p0 $0x0, s1;
	[sflag:s0] =	ssyncset.done @!p0 $0x0  }
0x6c: {  	[sflag:s0] =	ssyncadd.s32 @!p0 s1  }
0x6d: {  	[bflag:$0x3] =	sbarrier.arrive $0xFFFF  }
0x6e: {  	_ =	shalt  }

</sc_bundles>
